<compile_context>
chip_gen: v7x
topology: tpu7x:2x2x1
jax: 0.10.2.dev20260603
libtpu: 0.0.44.dev20260713+nightly
codegen_flags: <defaults>
</compile_context>

<pallas_src>
import functools

import jax
import jax.numpy as jnp
from jax import lax
from jax.experimental import pallas as pl
from jax.experimental.pallas import tpu as pltpu
from jax.experimental.pallas import tpu_sc as plsc

N = 10000
E = 320000
D = 128

NP = 10240
CHUNK = 56
NTILES = 32
EP = ((E + NTILES * CHUNK - 1) // (NTILES * CHUNK)) * (NTILES * CHUNK)
EDGES_PER_TILE = EP // NTILES
NCHUNKS = EDGES_PER_TILE // CHUNK
BLK = 1024
GRID = NP // BLK
NDEN = NP // 8

_F32 = jnp.float32
_HIGH = jax.lax.Precision.HIGHEST


def _dot(a, b):
    return lax.dot_general(a, b, (((1,), (0,)), ((), ())),
                           precision=_HIGH, preferred_element_type=_F32)


def _dot_fast(a, b):
    return lax.dot_general(a, b, (((1,), (0,)), ((), ())),
                           preferred_element_type=_F32)


def _leaky(x):
    return jnp.maximum(x, 0.2 * x)



def _tc_first_body(x_ref, w_ref, as_ref, ad_ref,
                   h_ref, aux_ref, ms_ref):
    i = pl.program_id(0)
    h = _dot_fast(x_ref[...], w_ref[...])
    h_ref[...] = h
    als = _dot(h, as_ref[...])
    ald = _dot(h, ad_ref[...])
    aux_ref[...] = jnp.concatenate(
        [als, ald, jnp.zeros((BLK, D - 32), _F32)], axis=1)
    bmax = jnp.max(als, axis=0, keepdims=True)
    bmax8 = jnp.broadcast_to(bmax, (8, 16))

    @pl.when(i == 0)
    def _():
        ms_ref[...] = bmax8

    @pl.when(i > 0)
    def _():
        ms_ref[...] = jnp.maximum(ms_ref[...], bmax8)


def _tc_first(xp, W, As16, Ad16):
    return pl.pallas_call(
        _tc_first_body,
        grid=(GRID,),
        in_specs=[
            pl.BlockSpec((BLK, D), lambda i: (i, 0)),
            pl.BlockSpec((D, D), lambda i: (0, 0)),
            pl.BlockSpec((D, 16), lambda i: (0, 0)),
            pl.BlockSpec((D, 16), lambda i: (0, 0)),
        ],
        out_specs=[
            pl.BlockSpec((BLK, D), lambda i: (i, 0)),
            pl.BlockSpec((BLK, D), lambda i: (i, 0)),
            pl.BlockSpec((8, 16), lambda i: (0, 0)),
        ],
        out_shape=[
            jax.ShapeDtypeStruct((NP, D), _F32),
            jax.ShapeDtypeStruct((NP, D), _F32),
            jax.ShapeDtypeStruct((8, 16), _F32),
        ],
    )(xp, W, As16, Ad16)


def _combine_block(accp, denp, h, aux, ms, p, b):
    als = aux[:, 0:16]
    ald = aux[:, 16:32]
    den_self = jnp.exp(_leaky(als + ald) - _leaky(ms[0:1, :] + ald))
    den4 = (denp[0] + denp[1] + den_self)[:, :4]
    ds4 = den_self[:, :4]
    den128 = _dot(den4, p)
    ds128 = _dot(ds4, p)
    num = accp[0] + accp[1] + ds128 * h
    return num / den128 + b


def _tc_combine_body(accp_ref, denp_ref, h_ref, aux_ref, ms_ref,
                     p_ref, b_ref, g_ref, be_ref, xres_ref,
                     w_ref, as_ref, ad_ref,
                     xn_ref, hn_ref, auxn_ref, msn_ref):
    i = pl.program_id(0)
    conv = _combine_block(accp_ref[...], denp_ref[...], h_ref[...],
                          aux_ref[...], ms_ref[...],
                          p_ref[...], b_ref[...])
    mu = jnp.mean(conv, axis=-1, keepdims=True)
    var = jnp.mean((conv - mu) ** 2, axis=-1, keepdims=True)
    ln = (conv - mu) / jnp.sqrt(var + 1e-5) * g_ref[...] + be_ref[...]
    act = jnp.where(ln > 0, ln, jnp.exp(ln) - 1.0)
    xn = act + xres_ref[...]
    xn_ref[...] = xn
    hn = _dot_fast(xn, w_ref[...])
    hn_ref[...] = hn
    alsn = _dot(hn, as_ref[...])
    aldn = _dot(hn, ad_ref[...])
    auxn_ref[...] = jnp.concatenate(
        [alsn, aldn, jnp.zeros((BLK, D - 32), _F32)], axis=1)
    bmax = jnp.max(alsn, axis=0, keepdims=True)
    bmax8 = jnp.broadcast_to(bmax, (8, 16))

    @pl.when(i == 0)
    def _():
        msn_ref[...] = bmax8

    @pl.when(i > 0)
    def _():
        msn_ref[...] = jnp.maximum(msn_ref[...], bmax8)


def _tc_combine(accp, denp, h, aux, msacc, P, b, g, be, xres, W, As16, Ad16):
    return pl.pallas_call(
        _tc_combine_body,
        grid=(GRID,),
        in_specs=[
            pl.BlockSpec((2, BLK, D), lambda i: (0, i, 0)),
            pl.BlockSpec((2, BLK, 16), lambda i: (0, i, 0)),
            pl.BlockSpec((BLK, D), lambda i: (i, 0)),
            pl.BlockSpec((BLK, D), lambda i: (i, 0)),
            pl.BlockSpec((8, 16), lambda i: (0, 0)),
            pl.BlockSpec((4, D), lambda i: (0, 0)),
            pl.BlockSpec((1, D), lambda i: (0, 0)),
            pl.BlockSpec((1, D), lambda i: (0, 0)),
            pl.BlockSpec((1, D), lambda i: (0, 0)),
            pl.BlockSpec((BLK, D), lambda i: (i, 0)),
            pl.BlockSpec((D, D), lambda i: (0, 0)),
            pl.BlockSpec((D, 16), lambda i: (0, 0)),
            pl.BlockSpec((D, 16), lambda i: (0, 0)),
        ],
        out_specs=[
            pl.BlockSpec((BLK, D), lambda i: (i, 0)),
            pl.BlockSpec((BLK, D), lambda i: (i, 0)),
            pl.BlockSpec((BLK, D), lambda i: (i, 0)),
            pl.BlockSpec((8, 16), lambda i: (0, 0)),
        ],
        out_shape=[
            jax.ShapeDtypeStruct((NP, D), _F32),
            jax.ShapeDtypeStruct((NP, D), _F32),
            jax.ShapeDtypeStruct((NP, D), _F32),
            jax.ShapeDtypeStruct((8, 16), _F32),
        ],
    )(accp, denp, h, aux, msacc, P, b, g, be, xres, W, As16, Ad16)


def _tc_final_body(accp_ref, denp_ref, h_ref, aux_ref, ms_ref,
                   p_ref, b_ref, x1_ref, x2_ref, out_ref):
    conv = _combine_block(accp_ref[...], denp_ref[...], h_ref[...],
                          aux_ref[...], ms_ref[...],
                          p_ref[...], b_ref[...])
    out_ref[:, 0:D] = x1_ref[...]
    out_ref[:, D:2 * D] = x2_ref[...]
    out_ref[:, 2 * D:3 * D] = conv


def _tc_final(accp, denp, h, aux, msacc, P, b, x1, x2):
    return pl.pallas_call(
        _tc_final_body,
        grid=(GRID,),
        in_specs=[
            pl.BlockSpec((2, BLK, D), lambda i: (0, i, 0)),
            pl.BlockSpec((2, BLK, 16), lambda i: (0, i, 0)),
            pl.BlockSpec((BLK, D), lambda i: (i, 0)),
            pl.BlockSpec((BLK, D), lambda i: (i, 0)),
            pl.BlockSpec((8, 16), lambda i: (0, 0)),
            pl.BlockSpec((4, D), lambda i: (0, 0)),
            pl.BlockSpec((1, D), lambda i: (0, 0)),
            pl.BlockSpec((BLK, D), lambda i: (i, 0)),
            pl.BlockSpec((BLK, D), lambda i: (i, 0)),
        ],
        out_specs=pl.BlockSpec((BLK, 3 * D), lambda i: (i, 0)),
        out_shape=jax.ShapeDtypeStruct((NP, 3 * D), _F32),
    )(accp, denp, h, aux, msacc, P, b, x1, x2)



def _sc_body(eidx_hbm, oh_hbm, h_hbm, aux_hbm,
             ms_hbm, accp_hbm, denp_hbm,
             acc_sh, den_sh, eidx_v,
             als_v, ald_v, oh_v, rows_v, ex_v,
             ms_v, zb128, sem0, sem1, sem2, sem3):
    cid = lax.axis_index("c")
    sid = lax.axis_index("s")

    zero16 = jnp.zeros((16,), _F32)
    for r in range(8):
        for j in range(8):
            zb128[r, pl.ds(j * 16, 16)] = zero16

    rows_per_tile = NP // 16
    dens_per_tile = NDEN // 16
    z0 = sid * rows_per_tile
    zd0 = sid * dens_per_tile

    def zbody(i, c):
        pltpu.sync_copy(zb128, acc_sh.at[pl.ds(z0 + i * 8, 8)])
        return c

    lax.fori_loop(0, rows_per_tile // 8, zbody, 0)

    def zdbody(i, c):
        pltpu.sync_copy(zb128, den_sh.at[pl.ds(zd0 + i * 8, 8)])
        return c

    lax.fori_loop(0, dens_per_tile // 8, zdbody, 0)
    pltpu.sync_copy(ms_hbm, ms_v)
    plsc.subcore_barrier()

    wid = sid * 2 + cid
    tbase = wid * EDGES_PER_TILE
    ms = ms_v[...]

    def chunk_body(k, c):
        pltpu.sync_copy(eidx_hbm.at[wid * NCHUNKS + k], eidx_v)
        src_i = eidx_v.at[0]
        dst_i = eidx_v.at[1]
        dst8_i = eidx_v.at[2]
        dstm_i = eidx_v.at[3]
        d0 = pltpu.async_copy(aux_hbm.at[src_i], als_v, sem0)
        d1 = pltpu.async_copy(aux_hbm.at[dst_i], ald_v, sem1)
        d2 = pltpu.async_copy(oh_hbm.at[dstm_i], oh_v, sem2)
        d3 = pltpu.async_copy(h_hbm.at[src_i], rows_v, sem3)
        d0.wait()
        d1.wait()
        d2.wait()

        def exbody(e, c2):
            a_s = als_v[e, pl.ds(0, 16)]
            a_d = ald_v[e, pl.ds(16, 16)]
            s = a_s + a_d
            el = jnp.maximum(s, 0.2 * s)
            mm = ms + a_d
            ml = jnp.maximum(mm, 0.2 * mm)
            exv = jnp.exp(el - ml)
            ex_v[e, :] = exv
            for j in range(8):
                sl = pl.ds(j * 16, 16)
                oh_v[e, sl] = oh_v[e, sl] * exv
            return c2

        lax.fori_loop(0, CHUNK, exbody, 0, unroll=2)
        d4 = pltpu.async_copy(oh_v, den_sh.at[dst8_i], sem2, add=True)
        d3.wait()

        def sbody(e, c2):
            exv = ex_v[e, :]
            for hh in range(4):
                a = exv[hh]
                for j in range(2):
                    sl = pl.ds(hh * 32 + j * 16, 16)
                    rows_v[e, sl] = rows_v[e, sl] * a
            return c2

        lax.fori_loop(0, CHUNK, sbody, 0, unroll=2)
        d5 = pltpu.async_copy(rows_v, acc_sh.at[dst_i], sem3, add=True)
        d4.wait()
        d5.wait()
        return c

    lax.fori_loop(0, NCHUNKS, chunk_body, 0)
    plsc.subcore_barrier()

    pltpu.sync_copy(acc_sh.at[pl.ds(z0, rows_per_tile)],
                    accp_hbm.at[cid, pl.ds(z0, rows_per_tile)])
    pltpu.sync_copy(den_sh.at[pl.ds(zd0, dens_per_tile)],
                    denp_hbm.at[cid, pl.ds(zd0, dens_per_tile)])


def _sc_edge(*args):
    return _make_sc_edge()(*args)


@functools.cache
def _make_sc_edge():
    return pl.kernel(
        _sc_body,
        out_type=(
            jax.ShapeDtypeStruct((2, NP, D), _F32),
            jax.ShapeDtypeStruct((2, NDEN, D), _F32),
        ),
        mesh=plsc.VectorSubcoreMesh(core_axis_name="c", subcore_axis_name="s"),
        scratch_types=(
            pltpu.VMEM_SHARED((NP, D), _F32),
            pltpu.VMEM_SHARED((NDEN, D), _F32),
            pltpu.VMEM((4, CHUNK), jnp.int32),
            pltpu.VMEM((CHUNK, D), _F32),
            pltpu.VMEM((CHUNK, D), _F32),
            pltpu.VMEM((CHUNK, D), _F32),
            pltpu.VMEM((CHUNK, D), _F32),
            pltpu.VMEM((CHUNK, 16), _F32),
            pltpu.VMEM((16,), _F32),
            pltpu.VMEM((8, D), _F32),
            pltpu.SemaphoreType.DMA,
            pltpu.SemaphoreType.DMA,
            pltpu.SemaphoreType.DMA,
            pltpu.SemaphoreType.DMA,
        ),
    )



def _build_as16(a):
    H, hc = a.shape
    eye = jnp.eye(H, dtype=_F32)
    As = (a[:, :, None] * eye[:, None, :]).reshape(H * hc, H)
    return jnp.tile(As, (1, 16 // H))


def kernel(x, edge_index, W0, a_src0, a_dst0, b0, g0, be0,
           W1, a_src1, a_dst1, b1, g1, be1, W2, a_src2, a_dst2, b2):
    xp = jnp.zeros((NP, D), _F32).at[:N].set(x)
    pad = jnp.full((EP - E,), N, jnp.int32)
    srcp = jnp.concatenate([edge_index[0].astype(jnp.int32), pad])
    dstp = jnp.concatenate([edge_index[1].astype(jnp.int32), pad])
    dst8p = dstp // 8
    dstmp = dstp % 8
    eidx = jnp.stack([srcp, dstp, dst8p, dstmp])
    eidx = eidx.reshape(4, EP // CHUNK, CHUNK).transpose(1, 0, 2)
    onehot = jnp.repeat(jnp.eye(8, dtype=_F32), 16, axis=1)

    P = jnp.repeat(jnp.eye(4, dtype=_F32), 32, axis=1)
    b0r, g0r, be0r = b0.reshape(1, D), g0.reshape(1, D), be0.reshape(1, D)
    b1r, g1r, be1r = b1.reshape(1, D), g1.reshape(1, D), be1.reshape(1, D)
    b2r = b2.reshape(1, D)
    As0, Ad0 = _build_as16(a_src0), _build_as16(a_dst0)
    As1, Ad1 = _build_as16(a_src1), _build_as16(a_dst1)
    As2, Ad2 = _build_as16(a_src2), _build_as16(a_dst2)

    h0, aux0, ms0 = _tc_first(xp, W0, As0, Ad0)
    acc0, den0 = _sc_edge(eidx, onehot, h0, aux0, ms0[0])
    x1, h1, aux1, ms1 = _tc_combine(acc0, den0.reshape(2, NP, 16), h0, aux0,
                                    ms0, P, b0r, g0r, be0r, xp, W1, As1, Ad1)
    acc1, den1 = _sc_edge(eidx, onehot, h1, aux1, ms1[0])
    x2, h2, aux2, ms2 = _tc_combine(acc1, den1.reshape(2, NP, 16), h1, aux1,
                                    ms1, P, b1r, g1r, be1r, x1, W2, As2, Ad2)
    acc2, den2 = _sc_edge(eidx, onehot, h2, aux2, ms2[0])
    out = _tc_final(acc2, den2.reshape(2, NP, 16), h2, aux2, ms2, P, b2r, x1, x2)
    return out[:N]

# --- scband reference (transcript-rebuilt; emitter-appended) ---
"""Pipeline reference for scband-gatwith-jk-82437602280149 (READ-ONLY COPY).

The authoritative reference and input builder live on the scoring server;
editing this copy changes nothing except your own understanding.
"""

import jax, jax.numpy as jnp
import numpy as np

N = 10000
E = 320000
D = 128

def _glorot(k, shape):
    return jax.random.normal(k, shape, dtype=jnp.float32) / np.sqrt(shape[0])

def setup_inputs(seed: int = 0):
    key = jax.random.key(seed)
    ks = jax.random.split(key, 16)
    inp = {}
    inp["x"] = jax.random.normal(ks[0], (N, D), dtype=jnp.float32)
    inp["edge_index"] = jax.random.randint(ks[1], (2, E), 0, N)
    inp["W0"] = _glorot(ks[2], (D, D))
    inp["a_src0"] = _glorot(ks[3], (4, 32))
    inp["a_dst0"] = _glorot(ks[4], (4, 32))
    inp["b0"] = jnp.zeros((D,), jnp.float32)
    inp["g0"] = jnp.ones((D,), jnp.float32)
    inp["be0"] = jnp.zeros((D,), jnp.float32)
    inp["W1"] = _glorot(ks[5], (D, D))
    inp["a_src1"] = _glorot(ks[6], (4, 32))
    inp["a_dst1"] = _glorot(ks[7], (4, 32))
    inp["b1"] = jnp.zeros((D,), jnp.float32)
    inp["g1"] = jnp.ones((D,), jnp.float32)
    inp["be1"] = jnp.zeros((D,), jnp.float32)
    inp["W2"] = _glorot(ks[8], (D, D))
    inp["a_src2"] = _glorot(ks[9], (1, D))
    inp["a_dst2"] = _glorot(ks[10], (1, D))
    inp["b2"] = jnp.zeros((D,), jnp.float32)
    return inp

def _layer_norm(h, g, b):
    mu = jnp.mean(h, axis=-1, keepdims=True)
    var = jnp.mean((h - mu) ** 2, axis=-1, keepdims=True)
    return (h - mu) / jnp.sqrt(var + 1e-5) * g + b

def _gat_conv(x, src, dst, W, a_s, a_d, b, heads, hc):
    n = x.shape[0]
    h = (x @ W).reshape(n, heads, hc)
    al_s = jnp.sum(h * a_s[None], axis=-1)
    al_d = jnp.sum(h * a_d[None], axis=-1)
    e = jax.nn.leaky_relu(al_s[src] + al_d[dst], 0.2)
    em = jax.ops.segment_max(jax.lax.stop_gradient(e), dst, num_segments=n)
    ex = jnp.exp(e - em[dst])
    den = jax.ops.segment_sum(ex, dst, num_segments=n)
    alpha = ex / (den[dst] + 1e-16)
    out = jax.ops.segment_sum(h[src] * alpha[..., None], dst, num_segments=n)
    return out.reshape(n, heads * hc) + b

def _forward(x, edge_index, W0, a_src0, a_dst0, b0, g0, be0, W1, a_src1, a_dst1, b1, g1, be1, W2, a_src2, a_dst2, b2):
    n = x.shape[0]
    loop = jnp.arange(n, dtype=edge_index.dtype)
    src = jnp.concatenate([edge_index[0], loop])
    dst = jnp.concatenate([edge_index[1], loop])
    xs = []
    h = x
    h_res = h
    h = _gat_conv(h, src, dst, W0, a_src0, a_dst0, b0, 4, 32)
    h = _layer_norm(h, g0, be0)
    h = jax.nn.elu(h)
    if h.shape == h_res.shape:
        h = h + h_res
    xs.append(h)
    h_res = h
    h = _gat_conv(h, src, dst, W1, a_src1, a_dst1, b1, 4, 32)
    h = _layer_norm(h, g1, be1)
    h = jax.nn.elu(h)
    if h.shape == h_res.shape:
        h = h + h_res
    xs.append(h)
    h = _gat_conv(h, src, dst, W2, a_src2, a_dst2, b2, 1, D)
    xs.append(h)
    return jnp.concatenate(xs, axis=-1)

def reference(x, edge_index, W0, a_src0, a_dst0, b0, g0, be0, W1, a_src1, a_dst1, b1, g1, be1, W2, a_src2, a_dst2, b2):
    return _forward(x, edge_index, W0, a_src0, a_dst0, b0, g0, be0, W1, a_src1, a_dst1, b1, g1, be1, W2, a_src2, a_dst2, b2)

if __name__ == "__main__":
    import jax
    _d = setup_inputs()
    print(jax.jit(kernel)(*tuple(_d.values())))

</pallas_src>

<mosaic_0001>
#map = affine_map<(d0, d1) -> (0, 0, 0)>
#map1 = affine_map<(d0, d1) -> (0, 0)>
#map2 = affine_map<(d0, d1) -> (0)>
module attributes {stable_mosaic.version = 14 : i64} {
  func.func @_sc_body(%arg0: i32, %arg1: i32, %arg2: memref<5728x4x56xi32, #tpu.memory_space<hbm>>, %arg3: memref<8x128xf32, #tpu.memory_space<hbm>>, %arg4: memref<10240x128xf32, #tpu.memory_space<hbm>>, %arg5: memref<10240x128xf32, #tpu.memory_space<hbm>>, %arg6: memref<16xf32, #tpu.memory_space<hbm>>, %arg7: memref<2x10240x128xf32, #tpu.memory_space<hbm>>, %arg8: memref<2x1280x128xf32, #tpu.memory_space<hbm>>, %arg9: memref<10240x128xf32, #tpu.memory_space<vmem_shared>>, %arg10: memref<1280x128xf32, #tpu.memory_space<vmem_shared>>, %arg11: memref<4x56xi32, #tpu.memory_space<vmem>>, %arg12: memref<56x128xf32, #tpu.memory_space<vmem>>, %arg13: memref<56x128xf32, #tpu.memory_space<vmem>>, %arg14: memref<56x128xf32, #tpu.memory_space<vmem>>, %arg15: memref<56x128xf32, #tpu.memory_space<vmem>>, %arg16: memref<56x16xf32, #tpu.memory_space<vmem>>, %arg17: memref<16xf32, #tpu.memory_space<vmem>>, %arg18: memref<8x128xf32, #tpu.memory_space<vmem>>, %arg19: memref<!tpu.dma_semaphore, #tpu.memory_space<semaphore_mem>>, %arg20: memref<!tpu.dma_semaphore, #tpu.memory_space<semaphore_mem>>, %arg21: memref<!tpu.dma_semaphore, #tpu.memory_space<semaphore_mem>>, %arg22: memref<!tpu.dma_semaphore, #tpu.memory_space<semaphore_mem>>) attributes {dimension_semantics = [#tpu.dimension_semantics<core_parallel>, #tpu.dimension_semantics<subcore_parallel>], iteration_bounds = array<i64: 2, 16>, scalar_prefetch = 0 : i64, scratch_operands = 14 : i64, tpu.core_type = #tpu.core_type<sc_vector_subcore>, window_params = [{transform_indices = #map}, {transform_indices = #map1}, {transform_indices = #map1}, {transform_indices = #map1}, {transform_indices = #map2}, {transform_indices = #map}, {transform_indices = #map}]} {
    %broadcast_in_dim3A = arith.constant 0.000000e+00 : f32
    %broadcast_in_dim3A_0 = vector.broadcast %broadcast_in_dim3A : f32 to vector<16xf32>
    %swap3A = arith.constant 0 : i32
    %swap3A_1 = arith.index_cast %swap3A : i32 to index
    %swap3A_2 = arith.constant 0 : index
    %swap3A_3 = tpu.vector_load %arg18[%swap3A_1, %swap3A_2] {strides = array<i32>} : memref<8x128xf32, #tpu.memory_space<vmem>>, vector<1x16xf32>,
    %swap3A_4 = vector.shape_cast %swap3A_3 : vector<1x16xf32> to vector<16xf32>
    %swap3A_5 = vector.shape_cast %broadcast_in_dim3A_0 : vector<16xf32> to vector<1x16xf32>
    tpu.vector_store %arg18[%swap3A_1, %swap3A_2], %swap3A_5 {strides = array<i32>} : memref<8x128xf32, #tpu.memory_space<vmem>>, vector<1x16xf32>,
    %swap3A_6 = arith.constant 0 : i32
    %swap3A_7 = arith.index_cast %swap3A_6 : i32 to index
    %swap3A_8 = arith.constant 16 : index
    %swap3A_9 = tpu.vector_load %arg18[%swap3A_7, %swap3A_8] {strides = array<i32>} : memref<8x128xf32, #tpu.memory_space<vmem>>, vector<1x16xf32>,
    %swap3A_10 = vector.shape_cast %swap3A_9 : vector<1x16xf32> to vector<16xf32>
    %swap3A_11 = vector.shape_cast %broadcast_in_dim3A_0 : vector<16xf32> to vector<1x16xf32>
    tpu.vector_store %arg18[%swap3A_7, %swap3A_8], %swap3A_11 {strides = array<i32>} : memref<8x128xf32, #tpu.memory_space<vmem>>, vector<1x16xf32>,
    %swap3A_12 = arith.constant 0 : i32
    %swap3A_13 = arith.index_cast %swap3A_12 : i32 to index
    %swap3A_14 = arith.constant 32 : index
    %swap3A_15 = tpu.vector_load %arg18[%swap3A_13, %swap3A_14] {strides = array<i32>} : memref<8x128xf32, #tpu.memory_space<vmem>>, vector<1x16xf32>,
    %swap3A_16 = vector.shape_cast %swap3A_15 : vector<1x16xf32> to vector<16xf32>
    %swap3A_17 = vector.shape_cast %broadcast_in_dim3A_0 : vector<16xf32> to vector<1x16xf32>
    tpu.vector_store %arg18[%swap3A_13, %swap3A_14], %swap3A_17 {strides = array<i32>} : memref<8x128xf32, #tpu.memory_space<vmem>>, vector<1x16xf32>,
    %swap3A_18 = arith.constant 0 : i32
    %swap3A_19 = arith.index_cast %swap3A_18 : i32 to index
    %swap3A_20 = arith.constant 48 : index
    %swap3A_21 = tpu.vector_load %arg18[%swap3A_19, %swap3A_20] {strides = array<i32>} : memref<8x128xf32, #tpu.memory_space<vmem>>, vector<1x16xf32>,
    %swap3A_22 = vector.shape_cast %swap3A_21 : vector<1x16xf32> to vector<16xf32>
    %swap3A_23 = vector.shape_cast %broadcast_in_dim3A_0 : vector<16xf32> to vector<1x16xf32>
    tpu.vector_store %arg18[%swap3A_19, %swap3A_20], %swap3A_23 {strides = array<i32>} : memref<8x128xf32, #tpu.memory_space<vmem>>, vector<1x16xf32>,
    %swap3A_24 = arith.constant 0 : i32
    %swap3A_25 = arith.index_cast %swap3A_24 : i32 to index
    %swap3A_26 = arith.constant 64 : index
    %swap3A_27 = tpu.vector_load %arg18[%swap3A_25, %swap3A_26] {strides = array<i32>} : memref<8x128xf32, #tpu.memory_space<vmem>>, vector<1x16xf32>,
    %swap3A_28 = vector.shape_cast %swap3A_27 : vector<1x16xf32> to vector<16xf32>
    %swap3A_29 = vector.shape_cast %broadcast_in_dim3A_0 : vector<16xf32> to vector<1x16xf32>
    tpu.vector_store %arg18[%swap3A_25, %swap3A_26], %swap3A_29 {strides = array<i32>} : memref<8x128xf32, #tpu.memory_space<vmem>>, vector<1x16xf32>,
    %swap3A_30 = arith.constant 0 : i32
    %swap3A_31 = arith.index_cast %swap3A_30 : i32 to index
    %swap3A_32 = arith.constant 80 : index
    %swap3A_33 = tpu.vector_load %arg18[%swap3A_31, %swap3A_32] {strides = array<i32>} : memref<8x128xf32, #tpu.memory_space<vmem>>, vector<1x16xf32>,
    %swap3A_34 = vector.shape_cast %swap3A_33 : vector<1x16xf32> to vector<16xf32>
    %swap3A_35 = vector.shape_cast %broadcast_in_dim3A_0 : vector<16xf32> to vector<1x16xf32>
    tpu.vector_store %arg18[%swap3A_31, %swap3A_32], %swap3A_35 {strides = array<i32>} : memref<8x128xf32, #tpu.memory_space<vmem>>, vector<1x16xf32>,
    %swap3A_36 = arith.constant 0 : i32
    %swap3A_37 = arith.index_cast %swap3A_36 : i32 to index
    %swap3A_38 = arith.constant 96 : index
    %swap3A_39 = tpu.vector_load %arg18[%swap3A_37, %swap3A_38] {strides = array<i32>} : memref<8x128xf32, #tpu.memory_space<vmem>>, vector<1x16xf32>,
    %swap3A_40 = vector.shape_cast %swap3A_39 : vector<1x16xf32> to vector<16xf32>
    %swap3A_41 = vector.shape_cast %broadcast_in_dim3A_0 : vector<16xf32> to vector<1x16xf32>
    tpu.vector_store %arg18[%swap3A_37, %swap3A_38], %swap3A_41 {strides = array<i32>} : memref<8x128xf32, #tpu.memory_space<vmem>>, vector<1x16xf32>,
    %swap3A_42 = arith.constant 0 : i32
    %swap3A_43 = arith.index_cast %swap3A_42 : i32 to index
    %swap3A_44 = arith.constant 112 : index
    %swap3A_45 = tpu.vector_load %arg18[%swap3A_43, %swap3A_44] {strides = array<i32>} : memref<8x128xf32, #tpu.memory_space<vmem>>, vector<1x16xf32>,
    %swap3A_46 = vector.shape_cast %swap3A_45 : vector<1x16xf32> to vector<16xf32>
    %swap3A_47 = vector.shape_cast %broadcast_in_dim3A_0 : vector<16xf32> to vector<1x16xf32>
    tpu.vector_store %arg18[%swap3A_43, %swap3A_44], %swap3A_47 {strides = array<i32>} : memref<8x128xf32, #tpu.memory_space<vmem>>, vector<1x16xf32>,
    %swap3A_48 = arith.constant 1 : i32
    %swap3A_49 = arith.index_cast %swap3A_48 : i32 to index
    %swap3A_50 = arith.constant 0 : index
    %swap3A_51 = tpu.vector_load %arg18[%swap3A_49, %swap3A_50] {strides = array<i32>} : memref<8x128xf32, #tpu.memory_space<vmem>>, vector<1x16xf32>,
    %swap3A_52 = vector.shape_cast %swap3A_51 : vector<1x16xf32> to vector<16xf32>
    %swap3A_53 = vector.shape_cast %broadcast_in_dim3A_0 : vector<16xf32> to vector<1x16xf32>
    tpu.vector_store %arg18[%swap3A_49, %swap3A_50], %swap3A_53 {strides = array<i32>} : memref<8x128xf32, #tpu.memory_space<vmem>>, vector<1x16xf32>,
    %swap3A_54 = arith.constant 1 : i32
    %swap3A_55 = arith.index_cast %swap3A_54 : i32 to index
    %swap3A_56 = arith.constant 16 : index
    %swap3A_57 = tpu.vector_load %arg18[%swap3A_55, %swap3A_56] {strides = array<i32>} : memref<8x128xf32, #tpu.memory_space<vmem>>, vector<1x16xf32>,
    %swap3A_58 = vector.shape_cast %swap3A_57 : vector<1x16xf32> to vector<16xf32>
    %swap3A_59 = vector.shape_cast %broadcast_in_dim3A_0 : vector<16xf32> to vector<1x16xf32>
    tpu.vector_store %arg18[%swap3A_55, %swap3A_56], %swap3A_59 {strides = array<i32>} : memref<8x128xf32, #tpu.memory_space<vmem>>, vector<1x16xf32>,
    %swap3A_60 = arith.constant 1 : i32
    %swap3A_61 = arith.index_cast %swap3A_60 : i32 to index
    %swap3A_62 = arith.constant 32 : index
    %swap3A_63 = tpu.vector_load %arg18[%swap3A_61, %swap3A_62] {strides = array<i32>} : memref<8x128xf32, #tpu.memory_space<vmem>>, vector<1x16xf32>,
    %swap3A_64 = vector.shape_cast %swap3A_63 : vector<1x16xf32> to vector<16xf32>
    %swap3A_65 = vector.shape_cast %broadcast_in_dim3A_0 : vector<16xf32> to vector<1x16xf32>
    tpu.vector_store %arg18[%swap3A_61, %swap3A_62], %swap3A_65 {strides = array<i32>} : memref<8x128xf32, #tpu.memory_space<vmem>>, vector<1x16xf32>,
    %swap3A_66 = arith.constant 1 : i32
    %swap3A_67 = arith.index_cast %swap3A_66 : i32 to index
    %swap3A_68 = arith.constant 48 : index
    %swap3A_69 = tpu.vector_load %arg18[%swap3A_67, %swap3A_68] {strides = array<i32>} : memref<8x128xf32, #tpu.memory_space<vmem>>, vector<1x16xf32>,
    %swap3A_70 = vector.shape_cast %swap3A_69 : vector<1x16xf32> to vector<16xf32>
    %swap3A_71 = vector.shape_cast %broadcast_in_dim3A_0 : vector<16xf32> to vector<1x16xf32>
    tpu.vector_store %arg18[%swap3A_67, %swap3A_68], %swap3A_71 {strides = array<i32>} : memref<8x128xf32, #tpu.memory_space<vmem>>, vector<1x16xf32>,
    %swap3A_72 = arith.constant 1 : i32
    %swap3A_73 = arith.index_cast %swap3A_72 : i32 to index
    %swap3A_74 = arith.constant 64 : index
    %swap3A_75 = tpu.vector_load %arg18[%swap3A_73, %swap3A_74] {strides = array<i32>} : memref<8x128xf32, #tpu.memory_space<vmem>>, vector<1x16xf32>,
    %swap3A_76 = vector.shape_cast %swap3A_75 : vector<1x16xf32> to vector<16xf32>
    %swap3A_77 = vector.shape_cast %broadcast_in_dim3A_0 : vector<16xf32> to vector<1x16xf32>
    tpu.vector_store %arg18[%swap3A_73, %swap3A_74], %swap3A_77 {strides = array<i32>} : memref<8x128xf32, #tpu.memory_space<vmem>>, vector<1x16xf32>,
    %swap3A_78 = arith.constant 1 : i32
    %swap3A_79 = arith.index_cast %swap3A_78 : i32 to index
    %swap3A_80 = arith.constant 80 : index
    %swap3A_81 = tpu.vector_load %arg18[%swap3A_79, %swap3A_80] {strides = array<i32>} : memref<8x128xf32, #tpu.memory_space<vmem>>, vector<1x16xf32>,
    %swap3A_82 = vector.shape_cast %swap3A_81 : vector<1x16xf32> to vector<16xf32>
    %swap3A_83 = vector.shape_cast %broadcast_in_dim3A_0 : vector<16xf32> to vector<1x16xf32>
    tpu.vector_store %arg18[%swap3A_79, %swap3A_80], %swap3A_83 {strides = array<i32>} : memref<8x128xf32, #tpu.memory_space<vmem>>, vector<1x16xf32>,
    %swap3A_84 = arith.constant 1 : i32
    %swap3A_85 = arith.index_cast %swap3A_84 : i32 to index
    %swap3A_86 = arith.constant 96 : index
    %swap3A_87 = tpu.vector_load %arg18[%swap3A_85, %swap3A_86] {strides = array<i32>} : memref<8x128xf32, #tpu.memory_space<vmem>>, vector<1x16xf32>,
    %swap3A_88 = vector.shape_cast %swap3A_87 : vector<1x16xf32> to vector<16xf32>
    %swap3A_89 = vector.shape_cast %broadcast_in_dim3A_0 : vector<16xf32> to vector<1x16xf32>
    tpu.vector_store %arg18[%swap3A_85, %swap3A_86], %swap3A_89 {strides = array<i32>} : memref<8x128xf32, #tpu.memory_space<vmem>>, vector<1x16xf32>,
    %swap3A_90 = arith.constant 1 : i32
    %swap3A_91 = arith.index_cast %swap3A_90 : i32 to index
    %swap3A_92 = arith.constant 112 : index
    %swap3A_93 = tpu.vector_load %arg18[%swap3A_91, %swap3A_92] {strides = array<i32>} : memref<8x128xf32, #tpu.memory_space<vmem>>, vector<1x16xf32>,
    %swap3A_94 = vector.shape_cast %swap3A_93 : vector<1x16xf32> to vector<16xf32>
    %swap3A_95 = vector.shape_cast %broadcast_in_dim3A_0 : vector<16xf32> to vector<1x16xf32>
    tpu.vector_store %arg18[%swap3A_91, %swap3A_92], %swap3A_95 {strides = array<i32>} : memref<8x128xf32, #tpu.memory_space<vmem>>, vector<1x16xf32>,
    %swap3A_96 = arith.constant 2 : i32
    %swap3A_97 = arith.index_cast %swap3A_96 : i32 to index
    %swap3A_98 = arith.constant 0 : index
    %swap3A_99 = tpu.vector_load %arg18[%swap3A_97, %swap3A_98] {strides = array<i32>} : memref<8x128xf32, #tpu.memory_space<vmem>>, vector<1x16xf32>,
    %swap3A_100 = vector.shape_cast %swap3A_99 : vector<1x16xf32> to vector<16xf32>
    %swap3A_101 = vector.shape_cast %broadcast_in_dim3A_0 : vector<16xf32> to vector<1x16xf32>
    tpu.vector_store %arg18[%swap3A_97, %swap3A_98], %swap3A_101 {strides = array<i32>} : memref<8x128xf32, #tpu.memory_space<vmem>>, vector<1x16xf32>,
    %swap3A_102 = arith.constant 2 : i32
    %swap3A_103 = arith.index_cast %swap3A_102 : i32 to index
    %swap3A_104 = arith.constant 16 : index
    %swap3A_105 = tpu.vector_load %arg18[%swap3A_103, %swap3A_104] {strides = array<i32>} : memref<8x128xf32, #tpu.memory_space<vmem>>, vector<1x16xf32>,
    %swap3A_106 = vector.shape_cast %swap3A_105 : vector<1x16xf32> to vector<16xf32>
    %swap3A_107 = vector.shape_cast %broadcast_in_dim3A_0 : vector<16xf32> to vector<1x16xf32>
    tpu.vector_store %arg18[%swap3A_103, %swap3A_104], %swap3A_107 {strides = array<i32>} : memref<8x128xf32, #tpu.memory_space<vmem>>, vector<1x16xf32>,
    %swap3A_108 = arith.constant 2 : i32
    %swap3A_109 = arith.index_cast %swap3A_108 : i32 to index
    %swap3A_110 = arith.constant 32 : index
    %swap3A_111 = tpu.vector_load %arg18[%swap3A_109, %swap3A_110] {strides = array<i32>} : memref<8x128xf32, #tpu.memory_space<vmem>>, vector<1x16xf32>,
    %swap3A_112 = vector.shape_cast %swap3A_111 : vector<1x16xf32> to vector<16xf32>
    %swap3A_113 = vector.shape_cast %broadcast_in_dim3A_0 : vector<16xf32> to vector<1x16xf32>
    tpu.vector_store %arg18[%swap3A_109, %swap3A_110], %swap3A_113 {strides = array<i32>} : memref<8x128xf32, #tpu.memory_space<vmem>>, vector<1x16xf32>,
    %swap3A_114 = arith.constant 2 : i32
    %swap3A_115 = arith.index_cast %swap3A_114 : i32 to index
    %swap3A_116 = arith.constant 48 : index
    %swap3A_117 = tpu.vector_load %arg18[%swap3A_115, %swap3A_116] {strides = array<i32>} : memref<8x128xf32, #tpu.memory_space<vmem>>, vector<1x16xf32>,
    %swap3A_118 = vector.shape_cast %swap3A_117 : vector<1x16xf32> to vector<16xf32>
    %swap3A_119 = vector.shape_cast %broadcast_in_dim3A_0 : vector<16xf32> to vector<1x16xf32>
    tpu.vector_store %arg18[%swap3A_115, %swap3A_116], %swap3A_119 {strides = array<i32>} : memref<8x128xf32, #tpu.memory_space<vmem>>, vector<1x16xf32>,
    %swap3A_120 = arith.constant 2 : i32
    %swap3A_121 = arith.index_cast %swap3A_120 : i32 to index
    %swap3A_122 = arith.constant 64 : index
    %swap3A_123 = tpu.vector_load %arg18[%swap3A_121, %swap3A_122] {strides = array<i32>} : memref<8x128xf32, #tpu.memory_space<vmem>>, vector<1x16xf32>,
    %swap3A_124 = vector.shape_cast %swap3A_123 : vector<1x16xf32> to vector<16xf32>
    %swap3A_125 = vector.shape_cast %broadcast_in_dim3A_0 : vector<16xf32> to vector<1x16xf32>
    tpu.vector_store %arg18[%swap3A_121, %swap3A_122], %swap3A_125 {strides = array<i32>} : memref<8x128xf32, #tpu.memory_space<vmem>>, vector<1x16xf32>,
    %swap3A_126 = arith.constant 2 : i32
    %swap3A_127 = arith.index_cast %swap3A_126 : i32 to index
    %swap3A_128 = arith.constant 80 : index
    %swap3A_129 = tpu.vector_load %arg18[%swap3A_127, %swap3A_128] {strides = array<i32>} : memref<8x128xf32, #tpu.memory_space<vmem>>, vector<1x16xf32>,
    %swap3A_130 = vector.shape_cast %swap3A_129 : vector<1x16xf32> to vector<16xf32>
    %swap3A_131 = vector.shape_cast %broadcast_in_dim3A_0 : vector<16xf32> to vector<1x16xf32>
    tpu.vector_store %arg18[%swap3A_127, %swap3A_128], %swap3A_131 {strides = array<i32>} : memref<8x128xf32, #tpu.memory_space<vmem>>, vector<1x16xf32>,
    %swap3A_132 = arith.constant 2 : i32
    %swap3A_133 = arith.index_cast %swap3A_132 : i32 to index
    %swap3A_134 = arith.constant 96 : index
    %swap3A_135 = tpu.vector_load %arg18[%swap3A_133, %swap3A_134] {strides = array<i32>} : memref<8x128xf32, #tpu.memory_space<vmem>>, vector<1x16xf32>,
    %swap3A_136 = vector.shape_cast %swap3A_135 : vector<1x16xf32> to vector<16xf32>
    %swap3A_137 = vector.shape_cast %broadcast_in_dim3A_0 : vector<16xf32> to vector<1x16xf32>
    tpu.vector_store %arg18[%swap3A_133, %swap3A_134], %swap3A_137 {strides = array<i32>} : memref<8x128xf32, #tpu.memory_space<vmem>>, vector<1x16xf32>,
    %swap3A_138 = arith.constant 2 : i32
    %swap3A_139 = arith.index_cast %swap3A_138 : i32 to index
    %swap3A_140 = arith.constant 112 : index
    %swap3A_141 = tpu.vector_load %arg18[%swap3A_139, %swap3A_140] {strides = array<i32>} : memref<8x128xf32, #tpu.memory_space<vmem>>, vector<1x16xf32>,
    %swap3A_142 = vector.shape_cast %swap3A_141 : vector<1x16xf32> to vector<16xf32>
    %swap3A_143 = vector.shape_cast %broadcast_in_dim3A_0 : vector<16xf32> to vector<1x16xf32>
    tpu.vector_store %arg18[%swap3A_139, %swap3A_140], %swap3A_143 {strides = array<i32>} : memref<8x128xf32, #tpu.memory_space<vmem>>, vector<1x16xf32>,
    %swap3A_144 = arith.constant 3 : i32
    %swap3A_145 = arith.index_cast %swap3A_144 : i32 to index
    %swap3A_146 = arith.constant 0 : index
    %swap3A_147 = tpu.vector_load %arg18[%swap3A_145, %swap3A_146] {strides = array<i32>} : memref<8x128xf32, #tpu.memory_space<vmem>>, vector<1x16xf32>,
    %swap3A_148 = vector.shape_cast %swap3A_147 : vector<1x16xf32> to vector<16xf32>
    %swap3A_149 = vector.shape_cast %broadcast_in_dim3A_0 : vector<16xf32> to vector<1x16xf32>
    tpu.vector_store %arg18[%swap3A_145, %swap3A_146], %swap3A_149 {strides = array<i32>} : memref<8x128xf32, #tpu.memory_space<vmem>>, vector<1x16xf32>,
    %swap3A_150 = arith.constant 3 : i32
    %swap3A_151 = arith.index_cast %swap3A_150 : i32 to index
    %swap3A_152 = arith.constant 16 : index
    %swap3A_153 = tpu.vector_load %arg18[%swap3A_151, %swap3A_152] {strides = array<i32>} : memref<8x128xf32, #tpu.memory_space<vmem>>, vector<1x16xf32>,
    %swap3A_154 = vector.shape_cast %swap3A_153 : vector<1x16xf32> to vector<16xf32>
    %swap3A_155 = vector.shape_cast %broadcast_in_dim3A_0 : vector<16xf32> to vector<1x16xf32>
    tpu.vector_store %arg18[%swap3A_151, %swap3A_152], %swap3A_155 {strides = array<i32>} : memref<8x128xf32, #tpu.memory_space<vmem>>, vector<1x16xf32>,
    %swap3A_156 = arith.constant 3 : i32
    %swap3A_157 = arith.index_cast %swap3A_156 : i32 to index
    %swap3A_158 = arith.constant 32 : index
    %swap3A_159 = tpu.vector_load %arg18[%swap3A_157, %swap3A_158] {strides = array<i32>} : memref<8x128xf32, #tpu.memory_space<vmem>>, vector<1x16xf32>,
    %swap3A_160 = vector.shape_cast %swap3A_159 : vector<1x16xf32> to vector<16xf32>
    %swap3A_161 = vector.shape_cast %broadcast_in_dim3A_0 : vector<16xf32> to vector<1x16xf32>
    tpu.vector_store %arg18[%swap3A_157, %swap3A_158], %swap3A_161 {strides = array<i32>} : memref<8x128xf32, #tpu.memory_space<vmem>>, vector<1x16xf32>,
    %swap3A_162 = arith.constant 3 : i32
    %swap3A_163 = arith.index_cast %swap3A_162 : i32 to index
    %swap3A_164 = arith.constant 48 : index
    %swap3A_165 = tpu.vector_load %arg18[%swap3A_163, %swap3A_164] {strides = array<i32>} : memref<8x128xf32, #tpu.memory_space<vmem>>, vector<1x16xf32>,
    %swap3A_166 = vector.shape_cast %swap3A_165 : vector<1x16xf32> to vector<16xf32>
    %swap3A_167 = vector.shape_cast %broadcast_in_dim3A_0 : vector<16xf32> to vector<1x16xf32>
    tpu.vector_store %arg18[%swap3A_163, %swap3A_164], %swap3A_167 {strides = array<i32>} : memref<8x128xf32, #tpu.memory_space<vmem>>, vector<1x16xf32>,
    %swap3A_168 = arith.constant 3 : i32
    %swap3A_169 = arith.index_cast %swap3A_168 : i32 to index
    %swap3A_170 = arith.constant 64 : index
    %swap3A_171 = tpu.vector_load %arg18[%swap3A_169, %swap3A_170] {strides = array<i32>} : memref<8x128xf32, #tpu.memory_space<vmem>>, vector<1x16xf32>,
    %swap3A_172 = vector.shape_cast %swap3A_171 : vector<1x16xf32> to vector<16xf32>
    %swap3A_173 = vector.shape_cast %broadcast_in_dim3A_0 : vector<16xf32> to vector<1x16xf32>
    tpu.vector_store %arg18[%swap3A_169, %swap3A_170], %swap3A_173 {strides = array<i32>} : memref<8x128xf32, #tpu.memory_space<vmem>>, vector<1x16xf32>,
    %swap3A_174 = arith.constant 3 : i32
    %swap3A_175 = arith.index_cast %swap3A_174 : i32 to index
    %swap3A_176 = arith.constant 80 : index
    %swap3A_177 = tpu.vector_load %arg18[%swap3A_175, %swap3A_176] {strides = array<i32>} : memref<8x128xf32, #tpu.memory_space<vmem>>, vector<1x16xf32>,
    %swap3A_178 = vector.shape_cast %swap3A_177 : vector<1x16xf32> to vector<16xf32>
    %swap3A_179 = vector.shape_cast %broadcast_in_dim3A_0 : vector<16xf32> to vector<1x16xf32>
    tpu.vector_store %arg18[%swap3A_175, %swap3A_176], %swap3A_179 {strides = array<i32>} : memref<8x128xf32, #tpu.memory_space<vmem>>, vector<1x16xf32>,
    %swap3A_180 = arith.constant 3 : i32
    %swap3A_181 = arith.index_cast %swap3A_180 : i32 to index
    %swap3A_182 = arith.constant 96 : index
    %swap3A_183 = tpu.vector_load %arg18[%swap3A_181, %swap3A_182] {strides = array<i32>} : memref<8x128xf32, #tpu.memory_space<vmem>>, vector<1x16xf32>,
    %swap3A_184 = vector.shape_cast %swap3A_183 : vector<1x16xf32> to vector<16xf32>
    %swap3A_185 = vector.shape_cast %broadcast_in_dim3A_0 : vector<16xf32> to vector<1x16xf32>
    tpu.vector_store %arg18[%swap3A_181, %swap3A_182], %swap3A_185 {strides = array<i32>} : memref<8x128xf32, #tpu.memory_space<vmem>>, vector<1x16xf32>,
    %swap3A_186 = arith.constant 3 : i32
    %swap3A_187 = arith.index_cast %swap3A_186 : i32 to index
    %swap3A_188 = arith.constant 112 : index
    %swap3A_189 = tpu.vector_load %arg18[%swap3A_187, %swap3A_188] {strides = array<i32>} : memref<8x128xf32, #tpu.memory_space<vmem>>, vector<1x16xf32>,
    %swap3A_190 = vector.shape_cast %swap3A_189 : vector<1x16xf32> to vector<16xf32>
    %swap3A_191 = vector.shape_cast %broadcast_in_dim3A_0 : vector<16xf32> to vector<1x16xf32>
    tpu.vector_store %arg18[%swap3A_187, %swap3A_188], %swap3A_191 {strides = array<i32>} : memref<8x128xf32, #tpu.memory_space<vmem>>, vector<1x16xf32>,
    %swap3A_192 = arith.constant 4 : i32
    %swap3A_193 = arith.index_cast %swap3A_192 : i32 to index
    %swap3A_194 = arith.constant 0 : index
    %swap3A_195 = tpu.vector_load %arg18[%swap3A_193, %swap3A_194] {strides = array<i32>} : memref<8x128xf32, #tpu.memory_space<vmem>>, vector<1x16xf32>,
    %swap3A_196 = vector.shape_cast %swap3A_195 : vector<1x16xf32> to vector<16xf32>
    %swap3A_197 = vector.shape_cast %broadcast_in_dim3A_0 : vector<16xf32> to vector<1x16xf32>
    tpu.vector_store %arg18[%swap3A_193, %swap3A_194], %swap3A_197 {strides = array<i32>} : memref<8x128xf32, #tpu.memory_space<vmem>>, vector<1x16xf32>,
    %swap3A_198 = arith.constant 4 : i32
    %swap3A_199 = arith.index_cast %swap3A_198 : i32 to index
    %swap3A_200 = arith.constant 16 : index
    %swap3A_201 = tpu.vector_load %arg18[%swap3A_199, %swap3A_200] {strides = array<i32>} : memref<8x128xf32, #tpu.memory_space<vmem>>, vector<1x16xf32>,
    %swap3A_202 = vector.shape_cast %swap3A_201 : vector<1x16xf32> to vector<16xf32>
    %swap3A_203 = vector.shape_cast %broadcast_in_dim3A_0 : vector<16xf32> to vector<1x16xf32>
    tpu.vector_store %arg18[%swap3A_199, %swap3A_200], %swap3A_203 {strides = array<i32>} : memref<8x128xf32, #tpu.memory_space<vmem>>, vector<1x16xf32>,
    %swap3A_204 = arith.constant 4 : i32
    %swap3A_205 = arith.index_cast %swap3A_204 : i32 to index
    %swap3A_206 = arith.constant 32 : index
    %swap3A_207 = tpu.vector_load %arg18[%swap3A_205, %swap3A_206] {strides = array<i32>} : memref<8x128xf32, #tpu.memory_space<vmem>>, vector<1x16xf32>,
    %swap3A_208 = vector.shape_cast %swap3A_207 : vector<1x16xf32> to vector<16xf32>
    %swap3A_209 = vector.shape_cast %broadcast_in_dim3A_0 : vector<16xf32> to vector<1x16xf32>
    tpu.vector_store %arg18[%swap3A_205, %swap3A_206], %swap3A_209 {strides = array<i32>} : memref<8x128xf32, #tpu.memory_space<vmem>>, vector<1x16xf32>,
    %swap3A_210 = arith.constant 4 : i32
    %swap3A_211 = arith.index_cast %swap3A_210 : i32 to index
    %swap3A_212 = arith.constant 48 : index
    %swap3A_213 = tpu.vector_load %arg18[%swap3A_211, %swap3A_212] {strides = array<i32>} : memref<8x128xf32, #tpu.memory_space<vmem>>, vector<1x16xf32>,
    %swap3A_214 = vector.shape_cast %swap3A_213 : vector<1x16xf32> to vector<16xf32>
    %swap3A_215 = vector.shape_cast %broadcast_in_dim3A_0 : vector<16xf32> to vector<1x16xf32>
    tpu.vector_store %arg18[%swap3A_211, %swap3A_212], %swap3A_215 {strides = array<i32>} : memref<8x128xf32, #tpu.memory_space<vmem>>, vector<1x16xf32>,
    %swap3A_216 = arith.constant 4 : i32
    %swap3A_217 = arith.index_cast %swap3A_216 : i32 to index
    %swap3A_218 = arith.constant 64 : index
    %swap3A_219 = tpu.vector_load %arg18[%swap3A_217, %swap3A_218] {strides = array<i32>} : memref<8x128xf32, #tpu.memory_space<vmem>>, vector<1x16xf32>,
    %swap3A_220 = vector.shape_cast %swap3A_219 : vector<1x16xf32> to vector<16xf32>
    %swap3A_221 = vector.shape_cast %broadcast_in_dim3A_0 : vector<16xf32> to vector<1x16xf32>
    tpu.vector_store %arg18[%swap3A_217, %swap3A_218], %swap3A_221 {strides = array<i32>} : memref<8x128xf32, #tpu.memory_space<vmem>>, vector<1x16xf32>,
    %swap3A_222 = arith.constant 4 : i32
    %swap3A_223 = arith.index_cast %swap3A_222 : i32 to index
    %swap3A_224 = arith.constant 80 : index
    %swap3A_225 = tpu.vector_load %arg18[%swap3A_223, %swap3A_224] {strides = array<i32>} : memref<8x128xf32, #tpu.memory_space<vmem>>, vector<1x16xf32>,
    %swap3A_226 = vector.shape_cast %swap3A_225 : vector<1x16xf32> to vector<16xf32>
    %swap3A_227 = vector.shape_cast %broadcast_in_dim3A_0 : vector<16xf32> to vector<1x16xf32>
    tpu.vector_store %arg18[%swap3A_223, %swap3A_224], %swap3A_227 {strides = array<i32>} : memref<8x128xf32, #tpu.memory_space<vmem>>, vector<1x16xf32>,
    %swap3A_228 = arith.constant 4 : i32
    %swap3A_229 = arith.index_cast %swap3A_228 : i32 to index
    %swap3A_230 = arith.constant 96 : index
    %swap3A_231 = tpu.vector_load %arg18[%swap3A_229, %swap3A_230] {strides = array<i32>} : memref<8x128xf32, #tpu.memory_space<vmem>>, vector<1x16xf32>,
    %swap3A_232 = vector.shape_cast %swap3A_231 : vector<1x16xf32> to vector<16xf32>
    %swap3A_233 = vector.shape_cast %broadcast_in_dim3A_0 : vector<16xf32> to vector<1x16xf32>
    tpu.vector_store %arg18[%swap3A_229, %swap3A_230], %swap3A_233 {strides = array<i32>} : memref<8x128xf32, #tpu.memory_space<vmem>>, vector<1x16xf32>,
    %swap3A_234 = arith.constant 4 : i32
    %swap3A_235 = arith.index_cast %swap3A_234 : i32 to index
    %swap3A_236 = arith.constant 112 : index
    %swap3A_237 = tpu.vector_load %arg18[%swap3A_235, %swap3A_236] {strides = array<i32>} : memref<8x128xf32, #tpu.memory_space<vmem>>, vector<1x16xf32>,
    %swap3A_238 = vector.shape_cast %swap3A_237 : vector<1x16xf32> to vector<16xf32>
    %swap3A_239 = vector.shape_cast %broadcast_in_dim3A_0 : vector<16xf32> to vector<1x16xf32>
    tpu.vector_store %arg18[%swap3A_235, %swap3A_236], %swap3A_239 {strides = array<i32>} : memref<8x128xf32, #tpu.memory_space<vmem>>, vector<1x16xf32>,
    %swap3A_240 = arith.constant 5 : i32
    %swap3A_241 = arith.index_cast %swap3A_240 : i32 to index
    %swap3A_242 = arith.constant 0 : index
    %swap3A_243 = tpu.vector_load %arg18[%swap3A_241, %swap3A_242] {strides = array<i32>} : memref<8x128xf32, #tpu.memory_space<vmem>>, vector<1x16xf32>,
    %swap3A_244 = vector.shape_cast %swap3A_243 : vector<1x16xf32> to vector<16xf32>
    %swap3A_245 = vector.shape_cast %broadcast_in_dim3A_0 : vector<16xf32> to vector<1x16xf32>
    tpu.vector_store %arg18[%swap3A_241, %swap3A_242], %swap3A_245 {strides = array<i32>} : memref<8x128xf32, #tpu.memory_space<vmem>>, vector<1x16xf32>,
    %swap3A_246 = arith.constant 5 : i32
    %swap3A_247 = arith.index_cast %swap3A_246 : i32 to index
    %swap3A_248 = arith.constant 16 : index
    %swap3A_249 = tpu.vector_load %arg18[%swap3A_247, %swap3A_248] {strides = array<i32>} : memref<8x128xf32, #tpu.memory_space<vmem>>, vector<1x16xf32>,
    %swap3A_250 = vector.shape_cast %swap3A_249 : vector<1x16xf32> to vector<16xf32>
    %swap3A_251 = vector.shape_cast %broadcast_in_dim3A_0 : vector<16xf32> to vector<1x16xf32>
    tpu.vector_store %arg18[%swap3A_247, %swap3A_248], %swap3A_251 {strides = array<i32>} : memref<8x128xf32, #tpu.memory_space<vmem>>, vector<1x16xf32>,
    %swap3A_252 = arith.constant 5 : i32
    %swap3A_253 = arith.index_cast %swap3A_252 : i32 to index
    %swap3A_254 = arith.constant 32 : index
    %swap3A_255 = tpu.vector_load %arg18[%swap3A_253, %swap3A_254] {strides = array<i32>} : memref<8x128xf32, #tpu.memory_space<vmem>>, vector<1x16xf32>,
    %swap3A_256 = vector.shape_cast %swap3A_255 : vector<1x16xf32> to vector<16xf32>
    %swap3A_257 = vector.shape_cast %broadcast_in_dim3A_0 : vector<16xf32> to vector<1x16xf32>
    tpu.vector_store %arg18[%swap3A_253, %swap3A_254], %swap3A_257 {strides = array<i32>} : memref<8x128xf32, #tpu.memory_space<vmem>>, vector<1x16xf32>,
    %swap3A_258 = arith.constant 5 : i32
    %swap3A_259 = arith.index_cast %swap3A_258 : i32 to index
    %swap3A_260 = arith.constant 48 : index
    %swap3A_261 = tpu.vector_load %arg18[%swap3A_259, %swap3A_260] {strides = array<i32>} : memref<8x128xf32, #tpu.memory_space<vmem>>, vector<1x16xf32>,
    %swap3A_262 = vector.shape_cast %swap3A_261 : vector<1x16xf32> to vector<16xf32>
    %swap3A_263 = vector.shape_cast %broadcast_in_dim3A_0 : vector<16xf32> to vector<1x16xf32>
    tpu.vector_store %arg18[%swap3A_259, %swap3A_260], %swap3A_263 {strides = array<i32>} : memref<8x128xf32, #tpu.memory_space<vmem>>, vector<1x16xf32>,
    %swap3A_264 = arith.constant 5 : i32
    %swap3A_265 = arith.index_cast %swap3A_264 : i32 to index
    %swap3A_266 = arith.constant 64 : index
    %swap3A_267 = tpu.vector_load %arg18[%swap3A_265, %swap3A_266] {strides = array<i32>} : memref<8x128xf32, #tpu.memory_space<vmem>>, vector<1x16xf32>,
    %swap3A_268 = vector.shape_cast %swap3A_267 : vector<1x16xf32> to vector<16xf32>
    %swap3A_269 = vector.shape_cast %broadcast_in_dim3A_0 : vector<16xf32> to vector<1x16xf32>
    tpu.vector_store %arg18[%swap3A_265, %swap3A_266], %swap3A_269 {strides = array<i32>} : memref<8x128xf32, #tpu.memory_space<vmem>>, vector<1x16xf32>,
    %swap3A_270 = arith.constant 5 : i32
    %swap3A_271 = arith.index_cast %swap3A_270 : i32 to index
    %swap3A_272 = arith.constant 80 : index
    %swap3A_273 = tpu.vector_load %arg18[%swap3A_271, %swap3A_272] {strides = array<i32>} : memref<8x128xf32, #tpu.memory_space<vmem>>, vector<1x16xf32>,
    %swap3A_274 = vector.shape_cast %swap3A_273 : vector<1x16xf32> to vector<16xf32>
    %swap3A_275 = vector.shape_cast %broadcast_in_dim3A_0 : vector<16xf32> to vector<1x16xf32>
    tpu.vector_store %arg18[%swap3A_271, %swap3A_272], %swap3A_275 {strides = array<i32>} : memref<8x128xf32, #tpu.memory_space<vmem>>, vector<1x16xf32>,
    %swap3A_276 = arith.constant 5 : i32
    %swap3A_277 = arith.index_cast %swap3A_276 : i32 to index
    %swap3A_278 = arith.constant 96 : index
    %swap3A_279 = tpu.vector_load %arg18[%swap3A_277, %swap3A_278] {strides = array<i32>} : memref<8x128xf32, #tpu.memory_space<vmem>>, vector<1x16xf32>,
    %swap3A_280 = vector.shape_cast %swap3A_279 : vector<1x16xf32> to vector<16xf32>
    %swap3A_281 = vector.shape_cast %broadcast_in_dim3A_0 : vector<16xf32> to vector<1x16xf32>
    tpu.vector_store %arg18[%swap3A_277, %swap3A_278], %swap3A_281 {strides = array<i32>} : memref<8x128xf32, #tpu.memory_space<vmem>>, vector<1x16xf32>,
    %swap3A_282 = arith.constant 5 : i32
    %swap3A_283 = arith.index_cast %swap3A_282 : i32 to index
    %swap3A_284 = arith.constant 112 : index
    %swap3A_285 = tpu.vector_load %arg18[%swap3A_283, %swap3A_284] {strides = array<i32>} : memref<8x128xf32, #tpu.memory_space<vmem>>, vector<1x16xf32>,
    %swap3A_286 = vector.shape_cast %swap3A_285 : vector<1x16xf32> to vector<16xf32>
    %swap3A_287 = vector.shape_cast %broadcast_in_dim3A_0 : vector<16xf32> to vector<1x16xf32>
    tpu.vector_store %arg18[%swap3A_283, %swap3A_284], %swap3A_287 {strides = array<i32>} : memref<8x128xf32, #tpu.memory_space<vmem>>, vector<1x16xf32>,
    %swap3A_288 = arith.constant 6 : i32
    %swap3A_289 = arith.index_cast %swap3A_288 : i32 to index
    %swap3A_290 = arith.constant 0 : index
    %swap3A_291 = tpu.vector_load %arg18[%swap3A_289, %swap3A_290] {strides = array<i32>} : memref<8x128xf32, #tpu.memory_space<vmem>>, vector<1x16xf32>,
    %swap3A_292 = vector.shape_cast %swap3A_291 : vector<1x16xf32> to vector<16xf32>
    %swap3A_293 = vector.shape_cast %broadcast_in_dim3A_0 : vector<16xf32> to vector<1x16xf32>
    tpu.vector_store %arg18[%swap3A_289, %swap3A_290], %swap3A_293 {strides = array<i32>} : memref<8x128xf32, #tpu.memory_space<vmem>>, vector<1x16xf32>,
    %swap3A_294 = arith.constant 6 : i32
    %swap3A_295 = arith.index_cast %swap3A_294 : i32 to index
    %swap3A_296 = arith.constant 16 : index
    %swap3A_297 = tpu.vector_load %arg18[%swap3A_295, %swap3A_296] {strides = array<i32>} : memref<8x128xf32, #tpu.memory_space<vmem>>, vector<1x16xf32>,
    %swap3A_298 = vector.shape_cast %swap3A_297 : vector<1x16xf32> to vector<16xf32>
    %swap3A_299 = vector.shape_cast %broadcast_in_dim3A_0 : vector<16xf32> to vector<1x16xf32>
    tpu.vector_store %arg18[%swap3A_295, %swap3A_296], %swap3A_299 {strides = array<i32>} : memref<8x128xf32, #tpu.memory_space<vmem>>, vector<1x16xf32>,
    %swap3A_300 = arith.constant 6 : i32
    %swap3A_301 = arith.index_cast %swap3A_300 : i32 to index
    %swap3A_302 = arith.constant 32 : index
    %swap3A_303 = tpu.vector_load %arg18[%swap3A_301, %swap3A_302] {strides = array<i32>} : memref<8x128xf32, #tpu.memory_space<vmem>>, vector<1x16xf32>,
    %swap3A_304 = vector.shape_cast %swap3A_303 : vector<1x16xf32> to vector<16xf32>
    %swap3A_305 = vector.shape_cast %broadcast_in_dim3A_0 : vector<16xf32> to vector<1x16xf32>
    tpu.vector_store %arg18[%swap3A_301, %swap3A_302], %swap3A_305 {strides = array<i32>} : memref<8x128xf32, #tpu.memory_space<vmem>>, vector<1x16xf32>,
    %swap3A_306 = arith.constant 6 : i32
    %swap3A_307 = arith.index_cast %swap3A_306 : i32 to index
    %swap3A_308 = arith.constant 48 : index
    %swap3A_309 = tpu.vector_load %arg18[%swap3A_307, %swap3A_308] {strides = array<i32>} : memref<8x128xf32, #tpu.memory_space<vmem>>, vector<1x16xf32>,
    %swap3A_310 = vector.shape_cast %swap3A_309 : vector<1x16xf32> to vector<16xf32>
    %swap3A_311 = vector.shape_cast %broadcast_in_dim3A_0 : vector<16xf32> to vector<1x16xf32>
    tpu.vector_store %arg18[%swap3A_307, %swap3A_308], %swap3A_311 {strides = array<i32>} : memref<8x128xf32, #tpu.memory_space<vmem>>, vector<1x16xf32>,
    %swap3A_312 = arith.constant 6 : i32
    %swap3A_313 = arith.index_cast %swap3A_312 : i32 to index
    %swap3A_314 = arith.constant 64 : index
    %swap3A_315 = tpu.vector_load %arg18[%swap3A_313, %swap3A_314] {strides = array<i32>} : memref<8x128xf32, #tpu.memory_space<vmem>>, vector<1x16xf32>,
    %swap3A_316 = vector.shape_cast %swap3A_315 : vector<1x16xf32> to vector<16xf32>
    %swap3A_317 = vector.shape_cast %broadcast_in_dim3A_0 : vector<16xf32> to vector<1x16xf32>
    tpu.vector_store %arg18[%swap3A_313, %swap3A_314], %swap3A_317 {strides = array<i32>} : memref<8x128xf32, #tpu.memory_space<vmem>>, vector<1x16xf32>,
    %swap3A_318 = arith.constant 6 : i32
    %swap3A_319 = arith.index_cast %swap3A_318 : i32 to index
    %swap3A_320 = arith.constant 80 : index
    %swap3A_321 = tpu.vector_load %arg18[%swap3A_319, %swap3A_320] {strides = array<i32>} : memref<8x128xf32, #tpu.memory_space<vmem>>, vector<1x16xf32>,
    %swap3A_322 = vector.shape_cast %swap3A_321 : vector<1x16xf32> to vector<16xf32>
    %swap3A_323 = vector.shape_cast %broadcast_in_dim3A_0 : vector<16xf32> to vector<1x16xf32>
    tpu.vector_store %arg18[%swap3A_319, %swap3A_320], %swap3A_323 {strides = array<i32>} : memref<8x128xf32, #tpu.memory_space<vmem>>, vector<1x16xf32>,
    %swap3A_324 = arith.constant 6 : i32
    %swap3A_325 = arith.index_cast %swap3A_324 : i32 to index
    %swap3A_326 = arith.constant 96 : index
    %swap3A_327 = tpu.vector_load %arg18[%swap3A_325, %swap3A_326] {strides = array<i32>} : memref<8x128xf32, #tpu.memory_space<vmem>>, vector<1x16xf32>,
    %swap3A_328 = vector.shape_cast %swap3A_327 : vector<1x16xf32> to vector<16xf32>
    %swap3A_329 = vector.shape_cast %broadcast_in_dim3A_0 : vector<16xf32> to vector<1x16xf32>
    tpu.vector_store %arg18[%swap3A_325, %swap3A_326], %swap3A_329 {strides = array<i32>} : memref<8x128xf32, #tpu.memory_space<vmem>>, vector<1x16xf32>,
    %swap3A_330 = arith.constant 6 : i32
    %swap3A_331 = arith.index_cast %swap3A_330 : i32 to index
    %swap3A_332 = arith.constant 112 : index
    %swap3A_333 = tpu.vector_load %arg18[%swap3A_331, %swap3A_332] {strides = array<i32>} : memref<8x128xf32, #tpu.memory_space<vmem>>, vector<1x16xf32>,
    %swap3A_334 = vector.shape_cast %swap3A_333 : vector<1x16xf32> to vector<16xf32>
    %swap3A_335 = vector.shape_cast %broadcast_in_dim3A_0 : vector<16xf32> to vector<1x16xf32>
    tpu.vector_store %arg18[%swap3A_331, %swap3A_332], %swap3A_335 {strides = array<i32>} : memref<8x128xf32, #tpu.memory_space<vmem>>, vector<1x16xf32>,
    %swap3A_336 = arith.constant 7 : i32
    %swap3A_337 = arith.index_cast %swap3A_336 : i32 to index
    %swap3A_338 = arith.constant 0 : index
    %swap3A_339 = tpu.vector_load %arg18[%swap3A_337, %swap3A_338] {strides = array<i32>} : memref<8x128xf32, #tpu.memory_space<vmem>>, vector<1x16xf32>,
    %swap3A_340 = vector.shape_cast %swap3A_339 : vector<1x16xf32> to vector<16xf32>
    %swap3A_341 = vector.shape_cast %broadcast_in_dim3A_0 : vector<16xf32> to vector<1x16xf32>
    tpu.vector_store %arg18[%swap3A_337, %swap3A_338], %swap3A_341 {strides = array<i32>} : memref<8x128xf32, #tpu.memory_space<vmem>>, vector<1x16xf32>,
    %swap3A_342 = arith.constant 7 : i32
    %swap3A_343 = arith.index_cast %swap3A_342 : i32 to index
    %swap3A_344 = arith.constant 16 : index
    %swap3A_345 = tpu.vector_load %arg18[%swap3A_343, %swap3A_344] {strides = array<i32>} : memref<8x128xf32, #tpu.memory_space<vmem>>, vector<1x16xf32>,
    %swap3A_346 = vector.shape_cast %swap3A_345 : vector<1x16xf32> to vector<16xf32>
    %swap3A_347 = vector.shape_cast %broadcast_in_dim3A_0 : vector<16xf32> to vector<1x16xf32>
    tpu.vector_store %arg18[%swap3A_343, %swap3A_344], %swap3A_347 {strides = array<i32>} : memref<8x128xf32, #tpu.memory_space<vmem>>, vector<1x16xf32>,
    %swap3A_348 = arith.constant 7 : i32
    %swap3A_349 = arith.index_cast %swap3A_348 : i32 to index
    %swap3A_350 = arith.constant 32 : index
    %swap3A_351 = tpu.vector_load %arg18[%swap3A_349, %swap3A_350] {strides = array<i32>} : memref<8x128xf32, #tpu.memory_space<vmem>>, vector<1x16xf32>,
    %swap3A_352 = vector.shape_cast %swap3A_351 : vector<1x16xf32> to vector<16xf32>
    %swap3A_353 = vector.shape_cast %broadcast_in_dim3A_0 : vector<16xf32> to vector<1x16xf32>
    tpu.vector_store %arg18[%swap3A_349, %swap3A_350], %swap3A_353 {strides = array<i32>} : memref<8x128xf32, #tpu.memory_space<vmem>>, vector<1x16xf32>,
    %swap3A_354 = arith.constant 7 : i32
    %swap3A_355 = arith.index_cast %swap3A_354 : i32 to index
    %swap3A_356 = arith.constant 48 : index
    %swap3A_357 = tpu.vector_load %arg18[%swap3A_355, %swap3A_356] {strides = array<i32>} : memref<8x128xf32, #tpu.memory_space<vmem>>, vector<1x16xf32>,
    %swap3A_358 = vector.shape_cast %swap3A_357 : vector<1x16xf32> to vector<16xf32>
    %swap3A_359 = vector.shape_cast %broadcast_in_dim3A_0 : vector<16xf32> to vector<1x16xf32>
    tpu.vector_store %arg18[%swap3A_355, %swap3A_356], %swap3A_359 {strides = array<i32>} : memref<8x128xf32, #tpu.memory_space<vmem>>, vector<1x16xf32>,
    %swap3A_360 = arith.constant 7 : i32
    %swap3A_361 = arith.index_cast %swap3A_360 : i32 to index
    %swap3A_362 = arith.constant 64 : index
    %swap3A_363 = tpu.vector_load %arg18[%swap3A_361, %swap3A_362] {strides = array<i32>} : memref<8x128xf32, #tpu.memory_space<vmem>>, vector<1x16xf32>,
    %swap3A_364 = vector.shape_cast %swap3A_363 : vector<1x16xf32> to vector<16xf32>
    %swap3A_365 = vector.shape_cast %broadcast_in_dim3A_0 : vector<16xf32> to vector<1x16xf32>
    tpu.vector_store %arg18[%swap3A_361, %swap3A_362], %swap3A_365 {strides = array<i32>} : memref<8x128xf32, #tpu.memory_space<vmem>>, vector<1x16xf32>,
    %swap3A_366 = arith.constant 7 : i32
    %swap3A_367 = arith.index_cast %swap3A_366 : i32 to index
    %swap3A_368 = arith.constant 80 : index
    %swap3A_369 = tpu.vector_load %arg18[%swap3A_367, %swap3A_368] {strides = array<i32>} : memref<8x128xf32, #tpu.memory_space<vmem>>, vector<1x16xf32>,
    %swap3A_370 = vector.shape_cast %swap3A_369 : vector<1x16xf32> to vector<16xf32>
    %swap3A_371 = vector.shape_cast %broadcast_in_dim3A_0 : vector<16xf32> to vector<1x16xf32>
    tpu.vector_store %arg18[%swap3A_367, %swap3A_368], %swap3A_371 {strides = array<i32>} : memref<8x128xf32, #tpu.memory_space<vmem>>, vector<1x16xf32>,
    %swap3A_372 = arith.constant 7 : i32
    %swap3A_373 = arith.index_cast %swap3A_372 : i32 to index
    %swap3A_374 = arith.constant 96 : index
    %swap3A_375 = tpu.vector_load %arg18[%swap3A_373, %swap3A_374] {strides = array<i32>} : memref<8x128xf32, #tpu.memory_space<vmem>>, vector<1x16xf32>,
    %swap3A_376 = vector.shape_cast %swap3A_375 : vector<1x16xf32> to vector<16xf32>
    %swap3A_377 = vector.shape_cast %broadcast_in_dim3A_0 : vector<16xf32> to vector<1x16xf32>
    tpu.vector_store %arg18[%swap3A_373, %swap3A_374], %swap3A_377 {strides = array<i32>} : memref<8x128xf32, #tpu.memory_space<vmem>>, vector<1x16xf32>,
    %swap3A_378 = arith.constant 7 : i32
    %swap3A_379 = arith.index_cast %swap3A_378 : i32 to index
    %swap3A_380 = arith.constant 112 : index
    %swap3A_381 = tpu.vector_load %arg18[%swap3A_379, %swap3A_380] {strides = array<i32>} : memref<8x128xf32, #tpu.memory_space<vmem>>, vector<1x16xf32>,
    %swap3A_382 = vector.shape_cast %swap3A_381 : vector<1x16xf32> to vector<16xf32>
    %swap3A_383 = vector.shape_cast %broadcast_in_dim3A_0 : vector<16xf32> to vector<1x16xf32>
    tpu.vector_store %arg18[%swap3A_379, %swap3A_380], %swap3A_383 {strides = array<i32>} : memref<8x128xf32, #tpu.memory_space<vmem>>, vector<1x16xf32>,
    %mul3A = arith.constant 640 : i32
    %mul3A_384 = arith.muli %arg1, %mul3A : i32
    %mul3A_385 = arith.constant 80 : i32
    %mul3A_386 = arith.muli %arg1, %mul3A_385 : i32
    %scan3A = arith.constant 0 : i32
    %scan3A_387 = arith.constant 0 : i32
    %scan3A_388 = arith.constant 80 : i32
    %scan3A_389 = arith.addi %scan3A_387, %scan3A_388 : i32
    %scan3A_390 = arith.constant 1 : i32
    scf.for %scan3A_411 = %scan3A_387 to %scan3A_389 step %scan3A_390  : i32 {
      %mul3A_412 = arith.constant 8 : i32
      %mul3A_413 = arith.muli %scan3A_411, %mul3A_412 : i32
      %add3A_414 = arith.addi %mul3A_384, %mul3A_413 : i32
      "tpu.region"() ({
        %run_scoped3A = tpu.sem_alloc : memref<!tpu.dma_semaphore, #tpu.memory_space<semaphore_mem>>
        %dma_start3A = arith.constant 0 : i32
        %dma_start3A_415 = tpu.memref_slice %arg9[%add3A_414, %dma_start3A] : memref<10240x128xf32, #tpu.memory_space<vmem_shared>> -> memref<8x128xf32, #tpu.memory_space<vmem_shared>>
        %dma_start3A_416 = arith.constant 0 : i32
        %dma_start3A_417 = tpu.memref_slice %arg9[%add3A_414, %dma_start3A_416] : memref<10240x128xf32, #tpu.memory_space<vmem_shared>> -> memref<8x128xf32, #tpu.memory_space<vmem_shared>>
        tpu.enqueue_dma source(%arg18 : memref<8x128xf32, #tpu.memory_space<vmem>>) target(%dma_start3A_417 : memref<8x128xf32, #tpu.memory_space<vmem_shared>>) target_semaphore(%run_scoped3A : memref<!tpu.dma_semaphore, #tpu.memory_space<semaphore_mem>>)
        %dma_wait3A = arith.constant 0 : i32
        %dma_wait3A_418 = tpu.memref_slice %arg9[%add3A_414, %dma_wait3A] : memref<10240x128xf32, #tpu.memory_space<vmem_shared>> -> memref<8x128xf32, #tpu.memory_space<vmem_shared>>
        %dma_wait3A_419 = arith.constant 0 : i32
        %dma_wait3A_420 = tpu.memref_slice %arg9[%add3A_414, %dma_wait3A_419] : memref<10240x128xf32, #tpu.memory_space<vmem_shared>> -> memref<8x128xf32, #tpu.memory_space<vmem_shared>>
        tpu.wait_dma2 semaphore(%run_scoped3A : memref<!tpu.dma_semaphore, #tpu.memory_space<semaphore_mem>>) src(%arg18 : memref<8x128xf32, #tpu.memory_space<vmem>>) dst(%dma_wait3A_420 : memref<8x128xf32, #tpu.memory_space<vmem_shared>>)
        tpu.yield
      }) : () -> ()
    }
    %scan3A_391 = arith.constant 80 : i32
    %scan3A_392 = arith.constant 0 : i32
    %scan3A_393 = arith.constant 0 : i32
    %scan3A_394 = arith.constant 10 : i32
    %scan3A_395 = arith.addi %scan3A_393, %scan3A_394 : i32
    %scan3A_396 = arith.constant 1 : i32
    scf.for %scan3A_411 = %scan3A_393 to %scan3A_395 step %scan3A_396  : i32 {
      %mul3A_412 = arith.constant 8 : i32
      %mul3A_413 = arith.muli %scan3A_411, %mul3A_412 : i32
      %add3A_414 = arith.addi %mul3A_386, %mul3A_413 : i32
      "tpu.region"() ({
        %run_scoped3A = tpu.sem_alloc : memref<!tpu.dma_semaphore, #tpu.memory_space<semaphore_mem>>
        %dma_start3A = arith.constant 0 : i32
        %dma_start3A_415 = tpu.memref_slice %arg10[%add3A_414, %dma_start3A] : memref<1280x128xf32, #tpu.memory_space<vmem_shared>> -> memref<8x128xf32, #tpu.memory_space<vmem_shared>>
        %dma_start3A_416 = arith.constant 0 : i32
        %dma_start3A_417 = tpu.memref_slice %arg10[%add3A_414, %dma_start3A_416] : memref<1280x128xf32, #tpu.memory_space<vmem_shared>> -> memref<8x128xf32, #tpu.memory_space<vmem_shared>>
        tpu.enqueue_dma source(%arg18 : memref<8x128xf32, #tpu.memory_space<vmem>>) target(%dma_start3A_417 : memref<8x128xf32, #tpu.memory_space<vmem_shared>>) target_semaphore(%run_scoped3A : memref<!tpu.dma_semaphore, #tpu.memory_space<semaphore_mem>>)
        %dma_wait3A = arith.constant 0 : i32
        %dma_wait3A_418 = tpu.memref_slice %arg10[%add3A_414, %dma_wait3A] : memref<1280x128xf32, #tpu.memory_space<vmem_shared>> -> memref<8x128xf32, #tpu.memory_space<vmem_shared>>
        %dma_wait3A_419 = arith.constant 0 : i32
        %dma_wait3A_420 = tpu.memref_slice %arg10[%add3A_414, %dma_wait3A_419] : memref<1280x128xf32, #tpu.memory_space<vmem_shared>> -> memref<8x128xf32, #tpu.memory_space<vmem_shared>>
        tpu.wait_dma2 semaphore(%run_scoped3A : memref<!tpu.dma_semaphore, #tpu.memory_space<semaphore_mem>>) src(%arg18 : memref<8x128xf32, #tpu.memory_space<vmem>>) dst(%dma_wait3A_420 : memref<8x128xf32, #tpu.memory_space<vmem_shared>>)
        tpu.yield
      }) : () -> ()
    }
    %scan3A_397 = arith.constant 10 : i32
    "tpu.region"() ({
      %run_scoped3A = tpu.sem_alloc : memref<!tpu.dma_semaphore, #tpu.memory_space<semaphore_mem>>
      tpu.enqueue_dma source(%arg6 : memref<16xf32, #tpu.memory_space<hbm>>) target(%arg17 : memref<16xf32, #tpu.memory_space<vmem>>) target_semaphore(%run_scoped3A : memref<!tpu.dma_semaphore, #tpu.memory_space<semaphore_mem>>)
      tpu.wait_dma2 semaphore(%run_scoped3A : memref<!tpu.dma_semaphore, #tpu.memory_space<semaphore_mem>>) src(%arg6 : memref<16xf32, #tpu.memory_space<hbm>>) dst(%arg17 : memref<16xf32, #tpu.memory_space<vmem>>)
      tpu.yield
    }) : () -> ()
    %barrier3A = arith.constant 0 : index
    tpu.barrier barrier_id(%barrier3A)
    %mul3A_398 = arith.constant 2 : i32
    %mul3A_399 = arith.muli %arg1, %mul3A_398 : i32
    %add3A = arith.addi %mul3A_399, %arg0 : i32
    %mul3A_400 = arith.constant 10024 : i32
    %mul3A_401 = arith.muli %add3A, %mul3A_400 : i32
    %get3A = arith.constant 0 : index
    %get3A_402 = tpu.vector_load %arg17[%get3A] {strides = array<i32>} : memref<16xf32, #tpu.memory_space<vmem>>, vector<16xf32>,
    %get3A_403 = vector.shape_cast %get3A_402 : vector<16xf32> to vector<16xf32>
    %scan3A_404 = arith.constant 0 : i32
    %scan3A_405 = arith.constant 0 : i32
    %scan3A_406 = arith.constant 179 : i32
    %scan3A_407 = arith.addi %scan3A_405, %scan3A_406 : i32
    %scan3A_408 = arith.constant 1 : i32
    scf.for %scan3A_411 = %scan3A_405 to %scan3A_407 step %scan3A_408  : i32 {
      %mul3A_412 = arith.constant 179 : i32
      %mul3A_413 = arith.muli %add3A, %mul3A_412 : i32
      %add3A_414 = arith.addi %mul3A_413, %scan3A_411 : i32
      "tpu.region"() ({
        %run_scoped3A = tpu.sem_alloc : memref<!tpu.dma_semaphore, #tpu.memory_space<semaphore_mem>>
        %dma_start3A_509 = arith.constant 0 : i32
        %dma_start3A_510 = arith.constant 0 : i32
        %dma_start3A_511 = tpu.memref_slice %arg2[%add3A_414, %dma_start3A_509, %dma_start3A_510] : memref<5728x4x56xi32, #tpu.memory_space<hbm>> -> memref<1x4x56xi32, #tpu.memory_space<hbm>>
        %dma_start3A_512 = tpu.memref_squeeze %dma_start3A_511 : memref<1x4x56xi32, #tpu.memory_space<hbm>> -> memref<4x56xi32, #tpu.memory_space<hbm>>
        %dma_start3A_513 = arith.constant 0 : i32
        %dma_start3A_514 = arith.constant 0 : i32
        %dma_start3A_515 = tpu.memref_slice %arg2[%add3A_414, %dma_start3A_513, %dma_start3A_514] : memref<5728x4x56xi32, #tpu.memory_space<hbm>> -> memref<1x4x56xi32, #tpu.memory_space<hbm>>
        %dma_start3A_516 = tpu.memref_squeeze %dma_start3A_515 : memref<1x4x56xi32, #tpu.memory_space<hbm>> -> memref<4x56xi32, #tpu.memory_space<hbm>>
        tpu.enqueue_dma source(%dma_start3A_516 : memref<4x56xi32, #tpu.memory_space<hbm>>) target(%arg11 : memref<4x56xi32, #tpu.memory_space<vmem>>) target_semaphore(%run_scoped3A : memref<!tpu.dma_semaphore, #tpu.memory_space<semaphore_mem>>)
        %dma_wait3A_517 = arith.constant 0 : i32
        %dma_wait3A_518 = arith.constant 0 : i32
        %dma_wait3A_519 = tpu.memref_slice %arg2[%add3A_414, %dma_wait3A_517, %dma_wait3A_518] : memref<5728x4x56xi32, #tpu.memory_space<hbm>> -> memref<1x4x56xi32, #tpu.memory_space<hbm>>
        %dma_wait3A_520 = tpu.memref_squeeze %dma_wait3A_519 : memref<1x4x56xi32, #tpu.memory_space<hbm>> -> memref<4x56xi32, #tpu.memory_space<hbm>>
        %dma_wait3A_521 = arith.constant 0 : i32
        %dma_wait3A_522 = arith.constant 0 : i32
        %dma_wait3A_523 = tpu.memref_slice %arg2[%add3A_414, %dma_wait3A_521, %dma_wait3A_522] : memref<5728x4x56xi32, #tpu.memory_space<hbm>> -> memref<1x4x56xi32, #tpu.memory_space<hbm>>
        %dma_wait3A_524 = tpu.memref_squeeze %dma_wait3A_523 : memref<1x4x56xi32, #tpu.memory_space<hbm>> -> memref<4x56xi32, #tpu.memory_space<hbm>>
        tpu.wait_dma2 semaphore(%run_scoped3A : memref<!tpu.dma_semaphore, #tpu.memory_space<semaphore_mem>>) src(%dma_wait3A_524 : memref<4x56xi32, #tpu.memory_space<hbm>>) dst(%arg11 : memref<4x56xi32, #tpu.memory_space<vmem>>)
        tpu.yield
      }) : () -> ()
      %dma_start3A = arith.constant 0 : i32
      %dma_start3A_415 = arith.constant 0 : i32
      %dma_start3A_416 = tpu.memref_slice %arg11[%dma_start3A, %dma_start3A_415] : memref<4x56xi32, #tpu.memory_space<vmem>> -> memref<1x56xi32, #tpu.memory_space<vmem>>
      %dma_start3A_417 = tpu.memref_squeeze %dma_start3A_416 : memref<1x56xi32, #tpu.memory_space<vmem>> -> memref<56xi32, #tpu.memory_space<vmem>>
      %dma_start3A_418 = arith.constant 0 : i32
      %dma_start3A_419 = arith.constant 0 : i32
      %dma_start3A_420 = tpu.memref_slice %arg5[%dma_start3A_418, %dma_start3A_419] : memref<10240x128xf32, #tpu.memory_space<hbm>> -> memref<10240x128xf32, #tpu.memory_space<hbm>>
      tpu.enqueue_indirect_dma source(%dma_start3A_420 : memref<10240x128xf32, #tpu.memory_space<hbm>>) target(%arg12 : memref<56x128xf32, #tpu.memory_space<vmem>>) offsets(%dma_start3A_417 : memref<56xi32, #tpu.memory_space<vmem>>) semaphore(%arg19 : memref<!tpu.dma_semaphore, #tpu.memory_space<semaphore_mem>>)
      %dma_start3A_421 = arith.constant 1 : i32
      %dma_start3A_422 = arith.constant 0 : i32
      %dma_start3A_423 = tpu.memref_slice %arg11[%dma_start3A_421, %dma_start3A_422] : memref<4x56xi32, #tpu.memory_space<vmem>> -> memref<1x56xi32, #tpu.memory_space<vmem>>
      %dma_start3A_424 = tpu.memref_squeeze %dma_start3A_423 : memref<1x56xi32, #tpu.memory_space<vmem>> -> memref<56xi32, #tpu.memory_space<vmem>>
      %dma_start3A_425 = arith.constant 0 : i32
      %dma_start3A_426 = arith.constant 0 : i32
      %dma_start3A_427 = tpu.memref_slice %arg5[%dma_start3A_425, %dma_start3A_426] : memref<10240x128xf32, #tpu.memory_space<hbm>> -> memref<10240x128xf32, #tpu.memory_space<hbm>>
      tpu.enqueue_indirect_dma source(%dma_start3A_427 : memref<10240x128xf32, #tpu.memory_space<hbm>>) target(%arg13 : memref<56x128xf32, #tpu.memory_space<vmem>>) offsets(%dma_start3A_424 : memref<56xi32, #tpu.memory_space<vmem>>) semaphore(%arg20 : memref<!tpu.dma_semaphore, #tpu.memory_space<semaphore_mem>>)
      %dma_start3A_428 = arith.constant 3 : i32
      %dma_start3A_429 = arith.constant 0 : i32
      %dma_start3A_430 = tpu.memref_slice %arg11[%dma_start3A_428, %dma_start3A_429] : memref<4x56xi32, #tpu.memory_space<vmem>> -> memref<1x56xi32, #tpu.memory_space<vmem>>
      %dma_start3A_431 = tpu.memref_squeeze %dma_start3A_430 : memref<1x56xi32, #tpu.memory_space<vmem>> -> memref<56xi32, #tpu.memory_space<vmem>>
      %dma_start3A_432 = arith.constant 0 : i32
      %dma_start3A_433 = arith.constant 0 : i32
      %dma_start3A_434 = tpu.memref_slice %arg3[%dma_start3A_432, %dma_start3A_433] : memref<8x128xf32, #tpu.memory_space<hbm>> -> memref<8x128xf32, #tpu.memory_space<hbm>>
      tpu.enqueue_indirect_dma source(%dma_start3A_434 : memref<8x128xf32, #tpu.memory_space<hbm>>) target(%arg14 : memref<56x128xf32, #tpu.memory_space<vmem>>) offsets(%dma_start3A_431 : memref<56xi32, #tpu.memory_space<vmem>>) semaphore(%arg21 : memref<!tpu.dma_semaphore, #tpu.memory_space<semaphore_mem>>)
      %dma_start3A_435 = arith.constant 0 : i32
      %dma_start3A_436 = arith.constant 0 : i32
      %dma_start3A_437 = tpu.memref_slice %arg11[%dma_start3A_435, %dma_start3A_436] : memref<4x56xi32, #tpu.memory_space<vmem>> -> memref<1x56xi32, #tpu.memory_space<vmem>>
      %dma_start3A_438 = tpu.memref_squeeze %dma_start3A_437 : memref<1x56xi32, #tpu.memory_space<vmem>> -> memref<56xi32, #tpu.memory_space<vmem>>
      %dma_start3A_439 = arith.constant 0 : i32
      %dma_start3A_440 = arith.constant 0 : i32
      %dma_start3A_441 = tpu.memref_slice %arg4[%dma_start3A_439, %dma_start3A_440] : memref<10240x128xf32, #tpu.memory_space<hbm>> -> memref<10240x128xf32, #tpu.memory_space<hbm>>
      tpu.enqueue_indirect_dma source(%dma_start3A_441 : memref<10240x128xf32, #tpu.memory_space<hbm>>) target(%arg15 : memref<56x128xf32, #tpu.memory_space<vmem>>) offsets(%dma_start3A_438 : memref<56xi32, #tpu.memory_space<vmem>>) semaphore(%arg22 : memref<!tpu.dma_semaphore, #tpu.memory_space<semaphore_mem>>)
      %dma_wait3A = arith.constant 0 : i32
      %dma_wait3A_442 = arith.constant 0 : i32
      %dma_wait3A_443 = tpu.memref_slice %arg11[%dma_wait3A, %dma_wait3A_442] : memref<4x56xi32, #tpu.memory_space<vmem>> -> memref<1x56xi32, #tpu.memory_space<vmem>>
      %dma_wait3A_444 = tpu.memref_squeeze %dma_wait3A_443 : memref<1x56xi32, #tpu.memory_space<vmem>> -> memref<56xi32, #tpu.memory_space<vmem>>
      %dma_wait3A_445 = arith.constant 0 : i32
      %dma_wait3A_446 = arith.constant 0 : i32
      %dma_wait3A_447 = tpu.memref_slice %arg5[%dma_wait3A_445, %dma_wait3A_446] : memref<10240x128xf32, #tpu.memory_space<hbm>> -> memref<10240x128xf32, #tpu.memory_space<hbm>>
      tpu.wait_indirect_dma semaphore(%arg19 : memref<!tpu.dma_semaphore, #tpu.memory_space<semaphore_mem>>) src(%dma_wait3A_447 : memref<10240x128xf32, #tpu.memory_space<hbm>>) dst(%arg12 : memref<56x128xf32, #tpu.memory_space<vmem>>)
      %dma_wait3A_448 = arith.constant 1 : i32
      %dma_wait3A_449 = arith.constant 0 : i32
      %dma_wait3A_450 = tpu.memref_slice %arg11[%dma_wait3A_448, %dma_wait3A_449] : memref<4x56xi32, #tpu.memory_space<vmem>> -> memref<1x56xi32, #tpu.memory_space<vmem>>
      %dma_wait3A_451 = tpu.memref_squeeze %dma_wait3A_450 : memref<1x56xi32, #tpu.memory_space<vmem>> -> memref<56xi32, #tpu.memory_space<vmem>>
      %dma_wait3A_452 = arith.constant 0 : i32
      %dma_wait3A_453 = arith.constant 0 : i32
      %dma_wait3A_454 = tpu.memref_slice %arg5[%dma_wait3A_452, %dma_wait3A_453] : memref<10240x128xf32, #tpu.memory_space<hbm>> -> memref<10240x128xf32, #tpu.memory_space<hbm>>
      tpu.wait_indirect_dma semaphore(%arg20 : memref<!tpu.dma_semaphore, #tpu.memory_space<semaphore_mem>>) src(%dma_wait3A_454 : memref<10240x128xf32, #tpu.memory_space<hbm>>) dst(%arg13 : memref<56x128xf32, #tpu.memory_space<vmem>>)
      %dma_wait3A_455 = arith.constant 3 : i32
      %dma_wait3A_456 = arith.constant 0 : i32
      %dma_wait3A_457 = tpu.memref_slice %arg11[%dma_wait3A_455, %dma_wait3A_456] : memref<4x56xi32, #tpu.memory_space<vmem>> -> memref<1x56xi32, #tpu.memory_space<vmem>>
      %dma_wait3A_458 = tpu.memref_squeeze %dma_wait3A_457 : memref<1x56xi32, #tpu.memory_space<vmem>> -> memref<56xi32, #tpu.memory_space<vmem>>
      %dma_wait3A_459 = arith.constant 0 : i32
      %dma_wait3A_460 = arith.constant 0 : i32
      %dma_wait3A_461 = tpu.memref_slice %arg3[%dma_wait3A_459, %dma_wait3A_460] : memref<8x128xf32, #tpu.memory_space<hbm>> -> memref<8x128xf32, #tpu.memory_space<hbm>>
      tpu.wait_indirect_dma semaphore(%arg21 : memref<!tpu.dma_semaphore, #tpu.memory_space<semaphore_mem>>) src(%dma_wait3A_461 : memref<8x128xf32, #tpu.memory_space<hbm>>) dst(%arg14 : memref<56x128xf32, #tpu.memory_space<vmem>>)
      %scan3A_462 = arith.constant 0 : i32
      %scan3A_463 = arith.constant 0 : i32
      %scan3A_464 = arith.constant 56 : i32
      %scan3A_465 = arith.addi %scan3A_463, %scan3A_464 : i32
      %scan3A_466 = arith.constant 2 : i32
      scf.for %scan3A_509 = %scan3A_463 to %scan3A_465 step %scan3A_466  : i32 {
        %get3A_510 = arith.index_cast %scan3A_509 : i32 to index
        %get3A_511 = arith.constant 0 : index
        %get3A_512 = tpu.vector_load %arg12[%get3A_510, %get3A_511] {strides = array<i32>} : memref<56x128xf32, #tpu.memory_space<vmem>>, vector<1x16xf32>,
        %get3A_513 = vector.shape_cast %get3A_512 : vector<1x16xf32> to vector<16xf32>
        %get3A_514 = arith.index_cast %scan3A_509 : i32 to index
        %get3A_515 = arith.constant 16 : index
        %get3A_516 = tpu.vector_load %arg13[%get3A_514, %get3A_515] {strides = array<i32>} : memref<56x128xf32, #tpu.memory_space<vmem>>, vector<1x16xf32>,
        %get3A_517 = vector.shape_cast %get3A_516 : vector<1x16xf32> to vector<16xf32>
        %add3A_518 = arith.addf %get3A_513, %get3A_517 : vector<16xf32>
        %mul3A_519 = arith.constant 2.000000e-01 : f32
        %mul3A_520 = vector.broadcast %mul3A_519 : f32 to vector<16xf32>
        %mul3A_521 = arith.mulf %mul3A_520, %add3A_518 : vector<16xf32>
        %max3A = arith.maximumf %add3A_518, %mul3A_521 : vector<16xf32>
        %add3A_522 = arith.addf %get3A_403, %get3A_517 : vector<16xf32>
        %mul3A_523 = arith.constant 2.000000e-01 : f32
        %mul3A_524 = vector.broadcast %mul3A_523 : f32 to vector<16xf32>
        %mul3A_525 = arith.mulf %mul3A_524, %add3A_522 : vector<16xf32>
        %max3A_526 = arith.maximumf %add3A_522, %mul3A_525 : vector<16xf32>
        %sub3A = arith.subf %max3A, %max3A_526 : vector<16xf32>
        %exp3A = math.exp %sub3A : vector<16xf32>
        %swap3A_527 = arith.index_cast %scan3A_509 : i32 to index
        %swap3A_528 = arith.constant 0 : index
        %swap3A_529 = tpu.vector_load %arg16[%swap3A_527, %swap3A_528] {strides = array<i32>} : memref<56x16xf32, #tpu.memory_space<vmem>>, vector<1x16xf32>,
        %swap3A_530 = vector.shape_cast %swap3A_529 : vector<1x16xf32> to vector<16xf32>
        %swap3A_531 = vector.shape_cast %exp3A : vector<16xf32> to vector<1x16xf32>
        tpu.vector_store %arg16[%swap3A_527, %swap3A_528], %swap3A_531 {strides = array<i32>} : memref<56x16xf32, #tpu.memory_space<vmem>>, vector<1x16xf32>,
        %get3A_532 = arith.index_cast %scan3A_509 : i32 to index
        %get3A_533 = arith.constant 0 : index
        %get3A_534 = tpu.vector_load %arg14[%get3A_532, %get3A_533] {strides = array<i32>} : memref<56x128xf32, #tpu.memory_space<vmem>>, vector<1x16xf32>,
        %get3A_535 = vector.shape_cast %get3A_534 : vector<1x16xf32> to vector<16xf32>
        %mul3A_536 = arith.mulf %get3A_535, %exp3A : vector<16xf32>
        %swap3A_537 = arith.index_cast %scan3A_509 : i32 to index
        %swap3A_538 = arith.constant 0 : index
        %swap3A_539 = tpu.vector_load %arg14[%swap3A_537, %swap3A_538] {strides = array<i32>} : memref<56x128xf32, #tpu.memory_space<vmem>>, vector<1x16xf32>,
        %swap3A_540 = vector.shape_cast %swap3A_539 : vector<1x16xf32> to vector<16xf32>
        %swap3A_541 = vector.shape_cast %mul3A_536 : vector<16xf32> to vector<1x16xf32>
        tpu.vector_store %arg14[%swap3A_537, %swap3A_538], %swap3A_541 {strides = array<i32>} : memref<56x128xf32, #tpu.memory_space<vmem>>, vector<1x16xf32>,
        %get3A_542 = arith.index_cast %scan3A_509 : i32 to index
        %get3A_543 = arith.constant 16 : index
        %get3A_544 = tpu.vector_load %arg14[%get3A_542, %get3A_543] {strides = array<i32>} : memref<56x128xf32, #tpu.memory_space<vmem>>, vector<1x16xf32>,
        %get3A_545 = vector.shape_cast %get3A_544 : vector<1x16xf32> to vector<16xf32>
        %mul3A_546 = arith.mulf %get3A_545, %exp3A : vector<16xf32>
        %swap3A_547 = arith.index_cast %scan3A_509 : i32 to index
        %swap3A_548 = arith.constant 16 : index
        %swap3A_549 = tpu.vector_load %arg14[%swap3A_547, %swap3A_548] {strides = array<i32>} : memref<56x128xf32, #tpu.memory_space<vmem>>, vector<1x16xf32>,
        %swap3A_550 = vector.shape_cast %swap3A_549 : vector<1x16xf32> to vector<16xf32>
        %swap3A_551 = vector.shape_cast %mul3A_546 : vector<16xf32> to vector<1x16xf32>
        tpu.vector_store %arg14[%swap3A_547, %swap3A_548], %swap3A_551 {strides = array<i32>} : memref<56x128xf32, #tpu.memory_space<vmem>>, vector<1x16xf32>,
        %get3A_552 = arith.index_cast %scan3A_509 : i32 to index
        %get3A_553 = arith.constant 32 : index
        %get3A_554 = tpu.vector_load %arg14[%get3A_552, %get3A_553] {strides = array<i32>} : memref<56x128xf32, #tpu.memory_space<vmem>>, vector<1x16xf32>,
        %get3A_555 = vector.shape_cast %get3A_554 : vector<1x16xf32> to vector<16xf32>
        %mul3A_556 = arith.mulf %get3A_555, %exp3A : vector<16xf32>
        %swap3A_557 = arith.index_cast %scan3A_509 : i32 to index
        %swap3A_558 = arith.constant 32 : index
        %swap3A_559 = tpu.vector_load %arg14[%swap3A_557, %swap3A_558] {strides = array<i32>} : memref<56x128xf32, #tpu.memory_space<vmem>>, vector<1x16xf32>,
        %swap3A_560 = vector.shape_cast %swap3A_559 : vector<1x16xf32> to vector<16xf32>
        %swap3A_561 = vector.shape_cast %mul3A_556 : vector<16xf32> to vector<1x16xf32>
        tpu.vector_store %arg14[%swap3A_557, %swap3A_558], %swap3A_561 {strides = array<i32>} : memref<56x128xf32, #tpu.memory_space<vmem>>, vector<1x16xf32>,
        %get3A_562 = arith.index_cast %scan3A_509 : i32 to index
        %get3A_563 = arith.constant 48 : index
        %get3A_564 = tpu.vector_load %arg14[%get3A_562, %get3A_563] {strides = array<i32>} : memref<56x128xf32, #tpu.memory_space<vmem>>, vector<1x16xf32>,
        %get3A_565 = vector.shape_cast %get3A_564 : vector<1x16xf32> to vector<16xf32>
        %mul3A_566 = arith.mulf %get3A_565, %exp3A : vector<16xf32>
        %swap3A_567 = arith.index_cast %scan3A_509 : i32 to index
        %swap3A_568 = arith.constant 48 : index
        %swap3A_569 = tpu.vector_load %arg14[%swap3A_567, %swap3A_568] {strides = array<i32>} : memref<56x128xf32, #tpu.memory_space<vmem>>, vector<1x16xf32>,
        %swap3A_570 = vector.shape_cast %swap3A_569 : vector<1x16xf32> to vector<16xf32>
        %swap3A_571 = vector.shape_cast %mul3A_566 : vector<16xf32> to vector<1x16xf32>
        tpu.vector_store %arg14[%swap3A_567, %swap3A_568], %swap3A_571 {strides = array<i32>} : memref<56x128xf32, #tpu.memory_space<vmem>>, vector<1x16xf32>,
        %get3A_572 = arith.index_cast %scan3A_509 : i32 to index
        %get3A_573 = arith.constant 64 : index
        %get3A_574 = tpu.vector_load %arg14[%get3A_572, %get3A_573] {strides = array<i32>} : memref<56x128xf32, #tpu.memory_space<vmem>>, vector<1x16xf32>,
        %get3A_575 = vector.shape_cast %get3A_574 : vector<1x16xf32> to vector<16xf32>
        %mul3A_576 = arith.mulf %get3A_575, %exp3A : vector<16xf32>
        %swap3A_577 = arith.index_cast %scan3A_509 : i32 to index
        %swap3A_578 = arith.constant 64 : index
        %swap3A_579 = tpu.vector_load %arg14[%swap3A_577, %swap3A_578] {strides = array<i32>} : memref<56x128xf32, #tpu.memory_space<vmem>>, vector<1x16xf32>,
        %swap3A_580 = vector.shape_cast %swap3A_579 : vector<1x16xf32> to vector<16xf32>
        %swap3A_581 = vector.shape_cast %mul3A_576 : vector<16xf32> to vector<1x16xf32>
        tpu.vector_store %arg14[%swap3A_577, %swap3A_578], %swap3A_581 {strides = array<i32>} : memref<56x128xf32, #tpu.memory_space<vmem>>, vector<1x16xf32>,
        %get3A_582 = arith.index_cast %scan3A_509 : i32 to index
        %get3A_583 = arith.constant 80 : index
        %get3A_584 = tpu.vector_load %arg14[%get3A_582, %get3A_583] {strides = array<i32>} : memref<56x128xf32, #tpu.memory_space<vmem>>, vector<1x16xf32>,
        %get3A_585 = vector.shape_cast %get3A_584 : vector<1x16xf32> to vector<16xf32>
        %mul3A_586 = arith.mulf %get3A_585, %exp3A : vector<16xf32>
        %swap3A_587 = arith.index_cast %scan3A_509 : i32 to index
        %swap3A_588 = arith.constant 80 : index
        %swap3A_589 = tpu.vector_load %arg14[%swap3A_587, %swap3A_588] {strides = array<i32>} : memref<56x128xf32, #tpu.memory_space<vmem>>, vector<1x16xf32>,
        %swap3A_590 = vector.shape_cast %swap3A_589 : vector<1x16xf32> to vector<16xf32>
        %swap3A_591 = vector.shape_cast %mul3A_586 : vector<16xf32> to vector<1x16xf32>
        tpu.vector_store %arg14[%swap3A_587, %swap3A_588], %swap3A_591 {strides = array<i32>} : memref<56x128xf32, #tpu.memory_space<vmem>>, vector<1x16xf32>,
        %get3A_592 = arith.index_cast %scan3A_509 : i32 to index
        %get3A_593 = arith.constant 96 : index
        %get3A_594 = tpu.vector_load %arg14[%get3A_592, %get3A_593] {strides = array<i32>} : memref<56x128xf32, #tpu.memory_space<vmem>>, vector<1x16xf32>,
        %get3A_595 = vector.shape_cast %get3A_594 : vector<1x16xf32> to vector<16xf32>
        %mul3A_596 = arith.mulf %get3A_595, %exp3A : vector<16xf32>
        %swap3A_597 = arith.index_cast %scan3A_509 : i32 to index
        %swap3A_598 = arith.constant 96 : index
        %swap3A_599 = tpu.vector_load %arg14[%swap3A_597, %swap3A_598] {strides = array<i32>} : memref<56x128xf32, #tpu.memory_space<vmem>>, vector<1x16xf32>,
        %swap3A_600 = vector.shape_cast %swap3A_599 : vector<1x16xf32> to vector<16xf32>
        %swap3A_601 = vector.shape_cast %mul3A_596 : vector<16xf32> to vector<1x16xf32>
        tpu.vector_store %arg14[%swap3A_597, %swap3A_598], %swap3A_601 {strides = array<i32>} : memref<56x128xf32, #tpu.memory_space<vmem>>, vector<1x16xf32>,
        %get3A_602 = arith.index_cast %scan3A_509 : i32 to index
        %get3A_603 = arith.constant 112 : index
        %get3A_604 = tpu.vector_load %arg14[%get3A_602, %get3A_603] {strides = array<i32>} : memref<56x128xf32, #tpu.memory_space<vmem>>, vector<1x16xf32>,
        %get3A_605 = vector.shape_cast %get3A_604 : vector<1x16xf32> to vector<16xf32>
        %mul3A_606 = arith.mulf %get3A_605, %exp3A : vector<16xf32>
        %swap3A_607 = arith.index_cast %scan3A_509 : i32 to index
        %swap3A_608 = arith.constant 112 : index
        %swap3A_609 = tpu.vector_load %arg14[%swap3A_607, %swap3A_608] {strides = array<i32>} : memref<56x128xf32, #tpu.memory_space<vmem>>, vector<1x16xf32>,
        %swap3A_610 = vector.shape_cast %swap3A_609 : vector<1x16xf32> to vector<16xf32>
        %swap3A_611 = vector.shape_cast %mul3A_606 : vector<16xf32> to vector<1x16xf32>
        tpu.vector_store %arg14[%swap3A_607, %swap3A_608], %swap3A_611 {strides = array<i32>} : memref<56x128xf32, #tpu.memory_space<vmem>>, vector<1x16xf32>,
        %scan3A_612 = arith.constant 1 : i32
        %scan3A_613 = arith.addi %scan3A_509, %scan3A_612 : i32
        %get3A_614 = arith.index_cast %scan3A_613 : i32 to index
        %get3A_615 = arith.constant 0 : index
        %get3A_616 = tpu.vector_load %arg12[%get3A_614, %get3A_615] {strides = array<i32>} : memref<56x128xf32, #tpu.memory_space<vmem>>, vector<1x16xf32>,
        %get3A_617 = vector.shape_cast %get3A_616 : vector<1x16xf32> to vector<16xf32>
        %get3A_618 = arith.index_cast %scan3A_613 : i32 to index
        %get3A_619 = arith.constant 16 : index
        %get3A_620 = tpu.vector_load %arg13[%get3A_618, %get3A_619] {strides = array<i32>} : memref<56x128xf32, #tpu.memory_space<vmem>>, vector<1x16xf32>,
        %get3A_621 = vector.shape_cast %get3A_620 : vector<1x16xf32> to vector<16xf32>
        %add3A_622 = arith.addf %get3A_617, %get3A_621 : vector<16xf32>
        %mul3A_623 = arith.constant 2.000000e-01 : f32
        %mul3A_624 = vector.broadcast %mul3A_623 : f32 to vector<16xf32>
        %mul3A_625 = arith.mulf %mul3A_624, %add3A_622 : vector<16xf32>
        %max3A_626 = arith.maximumf %add3A_622, %mul3A_625 : vector<16xf32>
        %add3A_627 = arith.addf %get3A_403, %get3A_621 : vector<16xf32>
        %mul3A_628 = arith.constant 2.000000e-01 : f32
        %mul3A_629 = vector.broadcast %mul3A_628 : f32 to vector<16xf32>
        %mul3A_630 = arith.mulf %mul3A_629, %add3A_627 : vector<16xf32>
        %max3A_631 = arith.maximumf %add3A_627, %mul3A_630 : vector<16xf32>
        %sub3A_632 = arith.subf %max3A_626, %max3A_631 : vector<16xf32>
        %exp3A_633 = math.exp %sub3A_632 : vector<16xf32>
        %swap3A_634 = arith.index_cast %scan3A_613 : i32 to index
        %swap3A_635 = arith.constant 0 : index
        %swap3A_636 = tpu.vector_load %arg16[%swap3A_634, %swap3A_635] {strides = array<i32>} : memref<56x16xf32, #tpu.memory_space<vmem>>, vector<1x16xf32>,
        %swap3A_637 = vector.shape_cast %swap3A_636 : vector<1x16xf32> to vector<16xf32>
        %swap3A_638 = vector.shape_cast %exp3A_633 : vector<16xf32> to vector<1x16xf32>
        tpu.vector_store %arg16[%swap3A_634, %swap3A_635], %swap3A_638 {strides = array<i32>} : memref<56x16xf32, #tpu.memory_space<vmem>>, vector<1x16xf32>,
        %get3A_639 = arith.index_cast %scan3A_613 : i32 to index
        %get3A_640 = arith.constant 0 : index
        %get3A_641 = tpu.vector_load %arg14[%get3A_639, %get3A_640] {strides = array<i32>} : memref<56x128xf32, #tpu.memory_space<vmem>>, vector<1x16xf32>,
        %get3A_642 = vector.shape_cast %get3A_641 : vector<1x16xf32> to vector<16xf32>
        %mul3A_643 = arith.mulf %get3A_642, %exp3A_633 : vector<16xf32>
        %swap3A_644 = arith.index_cast %scan3A_613 : i32 to index
        %swap3A_645 = arith.constant 0 : index
        %swap3A_646 = tpu.vector_load %arg14[%swap3A_644, %swap3A_645] {strides = array<i32>} : memref<56x128xf32, #tpu.memory_space<vmem>>, vector<1x16xf32>,
        %swap3A_647 = vector.shape_cast %swap3A_646 : vector<1x16xf32> to vector<16xf32>
        %swap3A_648 = vector.shape_cast %mul3A_643 : vector<16xf32> to vector<1x16xf32>
        tpu.vector_store %arg14[%swap3A_644, %swap3A_645], %swap3A_648 {strides = array<i32>} : memref<56x128xf32, #tpu.memory_space<vmem>>, vector<1x16xf32>,
        %get3A_649 = arith.index_cast %scan3A_613 : i32 to index
        %get3A_650 = arith.constant 16 : index
        %get3A_651 = tpu.vector_load %arg14[%get3A_649, %get3A_650] {strides = array<i32>} : memref<56x128xf32, #tpu.memory_space<vmem>>, vector<1x16xf32>,
        %get3A_652 = vector.shape_cast %get3A_651 : vector<1x16xf32> to vector<16xf32>
        %mul3A_653 = arith.mulf %get3A_652, %exp3A_633 : vector<16xf32>
        %swap3A_654 = arith.index_cast %scan3A_613 : i32 to index
        %swap3A_655 = arith.constant 16 : index
        %swap3A_656 = tpu.vector_load %arg14[%swap3A_654, %swap3A_655] {strides = array<i32>} : memref<56x128xf32, #tpu.memory_space<vmem>>, vector<1x16xf32>,
        %swap3A_657 = vector.shape_cast %swap3A_656 : vector<1x16xf32> to vector<16xf32>
        %swap3A_658 = vector.shape_cast %mul3A_653 : vector<16xf32> to vector<1x16xf32>
        tpu.vector_store %arg14[%swap3A_654, %swap3A_655], %swap3A_658 {strides = array<i32>} : memref<56x128xf32, #tpu.memory_space<vmem>>, vector<1x16xf32>,
        %get3A_659 = arith.index_cast %scan3A_613 : i32 to index
        %get3A_660 = arith.constant 32 : index
        %get3A_661 = tpu.vector_load %arg14[%get3A_659, %get3A_660] {strides = array<i32>} : memref<56x128xf32, #tpu.memory_space<vmem>>, vector<1x16xf32>,
        %get3A_662 = vector.shape_cast %get3A_661 : vector<1x16xf32> to vector<16xf32>
        %mul3A_663 = arith.mulf %get3A_662, %exp3A_633 : vector<16xf32>
        %swap3A_664 = arith.index_cast %scan3A_613 : i32 to index
        %swap3A_665 = arith.constant 32 : index
        %swap3A_666 = tpu.vector_load %arg14[%swap3A_664, %swap3A_665] {strides = array<i32>} : memref<56x128xf32, #tpu.memory_space<vmem>>, vector<1x16xf32>,
        %swap3A_667 = vector.shape_cast %swap3A_666 : vector<1x16xf32> to vector<16xf32>
        %swap3A_668 = vector.shape_cast %mul3A_663 : vector<16xf32> to vector<1x16xf32>
        tpu.vector_store %arg14[%swap3A_664, %swap3A_665], %swap3A_668 {strides = array<i32>} : memref<56x128xf32, #tpu.memory_space<vmem>>, vector<1x16xf32>,
        %get3A_669 = arith.index_cast %scan3A_613 : i32 to index
        %get3A_670 = arith.constant 48 : index
        %get3A_671 = tpu.vector_load %arg14[%get3A_669, %get3A_670] {strides = array<i32>} : memref<56x128xf32, #tpu.memory_space<vmem>>, vector<1x16xf32>,
        %get3A_672 = vector.shape_cast %get3A_671 : vector<1x16xf32> to vector<16xf32>
        %mul3A_673 = arith.mulf %get3A_672, %exp3A_633 : vector<16xf32>
        %swap3A_674 = arith.index_cast %scan3A_613 : i32 to index
        %swap3A_675 = arith.constant 48 : index
        %swap3A_676 = tpu.vector_load %arg14[%swap3A_674, %swap3A_675] {strides = array<i32>} : memref<56x128xf32, #tpu.memory_space<vmem>>, vector<1x16xf32>,
        %swap3A_677 = vector.shape_cast %swap3A_676 : vector<1x16xf32> to vector<16xf32>
        %swap3A_678 = vector.shape_cast %mul3A_673 : vector<16xf32> to vector<1x16xf32>
        tpu.vector_store %arg14[%swap3A_674, %swap3A_675], %swap3A_678 {strides = array<i32>} : memref<56x128xf32, #tpu.memory_space<vmem>>, vector<1x16xf32>,
        %get3A_679 = arith.index_cast %scan3A_613 : i32 to index
        %get3A_680 = arith.constant 64 : index
        %get3A_681 = tpu.vector_load %arg14[%get3A_679, %get3A_680] {strides = array<i32>} : memref<56x128xf32, #tpu.memory_space<vmem>>, vector<1x16xf32>,
        %get3A_682 = vector.shape_cast %get3A_681 : vector<1x16xf32> to vector<16xf32>
        %mul3A_683 = arith.mulf %get3A_682, %exp3A_633 : vector<16xf32>
        %swap3A_684 = arith.index_cast %scan3A_613 : i32 to index
        %swap3A_685 = arith.constant 64 : index
        %swap3A_686 = tpu.vector_load %arg14[%swap3A_684, %swap3A_685] {strides = array<i32>} : memref<56x128xf32, #tpu.memory_space<vmem>>, vector<1x16xf32>,
        %swap3A_687 = vector.shape_cast %swap3A_686 : vector<1x16xf32> to vector<16xf32>
        %swap3A_688 = vector.shape_cast %mul3A_683 : vector<16xf32> to vector<1x16xf32>
        tpu.vector_store %arg14[%swap3A_684, %swap3A_685], %swap3A_688 {strides = array<i32>} : memref<56x128xf32, #tpu.memory_space<vmem>>, vector<1x16xf32>,
        %get3A_689 = arith.index_cast %scan3A_613 : i32 to index
        %get3A_690 = arith.constant 80 : index
        %get3A_691 = tpu.vector_load %arg14[%get3A_689, %get3A_690] {strides = array<i32>} : memref<56x128xf32, #tpu.memory_space<vmem>>, vector<1x16xf32>,
        %get3A_692 = vector.shape_cast %get3A_691 : vector<1x16xf32> to vector<16xf32>
        %mul3A_693 = arith.mulf %get3A_692, %exp3A_633 : vector<16xf32>
        %swap3A_694 = arith.index_cast %scan3A_613 : i32 to index
        %swap3A_695 = arith.constant 80 : index
        %swap3A_696 = tpu.vector_load %arg14[%swap3A_694, %swap3A_695] {strides = array<i32>} : memref<56x128xf32, #tpu.memory_space<vmem>>, vector<1x16xf32>,
        %swap3A_697 = vector.shape_cast %swap3A_696 : vector<1x16xf32> to vector<16xf32>
        %swap3A_698 = vector.shape_cast %mul3A_693 : vector<16xf32> to vector<1x16xf32>
        tpu.vector_store %arg14[%swap3A_694, %swap3A_695], %swap3A_698 {strides = array<i32>} : memref<56x128xf32, #tpu.memory_space<vmem>>, vector<1x16xf32>,
        %get3A_699 = arith.index_cast %scan3A_613 : i32 to index
        %get3A_700 = arith.constant 96 : index
        %get3A_701 = tpu.vector_load %arg14[%get3A_699, %get3A_700] {strides = array<i32>} : memref<56x128xf32, #tpu.memory_space<vmem>>, vector<1x16xf32>,
        %get3A_702 = vector.shape_cast %get3A_701 : vector<1x16xf32> to vector<16xf32>
        %mul3A_703 = arith.mulf %get3A_702, %exp3A_633 : vector<16xf32>
        %swap3A_704 = arith.index_cast %scan3A_613 : i32 to index
        %swap3A_705 = arith.constant 96 : index
        %swap3A_706 = tpu.vector_load %arg14[%swap3A_704, %swap3A_705] {strides = array<i32>} : memref<56x128xf32, #tpu.memory_space<vmem>>, vector<1x16xf32>,
        %swap3A_707 = vector.shape_cast %swap3A_706 : vector<1x16xf32> to vector<16xf32>
        %swap3A_708 = vector.shape_cast %mul3A_703 : vector<16xf32> to vector<1x16xf32>
        tpu.vector_store %arg14[%swap3A_704, %swap3A_705], %swap3A_708 {strides = array<i32>} : memref<56x128xf32, #tpu.memory_space<vmem>>, vector<1x16xf32>,
        %get3A_709 = arith.index_cast %scan3A_613 : i32 to index
        %get3A_710 = arith.constant 112 : index
        %get3A_711 = tpu.vector_load %arg14[%get3A_709, %get3A_710] {strides = array<i32>} : memref<56x128xf32, #tpu.memory_space<vmem>>, vector<1x16xf32>,
        %get3A_712 = vector.shape_cast %get3A_711 : vector<1x16xf32> to vector<16xf32>
        %mul3A_713 = arith.mulf %get3A_712, %exp3A_633 : vector<16xf32>
        %swap3A_714 = arith.index_cast %scan3A_613 : i32 to index
        %swap3A_715 = arith.constant 112 : index
        %swap3A_716 = tpu.vector_load %arg14[%swap3A_714, %swap3A_715] {strides = array<i32>} : memref<56x128xf32, #tpu.memory_space<vmem>>, vector<1x16xf32>,
        %swap3A_717 = vector.shape_cast %swap3A_716 : vector<1x16xf32> to vector<16xf32>
        %swap3A_718 = vector.shape_cast %mul3A_713 : vector<16xf32> to vector<1x16xf32>
        tpu.vector_store %arg14[%swap3A_714, %swap3A_715], %swap3A_718 {strides = array<i32>} : memref<56x128xf32, #tpu.memory_space<vmem>>, vector<1x16xf32>,
      }
      %scan3A_467 = arith.constant 56 : i32
      %dma_start3A_468 = arith.constant 2 : i32
      %dma_start3A_469 = arith.constant 0 : i32
      %dma_start3A_470 = tpu.memref_slice %arg11[%dma_start3A_468, %dma_start3A_469] : memref<4x56xi32, #tpu.memory_space<vmem>> -> memref<1x56xi32, #tpu.memory_space<vmem>>
      %dma_start3A_471 = tpu.memref_squeeze %dma_start3A_470 : memref<1x56xi32, #tpu.memory_space<vmem>> -> memref<56xi32, #tpu.memory_space<vmem>>
      %dma_start3A_472 = arith.constant 0 : i32
      %dma_start3A_473 = arith.constant 0 : i32
      %dma_start3A_474 = tpu.memref_slice %arg10[%dma_start3A_472, %dma_start3A_473] : memref<1280x128xf32, #tpu.memory_space<vmem_shared>> -> memref<1280x128xf32, #tpu.memory_space<vmem_shared>>
      tpu.enqueue_indirect_dma source(%arg14 : memref<56x128xf32, #tpu.memory_space<vmem>>) target(%dma_start3A_474 : memref<1280x128xf32, #tpu.memory_space<vmem_shared>>) offsets(%dma_start3A_471 : memref<56xi32, #tpu.memory_space<vmem>>) semaphore(%arg21 : memref<!tpu.dma_semaphore, #tpu.memory_space<semaphore_mem>>) {add = true}
      %dma_wait3A_475 = arith.constant 0 : i32
      %dma_wait3A_476 = arith.constant 0 : i32
      %dma_wait3A_477 = tpu.memref_slice %arg11[%dma_wait3A_475, %dma_wait3A_476] : memref<4x56xi32, #tpu.memory_space<vmem>> -> memref<1x56xi32, #tpu.memory_space<vmem>>
      %dma_wait3A_478 = tpu.memref_squeeze %dma_wait3A_477 : memref<1x56xi32, #tpu.memory_space<vmem>> -> memref<56xi32, #tpu.memory_space<vmem>>
      %dma_wait3A_479 = arith.constant 0 : i32
      %dma_wait3A_480 = arith.constant 0 : i32
      %dma_wait3A_481 = tpu.memref_slice %arg4[%dma_wait3A_479, %dma_wait3A_480] : memref<10240x128xf32, #tpu.memory_space<hbm>> -> memref<10240x128xf32, #tpu.memory_space<hbm>>
      tpu.wait_indirect_dma semaphore(%arg22 : memref<!tpu.dma_semaphore, #tpu.memory_space<semaphore_mem>>) src(%dma_wait3A_481 : memref<10240x128xf32, #tpu.memory_space<hbm>>) dst(%arg15 : memref<56x128xf32, #tpu.memory_space<vmem>>)
      %scan3A_482 = arith.constant 0 : i32
      %scan3A_483 = arith.constant 0 : i32
      %scan3A_484 = arith.constant 56 : i32
      %scan3A_485 = arith.addi %scan3A_483, %scan3A_484 : i32
      %scan3A_486 = arith.constant 2 : i32
      scf.for %scan3A_509 = %scan3A_483 to %scan3A_485 step %scan3A_486  : i32 {
        %get3A_510 = arith.index_cast %scan3A_509 : i32 to index
        %get3A_511 = arith.constant 0 : index
        %get3A_512 = tpu.vector_load %arg16[%get3A_510, %get3A_511] {strides = array<i32>} : memref<56x16xf32, #tpu.memory_space<vmem>>, vector<1x16xf32>,
        %get3A_513 = vector.shape_cast %get3A_512 : vector<1x16xf32> to vector<16xf32>
        %slice3A = vector.extract_strided_slice %get3A_513 {offsets = [0], sizes = [1], strides = [1]} : vector<16xf32> to vector<1xf32>
        %squeeze3A = vector.extract %slice3A[0] : f32 from vector<1xf32>
        %get3A_514 = arith.index_cast %scan3A_509 : i32 to index
        %get3A_515 = arith.constant 0 : index
        %get3A_516 = tpu.vector_load %arg15[%get3A_514, %get3A_515] {strides = array<i32>} : memref<56x128xf32, #tpu.memory_space<vmem>>, vector<1x16xf32>,
        %get3A_517 = vector.shape_cast %get3A_516 : vector<1x16xf32> to vector<16xf32>
        %mul3A_518 = vector.broadcast %squeeze3A : f32 to vector<16xf32>
        %mul3A_519 = arith.mulf %get3A_517, %mul3A_518 : vector<16xf32>
        %swap3A_520 = arith.index_cast %scan3A_509 : i32 to index
        %swap3A_521 = arith.constant 0 : index
        %swap3A_522 = tpu.vector_load %arg15[%swap3A_520, %swap3A_521] {strides = array<i32>} : memref<56x128xf32, #tpu.memory_space<vmem>>, vector<1x16xf32>,
        %swap3A_523 = vector.shape_cast %swap3A_522 : vector<1x16xf32> to vector<16xf32>
        %swap3A_524 = vector.shape_cast %mul3A_519 : vector<16xf32> to vector<1x16xf32>
        tpu.vector_store %arg15[%swap3A_520, %swap3A_521], %swap3A_524 {strides = array<i32>} : memref<56x128xf32, #tpu.memory_space<vmem>>, vector<1x16xf32>,
        %get3A_525 = arith.index_cast %scan3A_509 : i32 to index
        %get3A_526 = arith.constant 16 : index
        %get3A_527 = tpu.vector_load %arg15[%get3A_525, %get3A_526] {strides = array<i32>} : memref<56x128xf32, #tpu.memory_space<vmem>>, vector<1x16xf32>,
        %get3A_528 = vector.shape_cast %get3A_527 : vector<1x16xf32> to vector<16xf32>
        %mul3A_529 = vector.broadcast %squeeze3A : f32 to vector<16xf32>
        %mul3A_530 = arith.mulf %get3A_528, %mul3A_529 : vector<16xf32>
        %swap3A_531 = arith.index_cast %scan3A_509 : i32 to index
        %swap3A_532 = arith.constant 16 : index
        %swap3A_533 = tpu.vector_load %arg15[%swap3A_531, %swap3A_532] {strides = array<i32>} : memref<56x128xf32, #tpu.memory_space<vmem>>, vector<1x16xf32>,
        %swap3A_534 = vector.shape_cast %swap3A_533 : vector<1x16xf32> to vector<16xf32>
        %swap3A_535 = vector.shape_cast %mul3A_530 : vector<16xf32> to vector<1x16xf32>
        tpu.vector_store %arg15[%swap3A_531, %swap3A_532], %swap3A_535 {strides = array<i32>} : memref<56x128xf32, #tpu.memory_space<vmem>>, vector<1x16xf32>,
        %slice3A_536 = vector.extract_strided_slice %get3A_513 {offsets = [1], sizes = [1], strides = [1]} : vector<16xf32> to vector<1xf32>
        %squeeze3A_537 = vector.extract %slice3A_536[0] : f32 from vector<1xf32>
        %get3A_538 = arith.index_cast %scan3A_509 : i32 to index
        %get3A_539 = arith.constant 32 : index
        %get3A_540 = tpu.vector_load %arg15[%get3A_538, %get3A_539] {strides = array<i32>} : memref<56x128xf32, #tpu.memory_space<vmem>>, vector<1x16xf32>,
        %get3A_541 = vector.shape_cast %get3A_540 : vector<1x16xf32> to vector<16xf32>
        %mul3A_542 = vector.broadcast %squeeze3A_537 : f32 to vector<16xf32>
        %mul3A_543 = arith.mulf %get3A_541, %mul3A_542 : vector<16xf32>
        %swap3A_544 = arith.index_cast %scan3A_509 : i32 to index
        %swap3A_545 = arith.constant 32 : index
        %swap3A_546 = tpu.vector_load %arg15[%swap3A_544, %swap3A_545] {strides = array<i32>} : memref<56x128xf32, #tpu.memory_space<vmem>>, vector<1x16xf32>,
        %swap3A_547 = vector.shape_cast %swap3A_546 : vector<1x16xf32> to vector<16xf32>
        %swap3A_548 = vector.shape_cast %mul3A_543 : vector<16xf32> to vector<1x16xf32>
        tpu.vector_store %arg15[%swap3A_544, %swap3A_545], %swap3A_548 {strides = array<i32>} : memref<56x128xf32, #tpu.memory_space<vmem>>, vector<1x16xf32>,
        %get3A_549 = arith.index_cast %scan3A_509 : i32 to index
        %get3A_550 = arith.constant 48 : index
        %get3A_551 = tpu.vector_load %arg15[%get3A_549, %get3A_550] {strides = array<i32>} : memref<56x128xf32, #tpu.memory_space<vmem>>, vector<1x16xf32>,
        %get3A_552 = vector.shape_cast %get3A_551 : vector<1x16xf32> to vector<16xf32>
        %mul3A_553 = vector.broadcast %squeeze3A_537 : f32 to vector<16xf32>
        %mul3A_554 = arith.mulf %get3A_552, %mul3A_553 : vector<16xf32>
        %swap3A_555 = arith.index_cast %scan3A_509 : i32 to index
        %swap3A_556 = arith.constant 48 : index
        %swap3A_557 = tpu.vector_load %arg15[%swap3A_555, %swap3A_556] {strides = array<i32>} : memref<56x128xf32, #tpu.memory_space<vmem>>, vector<1x16xf32>,
        %swap3A_558 = vector.shape_cast %swap3A_557 : vector<1x16xf32> to vector<16xf32>
        %swap3A_559 = vector.shape_cast %mul3A_554 : vector<16xf32> to vector<1x16xf32>
        tpu.vector_store %arg15[%swap3A_555, %swap3A_556], %swap3A_559 {strides = array<i32>} : memref<56x128xf32, #tpu.memory_space<vmem>>, vector<1x16xf32>,
        %slice3A_560 = vector.extract_strided_slice %get3A_513 {offsets = [2], sizes = [1], strides = [1]} : vector<16xf32> to vector<1xf32>
        %squeeze3A_561 = vector.extract %slice3A_560[0] : f32 from vector<1xf32>
        %get3A_562 = arith.index_cast %scan3A_509 : i32 to index
        %get3A_563 = arith.constant 64 : index
        %get3A_564 = tpu.vector_load %arg15[%get3A_562, %get3A_563] {strides = array<i32>} : memref<56x128xf32, #tpu.memory_space<vmem>>, vector<1x16xf32>,
        %get3A_565 = vector.shape_cast %get3A_564 : vector<1x16xf32> to vector<16xf32>
        %mul3A_566 = vector.broadcast %squeeze3A_561 : f32 to vector<16xf32>
        %mul3A_567 = arith.mulf %get3A_565, %mul3A_566 : vector<16xf32>
        %swap3A_568 = arith.index_cast %scan3A_509 : i32 to index
        %swap3A_569 = arith.constant 64 : index
        %swap3A_570 = tpu.vector_load %arg15[%swap3A_568, %swap3A_569] {strides = array<i32>} : memref<56x128xf32, #tpu.memory_space<vmem>>, vector<1x16xf32>,
        %swap3A_571 = vector.shape_cast %swap3A_570 : vector<1x16xf32> to vector<16xf32>
        %swap3A_572 = vector.shape_cast %mul3A_567 : vector<16xf32> to vector<1x16xf32>
        tpu.vector_store %arg15[%swap3A_568, %swap3A_569], %swap3A_572 {strides = array<i32>} : memref<56x128xf32, #tpu.memory_space<vmem>>, vector<1x16xf32>,
        %get3A_573 = arith.index_cast %scan3A_509 : i32 to index
        %get3A_574 = arith.constant 80 : index
        %get3A_575 = tpu.vector_load %arg15[%get3A_573, %get3A_574] {strides = array<i32>} : memref<56x128xf32, #tpu.memory_space<vmem>>, vector<1x16xf32>,
        %get3A_576 = vector.shape_cast %get3A_575 : vector<1x16xf32> to vector<16xf32>
        %mul3A_577 = vector.broadcast %squeeze3A_561 : f32 to vector<16xf32>
        %mul3A_578 = arith.mulf %get3A_576, %mul3A_577 : vector<16xf32>
        %swap3A_579 = arith.index_cast %scan3A_509 : i32 to index
        %swap3A_580 = arith.constant 80 : index
        %swap3A_581 = tpu.vector_load %arg15[%swap3A_579, %swap3A_580] {strides = array<i32>} : memref<56x128xf32, #tpu.memory_space<vmem>>, vector<1x16xf32>,
        %swap3A_582 = vector.shape_cast %swap3A_581 : vector<1x16xf32> to vector<16xf32>
        %swap3A_583 = vector.shape_cast %mul3A_578 : vector<16xf32> to vector<1x16xf32>
        tpu.vector_store %arg15[%swap3A_579, %swap3A_580], %swap3A_583 {strides = array<i32>} : memref<56x128xf32, #tpu.memory_space<vmem>>, vector<1x16xf32>,
        %slice3A_584 = vector.extract_strided_slice %get3A_513 {offsets = [3], sizes = [1], strides = [1]} : vector<16xf32> to vector<1xf32>
        %squeeze3A_585 = vector.extract %slice3A_584[0] : f32 from vector<1xf32>
        %get3A_586 = arith.index_cast %scan3A_509 : i32 to index
        %get3A_587 = arith.constant 96 : index
        %get3A_588 = tpu.vector_load %arg15[%get3A_586, %get3A_587] {strides = array<i32>} : memref<56x128xf32, #tpu.memory_space<vmem>>, vector<1x16xf32>,
        %get3A_589 = vector.shape_cast %get3A_588 : vector<1x16xf32> to vector<16xf32>
        %mul3A_590 = vector.broadcast %squeeze3A_585 : f32 to vector<16xf32>
        %mul3A_591 = arith.mulf %get3A_589, %mul3A_590 : vector<16xf32>
        %swap3A_592 = arith.index_cast %scan3A_509 : i32 to index
        %swap3A_593 = arith.constant 96 : index
        %swap3A_594 = tpu.vector_load %arg15[%swap3A_592, %swap3A_593] {strides = array<i32>} : memref<56x128xf32, #tpu.memory_space<vmem>>, vector<1x16xf32>,
        %swap3A_595 = vector.shape_cast %swap3A_594 : vector<1x16xf32> to vector<16xf32>
        %swap3A_596 = vector.shape_cast %mul3A_591 : vector<16xf32> to vector<1x16xf32>
        tpu.vector_store %arg15[%swap3A_592, %swap3A_593], %swap3A_596 {strides = array<i32>} : memref<56x128xf32, #tpu.memory_space<vmem>>, vector<1x16xf32>,
        %get3A_597 = arith.index_cast %scan3A_509 : i32 to index
        %get3A_598 = arith.constant 112 : index
        %get3A_599 = tpu.vector_load %arg15[%get3A_597, %get3A_598] {strides = array<i32>} : memref<56x128xf32, #tpu.memory_space<vmem>>, vector<1x16xf32>,
        %get3A_600 = vector.shape_cast %get3A_599 : vector<1x16xf32> to vector<16xf32>
        %mul3A_601 = vector.broadcast %squeeze3A_585 : f32 to vector<16xf32>
        %mul3A_602 = arith.mulf %get3A_600, %mul3A_601 : vector<16xf32>
        %swap3A_603 = arith.index_cast %scan3A_509 : i32 to index
        %swap3A_604 = arith.constant 112 : index
        %swap3A_605 = tpu.vector_load %arg15[%swap3A_603, %swap3A_604] {strides = array<i32>} : memref<56x128xf32, #tpu.memory_space<vmem>>, vector<1x16xf32>,
        %swap3A_606 = vector.shape_cast %swap3A_605 : vector<1x16xf32> to vector<16xf32>
        %swap3A_607 = vector.shape_cast %mul3A_602 : vector<16xf32> to vector<1x16xf32>
        tpu.vector_store %arg15[%swap3A_603, %swap3A_604], %swap3A_607 {strides = array<i32>} : memref<56x128xf32, #tpu.memory_space<vmem>>, vector<1x16xf32>,
        %scan3A_608 = arith.constant 1 : i32
        %scan3A_609 = arith.addi %scan3A_509, %scan3A_608 : i32
        %get3A_610 = arith.index_cast %scan3A_609 : i32 to index
        %get3A_611 = arith.constant 0 : index
        %get3A_612 = tpu.vector_load %arg16[%get3A_610, %get3A_611] {strides = array<i32>} : memref<56x16xf32, #tpu.memory_space<vmem>>, vector<1x16xf32>,
        %get3A_613 = vector.shape_cast %get3A_612 : vector<1x16xf32> to vector<16xf32>
        %slice3A_614 = vector.extract_strided_slice %get3A_613 {offsets = [0], sizes = [1], strides = [1]} : vector<16xf32> to vector<1xf32>
        %squeeze3A_615 = vector.extract %slice3A_614[0] : f32 from vector<1xf32>
        %get3A_616 = arith.index_cast %scan3A_609 : i32 to index
        %get3A_617 = arith.constant 0 : index
        %get3A_618 = tpu.vector_load %arg15[%get3A_616, %get3A_617] {strides = array<i32>} : memref<56x128xf32, #tpu.memory_space<vmem>>, vector<1x16xf32>,
        %get3A_619 = vector.shape_cast %get3A_618 : vector<1x16xf32> to vector<16xf32>
        %mul3A_620 = vector.broadcast %squeeze3A_615 : f32 to vector<16xf32>
        %mul3A_621 = arith.mulf %get3A_619, %mul3A_620 : vector<16xf32>
        %swap3A_622 = arith.index_cast %scan3A_609 : i32 to index
        %swap3A_623 = arith.constant 0 : index
        %swap3A_624 = tpu.vector_load %arg15[%swap3A_622, %swap3A_623] {strides = array<i32>} : memref<56x128xf32, #tpu.memory_space<vmem>>, vector<1x16xf32>,
        %swap3A_625 = vector.shape_cast %swap3A_624 : vector<1x16xf32> to vector<16xf32>
        %swap3A_626 = vector.shape_cast %mul3A_621 : vector<16xf32> to vector<1x16xf32>
        tpu.vector_store %arg15[%swap3A_622, %swap3A_623], %swap3A_626 {strides = array<i32>} : memref<56x128xf32, #tpu.memory_space<vmem>>, vector<1x16xf32>,
        %get3A_627 = arith.index_cast %scan3A_609 : i32 to index
        %get3A_628 = arith.constant 16 : index
        %get3A_629 = tpu.vector_load %arg15[%get3A_627, %get3A_628] {strides = array<i32>} : memref<56x128xf32, #tpu.memory_space<vmem>>, vector<1x16xf32>,
        %get3A_630 = vector.shape_cast %get3A_629 : vector<1x16xf32> to vector<16xf32>
        %mul3A_631 = vector.broadcast %squeeze3A_615 : f32 to vector<16xf32>
        %mul3A_632 = arith.mulf %get3A_630, %mul3A_631 : vector<16xf32>
        %swap3A_633 = arith.index_cast %scan3A_609 : i32 to index
        %swap3A_634 = arith.constant 16 : index
        %swap3A_635 = tpu.vector_load %arg15[%swap3A_633, %swap3A_634] {strides = array<i32>} : memref<56x128xf32, #tpu.memory_space<vmem>>, vector<1x16xf32>,
        %swap3A_636 = vector.shape_cast %swap3A_635 : vector<1x16xf32> to vector<16xf32>
        %swap3A_637 = vector.shape_cast %mul3A_632 : vector<16xf32> to vector<1x16xf32>
        tpu.vector_store %arg15[%swap3A_633, %swap3A_634], %swap3A_637 {strides = array<i32>} : memref<56x128xf32, #tpu.memory_space<vmem>>, vector<1x16xf32>,
        %slice3A_638 = vector.extract_strided_slice %get3A_613 {offsets = [1], sizes = [1], strides = [1]} : vector<16xf32> to vector<1xf32>
        %squeeze3A_639 = vector.extract %slice3A_638[0] : f32 from vector<1xf32>
        %get3A_640 = arith.index_cast %scan3A_609 : i32 to index
        %get3A_641 = arith.constant 32 : index
        %get3A_642 = tpu.vector_load %arg15[%get3A_640, %get3A_641] {strides = array<i32>} : memref<56x128xf32, #tpu.memory_space<vmem>>, vector<1x16xf32>,
        %get3A_643 = vector.shape_cast %get3A_642 : vector<1x16xf32> to vector<16xf32>
        %mul3A_644 = vector.broadcast %squeeze3A_639 : f32 to vector<16xf32>
        %mul3A_645 = arith.mulf %get3A_643, %mul3A_644 : vector<16xf32>
        %swap3A_646 = arith.index_cast %scan3A_609 : i32 to index
        %swap3A_647 = arith.constant 32 : index
        %swap3A_648 = tpu.vector_load %arg15[%swap3A_646, %swap3A_647] {strides = array<i32>} : memref<56x128xf32, #tpu.memory_space<vmem>>, vector<1x16xf32>,
        %swap3A_649 = vector.shape_cast %swap3A_648 : vector<1x16xf32> to vector<16xf32>
        %swap3A_650 = vector.shape_cast %mul3A_645 : vector<16xf32> to vector<1x16xf32>
        tpu.vector_store %arg15[%swap3A_646, %swap3A_647], %swap3A_650 {strides = array<i32>} : memref<56x128xf32, #tpu.memory_space<vmem>>, vector<1x16xf32>,
        %get3A_651 = arith.index_cast %scan3A_609 : i32 to index
        %get3A_652 = arith.constant 48 : index
        %get3A_653 = tpu.vector_load %arg15[%get3A_651, %get3A_652] {strides = array<i32>} : memref<56x128xf32, #tpu.memory_space<vmem>>, vector<1x16xf32>,
        %get3A_654 = vector.shape_cast %get3A_653 : vector<1x16xf32> to vector<16xf32>
        %mul3A_655 = vector.broadcast %squeeze3A_639 : f32 to vector<16xf32>
        %mul3A_656 = arith.mulf %get3A_654, %mul3A_655 : vector<16xf32>
        %swap3A_657 = arith.index_cast %scan3A_609 : i32 to index
        %swap3A_658 = arith.constant 48 : index
        %swap3A_659 = tpu.vector_load %arg15[%swap3A_657, %swap3A_658] {strides = array<i32>} : memref<56x128xf32, #tpu.memory_space<vmem>>, vector<1x16xf32>,
        %swap3A_660 = vector.shape_cast %swap3A_659 : vector<1x16xf32> to vector<16xf32>
        %swap3A_661 = vector.shape_cast %mul3A_656 : vector<16xf32> to vector<1x16xf32>
        tpu.vector_store %arg15[%swap3A_657, %swap3A_658], %swap3A_661 {strides = array<i32>} : memref<56x128xf32, #tpu.memory_space<vmem>>, vector<1x16xf32>,
        %slice3A_662 = vector.extract_strided_slice %get3A_613 {offsets = [2], sizes = [1], strides = [1]} : vector<16xf32> to vector<1xf32>
        %squeeze3A_663 = vector.extract %slice3A_662[0] : f32 from vector<1xf32>
        %get3A_664 = arith.index_cast %scan3A_609 : i32 to index
        %get3A_665 = arith.constant 64 : index
        %get3A_666 = tpu.vector_load %arg15[%get3A_664, %get3A_665] {strides = array<i32>} : memref<56x128xf32, #tpu.memory_space<vmem>>, vector<1x16xf32>,
        %get3A_667 = vector.shape_cast %get3A_666 : vector<1x16xf32> to vector<16xf32>
        %mul3A_668 = vector.broadcast %squeeze3A_663 : f32 to vector<16xf32>
        %mul3A_669 = arith.mulf %get3A_667, %mul3A_668 : vector<16xf32>
        %swap3A_670 = arith.index_cast %scan3A_609 : i32 to index
        %swap3A_671 = arith.constant 64 : index
        %swap3A_672 = tpu.vector_load %arg15[%swap3A_670, %swap3A_671] {strides = array<i32>} : memref<56x128xf32, #tpu.memory_space<vmem>>, vector<1x16xf32>,
        %swap3A_673 = vector.shape_cast %swap3A_672 : vector<1x16xf32> to vector<16xf32>
        %swap3A_674 = vector.shape_cast %mul3A_669 : vector<16xf32> to vector<1x16xf32>
        tpu.vector_store %arg15[%swap3A_670, %swap3A_671], %swap3A_674 {strides = array<i32>} : memref<56x128xf32, #tpu.memory_space<vmem>>, vector<1x16xf32>,
        %get3A_675 = arith.index_cast %scan3A_609 : i32 to index
        %get3A_676 = arith.constant 80 : index
        %get3A_677 = tpu.vector_load %arg15[%get3A_675, %get3A_676] {strides = array<i32>} : memref<56x128xf32, #tpu.memory_space<vmem>>, vector<1x16xf32>,
        %get3A_678 = vector.shape_cast %get3A_677 : vector<1x16xf32> to vector<16xf32>
        %mul3A_679 = vector.broadcast %squeeze3A_663 : f32 to vector<16xf32>
        %mul3A_680 = arith.mulf %get3A_678, %mul3A_679 : vector<16xf32>
        %swap3A_681 = arith.index_cast %scan3A_609 : i32 to index
        %swap3A_682 = arith.constant 80 : index
        %swap3A_683 = tpu.vector_load %arg15[%swap3A_681, %swap3A_682] {strides = array<i32>} : memref<56x128xf32, #tpu.memory_space<vmem>>, vector<1x16xf32>,
        %swap3A_684 = vector.shape_cast %swap3A_683 : vector<1x16xf32> to vector<16xf32>
        %swap3A_685 = vector.shape_cast %mul3A_680 : vector<16xf32> to vector<1x16xf32>
        tpu.vector_store %arg15[%swap3A_681, %swap3A_682], %swap3A_685 {strides = array<i32>} : memref<56x128xf32, #tpu.memory_space<vmem>>, vector<1x16xf32>,
        %slice3A_686 = vector.extract_strided_slice %get3A_613 {offsets = [3], sizes = [1], strides = [1]} : vector<16xf32> to vector<1xf32>
        %squeeze3A_687 = vector.extract %slice3A_686[0] : f32 from vector<1xf32>
        %get3A_688 = arith.index_cast %scan3A_609 : i32 to index
        %get3A_689 = arith.constant 96 : index
        %get3A_690 = tpu.vector_load %arg15[%get3A_688, %get3A_689] {strides = array<i32>} : memref<56x128xf32, #tpu.memory_space<vmem>>, vector<1x16xf32>,
        %get3A_691 = vector.shape_cast %get3A_690 : vector<1x16xf32> to vector<16xf32>
        %mul3A_692 = vector.broadcast %squeeze3A_687 : f32 to vector<16xf32>
        %mul3A_693 = arith.mulf %get3A_691, %mul3A_692 : vector<16xf32>
        %swap3A_694 = arith.index_cast %scan3A_609 : i32 to index
        %swap3A_695 = arith.constant 96 : index
        %swap3A_696 = tpu.vector_load %arg15[%swap3A_694, %swap3A_695] {strides = array<i32>} : memref<56x128xf32, #tpu.memory_space<vmem>>, vector<1x16xf32>,
        %swap3A_697 = vector.shape_cast %swap3A_696 : vector<1x16xf32> to vector<16xf32>
        %swap3A_698 = vector.shape_cast %mul3A_693 : vector<16xf32> to vector<1x16xf32>
        tpu.vector_store %arg15[%swap3A_694, %swap3A_695], %swap3A_698 {strides = array<i32>} : memref<56x128xf32, #tpu.memory_space<vmem>>, vector<1x16xf32>,
        %get3A_699 = arith.index_cast %scan3A_609 : i32 to index
        %get3A_700 = arith.constant 112 : index
        %get3A_701 = tpu.vector_load %arg15[%get3A_699, %get3A_700] {strides = array<i32>} : memref<56x128xf32, #tpu.memory_space<vmem>>, vector<1x16xf32>,
        %get3A_702 = vector.shape_cast %get3A_701 : vector<1x16xf32> to vector<16xf32>
        %mul3A_703 = vector.broadcast %squeeze3A_687 : f32 to vector<16xf32>
        %mul3A_704 = arith.mulf %get3A_702, %mul3A_703 : vector<16xf32>
        %swap3A_705 = arith.index_cast %scan3A_609 : i32 to index
        %swap3A_706 = arith.constant 112 : index
        %swap3A_707 = tpu.vector_load %arg15[%swap3A_705, %swap3A_706] {strides = array<i32>} : memref<56x128xf32, #tpu.memory_space<vmem>>, vector<1x16xf32>,
        %swap3A_708 = vector.shape_cast %swap3A_707 : vector<1x16xf32> to vector<16xf32>
        %swap3A_709 = vector.shape_cast %mul3A_704 : vector<16xf32> to vector<1x16xf32>
        tpu.vector_store %arg15[%swap3A_705, %swap3A_706], %swap3A_709 {strides = array<i32>} : memref<56x128xf32, #tpu.memory_space<vmem>>, vector<1x16xf32>,
      }
      %scan3A_487 = arith.constant 56 : i32
      %dma_start3A_488 = arith.constant 1 : i32
      %dma_start3A_489 = arith.constant 0 : i32
      %dma_start3A_490 = tpu.memref_slice %arg11[%dma_start3A_488, %dma_start3A_489] : memref<4x56xi32, #tpu.memory_space<vmem>> -> memref<1x56xi32, #tpu.memory_space<vmem>>
      %dma_start3A_491 = tpu.memref_squeeze %dma_start3A_490 : memref<1x56xi32, #tpu.memory_space<vmem>> -> memref<56xi32, #tpu.memory_space<vmem>>
      %dma_start3A_492 = arith.constant 0 : i32
      %dma_start3A_493 = arith.constant 0 : i32
      %dma_start3A_494 = tpu.memref_slice %arg9[%dma_start3A_492, %dma_start3A_493] : memref<10240x128xf32, #tpu.memory_space<vmem_shared>> -> memref<10240x128xf32, #tpu.memory_space<vmem_shared>>
      tpu.enqueue_indirect_dma source(%arg15 : memref<56x128xf32, #tpu.memory_space<vmem>>) target(%dma_start3A_494 : memref<10240x128xf32, #tpu.memory_space<vmem_shared>>) offsets(%dma_start3A_491 : memref<56xi32, #tpu.memory_space<vmem>>) semaphore(%arg22 : memref<!tpu.dma_semaphore, #tpu.memory_space<semaphore_mem>>) {add = true}
      %dma_wait3A_495 = arith.constant 2 : i32
      %dma_wait3A_496 = arith.constant 0 : i32
      %dma_wait3A_497 = tpu.memref_slice %arg11[%dma_wait3A_495, %dma_wait3A_496] : memref<4x56xi32, #tpu.memory_space<vmem>> -> memref<1x56xi32, #tpu.memory_space<vmem>>
      %dma_wait3A_498 = tpu.memref_squeeze %dma_wait3A_497 : memref<1x56xi32, #tpu.memory_space<vmem>> -> memref<56xi32, #tpu.memory_space<vmem>>
      %dma_wait3A_499 = arith.constant 0 : i32
      %dma_wait3A_500 = arith.constant 0 : i32
      %dma_wait3A_501 = tpu.memref_slice %arg10[%dma_wait3A_499, %dma_wait3A_500] : memref<1280x128xf32, #tpu.memory_space<vmem_shared>> -> memref<1280x128xf32, #tpu.memory_space<vmem_shared>>
      tpu.wait_indirect_dma semaphore(%arg21 : memref<!tpu.dma_semaphore, #tpu.memory_space<semaphore_mem>>) src(%arg14 : memref<56x128xf32, #tpu.memory_space<vmem>>) dst(%dma_wait3A_501 : memref<1280x128xf32, #tpu.memory_space<vmem_shared>>)
      %dma_wait3A_502 = arith.constant 1 : i32
      %dma_wait3A_503 = arith.constant 0 : i32
      %dma_wait3A_504 = tpu.memref_slice %arg11[%dma_wait3A_502, %dma_wait3A_503] : memref<4x56xi32, #tpu.memory_space<vmem>> -> memref<1x56xi32, #tpu.memory_space<vmem>>
      %dma_wait3A_505 = tpu.memref_squeeze %dma_wait3A_504 : memref<1x56xi32, #tpu.memory_space<vmem>> -> memref<56xi32, #tpu.memory_space<vmem>>
      %dma_wait3A_506 = arith.constant 0 : i32
      %dma_wait3A_507 = arith.constant 0 : i32
      %dma_wait3A_508 = tpu.memref_slice %arg9[%dma_wait3A_506, %dma_wait3A_507] : memref<10240x128xf32, #tpu.memory_space<vmem_shared>> -> memref<10240x128xf32, #tpu.memory_space<vmem_shared>>
      tpu.wait_indirect_dma semaphore(%arg22 : memref<!tpu.dma_semaphore, #tpu.memory_space<semaphore_mem>>) src(%arg15 : memref<56x128xf32, #tpu.memory_space<vmem>>) dst(%dma_wait3A_508 : memref<10240x128xf32, #tpu.memory_space<vmem_shared>>)
    }
    %scan3A_409 = arith.constant 179 : i32
    %barrier3A_410 = arith.constant 0 : index
    tpu.barrier barrier_id(%barrier3A_410)
    "tpu.region"() ({
      %run_scoped3A = tpu.sem_alloc : memref<!tpu.dma_semaphore, #tpu.memory_space<semaphore_mem>>
      %dma_start3A = arith.constant 0 : i32
      %dma_start3A_411 = tpu.memref_slice %arg7[%arg0, %mul3A_384, %dma_start3A] : memref<2x10240x128xf32, #tpu.memory_space<hbm>> -> memref<1x640x128xf32, #tpu.memory_space<hbm>>
      %dma_start3A_412 = tpu.memref_squeeze %dma_start3A_411 : memref<1x640x128xf32, #tpu.memory_space<hbm>> -> memref<640x128xf32, #tpu.memory_space<hbm>>
      %dma_start3A_413 = arith.constant 0 : i32
      %dma_start3A_414 = tpu.memref_slice %arg9[%mul3A_384, %dma_start3A_413] : memref<10240x128xf32, #tpu.memory_space<vmem_shared>> -> memref<640x128xf32, #tpu.memory_space<vmem_shared>>
      tpu.enqueue_dma source(%dma_start3A_414 : memref<640x128xf32, #tpu.memory_space<vmem_shared>>) target(%dma_start3A_412 : memref<640x128xf32, #tpu.memory_space<hbm>>) target_semaphore(%run_scoped3A : memref<!tpu.dma_semaphore, #tpu.memory_space<semaphore_mem>>)
      %dma_wait3A = arith.constant 0 : i32
      %dma_wait3A_415 = tpu.memref_slice %arg7[%arg0, %mul3A_384, %dma_wait3A] : memref<2x10240x128xf32, #tpu.memory_space<hbm>> -> memref<1x640x128xf32, #tpu.memory_space<hbm>>
      %dma_wait3A_416 = tpu.memref_squeeze %dma_wait3A_415 : memref<1x640x128xf32, #tpu.memory_space<hbm>> -> memref<640x128xf32, #tpu.memory_space<hbm>>
      %dma_wait3A_417 = arith.constant 0 : i32
      %dma_wait3A_418 = tpu.memref_slice %arg9[%mul3A_384, %dma_wait3A_417] : memref<10240x128xf32, #tpu.memory_space<vmem_shared>> -> memref<640x128xf32, #tpu.memory_space<vmem_shared>>
      tpu.wait_dma2 semaphore(%run_scoped3A : memref<!tpu.dma_semaphore, #tpu.memory_space<semaphore_mem>>) src(%dma_wait3A_418 : memref<640x128xf32, #tpu.memory_space<vmem_shared>>) dst(%dma_wait3A_416 : memref<640x128xf32, #tpu.memory_space<hbm>>)
      tpu.yield
    }) : () -> ()
    "tpu.region"() ({
      %run_scoped3A = tpu.sem_alloc : memref<!tpu.dma_semaphore, #tpu.memory_space<semaphore_mem>>
      %dma_start3A = arith.constant 0 : i32
      %dma_start3A_411 = tpu.memref_slice %arg8[%arg0, %mul3A_386, %dma_start3A] : memref<2x1280x128xf32, #tpu.memory_space<hbm>> -> memref<1x80x128xf32, #tpu.memory_space<hbm>>
      %dma_start3A_412 = tpu.memref_squeeze %dma_start3A_411 : memref<1x80x128xf32, #tpu.memory_space<hbm>> -> memref<80x128xf32, #tpu.memory_space<hbm>>
      %dma_start3A_413 = arith.constant 0 : i32
      %dma_start3A_414 = tpu.memref_slice %arg10[%mul3A_386, %dma_start3A_413] : memref<1280x128xf32, #tpu.memory_space<vmem_shared>> -> memref<80x128xf32, #tpu.memory_space<vmem_shared>>
      tpu.enqueue_dma source(%dma_start3A_414 : memref<80x128xf32, #tpu.memory_space<vmem_shared>>) target(%dma_start3A_412 : memref<80x128xf32, #tpu.memory_space<hbm>>) target_semaphore(%run_scoped3A : memref<!tpu.dma_semaphore, #tpu.memory_space<semaphore_mem>>)
      %dma_wait3A = arith.constant 0 : i32
      %dma_wait3A_415 = tpu.memref_slice %arg8[%arg0, %mul3A_386, %dma_wait3A] : memref<2x1280x128xf32, #tpu.memory_space<hbm>> -> memref<1x80x128xf32, #tpu.memory_space<hbm>>
      %dma_wait3A_416 = tpu.memref_squeeze %dma_wait3A_415 : memref<1x80x128xf32, #tpu.memory_space<hbm>> -> memref<80x128xf32, #tpu.memory_space<hbm>>
      %dma_wait3A_417 = arith.constant 0 : i32
      %dma_wait3A_418 = tpu.memref_slice %arg10[%mul3A_386, %dma_wait3A_417] : memref<1280x128xf32, #tpu.memory_space<vmem_shared>> -> memref<80x128xf32, #tpu.memory_space<vmem_shared>>
      tpu.wait_dma2 semaphore(%run_scoped3A : memref<!tpu.dma_semaphore, #tpu.memory_space<semaphore_mem>>) src(%dma_wait3A_418 : memref<80x128xf32, #tpu.memory_space<vmem_shared>>) dst(%dma_wait3A_416 : memref<80x128xf32, #tpu.memory_space<hbm>>)
      tpu.yield
    }) : () -> ()
    return
  }
}

#map = affine_map<(d0, d1) -> (0, 0, 0)>
#map1 = affine_map<(d0, d1) -> (0, 0)>
#map2 = affine_map<(d0, d1) -> (0)>
module attributes {stable_mosaic.version = 14 : i64} {
  func.func @_sc_body(%arg0: i32, %arg1: i32, %arg2: memref<5728x4x56xi32, #tpu.memory_space<hbm>>, %arg3: memref<8x128xf32, #tpu.memory_space<hbm>>, %arg4: memref<10240x128xf32, #tpu.memory_space<hbm>>, %arg5: memref<10240x128xf32, #tpu.memory_space<hbm>>, %arg6: memref<16xf32, #tpu.memory_space<hbm>>, %arg7: memref<2x10240x128xf32, #tpu.memory_space<hbm>>, %arg8: memref<2x1280x128xf32, #tpu.memory_space<hbm>>, %arg9: memref<10240x128xf32, #tpu.memory_space<vmem_shared>>, %arg10: memref<1280x128xf32, #tpu.memory_space<vmem_shared>>, %arg11: memref<4x56xi32, #tpu.memory_space<vmem>>, %arg12: memref<56x128xf32, #tpu.memory_space<vmem>>, %arg13: memref<56x128xf32, #tpu.memory_space<vmem>>, %arg14: memref<56x128xf32, #tpu.memory_space<vmem>>, %arg15: memref<56x128xf32, #tpu.memory_space<vmem>>, %arg16: memref<56x16xf32, #tpu.memory_space<vmem>>, %arg17: memref<16xf32, #tpu.memory_space<vmem>>, %arg18: memref<8x128xf32, #tpu.memory_space<vmem>>, %arg19: memref<!tpu.dma_semaphore, #tpu.memory_space<semaphore_mem>>, %arg20: memref<!tpu.dma_semaphore, #tpu.memory_space<semaphore_mem>>, %arg21: memref<!tpu.dma_semaphore, #tpu.memory_space<semaphore_mem>>, %arg22: memref<!tpu.dma_semaphore, #tpu.memory_space<semaphore_mem>>) attributes {dimension_semantics = [#tpu.dimension_semantics<core_parallel>, #tpu.dimension_semantics<subcore_parallel>], iteration_bounds = array<i64: 2, 16>, scalar_prefetch = 0 : i64, scratch_operands = 14 : i64, tpu.core_type = #tpu.core_type<sc_vector_subcore>, window_params = [{transform_indices = #map}, {transform_indices = #map1}, {transform_indices = #map1}, {transform_indices = #map1}, {transform_indices = #map2}, {transform_indices = #map}, {transform_indices = #map}]} {
    %broadcast_in_dim3A = arith.constant 0.000000e+00 : f32
    %broadcast_in_dim3A_0 = vector.broadcast %broadcast_in_dim3A : f32 to vector<16xf32>
    %swap3A = arith.constant 0 : i32
    %swap3A_1 = arith.index_cast %swap3A : i32 to index
    %swap3A_2 = arith.constant 0 : index
    %swap3A_3 = tpu.vector_load %arg18[%swap3A_1, %swap3A_2] {strides = array<i32>} : memref<8x128xf32, #tpu.memory_space<vmem>>, vector<1x16xf32>,
    %swap3A_4 = vector.shape_cast %swap3A_3 : vector<1x16xf32> to vector<16xf32>
    %swap3A_5 = vector.shape_cast %broadcast_in_dim3A_0 : vector<16xf32> to vector<1x16xf32>
    tpu.vector_store %arg18[%swap3A_1, %swap3A_2], %swap3A_5 {strides = array<i32>} : memref<8x128xf32, #tpu.memory_space<vmem>>, vector<1x16xf32>,
    %swap3A_6 = arith.constant 0 : i32
    %swap3A_7 = arith.index_cast %swap3A_6 : i32 to index
    %swap3A_8 = arith.constant 16 : index
    %swap3A_9 = tpu.vector_load %arg18[%swap3A_7, %swap3A_8] {strides = array<i32>} : memref<8x128xf32, #tpu.memory_space<vmem>>, vector<1x16xf32>,
    %swap3A_10 = vector.shape_cast %swap3A_9 : vector<1x16xf32> to vector<16xf32>
    %swap3A_11 = vector.shape_cast %broadcast_in_dim3A_0 : vector<16xf32> to vector<1x16xf32>
    tpu.vector_store %arg18[%swap3A_7, %swap3A_8], %swap3A_11 {strides = array<i32>} : memref<8x128xf32, #tpu.memory_space<vmem>>, vector<1x16xf32>,
    %swap3A_12 = arith.constant 0 : i32
    %swap3A_13 = arith.index_cast %swap3A_12 : i32 to index
    %swap3A_14 = arith.constant 32 : index
    %swap3A_15 = tpu.vector_load %arg18[%swap3A_13, %swap3A_14] {strides = array<i32>} : memref<8x128xf32, #tpu.memory_space<vmem>>, vector<1x16xf32>,
    %swap3A_16 = vector.shape_cast %swap3A_15 : vector<1x16xf32> to vector<16xf32>
    %swap3A_17 = vector.shape_cast %broadcast_in_dim3A_0 : vector<16xf32> to vector<1x16xf32>
    tpu.vector_store %arg18[%swap3A_13, %swap3A_14], %swap3A_17 {strides = array<i32>} : memref<8x128xf32, #tpu.memory_space<vmem>>, vector<1x16xf32>,
    %swap3A_18 = arith.constant 0 : i32
    %swap3A_19 = arith.index_cast %swap3A_18 : i32 to index
    %swap3A_20 = arith.constant 48 : index
    %swap3A_21 = tpu.vector_load %arg18[%swap3A_19, %swap3A_20] {strides = array<i32>} : memref<8x128xf32, #tpu.memory_space<vmem>>, vector<1x16xf32>,
    %swap3A_22 = vector.shape_cast %swap3A_21 : vector<1x16xf32> to vector<16xf32>
    %swap3A_23 = vector.shape_cast %broadcast_in_dim3A_0 : vector<16xf32> to vector<1x16xf32>
    tpu.vector_store %arg18[%swap3A_19, %swap3A_20], %swap3A_23 {strides = array<i32>} : memref<8x128xf32, #tpu.memory_space<vmem>>, vector<1x16xf32>,
    %swap3A_24 = arith.constant 0 : i32
    %swap3A_25 = arith.index_cast %swap3A_24 : i32 to index
    %swap3A_26 = arith.constant 64 : index
    %swap3A_27 = tpu.vector_load %arg18[%swap3A_25, %swap3A_26] {strides = array<i32>} : memref<8x128xf32, #tpu.memory_space<vmem>>, vector<1x16xf32>,
    %swap3A_28 = vector.shape_cast %swap3A_27 : vector<1x16xf32> to vector<16xf32>
    %swap3A_29 = vector.shape_cast %broadcast_in_dim3A_0 : vector<16xf32> to vector<1x16xf32>
    tpu.vector_store %arg18[%swap3A_25, %swap3A_26], %swap3A_29 {strides = array<i32>} : memref<8x128xf32, #tpu.memory_space<vmem>>, vector<1x16xf32>,
    %swap3A_30 = arith.constant 0 : i32
    %swap3A_31 = arith.index_cast %swap3A_30 : i32 to index
    %swap3A_32 = arith.constant 80 : index
    %swap3A_33 = tpu.vector_load %arg18[%swap3A_31, %swap3A_32] {strides = array<i32>} : memref<8x128xf32, #tpu.memory_space<vmem>>, vector<1x16xf32>,
    %swap3A_34 = vector.shape_cast %swap3A_33 : vector<1x16xf32> to vector<16xf32>
    %swap3A_35 = vector.shape_cast %broadcast_in_dim3A_0 : vector<16xf32> to vector<1x16xf32>
    tpu.vector_store %arg18[%swap3A_31, %swap3A_32], %swap3A_35 {strides = array<i32>} : memref<8x128xf32, #tpu.memory_space<vmem>>, vector<1x16xf32>,
    %swap3A_36 = arith.constant 0 : i32
    %swap3A_37 = arith.index_cast %swap3A_36 : i32 to index
    %swap3A_38 = arith.constant 96 : index
    %swap3A_39 = tpu.vector_load %arg18[%swap3A_37, %swap3A_38] {strides = array<i32>} : memref<8x128xf32, #tpu.memory_space<vmem>>, vector<1x16xf32>,
    %swap3A_40 = vector.shape_cast %swap3A_39 : vector<1x16xf32> to vector<16xf32>
    %swap3A_41 = vector.shape_cast %broadcast_in_dim3A_0 : vector<16xf32> to vector<1x16xf32>
    tpu.vector_store %arg18[%swap3A_37, %swap3A_38], %swap3A_41 {strides = array<i32>} : memref<8x128xf32, #tpu.memory_space<vmem>>, vector<1x16xf32>,
    %swap3A_42 = arith.constant 0 : i32
    %swap3A_43 = arith.index_cast %swap3A_42 : i32 to index
    %swap3A_44 = arith.constant 112 : index
    %swap3A_45 = tpu.vector_load %arg18[%swap3A_43, %swap3A_44] {strides = array<i32>} : memref<8x128xf32, #tpu.memory_space<vmem>>, vector<1x16xf32>,
    %swap3A_46 = vector.shape_cast %swap3A_45 : vector<1x16xf32> to vector<16xf32>
    %swap3A_47 = vector.shape_cast %broadcast_in_dim3A_0 : vector<16xf32> to vector<1x16xf32>
    tpu.vector_store %arg18[%swap3A_43, %swap3A_44], %swap3A_47 {strides = array<i32>} : memref<8x128xf32, #tpu.memory_space<vmem>>, vector<1x16xf32>,
    %swap3A_48 = arith.constant 1 : i32
    %swap3A_49 = arith.index_cast %swap3A_48 : i32 to index
    %swap3A_50 = arith.constant 0 : index
    %swap3A_51 = tpu.vector_load %arg18[%swap3A_49, %swap3A_50] {strides = array<i32>} : memref<8x128xf32, #tpu.memory_space<vmem>>, vector<1x16xf32>,
    %swap3A_52 = vector.shape_cast %swap3A_51 : vector<1x16xf32> to vector<16xf32>
    %swap3A_53 = vector.shape_cast %broadcast_in_dim3A_0 : vector<16xf32> to vector<1x16xf32>
    tpu.vector_store %arg18[%swap3A_49, %swap3A_50], %swap3A_53 {strides = array<i32>} : memref<8x128xf32, #tpu.memory_space<vmem>>, vector<1x16xf32>,
    %swap3A_54 = arith.constant 1 : i32
    %swap3A_55 = arith.index_cast %swap3A_54 : i32 to index
    %swap3A_56 = arith.constant 16 : index
    %swap3A_57 = tpu.vector_load %arg18[%swap3A_55, %swap3A_56] {strides = array<i32>} : memref<8x128xf32, #tpu.memory_space<vmem>>, vector<1x16xf32>,
    %swap3A_58 = vector.shape_cast %swap3A_57 : vector<1x16xf32> to vector<16xf32>
    %swap3A_59 = vector.shape_cast %broadcast_in_dim3A_0 : vector<16xf32> to vector<1x16xf32>
    tpu.vector_store %arg18[%swap3A_55, %swap3A_56], %swap3A_59 {strides = array<i32>} : memref<8x128xf32, #tpu.memory_space<vmem>>, vector<1x16xf32>,
    %swap3A_60 = arith.constant 1 : i32
    %swap3A_61 = arith.index_cast %swap3A_60 : i32 to index
    %swap3A_62 = arith.constant 32 : index
    %swap3A_63 = tpu.vector_load %arg18[%swap3A_61, %swap3A_62] {strides = array<i32>} : memref<8x128xf32, #tpu.memory_space<vmem>>, vector<1x16xf32>,
    %swap3A_64 = vector.shape_cast %swap3A_63 : vector<1x16xf32> to vector<16xf32>
    %swap3A_65 = vector.shape_cast %broadcast_in_dim3A_0 : vector<16xf32> to vector<1x16xf32>
    tpu.vector_store %arg18[%swap3A_61, %swap3A_62], %swap3A_65 {strides = array<i32>} : memref<8x128xf32, #tpu.memory_space<vmem>>, vector<1x16xf32>,
    %swap3A_66 = arith.constant 1 : i32
    %swap3A_67 = arith.index_cast %swap3A_66 : i32 to index
    %swap3A_68 = arith.constant 48 : index
    %swap3A_69 = tpu.vector_load %arg18[%swap3A_67, %swap3A_68] {strides = array<i32>} : memref<8x128xf32, #tpu.memory_space<vmem>>, vector<1x16xf32>,
    %swap3A_70 = vector.shape_cast %swap3A_69 : vector<1x16xf32> to vector<16xf32>
    %swap3A_71 = vector.shape_cast %broadcast_in_dim3A_0 : vector<16xf32> to vector<1x16xf32>
    tpu.vector_store %arg18[%swap3A_67, %swap3A_68], %swap3A_71 {strides = array<i32>} : memref<8x128xf32, #tpu.memory_space<vmem>>, vector<1x16xf32>,
    %swap3A_72 = arith.constant 1 : i32
    %swap3A_73 = arith.index_cast %swap3A_72 : i32 to index
    %swap3A_74 = arith.constant 64 : index
    %swap3A_75 = tpu.vector_load %arg18[%swap3A_73, %swap3A_74] {strides = array<i32>} : memref<8x128xf32, #tpu.memory_space<vmem>>, vector<1x16xf32>,
    %swap3A_76 = vector.shape_cast %swap3A_75 : vector<1x16xf32> to vector<16xf32>
    %swap3A_77 = vector.shape_cast %broadcast_in_dim3A_0 : vector<16xf32> to vector<1x16xf32>
    tpu.vector_store %arg18[%swap3A_73, %swap3A_74], %swap3A_77 {strides = array<i32>} : memref<8x128xf32, #tpu.memory_space<vmem>>, vector<1x16xf32>,
    %swap3A_78 = arith.constant 1 : i32
    %swap3A_79 = arith.index_cast %swap3A_78 : i32 to index
    %swap3A_80 = arith.constant 80 : index
    %swap3A_81 = tpu.vector_load %arg18[%swap3A_79, %swap3A_80] {strides = array<i32>} : memref<8x128xf32, #tpu.memory_space<vmem>>, vector<1x16xf32>,
    %swap3A_82 = vector.shape_cast %swap3A_81 : vector<1x16xf32> to vector<16xf32>
    %swap3A_83 = vector.shape_cast %broadcast_in_dim3A_0 : vector<16xf32> to vector<1x16xf32>
    tpu.vector_store %arg18[%swap3A_79, %swap3A_80], %swap3A_83 {strides = array<i32>} : memref<8x128xf32, #tpu.memory_space<vmem>>, vector<1x16xf32>,
    %swap3A_84 = arith.constant 1 : i32
    %swap3A_85 = arith.index_cast %swap3A_84 : i32 to index
    %swap3A_86 = arith.constant 96 : index
    %swap3A_87 = tpu.vector_load %arg18[%swap3A_85, %swap3A_86] {strides = array<i32>} : memref<8x128xf32, #tpu.memory_space<vmem>>, vector<1x16xf32>,
    %swap3A_88 = vector.shape_cast %swap3A_87 : vector<1x16xf32> to vector<16xf32>
    %swap3A_89 = vector.shape_cast %broadcast_in_dim3A_0 : vector<16xf32> to vector<1x16xf32>
    tpu.vector_store %arg18[%swap3A_85, %swap3A_86], %swap3A_89 {strides = array<i32>} : memref<8x128xf32, #tpu.memory_space<vmem>>, vector<1x16xf32>,
    %swap3A_90 = arith.constant 1 : i32
    %swap3A_91 = arith.index_cast %swap3A_90 : i32 to index
    %swap3A_92 = arith.constant 112 : index
    %swap3A_93 = tpu.vector_load %arg18[%swap3A_91, %swap3A_92] {strides = array<i32>} : memref<8x128xf32, #tpu.memory_space<vmem>>, vector<1x16xf32>,
    %swap3A_94 = vector.shape_cast %swap3A_93 : vector<1x16xf32> to vector<16xf32>
    %swap3A_95 = vector.shape_cast %broadcast_in_dim3A_0 : vector<16xf32> to vector<1x16xf32>
    tpu.vector_store %arg18[%swap3A_91, %swap3A_92], %swap3A_95 {strides = array<i32>} : memref<8x128xf32, #tpu.memory_space<vmem>>, vector<1x16xf32>,
    %swap3A_96 = arith.constant 2 : i32
    %swap3A_97 = arith.index_cast %swap3A_96 : i32 to index
    %swap3A_98 = arith.constant 0 : index
    %swap3A_99 = tpu.vector_load %arg18[%swap3A_97, %swap3A_98] {strides = array<i32>} : memref<8x128xf32, #tpu.memory_space<vmem>>, vector<1x16xf32>,
    %swap3A_100 = vector.shape_cast %swap3A_99 : vector<1x16xf32> to vector<16xf32>
    %swap3A_101 = vector.shape_cast %broadcast_in_dim3A_0 : vector<16xf32> to vector<1x16xf32>
    tpu.vector_store %arg18[%swap3A_97, %swap3A_98], %swap3A_101 {strides = array<i32>} : memref<8x128xf32, #tpu.memory_space<vmem>>, vector<1x16xf32>,
    %swap3A_102 = arith.constant 2 : i32
    %swap3A_103 = arith.index_cast %swap3A_102 : i32 to index
    %swap3A_104 = arith.constant 16 : index
    %swap3A_105 = tpu.vector_load %arg18[%swap3A_103, %swap3A_104] {strides = array<i32>} : memref<8x128xf32, #tpu.memory_space<vmem>>, vector<1x16xf32>,
    %swap3A_106 = vector.shape_cast %swap3A_105 : vector<1x16xf32> to vector<16xf32>
    %swap3A_107 = vector.shape_cast %broadcast_in_dim3A_0 : vector<16xf32> to vector<1x16xf32>
    tpu.vector_store %arg18[%swap3A_103, %swap3A_104], %swap3A_107 {strides = array<i32>} : memref<8x128xf32, #tpu.memory_space<vmem>>, vector<1x16xf32>,
    %swap3A_108 = arith.constant 2 : i32
    %swap3A_109 = arith.index_cast %swap3A_108 : i32 to index
    %swap3A_110 = arith.constant 32 : index
    %swap3A_111 = tpu.vector_load %arg18[%swap3A_109, %swap3A_110] {strides = array<i32>} : memref<8x128xf32, #tpu.memory_space<vmem>>, vector<1x16xf32>,
    %swap3A_112 = vector.shape_cast %swap3A_111 : vector<1x16xf32> to vector<16xf32>
    %swap3A_113 = vector.shape_cast %broadcast_in_dim3A_0 : vector<16xf32> to vector<1x16xf32>
    tpu.vector_store %arg18[%swap3A_109, %swap3A_110], %swap3A_113 {strides = array<i32>} : memref<8x128xf32, #tpu.memory_space<vmem>>, vector<1x16xf32>,
    %swap3A_114 = arith.constant 2 : i32
    %swap3A_115 = arith.index_cast %swap3A_114 : i32 to index
    %swap3A_116 = arith.constant 48 : index
    %swap3A_117 = tpu.vector_load %arg18[%swap3A_115, %swap3A_116] {strides = array<i32>} : memref<8x128xf32, #tpu.memory_space<vmem>>, vector<1x16xf32>,
    %swap3A_118 = vector.shape_cast %swap3A_117 : vector<1x16xf32> to vector<16xf32>
    %swap3A_119 = vector.shape_cast %broadcast_in_dim3A_0 : vector<16xf32> to vector<1x16xf32>
    tpu.vector_store %arg18[%swap3A_115, %swap3A_116], %swap3A_119 {strides = array<i32>} : memref<8x128xf32, #tpu.memory_space<vmem>>, vector<1x16xf32>,
    %swap3A_120 = arith.constant 2 : i32
    %swap3A_121 = arith.index_cast %swap3A_120 : i32 to index
    %swap3A_122 = arith.constant 64 : index
    %swap3A_123 = tpu.vector_load %arg18[%swap3A_121, %swap3A_122] {strides = array<i32>} : memref<8x128xf32, #tpu.memory_space<vmem>>, vector<1x16xf32>,
    %swap3A_124 = vector.shape_cast %swap3A_123 : vector<1x16xf32> to vector<16xf32>
    %swap3A_125 = vector.shape_cast %broadcast_in_dim3A_0 : vector<16xf32> to vector<1x16xf32>
    tpu.vector_store %arg18[%swap3A_121, %swap3A_122], %swap3A_125 {strides = array<i32>} : memref<8x128xf32, #tpu.memory_space<vmem>>, vector<1x16xf32>,
    %swap3A_126 = arith.constant 2 : i32
    %swap3A_127 = arith.index_cast %swap3A_126 : i32 to index
    %swap3A_128 = arith.constant 80 : index
    %swap3A_129 = tpu.vector_load %arg18[%swap3A_127, %swap3A_128] {strides = array<i32>} : memref<8x128xf32, #tpu.memory_space<vmem>>, vector<1x16xf32>,
    %swap3A_130 = vector.shape_cast %swap3A_129 : vector<1x16xf32> to vector<16xf32>
    %swap3A_131 = vector.shape_cast %broadcast_in_dim3A_0 : vector<16xf32> to vector<1x16xf32>
    tpu.vector_store %arg18[%swap3A_127, %swap3A_128], %swap3A_131 {strides = array<i32>} : memref<8x128xf32, #tpu.memory_space<vmem>>, vector<1x16xf32>,
    %swap3A_132 = arith.constant 2 : i32
    %swap3A_133 = arith.index_cast %swap3A_132 : i32 to index
    %swap3A_134 = arith.constant 96 : index
    %swap3A_135 = tpu.vector_load %arg18[%swap3A_133, %swap3A_134] {strides = array<i32>} : memref<8x128xf32, #tpu.memory_space<vmem>>, vector<1x16xf32>,
    %swap3A_136 = vector.shape_cast %swap3A_135 : vector<1x16xf32> to vector<16xf32>
    %swap3A_137 = vector.shape_cast %broadcast_in_dim3A_0 : vector<16xf32> to vector<1x16xf32>
    tpu.vector_store %arg18[%swap3A_133, %swap3A_134], %swap3A_137 {strides = array<i32>} : memref<8x128xf32, #tpu.memory_space<vmem>>, vector<1x16xf32>,
    %swap3A_138 = arith.constant 2 : i32
    %swap3A_139 = arith.index_cast %swap3A_138 : i32 to index
    %swap3A_140 = arith.constant 112 : index
    %swap3A_141 = tpu.vector_load %arg18[%swap3A_139, %swap3A_140] {strides = array<i32>} : memref<8x128xf32, #tpu.memory_space<vmem>>, vector<1x16xf32>,
    %swap3A_142 = vector.shape_cast %swap3A_141 : vector<1x16xf32> to vector<16xf32>
    %swap3A_143 = vector.shape_cast %broadcast_in_dim3A_0 : vector<16xf32> to vector<1x16xf32>
    tpu.vector_store %arg18[%swap3A_139, %swap3A_140], %swap3A_143 {strides = array<i32>} : memref<8x128xf32, #tpu.memory_space<vmem>>, vector<1x16xf32>,
    %swap3A_144 = arith.constant 3 : i32
    %swap3A_145 = arith.index_cast %swap3A_144 : i32 to index
    %swap3A_146 = arith.constant 0 : index
    %swap3A_147 = tpu.vector_load %arg18[%swap3A_145, %swap3A_146] {strides = array<i32>} : memref<8x128xf32, #tpu.memory_space<vmem>>, vector<1x16xf32>,
    %swap3A_148 = vector.shape_cast %swap3A_147 : vector<1x16xf32> to vector<16xf32>
    %swap3A_149 = vector.shape_cast %broadcast_in_dim3A_0 : vector<16xf32> to vector<1x16xf32>
    tpu.vector_store %arg18[%swap3A_145, %swap3A_146], %swap3A_149 {strides = array<i32>} : memref<8x128xf32, #tpu.memory_space<vmem>>, vector<1x16xf32>,
    %swap3A_150 = arith.constant 3 : i32
    %swap3A_151 = arith.index_cast %swap3A_150 : i32 to index
    %swap3A_152 = arith.constant 16 : index
    %swap3A_153 = tpu.vector_load %arg18[%swap3A_151, %swap3A_152] {strides = array<i32>} : memref<8x128xf32, #tpu.memory_space<vmem>>, vector<1x16xf32>,
    %swap3A_154 = vector.shape_cast %swap3A_153 : vector<1x16xf32> to vector<16xf32>
    %swap3A_155 = vector.shape_cast %broadcast_in_dim3A_0 : vector<16xf32> to vector<1x16xf32>
    tpu.vector_store %arg18[%swap3A_151, %swap3A_152], %swap3A_155 {strides = array<i32>} : memref<8x128xf32, #tpu.memory_space<vmem>>, vector<1x16xf32>,
    %swap3A_156 = arith.constant 3 : i32
    %swap3A_157 = arith.index_cast %swap3A_156 : i32 to index
    %swap3A_158 = arith.constant 32 : index
    %swap3A_159 = tpu.vector_load %arg18[%swap3A_157, %swap3A_158] {strides = array<i32>} : memref<8x128xf32, #tpu.memory_space<vmem>>, vector<1x16xf32>,
    %swap3A_160 = vector.shape_cast %swap3A_159 : vector<1x16xf32> to vector<16xf32>
    %swap3A_161 = vector.shape_cast %broadcast_in_dim3A_0 : vector<16xf32> to vector<1x16xf32>
    tpu.vector_store %arg18[%swap3A_157, %swap3A_158], %swap3A_161 {strides = array<i32>} : memref<8x128xf32, #tpu.memory_space<vmem>>, vector<1x16xf32>,
    %swap3A_162 = arith.constant 3 : i32
    %swap3A_163 = arith.index_cast %swap3A_162 : i32 to index
    %swap3A_164 = arith.constant 48 : index
    %swap3A_165 = tpu.vector_load %arg18[%swap3A_163, %swap3A_164] {strides = array<i32>} : memref<8x128xf32, #tpu.memory_space<vmem>>, vector<1x16xf32>,
    %swap3A_166 = vector.shape_cast %swap3A_165 : vector<1x16xf32> to vector<16xf32>
    %swap3A_167 = vector.shape_cast %broadcast_in_dim3A_0 : vector<16xf32> to vector<1x16xf32>
    tpu.vector_store %arg18[%swap3A_163, %swap3A_164], %swap3A_167 {strides = array<i32>} : memref<8x128xf32, #tpu.memory_space<vmem>>, vector<1x16xf32>,
    %swap3A_168 = arith.constant 3 : i32
    %swap3A_169 = arith.index_cast %swap3A_168 : i32 to index
    %swap3A_170 = arith.constant 64 : index
    %swap3A_171 = tpu.vector_load %arg18[%swap3A_169, %swap3A_170] {strides = array<i32>} : memref<8x128xf32, #tpu.memory_space<vmem>>, vector<1x16xf32>,
    %swap3A_172 = vector.shape_cast %swap3A_171 : vector<1x16xf32> to vector<16xf32>
    %swap3A_173 = vector.shape_cast %broadcast_in_dim3A_0 : vector<16xf32> to vector<1x16xf32>
    tpu.vector_store %arg18[%swap3A_169, %swap3A_170], %swap3A_173 {strides = array<i32>} : memref<8x128xf32, #tpu.memory_space<vmem>>, vector<1x16xf32>,
    %swap3A_174 = arith.constant 3 : i32
    %swap3A_175 = arith.index_cast %swap3A_174 : i32 to index
    %swap3A_176 = arith.constant 80 : index
    %swap3A_177 = tpu.vector_load %arg18[%swap3A_175, %swap3A_176] {strides = array<i32>} : memref<8x128xf32, #tpu.memory_space<vmem>>, vector<1x16xf32>,
    %swap3A_178 = vector.shape_cast %swap3A_177 : vector<1x16xf32> to vector<16xf32>
    %swap3A_179 = vector.shape_cast %broadcast_in_dim3A_0 : vector<16xf32> to vector<1x16xf32>
    tpu.vector_store %arg18[%swap3A_175, %swap3A_176], %swap3A_179 {strides = array<i32>} : memref<8x128xf32, #tpu.memory_space<vmem>>, vector<1x16xf32>,
    %swap3A_180 = arith.constant 3 : i32
    %swap3A_181 = arith.index_cast %swap3A_180 : i32 to index
    %swap3A_182 = arith.constant 96 : index
    %swap3A_183 = tpu.vector_load %arg18[%swap3A_181, %swap3A_182] {strides = array<i32>} : memref<8x128xf32, #tpu.memory_space<vmem>>, vector<1x16xf32>,
    %swap3A_184 = vector.shape_cast %swap3A_183 : vector<1x16xf32> to vector<16xf32>
    %swap3A_185 = vector.shape_cast %broadcast_in_dim3A_0 : vector<16xf32> to vector<1x16xf32>
    tpu.vector_store %arg18[%swap3A_181, %swap3A_182], %swap3A_185 {strides = array<i32>} : memref<8x128xf32, #tpu.memory_space<vmem>>, vector<1x16xf32>,
    %swap3A_186 = arith.constant 3 : i32
    %swap3A_187 = arith.index_cast %swap3A_186 : i32 to index
    %swap3A_188 = arith.constant 112 : index
    %swap3A_189 = tpu.vector_load %arg18[%swap3A_187, %swap3A_188] {strides = array<i32>} : memref<8x128xf32, #tpu.memory_space<vmem>>, vector<1x16xf32>,
    %swap3A_190 = vector.shape_cast %swap3A_189 : vector<1x16xf32> to vector<16xf32>
    %swap3A_191 = vector.shape_cast %broadcast_in_dim3A_0 : vector<16xf32> to vector<1x16xf32>
    tpu.vector_store %arg18[%swap3A_187, %swap3A_188], %swap3A_191 {strides = array<i32>} : memref<8x128xf32, #tpu.memory_space<vmem>>, vector<1x16xf32>,
    %swap3A_192 = arith.constant 4 : i32
    %swap3A_193 = arith.index_cast %swap3A_192 : i32 to index
    %swap3A_194 = arith.constant 0 : index
    %swap3A_195 = tpu.vector_load %arg18[%swap3A_193, %swap3A_194] {strides = array<i32>} : memref<8x128xf32, #tpu.memory_space<vmem>>, vector<1x16xf32>,
    %swap3A_196 = vector.shape_cast %swap3A_195 : vector<1x16xf32> to vector<16xf32>
    %swap3A_197 = vector.shape_cast %broadcast_in_dim3A_0 : vector<16xf32> to vector<1x16xf32>
    tpu.vector_store %arg18[%swap3A_193, %swap3A_194], %swap3A_197 {strides = array<i32>} : memref<8x128xf32, #tpu.memory_space<vmem>>, vector<1x16xf32>,
    %swap3A_198 = arith.constant 4 : i32
    %swap3A_199 = arith.index_cast %swap3A_198 : i32 to index
    %swap3A_200 = arith.constant 16 : index
    %swap3A_201 = tpu.vector_load %arg18[%swap3A_199, %swap3A_200] {strides = array<i32>} : memref<8x128xf32, #tpu.memory_space<vmem>>, vector<1x16xf32>,
    %swap3A_202 = vector.shape_cast %swap3A_201 : vector<1x16xf32> to vector<16xf32>
    %swap3A_203 = vector.shape_cast %broadcast_in_dim3A_0 : vector<16xf32> to vector<1x16xf32>
    tpu.vector_store %arg18[%swap3A_199, %swap3A_200], %swap3A_203 {strides = array<i32>} : memref<8x128xf32, #tpu.memory_space<vmem>>, vector<1x16xf32>,
    %swap3A_204 = arith.constant 4 : i32
    %swap3A_205 = arith.index_cast %swap3A_204 : i32 to index
    %swap3A_206 = arith.constant 32 : index
    %swap3A_207 = tpu.vector_load %arg18[%swap3A_205, %swap3A_206] {strides = array<i32>} : memref<8x128xf32, #tpu.memory_space<vmem>>, vector<1x16xf32>,
    %swap3A_208 = vector.shape_cast %swap3A_207 : vector<1x16xf32> to vector<16xf32>
    %swap3A_209 = vector.shape_cast %broadcast_in_dim3A_0 : vector<16xf32> to vector<1x16xf32>
    tpu.vector_store %arg18[%swap3A_205, %swap3A_206], %swap3A_209 {strides = array<i32>} : memref<8x128xf32, #tpu.memory_space<vmem>>, vector<1x16xf32>,
    %swap3A_210 = arith.constant 4 : i32
    %swap3A_211 = arith.index_cast %swap3A_210 : i32 to index
    %swap3A_212 = arith.constant 48 : index
    %swap3A_213 = tpu.vector_load %arg18[%swap3A_211, %swap3A_212] {strides = array<i32>} : memref<8x128xf32, #tpu.memory_space<vmem>>, vector<1x16xf32>,
    %swap3A_214 = vector.shape_cast %swap3A_213 : vector<1x16xf32> to vector<16xf32>
    %swap3A_215 = vector.shape_cast %broadcast_in_dim3A_0 : vector<16xf32> to vector<1x16xf32>
    tpu.vector_store %arg18[%swap3A_211, %swap3A_212], %swap3A_215 {strides = array<i32>} : memref<8x128xf32, #tpu.memory_space<vmem>>, vector<1x16xf32>,
    %swap3A_216 = arith.constant 4 : i32
    %swap3A_217 = arith.index_cast %swap3A_216 : i32 to index
    %swap3A_218 = arith.constant 64 : index
    %swap3A_219 = tpu.vector_load %arg18[%swap3A_217, %swap3A_218] {strides = array<i32>} : memref<8x128xf32, #tpu.memory_space<vmem>>, vector<1x16xf32>,
    %swap3A_220 = vector.shape_cast %swap3A_219 : vector<1x16xf32> to vector<16xf32>
    %swap3A_221 = vector.shape_cast %broadcast_in_dim3A_0 : vector<16xf32> to vector<1x16xf32>
    tpu.vector_store %arg18[%swap3A_217, %swap3A_218], %swap3A_221 {strides = array<i32>} : memref<8x128xf32, #tpu.memory_space<vmem>>, vector<1x16xf32>,
    %swap3A_222 = arith.constant 4 : i32
    %swap3A_223 = arith.index_cast %swap3A_222 : i32 to index
    %swap3A_224 = arith.constant 80 : index
    %swap3A_225 = tpu.vector_load %arg18[%swap3A_223, %swap3A_224] {strides = array<i32>} : memref<8x128xf32, #tpu.memory_space<vmem>>, vector<1x16xf32>,
    %swap3A_226 = vector.shape_cast %swap3A_225 : vector<1x16xf32> to vector<16xf32>
    %swap3A_227 = vector.shape_cast %broadcast_in_dim3A_0 : vector<16xf32> to vector<1x16xf32>
    tpu.vector_store %arg18[%swap3A_223, %swap3A_224], %swap3A_227 {strides = array<i32>} : memref<8x128xf32, #tpu.memory_space<vmem>>, vector<1x16xf32>,
    %swap3A_228 = arith.constant 4 : i32
    %swap3A_229 = arith.index_cast %swap3A_228 : i32 to index
    %swap3A_230 = arith.constant 96 : index
    %swap3A_231 = tpu.vector_load %arg18[%swap3A_229, %swap3A_230] {strides = array<i32>} : memref<8x128xf32, #tpu.memory_space<vmem>>, vector<1x16xf32>,
    %swap3A_232 = vector.shape_cast %swap3A_231 : vector<1x16xf32> to vector<16xf32>
    %swap3A_233 = vector.shape_cast %broadcast_in_dim3A_0 : vector<16xf32> to vector<1x16xf32>
    tpu.vector_store %arg18[%swap3A_229, %swap3A_230], %swap3A_233 {strides = array<i32>} : memref<8x128xf32, #tpu.memory_space<vmem>>, vector<1x16xf32>,
    %swap3A_234 = arith.constant 4 : i32
    %swap3A_235 = arith.index_cast %swap3A_234 : i32 to index
    %swap3A_236 = arith.constant 112 : index
    %swap3A_237 = tpu.vector_load %arg18[%swap3A_235, %swap3A_236] {strides = array<i32>} : memref<8x128xf32, #tpu.memory_space<vmem>>, vector<1x16xf32>,
    %swap3A_238 = vector.shape_cast %swap3A_237 : vector<1x16xf32> to vector<16xf32>
    %swap3A_239 = vector.shape_cast %broadcast_in_dim3A_0 : vector<16xf32> to vector<1x16xf32>
    tpu.vector_store %arg18[%swap3A_235, %swap3A_236], %swap3A_239 {strides = array<i32>} : memref<8x128xf32, #tpu.memory_space<vmem>>, vector<1x16xf32>,
    %swap3A_240 = arith.constant 5 : i32
    %swap3A_241 = arith.index_cast %swap3A_240 : i32 to index
    %swap3A_242 = arith.constant 0 : index
    %swap3A_243 = tpu.vector_load %arg18[%swap3A_241, %swap3A_242] {strides = array<i32>} : memref<8x128xf32, #tpu.memory_space<vmem>>, vector<1x16xf32>,
    %swap3A_244 = vector.shape_cast %swap3A_243 : vector<1x16xf32> to vector<16xf32>
    %swap3A_245 = vector.shape_cast %broadcast_in_dim3A_0 : vector<16xf32> to vector<1x16xf32>
    tpu.vector_store %arg18[%swap3A_241, %swap3A_242], %swap3A_245 {strides = array<i32>} : memref<8x128xf32, #tpu.memory_space<vmem>>, vector<1x16xf32>,
    %swap3A_246 = arith.constant 5 : i32
    %swap3A_247 = arith.index_cast %swap3A_246 : i32 to index
    %swap3A_248 = arith.constant 16 : index
    %swap3A_249 = tpu.vector_load %arg18[%swap3A_247, %swap3A_248] {strides = array<i32>} : memref<8x128xf32, #tpu.memory_space<vmem>>, vector<1x16xf32>,
    %swap3A_250 = vector.shape_cast %swap3A_249 : vector<1x16xf32> to vector<16xf32>
    %swap3A_251 = vector.shape_cast %broadcast_in_dim3A_0 : vector<16xf32> to vector<1x16xf32>
    tpu.vector_store %arg18[%swap3A_247, %swap3A_248], %swap3A_251 {strides = array<i32>} : memref<8x128xf32, #tpu.memory_space<vmem>>, vector<1x16xf32>,
    %swap3A_252 = arith.constant 5 : i32
    %swap3A_253 = arith.index_cast %swap3A_252 : i32 to index
    %swap3A_254 = arith.constant 32 : index
    %swap3A_255 = tpu.vector_load %arg18[%swap3A_253, %swap3A_254] {strides = array<i32>} : memref<8x128xf32, #tpu.memory_space<vmem>>, vector<1x16xf32>,
    %swap3A_256 = vector.shape_cast %swap3A_255 : vector<1x16xf32> to vector<16xf32>
    %swap3A_257 = vector.shape_cast %broadcast_in_dim3A_0 : vector<16xf32> to vector<1x16xf32>
    tpu.vector_store %arg18[%swap3A_253, %swap3A_254], %swap3A_257 {strides = array<i32>} : memref<8x128xf32, #tpu.memory_space<vmem>>, vector<1x16xf32>,
    %swap3A_258 = arith.constant 5 : i32
    %swap3A_259 = arith.index_cast %swap3A_258 : i32 to index
    %swap3A_260 = arith.constant 48 : index
    %swap3A_261 = tpu.vector_load %arg18[%swap3A_259, %swap3A_260] {strides = array<i32>} : memref<8x128xf32, #tpu.memory_space<vmem>>, vector<1x16xf32>,
    %swap3A_262 = vector.shape_cast %swap3A_261 : vector<1x16xf32> to vector<16xf32>
    %swap3A_263 = vector.shape_cast %broadcast_in_dim3A_0 : vector<16xf32> to vector<1x16xf32>
    tpu.vector_store %arg18[%swap3A_259, %swap3A_260], %swap3A_263 {strides = array<i32>} : memref<8x128xf32, #tpu.memory_space<vmem>>, vector<1x16xf32>,
    %swap3A_264 = arith.constant 5 : i32
    %swap3A_265 = arith.index_cast %swap3A_264 : i32 to index
    %swap3A_266 = arith.constant 64 : index
    %swap3A_267 = tpu.vector_load %arg18[%swap3A_265, %swap3A_266] {strides = array<i32>} : memref<8x128xf32, #tpu.memory_space<vmem>>, vector<1x16xf32>,
    %swap3A_268 = vector.shape_cast %swap3A_267 : vector<1x16xf32> to vector<16xf32>
    %swap3A_269 = vector.shape_cast %broadcast_in_dim3A_0 : vector<16xf32> to vector<1x16xf32>
    tpu.vector_store %arg18[%swap3A_265, %swap3A_266], %swap3A_269 {strides = array<i32>} : memref<8x128xf32, #tpu.memory_space<vmem>>, vector<1x16xf32>,
    %swap3A_270 = arith.constant 5 : i32
    %swap3A_271 = arith.index_cast %swap3A_270 : i32 to index
    %swap3A_272 = arith.constant 80 : index
    %swap3A_273 = tpu.vector_load %arg18[%swap3A_271, %swap3A_272] {strides = array<i32>} : memref<8x128xf32, #tpu.memory_space<vmem>>, vector<1x16xf32>,
    %swap3A_274 = vector.shape_cast %swap3A_273 : vector<1x16xf32> to vector<16xf32>
    %swap3A_275 = vector.shape_cast %broadcast_in_dim3A_0 : vector<16xf32> to vector<1x16xf32>
    tpu.vector_store %arg18[%swap3A_271, %swap3A_272], %swap3A_275 {strides = array<i32>} : memref<8x128xf32, #tpu.memory_space<vmem>>, vector<1x16xf32>,
    %swap3A_276 = arith.constant 5 : i32
    %swap3A_277 = arith.index_cast %swap3A_276 : i32 to index
    %swap3A_278 = arith.constant 96 : index
    %swap3A_279 = tpu.vector_load %arg18[%swap3A_277, %swap3A_278] {strides = array<i32>} : memref<8x128xf32, #tpu.memory_space<vmem>>, vector<1x16xf32>,
    %swap3A_280 = vector.shape_cast %swap3A_279 : vector<1x16xf32> to vector<16xf32>
    %swap3A_281 = vector.shape_cast %broadcast_in_dim3A_0 : vector<16xf32> to vector<1x16xf32>
    tpu.vector_store %arg18[%swap3A_277, %swap3A_278], %swap3A_281 {strides = array<i32>} : memref<8x128xf32, #tpu.memory_space<vmem>>, vector<1x16xf32>,
    %swap3A_282 = arith.constant 5 : i32
    %swap3A_283 = arith.index_cast %swap3A_282 : i32 to index
    %swap3A_284 = arith.constant 112 : index
    %swap3A_285 = tpu.vector_load %arg18[%swap3A_283, %swap3A_284] {strides = array<i32>} : memref<8x128xf32, #tpu.memory_space<vmem>>, vector<1x16xf32>,
    %swap3A_286 = vector.shape_cast %swap3A_285 : vector<1x16xf32> to vector<16xf32>
    %swap3A_287 = vector.shape_cast %broadcast_in_dim3A_0 : vector<16xf32> to vector<1x16xf32>
    tpu.vector_store %arg18[%swap3A_283, %swap3A_284], %swap3A_287 {strides = array<i32>} : memref<8x128xf32, #tpu.memory_space<vmem>>, vector<1x16xf32>,
    %swap3A_288 = arith.constant 6 : i32
    %swap3A_289 = arith.index_cast %swap3A_288 : i32 to index
    %swap3A_290 = arith.constant 0 : index
    %swap3A_291 = tpu.vector_load %arg18[%swap3A_289, %swap3A_290] {strides = array<i32>} : memref<8x128xf32, #tpu.memory_space<vmem>>, vector<1x16xf32>,
    %swap3A_292 = vector.shape_cast %swap3A_291 : vector<1x16xf32> to vector<16xf32>
    %swap3A_293 = vector.shape_cast %broadcast_in_dim3A_0 : vector<16xf32> to vector<1x16xf32>
    tpu.vector_store %arg18[%swap3A_289, %swap3A_290], %swap3A_293 {strides = array<i32>} : memref<8x128xf32, #tpu.memory_space<vmem>>, vector<1x16xf32>,
    %swap3A_294 = arith.constant 6 : i32
    %swap3A_295 = arith.index_cast %swap3A_294 : i32 to index
    %swap3A_296 = arith.constant 16 : index
    %swap3A_297 = tpu.vector_load %arg18[%swap3A_295, %swap3A_296] {strides = array<i32>} : memref<8x128xf32, #tpu.memory_space<vmem>>, vector<1x16xf32>,
    %swap3A_298 = vector.shape_cast %swap3A_297 : vector<1x16xf32> to vector<16xf32>
    %swap3A_299 = vector.shape_cast %broadcast_in_dim3A_0 : vector<16xf32> to vector<1x16xf32>
    tpu.vector_store %arg18[%swap3A_295, %swap3A_296], %swap3A_299 {strides = array<i32>} : memref<8x128xf32, #tpu.memory_space<vmem>>, vector<1x16xf32>,
    %swap3A_300 = arith.constant 6 : i32
    %swap3A_301 = arith.index_cast %swap3A_300 : i32 to index
    %swap3A_302 = arith.constant 32 : index
    %swap3A_303 = tpu.vector_load %arg18[%swap3A_301, %swap3A_302] {strides = array<i32>} : memref<8x128xf32, #tpu.memory_space<vmem>>, vector<1x16xf32>,
    %swap3A_304 = vector.shape_cast %swap3A_303 : vector<1x16xf32> to vector<16xf32>
    %swap3A_305 = vector.shape_cast %broadcast_in_dim3A_0 : vector<16xf32> to vector<1x16xf32>
    tpu.vector_store %arg18[%swap3A_301, %swap3A_302], %swap3A_305 {strides = array<i32>} : memref<8x128xf32, #tpu.memory_space<vmem>>, vector<1x16xf32>,
    %swap3A_306 = arith.constant 6 : i32
    %swap3A_307 = arith.index_cast %swap3A_306 : i32 to index
    %swap3A_308 = arith.constant 48 : index
    %swap3A_309 = tpu.vector_load %arg18[%swap3A_307, %swap3A_308] {strides = array<i32>} : memref<8x128xf32, #tpu.memory_space<vmem>>, vector<1x16xf32>,
    %swap3A_310 = vector.shape_cast %swap3A_309 : vector<1x16xf32> to vector<16xf32>
    %swap3A_311 = vector.shape_cast %broadcast_in_dim3A_0 : vector<16xf32> to vector<1x16xf32>
    tpu.vector_store %arg18[%swap3A_307, %swap3A_308], %swap3A_311 {strides = array<i32>} : memref<8x128xf32, #tpu.memory_space<vmem>>, vector<1x16xf32>,
    %swap3A_312 = arith.constant 6 : i32
    %swap3A_313 = arith.index_cast %swap3A_312 : i32 to index
    %swap3A_314 = arith.constant 64 : index
    %swap3A_315 = tpu.vector_load %arg18[%swap3A_313, %swap3A_314] {strides = array<i32>} : memref<8x128xf32, #tpu.memory_space<vmem>>, vector<1x16xf32>,
    %swap3A_316 = vector.shape_cast %swap3A_315 : vector<1x16xf32> to vector<16xf32>
    %swap3A_317 = vector.shape_cast %broadcast_in_dim3A_0 : vector<16xf32> to vector<1x16xf32>
    tpu.vector_store %arg18[%swap3A_313, %swap3A_314], %swap3A_317 {strides = array<i32>} : memref<8x128xf32, #tpu.memory_space<vmem>>, vector<1x16xf32>,
    %swap3A_318 = arith.constant 6 : i32
    %swap3A_319 = arith.index_cast %swap3A_318 : i32 to index
    %swap3A_320 = arith.constant 80 : index
    %swap3A_321 = tpu.vector_load %arg18[%swap3A_319, %swap3A_320] {strides = array<i32>} : memref<8x128xf32, #tpu.memory_space<vmem>>, vector<1x16xf32>,
    %swap3A_322 = vector.shape_cast %swap3A_321 : vector<1x16xf32> to vector<16xf32>
    %swap3A_323 = vector.shape_cast %broadcast_in_dim3A_0 : vector<16xf32> to vector<1x16xf32>
    tpu.vector_store %arg18[%swap3A_319, %swap3A_320], %swap3A_323 {strides = array<i32>} : memref<8x128xf32, #tpu.memory_space<vmem>>, vector<1x16xf32>,
    %swap3A_324 = arith.constant 6 : i32
    %swap3A_325 = arith.index_cast %swap3A_324 : i32 to index
    %swap3A_326 = arith.constant 96 : index
    %swap3A_327 = tpu.vector_load %arg18[%swap3A_325, %swap3A_326] {strides = array<i32>} : memref<8x128xf32, #tpu.memory_space<vmem>>, vector<1x16xf32>,
    %swap3A_328 = vector.shape_cast %swap3A_327 : vector<1x16xf32> to vector<16xf32>
    %swap3A_329 = vector.shape_cast %broadcast_in_dim3A_0 : vector<16xf32> to vector<1x16xf32>
    tpu.vector_store %arg18[%swap3A_325, %swap3A_326], %swap3A_329 {strides = array<i32>} : memref<8x128xf32, #tpu.memory_space<vmem>>, vector<1x16xf32>,
    %swap3A_330 = arith.constant 6 : i32
    %swap3A_331 = arith.index_cast %swap3A_330 : i32 to index
    %swap3A_332 = arith.constant 112 : index
    %swap3A_333 = tpu.vector_load %arg18[%swap3A_331, %swap3A_332] {strides = array<i32>} : memref<8x128xf32, #tpu.memory_space<vmem>>, vector<1x16xf32>,
    %swap3A_334 = vector.shape_cast %swap3A_333 : vector<1x16xf32> to vector<16xf32>
    %swap3A_335 = vector.shape_cast %broadcast_in_dim3A_0 : vector<16xf32> to vector<1x16xf32>
    tpu.vector_store %arg18[%swap3A_331, %swap3A_332], %swap3A_335 {strides = array<i32>} : memref<8x128xf32, #tpu.memory_space<vmem>>, vector<1x16xf32>,
    %swap3A_336 = arith.constant 7 : i32
    %swap3A_337 = arith.index_cast %swap3A_336 : i32 to index
    %swap3A_338 = arith.constant 0 : index
    %swap3A_339 = tpu.vector_load %arg18[%swap3A_337, %swap3A_338] {strides = array<i32>} : memref<8x128xf32, #tpu.memory_space<vmem>>, vector<1x16xf32>,
    %swap3A_340 = vector.shape_cast %swap3A_339 : vector<1x16xf32> to vector<16xf32>
    %swap3A_341 = vector.shape_cast %broadcast_in_dim3A_0 : vector<16xf32> to vector<1x16xf32>
    tpu.vector_store %arg18[%swap3A_337, %swap3A_338], %swap3A_341 {strides = array<i32>} : memref<8x128xf32, #tpu.memory_space<vmem>>, vector<1x16xf32>,
    %swap3A_342 = arith.constant 7 : i32
    %swap3A_343 = arith.index_cast %swap3A_342 : i32 to index
    %swap3A_344 = arith.constant 16 : index
    %swap3A_345 = tpu.vector_load %arg18[%swap3A_343, %swap3A_344] {strides = array<i32>} : memref<8x128xf32, #tpu.memory_space<vmem>>, vector<1x16xf32>,
    %swap3A_346 = vector.shape_cast %swap3A_345 : vector<1x16xf32> to vector<16xf32>
    %swap3A_347 = vector.shape_cast %broadcast_in_dim3A_0 : vector<16xf32> to vector<1x16xf32>
    tpu.vector_store %arg18[%swap3A_343, %swap3A_344], %swap3A_347 {strides = array<i32>} : memref<8x128xf32, #tpu.memory_space<vmem>>, vector<1x16xf32>,
    %swap3A_348 = arith.constant 7 : i32
    %swap3A_349 = arith.index_cast %swap3A_348 : i32 to index
    %swap3A_350 = arith.constant 32 : index
    %swap3A_351 = tpu.vector_load %arg18[%swap3A_349, %swap3A_350] {strides = array<i32>} : memref<8x128xf32, #tpu.memory_space<vmem>>, vector<1x16xf32>,
    %swap3A_352 = vector.shape_cast %swap3A_351 : vector<1x16xf32> to vector<16xf32>
    %swap3A_353 = vector.shape_cast %broadcast_in_dim3A_0 : vector<16xf32> to vector<1x16xf32>
    tpu.vector_store %arg18[%swap3A_349, %swap3A_350], %swap3A_353 {strides = array<i32>} : memref<8x128xf32, #tpu.memory_space<vmem>>, vector<1x16xf32>,
    %swap3A_354 = arith.constant 7 : i32
    %swap3A_355 = arith.index_cast %swap3A_354 : i32 to index
    %swap3A_356 = arith.constant 48 : index
    %swap3A_357 = tpu.vector_load %arg18[%swap3A_355, %swap3A_356] {strides = array<i32>} : memref<8x128xf32, #tpu.memory_space<vmem>>, vector<1x16xf32>,
    %swap3A_358 = vector.shape_cast %swap3A_357 : vector<1x16xf32> to vector<16xf32>
    %swap3A_359 = vector.shape_cast %broadcast_in_dim3A_0 : vector<16xf32> to vector<1x16xf32>
    tpu.vector_store %arg18[%swap3A_355, %swap3A_356], %swap3A_359 {strides = array<i32>} : memref<8x128xf32, #tpu.memory_space<vmem>>, vector<1x16xf32>,
    %swap3A_360 = arith.constant 7 : i32
    %swap3A_361 = arith.index_cast %swap3A_360 : i32 to index
    %swap3A_362 = arith.constant 64 : index
    %swap3A_363 = tpu.vector_load %arg18[%swap3A_361, %swap3A_362] {strides = array<i32>} : memref<8x128xf32, #tpu.memory_space<vmem>>, vector<1x16xf32>,
    %swap3A_364 = vector.shape_cast %swap3A_363 : vector<1x16xf32> to vector<16xf32>
    %swap3A_365 = vector.shape_cast %broadcast_in_dim3A_0 : vector<16xf32> to vector<1x16xf32>
    tpu.vector_store %arg18[%swap3A_361, %swap3A_362], %swap3A_365 {strides = array<i32>} : memref<8x128xf32, #tpu.memory_space<vmem>>, vector<1x16xf32>,
    %swap3A_366 = arith.constant 7 : i32
    %swap3A_367 = arith.index_cast %swap3A_366 : i32 to index
    %swap3A_368 = arith.constant 80 : index
    %swap3A_369 = tpu.vector_load %arg18[%swap3A_367, %swap3A_368] {strides = array<i32>} : memref<8x128xf32, #tpu.memory_space<vmem>>, vector<1x16xf32>,
    %swap3A_370 = vector.shape_cast %swap3A_369 : vector<1x16xf32> to vector<16xf32>
    %swap3A_371 = vector.shape_cast %broadcast_in_dim3A_0 : vector<16xf32> to vector<1x16xf32>
    tpu.vector_store %arg18[%swap3A_367, %swap3A_368], %swap3A_371 {strides = array<i32>} : memref<8x128xf32, #tpu.memory_space<vmem>>, vector<1x16xf32>,
    %swap3A_372 = arith.constant 7 : i32
    %swap3A_373 = arith.index_cast %swap3A_372 : i32 to index
    %swap3A_374 = arith.constant 96 : index
    %swap3A_375 = tpu.vector_load %arg18[%swap3A_373, %swap3A_374] {strides = array<i32>} : memref<8x128xf32, #tpu.memory_space<vmem>>, vector<1x16xf32>,
    %swap3A_376 = vector.shape_cast %swap3A_375 : vector<1x16xf32> to vector<16xf32>
    %swap3A_377 = vector.shape_cast %broadcast_in_dim3A_0 : vector<16xf32> to vector<1x16xf32>
    tpu.vector_store %arg18[%swap3A_373, %swap3A_374], %swap3A_377 {strides = array<i32>} : memref<8x128xf32, #tpu.memory_space<vmem>>, vector<1x16xf32>,
    %swap3A_378 = arith.constant 7 : i32
    %swap3A_379 = arith.index_cast %swap3A_378 : i32 to index
    %swap3A_380 = arith.constant 112 : index
    %swap3A_381 = tpu.vector_load %arg18[%swap3A_379, %swap3A_380] {strides = array<i32>} : memref<8x128xf32, #tpu.memory_space<vmem>>, vector<1x16xf32>,
    %swap3A_382 = vector.shape_cast %swap3A_381 : vector<1x16xf32> to vector<16xf32>
    %swap3A_383 = vector.shape_cast %broadcast_in_dim3A_0 : vector<16xf32> to vector<1x16xf32>
    tpu.vector_store %arg18[%swap3A_379, %swap3A_380], %swap3A_383 {strides = array<i32>} : memref<8x128xf32, #tpu.memory_space<vmem>>, vector<1x16xf32>,
    %mul3A = arith.constant 640 : i32
    %mul3A_384 = arith.muli %arg1, %mul3A : i32
    %mul3A_385 = arith.constant 80 : i32
    %mul3A_386 = arith.muli %arg1, %mul3A_385 : i32
    %scan3A = arith.constant 0 : i32
    %scan3A_387 = arith.constant 0 : i32
    %scan3A_388 = arith.constant 80 : i32
    %scan3A_389 = arith.addi %scan3A_387, %scan3A_388 : i32
    %scan3A_390 = arith.constant 1 : i32
    scf.for %scan3A_411 = %scan3A_387 to %scan3A_389 step %scan3A_390  : i32 {
      %mul3A_412 = arith.constant 8 : i32
      %mul3A_413 = arith.muli %scan3A_411, %mul3A_412 : i32
      %add3A_414 = arith.addi %mul3A_384, %mul3A_413 : i32
      "tpu.region"() ({
        %run_scoped3A = tpu.sem_alloc : memref<!tpu.dma_semaphore, #tpu.memory_space<semaphore_mem>>
        %dma_start3A = arith.constant 0 : i32
        %dma_start3A_415 = tpu.memref_slice %arg9[%add3A_414, %dma_start3A] : memref<10240x128xf32, #tpu.memory_space<vmem_shared>> -> memref<8x128xf32, #tpu.memory_space<vmem_shared>>
        %dma_start3A_416 = arith.constant 0 : i32
        %dma_start3A_417 = tpu.memref_slice %arg9[%add3A_414, %dma_start3A_416] : memref<10240x128xf32, #tpu.memory_space<vmem_shared>> -> memref<8x128xf32, #tpu.memory_space<vmem_shared>>
        tpu.enqueue_dma source(%arg18 : memref<8x128xf32, #tpu.memory_space<vmem>>) target(%dma_start3A_417 : memref<8x128xf32, #tpu.memory_space<vmem_shared>>) target_semaphore(%run_scoped3A : memref<!tpu.dma_semaphore, #tpu.memory_space<semaphore_mem>>)
        %dma_wait3A = arith.constant 0 : i32
        %dma_wait3A_418 = tpu.memref_slice %arg9[%add3A_414, %dma_wait3A] : memref<10240x128xf32, #tpu.memory_space<vmem_shared>> -> memref<8x128xf32, #tpu.memory_space<vmem_shared>>
        %dma_wait3A_419 = arith.constant 0 : i32
        %dma_wait3A_420 = tpu.memref_slice %arg9[%add3A_414, %dma_wait3A_419] : memref<10240x128xf32, #tpu.memory_space<vmem_shared>> -> memref<8x128xf32, #tpu.memory_space<vmem_shared>>
        tpu.wait_dma2 semaphore(%run_scoped3A : memref<!tpu.dma_semaphore, #tpu.memory_space<semaphore_mem>>) src(%arg18 : memref<8x128xf32, #tpu.memory_space<vmem>>) dst(%dma_wait3A_420 : memref<8x128xf32, #tpu.memory_space<vmem_shared>>)
        tpu.yield
      }) : () -> ()
    }
    %scan3A_391 = arith.constant 80 : i32
    %scan3A_392 = arith.constant 0 : i32
    %scan3A_393 = arith.constant 0 : i32
    %scan3A_394 = arith.constant 10 : i32
    %scan3A_395 = arith.addi %scan3A_393, %scan3A_394 : i32
    %scan3A_396 = arith.constant 1 : i32
    scf.for %scan3A_411 = %scan3A_393 to %scan3A_395 step %scan3A_396  : i32 {
      %mul3A_412 = arith.constant 8 : i32
      %mul3A_413 = arith.muli %scan3A_411, %mul3A_412 : i32
      %add3A_414 = arith.addi %mul3A_386, %mul3A_413 : i32
      "tpu.region"() ({
        %run_scoped3A = tpu.sem_alloc : memref<!tpu.dma_semaphore, #tpu.memory_space<semaphore_mem>>
        %dma_start3A = arith.constant 0 : i32
        %dma_start3A_415 = tpu.memref_slice %arg10[%add3A_414, %dma_start3A] : memref<1280x128xf32, #tpu.memory_space<vmem_shared>> -> memref<8x128xf32, #tpu.memory_space<vmem_shared>>
        %dma_start3A_416 = arith.constant 0 : i32
        %dma_start3A_417 = tpu.memref_slice %arg10[%add3A_414, %dma_start3A_416] : memref<1280x128xf32, #tpu.memory_space<vmem_shared>> -> memref<8x128xf32, #tpu.memory_space<vmem_shared>>
        tpu.enqueue_dma source(%arg18 : memref<8x128xf32, #tpu.memory_space<vmem>>) target(%dma_start3A_417 : memref<8x128xf32, #tpu.memory_space<vmem_shared>>) target_semaphore(%run_scoped3A : memref<!tpu.dma_semaphore, #tpu.memory_space<semaphore_mem>>)
        %dma_wait3A = arith.constant 0 : i32
        %dma_wait3A_418 = tpu.memref_slice %arg10[%add3A_414, %dma_wait3A] : memref<1280x128xf32, #tpu.memory_space<vmem_shared>> -> memref<8x128xf32, #tpu.memory_space<vmem_shared>>
        %dma_wait3A_419 = arith.constant 0 : i32
        %dma_wait3A_420 = tpu.memref_slice %arg10[%add3A_414, %dma_wait3A_419] : memref<1280x128xf32, #tpu.memory_space<vmem_shared>> -> memref<8x128xf32, #tpu.memory_space<vmem_shared>>
        tpu.wait_dma2 semaphore(%run_scoped3A : memref<!tpu.dma_semaphore, #tpu.memory_space<semaphore_mem>>) src(%arg18 : memref<8x128xf32, #tpu.memory_space<vmem>>) dst(%dma_wait3A_420 : memref<8x128xf32, #tpu.memory_space<vmem_shared>>)
        tpu.yield
      }) : () -> ()
    }
    %scan3A_397 = arith.constant 10 : i32
    "tpu.region"() ({
      %run_scoped3A = tpu.sem_alloc : memref<!tpu.dma_semaphore, #tpu.memory_space<semaphore_mem>>
      tpu.enqueue_dma source(%arg6 : memref<16xf32, #tpu.memory_space<hbm>>) target(%arg17 : memref<16xf32, #tpu.memory_space<vmem>>) target_semaphore(%run_scoped3A : memref<!tpu.dma_semaphore, #tpu.memory_space<semaphore_mem>>)
      tpu.wait_dma2 semaphore(%run_scoped3A : memref<!tpu.dma_semaphore, #tpu.memory_space<semaphore_mem>>) src(%arg6 : memref<16xf32, #tpu.memory_space<hbm>>) dst(%arg17 : memref<16xf32, #tpu.memory_space<vmem>>)
      tpu.yield
    }) : () -> ()
    %barrier3A = arith.constant 0 : index
    tpu.barrier barrier_id(%barrier3A)
    %mul3A_398 = arith.constant 2 : i32
    %mul3A_399 = arith.muli %arg1, %mul3A_398 : i32
    %add3A = arith.addi %mul3A_399, %arg0 : i32
    %mul3A_400 = arith.constant 10024 : i32
    %mul3A_401 = arith.muli %add3A, %mul3A_400 : i32
    %get3A = arith.constant 0 : index
    %get3A_402 = tpu.vector_load %arg17[%get3A] {strides = array<i32>} : memref<16xf32, #tpu.memory_space<vmem>>, vector<16xf32>,
    %get3A_403 = vector.shape_cast %get3A_402 : vector<16xf32> to vector<16xf32>
    %scan3A_404 = arith.constant 0 : i32
    %scan3A_405 = arith.constant 0 : i32
    %scan3A_406 = arith.constant 179 : i32
    %scan3A_407 = arith.addi %scan3A_405, %scan3A_406 : i32
    %scan3A_408 = arith.constant 1 : i32
    scf.for %scan3A_411 = %scan3A_405 to %scan3A_407 step %scan3A_408  : i32 {
      %mul3A_412 = arith.constant 179 : i32
      %mul3A_413 = arith.muli %add3A, %mul3A_412 : i32
      %add3A_414 = arith.addi %mul3A_413, %scan3A_411 : i32
      "tpu.region"() ({
        %run_scoped3A = tpu.sem_alloc : memref<!tpu.dma_semaphore, #tpu.memory_space<semaphore_mem>>
        %dma_start3A_509 = arith.constant 0 : i32
        %dma_start3A_510 = arith.constant 0 : i32
        %dma_start3A_511 = tpu.memref_slice %arg2[%add3A_414, %dma_start3A_509, %dma_start3A_510] : memref<5728x4x56xi32, #tpu.memory_space<hbm>> -> memref<1x4x56xi32, #tpu.memory_space<hbm>>
        %dma_start3A_512 = tpu.memref_squeeze %dma_start3A_511 : memref<1x4x56xi32, #tpu.memory_space<hbm>> -> memref<4x56xi32, #tpu.memory_space<hbm>>
        %dma_start3A_513 = arith.constant 0 : i32
        %dma_start3A_514 = arith.constant 0 : i32
        %dma_start3A_515 = tpu.memref_slice %arg2[%add3A_414, %dma_start3A_513, %dma_start3A_514] : memref<5728x4x56xi32, #tpu.memory_space<hbm>> -> memref<1x4x56xi32, #tpu.memory_space<hbm>>
        %dma_start3A_516 = tpu.memref_squeeze %dma_start3A_515 : memref<1x4x56xi32, #tpu.memory_space<hbm>> -> memref<4x56xi32, #tpu.memory_space<hbm>>
        tpu.enqueue_dma source(%dma_start3A_516 : memref<4x56xi32, #tpu.memory_space<hbm>>) target(%arg11 : memref<4x56xi32, #tpu.memory_space<vmem>>) target_semaphore(%run_scoped3A : memref<!tpu.dma_semaphore, #tpu.memory_space<semaphore_mem>>)
        %dma_wait3A_517 = arith.constant 0 : i32
        %dma_wait3A_518 = arith.constant 0 : i32
        %dma_wait3A_519 = tpu.memref_slice %arg2[%add3A_414, %dma_wait3A_517, %dma_wait3A_518] : memref<5728x4x56xi32, #tpu.memory_space<hbm>> -> memref<1x4x56xi32, #tpu.memory_space<hbm>>
        %dma_wait3A_520 = tpu.memref_squeeze %dma_wait3A_519 : memref<1x4x56xi32, #tpu.memory_space<hbm>> -> memref<4x56xi32, #tpu.memory_space<hbm>>
        %dma_wait3A_521 = arith.constant 0 : i32
        %dma_wait3A_522 = arith.constant 0 : i32
        %dma_wait3A_523 = tpu.memref_slice %arg2[%add3A_414, %dma_wait3A_521, %dma_wait3A_522] : memref<5728x4x56xi32, #tpu.memory_space<hbm>> -> memref<1x4x56xi32, #tpu.memory_space<hbm>>
        %dma_wait3A_524 = tpu.memref_squeeze %dma_wait3A_523 : memref<1x4x56xi32, #tpu.memory_space<hbm>> -> memref<4x56xi32, #tpu.memory_space<hbm>>
        tpu.wait_dma2 semaphore(%run_scoped3A : memref<!tpu.dma_semaphore, #tpu.memory_space<semaphore_mem>>) src(%dma_wait3A_524 : memref<4x56xi32, #tpu.memory_space<hbm>>) dst(%arg11 : memref<4x56xi32, #tpu.memory_space<vmem>>)
        tpu.yield
      }) : () -> ()
      %dma_start3A = arith.constant 0 : i32
      %dma_start3A_415 = arith.constant 0 : i32
      %dma_start3A_416 = tpu.memref_slice %arg11[%dma_start3A, %dma_start3A_415] : memref<4x56xi32, #tpu.memory_space<vmem>> -> memref<1x56xi32, #tpu.memory_space<vmem>>
      %dma_start3A_417 = tpu.memref_squeeze %dma_start3A_416 : memref<1x56xi32, #tpu.memory_space<vmem>> -> memref<56xi32, #tpu.memory_space<vmem>>
      %dma_start3A_418 = arith.constant 0 : i32
      %dma_start3A_419 = arith.constant 0 : i32
      %dma_start3A_420 = tpu.memref_slice %arg5[%dma_start3A_418, %dma_start3A_419] : memref<10240x128xf32, #tpu.memory_space<hbm>> -> memref<10240x128xf32, #tpu.memory_space<hbm>>
      tpu.enqueue_indirect_dma source(%dma_start3A_420 : memref<10240x128xf32, #tpu.memory_space<hbm>>) target(%arg12 : memref<56x128xf32, #tpu.memory_space<vmem>>) offsets(%dma_start3A_417 : memref<56xi32, #tpu.memory_space<vmem>>) semaphore(%arg19 : memref<!tpu.dma_semaphore, #tpu.memory_space<semaphore_mem>>)
      %dma_start3A_421 = arith.constant 1 : i32
      %dma_start3A_422 = arith.constant 0 : i32
      %dma_start3A_423 = tpu.memref_slice %arg11[%dma_start3A_421, %dma_start3A_422] : memref<4x56xi32, #tpu.memory_space<vmem>> -> memref<1x56xi32, #tpu.memory_space<vmem>>
      %dma_start3A_424 = tpu.memref_squeeze %dma_start3A_423 : memref<1x56xi32, #tpu.memory_space<vmem>> -> memref<56xi32, #tpu.memory_space<vmem>>
      %dma_start3A_425 = arith.constant 0 : i32
      %dma_start3A_426 = arith.constant 0 : i32
      %dma_start3A_427 = tpu.memref_slice %arg5[%dma_start3A_425, %dma_start3A_426] : memref<10240x128xf32, #tpu.memory_space<hbm>> -> memref<10240x128xf32, #tpu.memory_space<hbm>>
      tpu.enqueue_indirect_dma source(%dma_start3A_427 : memref<10240x128xf32, #tpu.memory_space<hbm>>) target(%arg13 : memref<56x128xf32, #tpu.memory_space<vmem>>) offsets(%dma_start3A_424 : memref<56xi32, #tpu.memory_space<vmem>>) semaphore(%arg20 : memref<!tpu.dma_semaphore, #tpu.memory_space<semaphore_mem>>)
      %dma_start3A_428 = arith.constant 3 : i32
      %dma_start3A_429 = arith.constant 0 : i32
      %dma_start3A_430 = tpu.memref_slice %arg11[%dma_start3A_428, %dma_start3A_429] : memref<4x56xi32, #tpu.memory_space<vmem>> -> memref<1x56xi32, #tpu.memory_space<vmem>>
      %dma_start3A_431 = tpu.memref_squeeze %dma_start3A_430 : memref<1x56xi32, #tpu.memory_space<vmem>> -> memref<56xi32, #tpu.memory_space<vmem>>
      %dma_start3A_432 = arith.constant 0 : i32
      %dma_start3A_433 = arith.constant 0 : i32
      %dma_start3A_434 = tpu.memref_slice %arg3[%dma_start3A_432, %dma_start3A_433] : memref<8x128xf32, #tpu.memory_space<hbm>> -> memref<8x128xf32, #tpu.memory_space<hbm>>
      tpu.enqueue_indirect_dma source(%dma_start3A_434 : memref<8x128xf32, #tpu.memory_space<hbm>>) target(%arg14 : memref<56x128xf32, #tpu.memory_space<vmem>>) offsets(%dma_start3A_431 : memref<56xi32, #tpu.memory_space<vmem>>) semaphore(%arg21 : memref<!tpu.dma_semaphore, #tpu.memory_space<semaphore_mem>>)
      %dma_start3A_435 = arith.constant 0 : i32
      %dma_start3A_436 = arith.constant 0 : i32
      %dma_start3A_437 = tpu.memref_slice %arg11[%dma_start3A_435, %dma_start3A_436] : memref<4x56xi32, #tpu.memory_space<vmem>> -> memref<1x56xi32, #tpu.memory_space<vmem>>
      %dma_start3A_438 = tpu.memref_squeeze %dma_start3A_437 : memref<1x56xi32, #tpu.memory_space<vmem>> -> memref<56xi32, #tpu.memory_space<vmem>>
      %dma_start3A_439 = arith.constant 0 : i32
      %dma_start3A_440 = arith.constant 0 : i32
      %dma_start3A_441 = tpu.memref_slice %arg4[%dma_start3A_439, %dma_start3A_440] : memref<10240x128xf32, #tpu.memory_space<hbm>> -> memref<10240x128xf32, #tpu.memory_space<hbm>>
      tpu.enqueue_indirect_dma source(%dma_start3A_441 : memref<10240x128xf32, #tpu.memory_space<hbm>>) target(%arg15 : memref<56x128xf32, #tpu.memory_space<vmem>>) offsets(%dma_start3A_438 : memref<56xi32, #tpu.memory_space<vmem>>) semaphore(%arg22 : memref<!tpu.dma_semaphore, #tpu.memory_space<semaphore_mem>>)
      %dma_wait3A = arith.constant 0 : i32
      %dma_wait3A_442 = arith.constant 0 : i32
      %dma_wait3A_443 = tpu.memref_slice %arg11[%dma_wait3A, %dma_wait3A_442] : memref<4x56xi32, #tpu.memory_space<vmem>> -> memref<1x56xi32, #tpu.memory_space<vmem>>
      %dma_wait3A_444 = tpu.memref_squeeze %dma_wait3A_443 : memref<1x56xi32, #tpu.memory_space<vmem>> -> memref<56xi32, #tpu.memory_space<vmem>>
      %dma_wait3A_445 = arith.constant 0 : i32
      %dma_wait3A_446 = arith.constant 0 : i32
      %dma_wait3A_447 = tpu.memref_slice %arg5[%dma_wait3A_445, %dma_wait3A_446] : memref<10240x128xf32, #tpu.memory_space<hbm>> -> memref<10240x128xf32, #tpu.memory_space<hbm>>
      tpu.wait_indirect_dma semaphore(%arg19 : memref<!tpu.dma_semaphore, #tpu.memory_space<semaphore_mem>>) src(%dma_wait3A_447 : memref<10240x128xf32, #tpu.memory_space<hbm>>) dst(%arg12 : memref<56x128xf32, #tpu.memory_space<vmem>>)
      %dma_wait3A_448 = arith.constant 1 : i32
      %dma_wait3A_449 = arith.constant 0 : i32
      %dma_wait3A_450 = tpu.memref_slice %arg11[%dma_wait3A_448, %dma_wait3A_449] : memref<4x56xi32, #tpu.memory_space<vmem>> -> memref<1x56xi32, #tpu.memory_space<vmem>>
      %dma_wait3A_451 = tpu.memref_squeeze %dma_wait3A_450 : memref<1x56xi32, #tpu.memory_space<vmem>> -> memref<56xi32, #tpu.memory_space<vmem>>
      %dma_wait3A_452 = arith.constant 0 : i32
      %dma_wait3A_453 = arith.constant 0 : i32
      %dma_wait3A_454 = tpu.memref_slice %arg5[%dma_wait3A_452, %dma_wait3A_453] : memref<10240x128xf32, #tpu.memory_space<hbm>> -> memref<10240x128xf32, #tpu.memory_space<hbm>>
      tpu.wait_indirect_dma semaphore(%arg20 : memref<!tpu.dma_semaphore, #tpu.memory_space<semaphore_mem>>) src(%dma_wait3A_454 : memref<10240x128xf32, #tpu.memory_space<hbm>>) dst(%arg13 : memref<56x128xf32, #tpu.memory_space<vmem>>)
      %dma_wait3A_455 = arith.constant 3 : i32
      %dma_wait3A_456 = arith.constant 0 : i32
      %dma_wait3A_457 = tpu.memref_slice %arg11[%dma_wait3A_455, %dma_wait3A_456] : memref<4x56xi32, #tpu.memory_space<vmem>> -> memref<1x56xi32, #tpu.memory_space<vmem>>
      %dma_wait3A_458 = tpu.memref_squeeze %dma_wait3A_457 : memref<1x56xi32, #tpu.memory_space<vmem>> -> memref<56xi32, #tpu.memory_space<vmem>>
      %dma_wait3A_459 = arith.constant 0 : i32
      %dma_wait3A_460 = arith.constant 0 : i32
      %dma_wait3A_461 = tpu.memref_slice %arg3[%dma_wait3A_459, %dma_wait3A_460] : memref<8x128xf32, #tpu.memory_space<hbm>> -> memref<8x128xf32, #tpu.memory_space<hbm>>
      tpu.wait_indirect_dma semaphore(%arg21 : memref<!tpu.dma_semaphore, #tpu.memory_space<semaphore_mem>>) src(%dma_wait3A_461 : memref<8x128xf32, #tpu.memory_space<hbm>>) dst(%arg14 : memref<56x128xf32, #tpu.memory_space<vmem>>)
      %scan3A_462 = arith.constant 0 : i32
      %scan3A_463 = arith.constant 0 : i32
      %scan3A_464 = arith.constant 56 : i32
      %scan3A_465 = arith.addi %scan3A_463, %scan3A_464 : i32
      %scan3A_466 = arith.constant 2 : i32
      scf.for %scan3A_509 = %scan3A_463 to %scan3A_465 step %scan3A_466  : i32 {
        %get3A_510 = arith.index_cast %scan3A_509 : i32 to index
        %get3A_511 = arith.constant 0 : index
        %get3A_512 = tpu.vector_load %arg12[%get3A_510, %get3A_511] {strides = array<i32>} : memref<56x128xf32, #tpu.memory_space<vmem>>, vector<1x16xf32>,
        %get3A_513 = vector.shape_cast %get3A_512 : vector<1x16xf32> to vector<16xf32>
        %get3A_514 = arith.index_cast %scan3A_509 : i32 to index
        %get3A_515 = arith.constant 16 : index
        %get3A_516 = tpu.vector_load %arg13[%get3A_514, %get3A_515] {strides = array<i32>} : memref<56x128xf32, #tpu.memory_space<vmem>>, vector<1x16xf32>,
        %get3A_517 = vector.shape_cast %get3A_516 : vector<1x16xf32> to vector<16xf32>
        %add3A_518 = arith.addf %get3A_513, %get3A_517 : vector<16xf32>
        %mul3A_519 = arith.constant 2.000000e-01 : f32
        %mul3A_520 = vector.broadcast %mul3A_519 : f32 to vector<16xf32>
        %mul3A_521 = arith.mulf %mul3A_520, %add3A_518 : vector<16xf32>
        %max3A = arith.maximumf %add3A_518, %mul3A_521 : vector<16xf32>
        %add3A_522 = arith.addf %get3A_403, %get3A_517 : vector<16xf32>
        %mul3A_523 = arith.constant 2.000000e-01 : f32
        %mul3A_524 = vector.broadcast %mul3A_523 : f32 to vector<16xf32>
        %mul3A_525 = arith.mulf %mul3A_524, %add3A_522 : vector<16xf32>
        %max3A_526 = arith.maximumf %add3A_522, %mul3A_525 : vector<16xf32>
        %sub3A = arith.subf %max3A, %max3A_526 : vector<16xf32>
        %exp3A = math.exp %sub3A : vector<16xf32>
        %swap3A_527 = arith.index_cast %scan3A_509 : i32 to index
        %swap3A_528 = arith.constant 0 : index
        %swap3A_529 = tpu.vector_load %arg16[%swap3A_527, %swap3A_528] {strides = array<i32>} : memref<56x16xf32, #tpu.memory_space<vmem>>, vector<1x16xf32>,
        %swap3A_530 = vector.shape_cast %swap3A_529 : vector<1x16xf32> to vector<16xf32>
        %swap3A_531 = vector.shape_cast %exp3A : vector<16xf32> to vector<1x16xf32>
        tpu.vector_store %arg16[%swap3A_527, %swap3A_528], %swap3A_531 {strides = array<i32>} : memref<56x16xf32, #tpu.memory_space<vmem>>, vector<1x16xf32>,
        %get3A_532 = arith.index_cast %scan3A_509 : i32 to index
        %get3A_533 = arith.constant 0 : index
        %get3A_534 = tpu.vector_load %arg14[%get3A_532, %get3A_533] {strides = array<i32>} : memref<56x128xf32, #tpu.memory_space<vmem>>, vector<1x16xf32>,
        %get3A_535 = vector.shape_cast %get3A_534 : vector<1x16xf32> to vector<16xf32>
        %mul3A_536 = arith.mulf %get3A_535, %exp3A : vector<16xf32>
        %swap3A_537 = arith.index_cast %scan3A_509 : i32 to index
        %swap3A_538 = arith.constant 0 : index
        %swap3A_539 = tpu.vector_load %arg14[%swap3A_537, %swap3A_538] {strides = array<i32>} : memref<56x128xf32, #tpu.memory_space<vmem>>, vector<1x16xf32>,
        %swap3A_540 = vector.shape_cast %swap3A_539 : vector<1x16xf32> to vector<16xf32>
        %swap3A_541 = vector.shape_cast %mul3A_536 : vector<16xf32> to vector<1x16xf32>
        tpu.vector_store %arg14[%swap3A_537, %swap3A_538], %swap3A_541 {strides = array<i32>} : memref<56x128xf32, #tpu.memory_space<vmem>>, vector<1x16xf32>,
        %get3A_542 = arith.index_cast %scan3A_509 : i32 to index
        %get3A_543 = arith.constant 16 : index
        %get3A_544 = tpu.vector_load %arg14[%get3A_542, %get3A_543] {strides = array<i32>} : memref<56x128xf32, #tpu.memory_space<vmem>>, vector<1x16xf32>,
        %get3A_545 = vector.shape_cast %get3A_544 : vector<1x16xf32> to vector<16xf32>
        %mul3A_546 = arith.mulf %get3A_545, %exp3A : vector<16xf32>
        %swap3A_547 = arith.index_cast %scan3A_509 : i32 to index
        %swap3A_548 = arith.constant 16 : index
        %swap3A_549 = tpu.vector_load %arg14[%swap3A_547, %swap3A_548] {strides = array<i32>} : memref<56x128xf32, #tpu.memory_space<vmem>>, vector<1x16xf32>,
        %swap3A_550 = vector.shape_cast %swap3A_549 : vector<1x16xf32> to vector<16xf32>
        %swap3A_551 = vector.shape_cast %mul3A_546 : vector<16xf32> to vector<1x16xf32>
        tpu.vector_store %arg14[%swap3A_547, %swap3A_548], %swap3A_551 {strides = array<i32>} : memref<56x128xf32, #tpu.memory_space<vmem>>, vector<1x16xf32>,
        %get3A_552 = arith.index_cast %scan3A_509 : i32 to index
        %get3A_553 = arith.constant 32 : index
        %get3A_554 = tpu.vector_load %arg14[%get3A_552, %get3A_553] {strides = array<i32>} : memref<56x128xf32, #tpu.memory_space<vmem>>, vector<1x16xf32>,
        %get3A_555 = vector.shape_cast %get3A_554 : vector<1x16xf32> to vector<16xf32>
        %mul3A_556 = arith.mulf %get3A_555, %exp3A : vector<16xf32>
        %swap3A_557 = arith.index_cast %scan3A_509 : i32 to index
        %swap3A_558 = arith.constant 32 : index
        %swap3A_559 = tpu.vector_load %arg14[%swap3A_557, %swap3A_558] {strides = array<i32>} : memref<56x128xf32, #tpu.memory_space<vmem>>, vector<1x16xf32>,
        %swap3A_560 = vector.shape_cast %swap3A_559 : vector<1x16xf32> to vector<16xf32>
        %swap3A_561 = vector.shape_cast %mul3A_556 : vector<16xf32> to vector<1x16xf32>
        tpu.vector_store %arg14[%swap3A_557, %swap3A_558], %swap3A_561 {strides = array<i32>} : memref<56x128xf32, #tpu.memory_space<vmem>>, vector<1x16xf32>,
        %get3A_562 = arith.index_cast %scan3A_509 : i32 to index
        %get3A_563 = arith.constant 48 : index
        %get3A_564 = tpu.vector_load %arg14[%get3A_562, %get3A_563] {strides = array<i32>} : memref<56x128xf32, #tpu.memory_space<vmem>>, vector<1x16xf32>,
        %get3A_565 = vector.shape_cast %get3A_564 : vector<1x16xf32> to vector<16xf32>
        %mul3A_566 = arith.mulf %get3A_565, %exp3A : vector<16xf32>
        %swap3A_567 = arith.index_cast %scan3A_509 : i32 to index
        %swap3A_568 = arith.constant 48 : index
        %swap3A_569 = tpu.vector_load %arg14[%swap3A_567, %swap3A_568] {strides = array<i32>} : memref<56x128xf32, #tpu.memory_space<vmem>>, vector<1x16xf32>,
        %swap3A_570 = vector.shape_cast %swap3A_569 : vector<1x16xf32> to vector<16xf32>
        %swap3A_571 = vector.shape_cast %mul3A_566 : vector<16xf32> to vector<1x16xf32>
        tpu.vector_store %arg14[%swap3A_567, %swap3A_568], %swap3A_571 {strides = array<i32>} : memref<56x128xf32, #tpu.memory_space<vmem>>, vector<1x16xf32>,
        %get3A_572 = arith.index_cast %scan3A_509 : i32 to index
        %get3A_573 = arith.constant 64 : index
        %get3A_574 = tpu.vector_load %arg14[%get3A_572, %get3A_573] {strides = array<i32>} : memref<56x128xf32, #tpu.memory_space<vmem>>, vector<1x16xf32>,
        %get3A_575 = vector.shape_cast %get3A_574 : vector<1x16xf32> to vector<16xf32>
        %mul3A_576 = arith.mulf %get3A_575, %exp3A : vector<16xf32>
        %swap3A_577 = arith.index_cast %scan3A_509 : i32 to index
        %swap3A_578 = arith.constant 64 : index
        %swap3A_579 = tpu.vector_load %arg14[%swap3A_577, %swap3A_578] {strides = array<i32>} : memref<56x128xf32, #tpu.memory_space<vmem>>, vector<1x16xf32>,
        %swap3A_580 = vector.shape_cast %swap3A_579 : vector<1x16xf32> to vector<16xf32>
        %swap3A_581 = vector.shape_cast %mul3A_576 : vector<16xf32> to vector<1x16xf32>
        tpu.vector_store %arg14[%swap3A_577, %swap3A_578], %swap3A_581 {strides = array<i32>} : memref<56x128xf32, #tpu.memory_space<vmem>>, vector<1x16xf32>,
        %get3A_582 = arith.index_cast %scan3A_509 : i32 to index
        %get3A_583 = arith.constant 80 : index
        %get3A_584 = tpu.vector_load %arg14[%get3A_582, %get3A_583] {strides = array<i32>} : memref<56x128xf32, #tpu.memory_space<vmem>>, vector<1x16xf32>,
        %get3A_585 = vector.shape_cast %get3A_584 : vector<1x16xf32> to vector<16xf32>
        %mul3A_586 = arith.mulf %get3A_585, %exp3A : vector<16xf32>
        %swap3A_587 = arith.index_cast %scan3A_509 : i32 to index
        %swap3A_588 = arith.constant 80 : index
        %swap3A_589 = tpu.vector_load %arg14[%swap3A_587, %swap3A_588] {strides = array<i32>} : memref<56x128xf32, #tpu.memory_space<vmem>>, vector<1x16xf32>,
        %swap3A_590 = vector.shape_cast %swap3A_589 : vector<1x16xf32> to vector<16xf32>
        %swap3A_591 = vector.shape_cast %mul3A_586 : vector<16xf32> to vector<1x16xf32>
        tpu.vector_store %arg14[%swap3A_587, %swap3A_588], %swap3A_591 {strides = array<i32>} : memref<56x128xf32, #tpu.memory_space<vmem>>, vector<1x16xf32>,
        %get3A_592 = arith.index_cast %scan3A_509 : i32 to index
        %get3A_593 = arith.constant 96 : index
        %get3A_594 = tpu.vector_load %arg14[%get3A_592, %get3A_593] {strides = array<i32>} : memref<56x128xf32, #tpu.memory_space<vmem>>, vector<1x16xf32>,
        %get3A_595 = vector.shape_cast %get3A_594 : vector<1x16xf32> to vector<16xf32>
        %mul3A_596 = arith.mulf %get3A_595, %exp3A : vector<16xf32>
        %swap3A_597 = arith.index_cast %scan3A_509 : i32 to index
        %swap3A_598 = arith.constant 96 : index
        %swap3A_599 = tpu.vector_load %arg14[%swap3A_597, %swap3A_598] {strides = array<i32>} : memref<56x128xf32, #tpu.memory_space<vmem>>, vector<1x16xf32>,
        %swap3A_600 = vector.shape_cast %swap3A_599 : vector<1x16xf32> to vector<16xf32>
        %swap3A_601 = vector.shape_cast %mul3A_596 : vector<16xf32> to vector<1x16xf32>
        tpu.vector_store %arg14[%swap3A_597, %swap3A_598], %swap3A_601 {strides = array<i32>} : memref<56x128xf32, #tpu.memory_space<vmem>>, vector<1x16xf32>,
        %get3A_602 = arith.index_cast %scan3A_509 : i32 to index
        %get3A_603 = arith.constant 112 : index
        %get3A_604 = tpu.vector_load %arg14[%get3A_602, %get3A_603] {strides = array<i32>} : memref<56x128xf32, #tpu.memory_space<vmem>>, vector<1x16xf32>,
        %get3A_605 = vector.shape_cast %get3A_604 : vector<1x16xf32> to vector<16xf32>
        %mul3A_606 = arith.mulf %get3A_605, %exp3A : vector<16xf32>
        %swap3A_607 = arith.index_cast %scan3A_509 : i32 to index
        %swap3A_608 = arith.constant 112 : index
        %swap3A_609 = tpu.vector_load %arg14[%swap3A_607, %swap3A_608] {strides = array<i32>} : memref<56x128xf32, #tpu.memory_space<vmem>>, vector<1x16xf32>,
        %swap3A_610 = vector.shape_cast %swap3A_609 : vector<1x16xf32> to vector<16xf32>
        %swap3A_611 = vector.shape_cast %mul3A_606 : vector<16xf32> to vector<1x16xf32>
        tpu.vector_store %arg14[%swap3A_607, %swap3A_608], %swap3A_611 {strides = array<i32>} : memref<56x128xf32, #tpu.memory_space<vmem>>, vector<1x16xf32>,
        %scan3A_612 = arith.constant 1 : i32
        %scan3A_613 = arith.addi %scan3A_509, %scan3A_612 : i32
        %get3A_614 = arith.index_cast %scan3A_613 : i32 to index
        %get3A_615 = arith.constant 0 : index
        %get3A_616 = tpu.vector_load %arg12[%get3A_614, %get3A_615] {strides = array<i32>} : memref<56x128xf32, #tpu.memory_space<vmem>>, vector<1x16xf32>,
        %get3A_617 = vector.shape_cast %get3A_616 : vector<1x16xf32> to vector<16xf32>
        %get3A_618 = arith.index_cast %scan3A_613 : i32 to index
        %get3A_619 = arith.constant 16 : index
        %get3A_620 = tpu.vector_load %arg13[%get3A_618, %get3A_619] {strides = array<i32>} : memref<56x128xf32, #tpu.memory_space<vmem>>, vector<1x16xf32>,
        %get3A_621 = vector.shape_cast %get3A_620 : vector<1x16xf32> to vector<16xf32>
        %add3A_622 = arith.addf %get3A_617, %get3A_621 : vector<16xf32>
        %mul3A_623 = arith.constant 2.000000e-01 : f32
        %mul3A_624 = vector.broadcast %mul3A_623 : f32 to vector<16xf32>
        %mul3A_625 = arith.mulf %mul3A_624, %add3A_622 : vector<16xf32>
        %max3A_626 = arith.maximumf %add3A_622, %mul3A_625 : vector<16xf32>
        %add3A_627 = arith.addf %get3A_403, %get3A_621 : vector<16xf32>
        %mul3A_628 = arith.constant 2.000000e-01 : f32
        %mul3A_629 = vector.broadcast %mul3A_628 : f32 to vector<16xf32>
        %mul3A_630 = arith.mulf %mul3A_629, %add3A_627 : vector<16xf32>
        %max3A_631 = arith.maximumf %add3A_627, %mul3A_630 : vector<16xf32>
        %sub3A_632 = arith.subf %max3A_626, %max3A_631 : vector<16xf32>
        %exp3A_633 = math.exp %sub3A_632 : vector<16xf32>
        %swap3A_634 = arith.index_cast %scan3A_613 : i32 to index
        %swap3A_635 = arith.constant 0 : index
        %swap3A_636 = tpu.vector_load %arg16[%swap3A_634, %swap3A_635] {strides = array<i32>} : memref<56x16xf32, #tpu.memory_space<vmem>>, vector<1x16xf32>,
        %swap3A_637 = vector.shape_cast %swap3A_636 : vector<1x16xf32> to vector<16xf32>
        %swap3A_638 = vector.shape_cast %exp3A_633 : vector<16xf32> to vector<1x16xf32>
        tpu.vector_store %arg16[%swap3A_634, %swap3A_635], %swap3A_638 {strides = array<i32>} : memref<56x16xf32, #tpu.memory_space<vmem>>, vector<1x16xf32>,
        %get3A_639 = arith.index_cast %scan3A_613 : i32 to index
        %get3A_640 = arith.constant 0 : index
        %get3A_641 = tpu.vector_load %arg14[%get3A_639, %get3A_640] {strides = array<i32>} : memref<56x128xf32, #tpu.memory_space<vmem>>, vector<1x16xf32>,
        %get3A_642 = vector.shape_cast %get3A_641 : vector<1x16xf32> to vector<16xf32>
        %mul3A_643 = arith.mulf %get3A_642, %exp3A_633 : vector<16xf32>
        %swap3A_644 = arith.index_cast %scan3A_613 : i32 to index
        %swap3A_645 = arith.constant 0 : index
        %swap3A_646 = tpu.vector_load %arg14[%swap3A_644, %swap3A_645] {strides = array<i32>} : memref<56x128xf32, #tpu.memory_space<vmem>>, vector<1x16xf32>,
        %swap3A_647 = vector.shape_cast %swap3A_646 : vector<1x16xf32> to vector<16xf32>
        %swap3A_648 = vector.shape_cast %mul3A_643 : vector<16xf32> to vector<1x16xf32>
        tpu.vector_store %arg14[%swap3A_644, %swap3A_645], %swap3A_648 {strides = array<i32>} : memref<56x128xf32, #tpu.memory_space<vmem>>, vector<1x16xf32>,
        %get3A_649 = arith.index_cast %scan3A_613 : i32 to index
        %get3A_650 = arith.constant 16 : index
        %get3A_651 = tpu.vector_load %arg14[%get3A_649, %get3A_650] {strides = array<i32>} : memref<56x128xf32, #tpu.memory_space<vmem>>, vector<1x16xf32>,
        %get3A_652 = vector.shape_cast %get3A_651 : vector<1x16xf32> to vector<16xf32>
        %mul3A_653 = arith.mulf %get3A_652, %exp3A_633 : vector<16xf32>
        %swap3A_654 = arith.index_cast %scan3A_613 : i32 to index
        %swap3A_655 = arith.constant 16 : index
        %swap3A_656 = tpu.vector_load %arg14[%swap3A_654, %swap3A_655] {strides = array<i32>} : memref<56x128xf32, #tpu.memory_space<vmem>>, vector<1x16xf32>,
        %swap3A_657 = vector.shape_cast %swap3A_656 : vector<1x16xf32> to vector<16xf32>
        %swap3A_658 = vector.shape_cast %mul3A_653 : vector<16xf32> to vector<1x16xf32>
        tpu.vector_store %arg14[%swap3A_654, %swap3A_655], %swap3A_658 {strides = array<i32>} : memref<56x128xf32, #tpu.memory_space<vmem>>, vector<1x16xf32>,
        %get3A_659 = arith.index_cast %scan3A_613 : i32 to index
        %get3A_660 = arith.constant 32 : index
        %get3A_661 = tpu.vector_load %arg14[%get3A_659, %get3A_660] {strides = array<i32>} : memref<56x128xf32, #tpu.memory_space<vmem>>, vector<1x16xf32>,
        %get3A_662 = vector.shape_cast %get3A_661 : vector<1x16xf32> to vector<16xf32>
        %mul3A_663 = arith.mulf %get3A_662, %exp3A_633 : vector<16xf32>
        %swap3A_664 = arith.index_cast %scan3A_613 : i32 to index
        %swap3A_665 = arith.constant 32 : index
        %swap3A_666 = tpu.vector_load %arg14[%swap3A_664, %swap3A_665] {strides = array<i32>} : memref<56x128xf32, #tpu.memory_space<vmem>>, vector<1x16xf32>,
        %swap3A_667 = vector.shape_cast %swap3A_666 : vector<1x16xf32> to vector<16xf32>
        %swap3A_668 = vector.shape_cast %mul3A_663 : vector<16xf32> to vector<1x16xf32>
        tpu.vector_store %arg14[%swap3A_664, %swap3A_665], %swap3A_668 {strides = array<i32>} : memref<56x128xf32, #tpu.memory_space<vmem>>, vector<1x16xf32>,
        %get3A_669 = arith.index_cast %scan3A_613 : i32 to index
        %get3A_670 = arith.constant 48 : index
        %get3A_671 = tpu.vector_load %arg14[%get3A_669, %get3A_670] {strides = array<i32>} : memref<56x128xf32, #tpu.memory_space<vmem>>, vector<1x16xf32>,
        %get3A_672 = vector.shape_cast %get3A_671 : vector<1x16xf32> to vector<16xf32>
        %mul3A_673 = arith.mulf %get3A_672, %exp3A_633 : vector<16xf32>
        %swap3A_674 = arith.index_cast %scan3A_613 : i32 to index
        %swap3A_675 = arith.constant 48 : index
        %swap3A_676 = tpu.vector_load %arg14[%swap3A_674, %swap3A_675] {strides = array<i32>} : memref<56x128xf32, #tpu.memory_space<vmem>>, vector<1x16xf32>,
        %swap3A_677 = vector.shape_cast %swap3A_676 : vector<1x16xf32> to vector<16xf32>
        %swap3A_678 = vector.shape_cast %mul3A_673 : vector<16xf32> to vector<1x16xf32>
        tpu.vector_store %arg14[%swap3A_674, %swap3A_675], %swap3A_678 {strides = array<i32>} : memref<56x128xf32, #tpu.memory_space<vmem>>, vector<1x16xf32>,
        %get3A_679 = arith.index_cast %scan3A_613 : i32 to index
        %get3A_680 = arith.constant 64 : index
        %get3A_681 = tpu.vector_load %arg14[%get3A_679, %get3A_680] {strides = array<i32>} : memref<56x128xf32, #tpu.memory_space<vmem>>, vector<1x16xf32>,
        %get3A_682 = vector.shape_cast %get3A_681 : vector<1x16xf32> to vector<16xf32>
        %mul3A_683 = arith.mulf %get3A_682, %exp3A_633 : vector<16xf32>
        %swap3A_684 = arith.index_cast %scan3A_613 : i32 to index
        %swap3A_685 = arith.constant 64 : index
        %swap3A_686 = tpu.vector_load %arg14[%swap3A_684, %swap3A_685] {strides = array<i32>} : memref<56x128xf32, #tpu.memory_space<vmem>>, vector<1x16xf32>,
        %swap3A_687 = vector.shape_cast %swap3A_686 : vector<1x16xf32> to vector<16xf32>
        %swap3A_688 = vector.shape_cast %mul3A_683 : vector<16xf32> to vector<1x16xf32>
        tpu.vector_store %arg14[%swap3A_684, %swap3A_685], %swap3A_688 {strides = array<i32>} : memref<56x128xf32, #tpu.memory_space<vmem>>, vector<1x16xf32>,
        %get3A_689 = arith.index_cast %scan3A_613 : i32 to index
        %get3A_690 = arith.constant 80 : index
        %get3A_691 = tpu.vector_load %arg14[%get3A_689, %get3A_690] {strides = array<i32>} : memref<56x128xf32, #tpu.memory_space<vmem>>, vector<1x16xf32>,
        %get3A_692 = vector.shape_cast %get3A_691 : vector<1x16xf32> to vector<16xf32>
        %mul3A_693 = arith.mulf %get3A_692, %exp3A_633 : vector<16xf32>
        %swap3A_694 = arith.index_cast %scan3A_613 : i32 to index
        %swap3A_695 = arith.constant 80 : index
        %swap3A_696 = tpu.vector_load %arg14[%swap3A_694, %swap3A_695] {strides = array<i32>} : memref<56x128xf32, #tpu.memory_space<vmem>>, vector<1x16xf32>,
        %swap3A_697 = vector.shape_cast %swap3A_696 : vector<1x16xf32> to vector<16xf32>
        %swap3A_698 = vector.shape_cast %mul3A_693 : vector<16xf32> to vector<1x16xf32>
        tpu.vector_store %arg14[%swap3A_694, %swap3A_695], %swap3A_698 {strides = array<i32>} : memref<56x128xf32, #tpu.memory_space<vmem>>, vector<1x16xf32>,
        %get3A_699 = arith.index_cast %scan3A_613 : i32 to index
        %get3A_700 = arith.constant 96 : index
        %get3A_701 = tpu.vector_load %arg14[%get3A_699, %get3A_700] {strides = array<i32>} : memref<56x128xf32, #tpu.memory_space<vmem>>, vector<1x16xf32>,
        %get3A_702 = vector.shape_cast %get3A_701 : vector<1x16xf32> to vector<16xf32>
        %mul3A_703 = arith.mulf %get3A_702, %exp3A_633 : vector<16xf32>
        %swap3A_704 = arith.index_cast %scan3A_613 : i32 to index
        %swap3A_705 = arith.constant 96 : index
        %swap3A_706 = tpu.vector_load %arg14[%swap3A_704, %swap3A_705] {strides = array<i32>} : memref<56x128xf32, #tpu.memory_space<vmem>>, vector<1x16xf32>,
        %swap3A_707 = vector.shape_cast %swap3A_706 : vector<1x16xf32> to vector<16xf32>
        %swap3A_708 = vector.shape_cast %mul3A_703 : vector<16xf32> to vector<1x16xf32>
        tpu.vector_store %arg14[%swap3A_704, %swap3A_705], %swap3A_708 {strides = array<i32>} : memref<56x128xf32, #tpu.memory_space<vmem>>, vector<1x16xf32>,
        %get3A_709 = arith.index_cast %scan3A_613 : i32 to index
        %get3A_710 = arith.constant 112 : index
        %get3A_711 = tpu.vector_load %arg14[%get3A_709, %get3A_710] {strides = array<i32>} : memref<56x128xf32, #tpu.memory_space<vmem>>, vector<1x16xf32>,
        %get3A_712 = vector.shape_cast %get3A_711 : vector<1x16xf32> to vector<16xf32>
        %mul3A_713 = arith.mulf %get3A_712, %exp3A_633 : vector<16xf32>
        %swap3A_714 = arith.index_cast %scan3A_613 : i32 to index
        %swap3A_715 = arith.constant 112 : index
        %swap3A_716 = tpu.vector_load %arg14[%swap3A_714, %swap3A_715] {strides = array<i32>} : memref<56x128xf32, #tpu.memory_space<vmem>>, vector<1x16xf32>,
        %swap3A_717 = vector.shape_cast %swap3A_716 : vector<1x16xf32> to vector<16xf32>
        %swap3A_718 = vector.shape_cast %mul3A_713 : vector<16xf32> to vector<1x16xf32>
        tpu.vector_store %arg14[%swap3A_714, %swap3A_715], %swap3A_718 {strides = array<i32>} : memref<56x128xf32, #tpu.memory_space<vmem>>, vector<1x16xf32>,
      }
      %scan3A_467 = arith.constant 56 : i32
      %dma_start3A_468 = arith.constant 2 : i32
      %dma_start3A_469 = arith.constant 0 : i32
      %dma_start3A_470 = tpu.memref_slice %arg11[%dma_start3A_468, %dma_start3A_469] : memref<4x56xi32, #tpu.memory_space<vmem>> -> memref<1x56xi32, #tpu.memory_space<vmem>>
      %dma_start3A_471 = tpu.memref_squeeze %dma_start3A_470 : memref<1x56xi32, #tpu.memory_space<vmem>> -> memref<56xi32, #tpu.memory_space<vmem>>
      %dma_start3A_472 = arith.constant 0 : i32
      %dma_start3A_473 = arith.constant 0 : i32
      %dma_start3A_474 = tpu.memref_slice %arg10[%dma_start3A_472, %dma_start3A_473] : memref<1280x128xf32, #tpu.memory_space<vmem_shared>> -> memref<1280x128xf32, #tpu.memory_space<vmem_shared>>
      tpu.enqueue_indirect_dma source(%arg14 : memref<56x128xf32, #tpu.memory_space<vmem>>) target(%dma_start3A_474 : memref<1280x128xf32, #tpu.memory_space<vmem_shared>>) offsets(%dma_start3A_471 : memref<56xi32, #tpu.memory_space<vmem>>) semaphore(%arg21 : memref<!tpu.dma_semaphore, #tpu.memory_space<semaphore_mem>>) {add = true}
      %dma_wait3A_475 = arith.constant 0 : i32
      %dma_wait3A_476 = arith.constant 0 : i32
      %dma_wait3A_477 = tpu.memref_slice %arg11[%dma_wait3A_475, %dma_wait3A_476] : memref<4x56xi32, #tpu.memory_space<vmem>> -> memref<1x56xi32, #tpu.memory_space<vmem>>
      %dma_wait3A_478 = tpu.memref_squeeze %dma_wait3A_477 : memref<1x56xi32, #tpu.memory_space<vmem>> -> memref<56xi32, #tpu.memory_space<vmem>>
      %dma_wait3A_479 = arith.constant 0 : i32
      %dma_wait3A_480 = arith.constant 0 : i32
      %dma_wait3A_481 = tpu.memref_slice %arg4[%dma_wait3A_479, %dma_wait3A_480] : memref<10240x128xf32, #tpu.memory_space<hbm>> -> memref<10240x128xf32, #tpu.memory_space<hbm>>
      tpu.wait_indirect_dma semaphore(%arg22 : memref<!tpu.dma_semaphore, #tpu.memory_space<semaphore_mem>>) src(%dma_wait3A_481 : memref<10240x128xf32, #tpu.memory_space<hbm>>) dst(%arg15 : memref<56x128xf32, #tpu.memory_space<vmem>>)
      %scan3A_482 = arith.constant 0 : i32
      %scan3A_483 = arith.constant 0 : i32
      %scan3A_484 = arith.constant 56 : i32
      %scan3A_485 = arith.addi %scan3A_483, %scan3A_484 : i32
      %scan3A_486 = arith.constant 2 : i32
      scf.for %scan3A_509 = %scan3A_483 to %scan3A_485 step %scan3A_486  : i32 {
        %get3A_510 = arith.index_cast %scan3A_509 : i32 to index
        %get3A_511 = arith.constant 0 : index
        %get3A_512 = tpu.vector_load %arg16[%get3A_510, %get3A_511] {strides = array<i32>} : memref<56x16xf32, #tpu.memory_space<vmem>>, vector<1x16xf32>,
        %get3A_513 = vector.shape_cast %get3A_512 : vector<1x16xf32> to vector<16xf32>
        %slice3A = vector.extract_strided_slice %get3A_513 {offsets = [0], sizes = [1], strides = [1]} : vector<16xf32> to vector<1xf32>
        %squeeze3A = vector.extract %slice3A[0] : f32 from vector<1xf32>
        %get3A_514 = arith.index_cast %scan3A_509 : i32 to index
        %get3A_515 = arith.constant 0 : index
        %get3A_516 = tpu.vector_load %arg15[%get3A_514, %get3A_515] {strides = array<i32>} : memref<56x128xf32, #tpu.memory_space<vmem>>, vector<1x16xf32>,
        %get3A_517 = vector.shape_cast %get3A_516 : vector<1x16xf32> to vector<16xf32>
        %mul3A_518 = vector.broadcast %squeeze3A : f32 to vector<16xf32>
        %mul3A_519 = arith.mulf %get3A_517, %mul3A_518 : vector<16xf32>
        %swap3A_520 = arith.index_cast %scan3A_509 : i32 to index
        %swap3A_521 = arith.constant 0 : index
        %swap3A_522 = tpu.vector_load %arg15[%swap3A_520, %swap3A_521] {strides = array<i32>} : memref<56x128xf32, #tpu.memory_space<vmem>>, vector<1x16xf32>,
        %swap3A_523 = vector.shape_cast %swap3A_522 : vector<1x16xf32> to vector<16xf32>
        %swap3A_524 = vector.shape_cast %mul3A_519 : vector<16xf32> to vector<1x16xf32>
        tpu.vector_store %arg15[%swap3A_520, %swap3A_521], %swap3A_524 {strides = array<i32>} : memref<56x128xf32, #tpu.memory_space<vmem>>, vector<1x16xf32>,
        %get3A_525 = arith.index_cast %scan3A_509 : i32 to index
        %get3A_526 = arith.constant 16 : index
        %get3A_527 = tpu.vector_load %arg15[%get3A_525, %get3A_526] {strides = array<i32>} : memref<56x128xf32, #tpu.memory_space<vmem>>, vector<1x16xf32>,
        %get3A_528 = vector.shape_cast %get3A_527 : vector<1x16xf32> to vector<16xf32>
        %mul3A_529 = vector.broadcast %squeeze3A : f32 to vector<16xf32>
        %mul3A_530 = arith.mulf %get3A_528, %mul3A_529 : vector<16xf32>
        %swap3A_531 = arith.index_cast %scan3A_509 : i32 to index
        %swap3A_532 = arith.constant 16 : index
        %swap3A_533 = tpu.vector_load %arg15[%swap3A_531, %swap3A_532] {strides = array<i32>} : memref<56x128xf32, #tpu.memory_space<vmem>>, vector<1x16xf32>,
        %swap3A_534 = vector.shape_cast %swap3A_533 : vector<1x16xf32> to vector<16xf32>
        %swap3A_535 = vector.shape_cast %mul3A_530 : vector<16xf32> to vector<1x16xf32>
        tpu.vector_store %arg15[%swap3A_531, %swap3A_532], %swap3A_535 {strides = array<i32>} : memref<56x128xf32, #tpu.memory_space<vmem>>, vector<1x16xf32>,
        %slice3A_536 = vector.extract_strided_slice %get3A_513 {offsets = [1], sizes = [1], strides = [1]} : vector<16xf32> to vector<1xf32>
        %squeeze3A_537 = vector.extract %slice3A_536[0] : f32 from vector<1xf32>
        %get3A_538 = arith.index_cast %scan3A_509 : i32 to index
        %get3A_539 = arith.constant 32 : index
        %get3A_540 = tpu.vector_load %arg15[%get3A_538, %get3A_539] {strides = array<i32>} : memref<56x128xf32, #tpu.memory_space<vmem>>, vector<1x16xf32>,
        %get3A_541 = vector.shape_cast %get3A_540 : vector<1x16xf32> to vector<16xf32>
        %mul3A_542 = vector.broadcast %squeeze3A_537 : f32 to vector<16xf32>
        %mul3A_543 = arith.mulf %get3A_541, %mul3A_542 : vector<16xf32>
        %swap3A_544 = arith.index_cast %scan3A_509 : i32 to index
        %swap3A_545 = arith.constant 32 : index
        %swap3A_546 = tpu.vector_load %arg15[%swap3A_544, %swap3A_545] {strides = array<i32>} : memref<56x128xf32, #tpu.memory_space<vmem>>, vector<1x16xf32>,
        %swap3A_547 = vector.shape_cast %swap3A_546 : vector<1x16xf32> to vector<16xf32>
        %swap3A_548 = vector.shape_cast %mul3A_543 : vector<16xf32> to vector<1x16xf32>
        tpu.vector_store %arg15[%swap3A_544, %swap3A_545], %swap3A_548 {strides = array<i32>} : memref<56x128xf32, #tpu.memory_space<vmem>>, vector<1x16xf32>,
        %get3A_549 = arith.index_cast %scan3A_509 : i32 to index
        %get3A_550 = arith.constant 48 : index
        %get3A_551 = tpu.vector_load %arg15[%get3A_549, %get3A_550] {strides = array<i32>} : memref<56x128xf32, #tpu.memory_space<vmem>>, vector<1x16xf32>,
        %get3A_552 = vector.shape_cast %get3A_551 : vector<1x16xf32> to vector<16xf32>
        %mul3A_553 = vector.broadcast %squeeze3A_537 : f32 to vector<16xf32>
        %mul3A_554 = arith.mulf %get3A_552, %mul3A_553 : vector<16xf32>
        %swap3A_555 = arith.index_cast %scan3A_509 : i32 to index
        %swap3A_556 = arith.constant 48 : index
        %swap3A_557 = tpu.vector_load %arg15[%swap3A_555, %swap3A_556] {strides = array<i32>} : memref<56x128xf32, #tpu.memory_space<vmem>>, vector<1x16xf32>,
        %swap3A_558 = vector.shape_cast %swap3A_557 : vector<1x16xf32> to vector<16xf32>
        %swap3A_559 = vector.shape_cast %mul3A_554 : vector<16xf32> to vector<1x16xf32>
        tpu.vector_store %arg15[%swap3A_555, %swap3A_556], %swap3A_559 {strides = array<i32>} : memref<56x128xf32, #tpu.memory_space<vmem>>, vector<1x16xf32>,
        %slice3A_560 = vector.extract_strided_slice %get3A_513 {offsets = [2], sizes = [1], strides = [1]} : vector<16xf32> to vector<1xf32>
        %squeeze3A_561 = vector.extract %slice3A_560[0] : f32 from vector<1xf32>
        %get3A_562 = arith.index_cast %scan3A_509 : i32 to index
        %get3A_563 = arith.constant 64 : index
        %get3A_564 = tpu.vector_load %arg15[%get3A_562, %get3A_563] {strides = array<i32>} : memref<56x128xf32, #tpu.memory_space<vmem>>, vector<1x16xf32>,
        %get3A_565 = vector.shape_cast %get3A_564 : vector<1x16xf32> to vector<16xf32>
        %mul3A_566 = vector.broadcast %squeeze3A_561 : f32 to vector<16xf32>
        %mul3A_567 = arith.mulf %get3A_565, %mul3A_566 : vector<16xf32>
        %swap3A_568 = arith.index_cast %scan3A_509 : i32 to index
        %swap3A_569 = arith.constant 64 : index
        %swap3A_570 = tpu.vector_load %arg15[%swap3A_568, %swap3A_569] {strides = array<i32>} : memref<56x128xf32, #tpu.memory_space<vmem>>, vector<1x16xf32>,
        %swap3A_571 = vector.shape_cast %swap3A_570 : vector<1x16xf32> to vector<16xf32>
        %swap3A_572 = vector.shape_cast %mul3A_567 : vector<16xf32> to vector<1x16xf32>
        tpu.vector_store %arg15[%swap3A_568, %swap3A_569], %swap3A_572 {strides = array<i32>} : memref<56x128xf32, #tpu.memory_space<vmem>>, vector<1x16xf32>,
        %get3A_573 = arith.index_cast %scan3A_509 : i32 to index
        %get3A_574 = arith.constant 80 : index
        %get3A_575 = tpu.vector_load %arg15[%get3A_573, %get3A_574] {strides = array<i32>} : memref<56x128xf32, #tpu.memory_space<vmem>>, vector<1x16xf32>,
        %get3A_576 = vector.shape_cast %get3A_575 : vector<1x16xf32> to vector<16xf32>
        %mul3A_577 = vector.broadcast %squeeze3A_561 : f32 to vector<16xf32>
        %mul3A_578 = arith.mulf %get3A_576, %mul3A_577 : vector<16xf32>
        %swap3A_579 = arith.index_cast %scan3A_509 : i32 to index
        %swap3A_580 = arith.constant 80 : index
        %swap3A_581 = tpu.vector_load %arg15[%swap3A_579, %swap3A_580] {strides = array<i32>} : memref<56x128xf32, #tpu.memory_space<vmem>>, vector<1x16xf32>,
        %swap3A_582 = vector.shape_cast %swap3A_581 : vector<1x16xf32> to vector<16xf32>
        %swap3A_583 = vector.shape_cast %mul3A_578 : vector<16xf32> to vector<1x16xf32>
        tpu.vector_store %arg15[%swap3A_579, %swap3A_580], %swap3A_583 {strides = array<i32>} : memref<56x128xf32, #tpu.memory_space<vmem>>, vector<1x16xf32>,
        %slice3A_584 = vector.extract_strided_slice %get3A_513 {offsets = [3], sizes = [1], strides = [1]} : vector<16xf32> to vector<1xf32>
        %squeeze3A_585 = vector.extract %slice3A_584[0] : f32 from vector<1xf32>
        %get3A_586 = arith.index_cast %scan3A_509 : i32 to index
        %get3A_587 = arith.constant 96 : index
        %get3A_588 = tpu.vector_load %arg15[%get3A_586, %get3A_587] {strides = array<i32>} : memref<56x128xf32, #tpu.memory_space<vmem>>, vector<1x16xf32>,
        %get3A_589 = vector.shape_cast %get3A_588 : vector<1x16xf32> to vector<16xf32>
        %mul3A_590 = vector.broadcast %squeeze3A_585 : f32 to vector<16xf32>
        %mul3A_591 = arith.mulf %get3A_589, %mul3A_590 : vector<16xf32>
        %swap3A_592 = arith.index_cast %scan3A_509 : i32 to index
        %swap3A_593 = arith.constant 96 : index
        %swap3A_594 = tpu.vector_load %arg15[%swap3A_592, %swap3A_593] {strides = array<i32>} : memref<56x128xf32, #tpu.memory_space<vmem>>, vector<1x16xf32>,
        %swap3A_595 = vector.shape_cast %swap3A_594 : vector<1x16xf32> to vector<16xf32>
        %swap3A_596 = vector.shape_cast %mul3A_591 : vector<16xf32> to vector<1x16xf32>
        tpu.vector_store %arg15[%swap3A_592, %swap3A_593], %swap3A_596 {strides = array<i32>} : memref<56x128xf32, #tpu.memory_space<vmem>>, vector<1x16xf32>,
        %get3A_597 = arith.index_cast %scan3A_509 : i32 to index
        %get3A_598 = arith.constant 112 : index
        %get3A_599 = tpu.vector_load %arg15[%get3A_597, %get3A_598] {strides = array<i32>} : memref<56x128xf32, #tpu.memory_space<vmem>>, vector<1x16xf32>,
        %get3A_600 = vector.shape_cast %get3A_599 : vector<1x16xf32> to vector<16xf32>
        %mul3A_601 = vector.broadcast %squeeze3A_585 : f32 to vector<16xf32>
        %mul3A_602 = arith.mulf %get3A_600, %mul3A_601 : vector<16xf32>
        %swap3A_603 = arith.index_cast %scan3A_509 : i32 to index
        %swap3A_604 = arith.constant 112 : index
        %swap3A_605 = tpu.vector_load %arg15[%swap3A_603, %swap3A_604] {strides = array<i32>} : memref<56x128xf32, #tpu.memory_space<vmem>>, vector<1x16xf32>,
        %swap3A_606 = vector.shape_cast %swap3A_605 : vector<1x16xf32> to vector<16xf32>
        %swap3A_607 = vector.shape_cast %mul3A_602 : vector<16xf32> to vector<1x16xf32>
        tpu.vector_store %arg15[%swap3A_603, %swap3A_604], %swap3A_607 {strides = array<i32>} : memref<56x128xf32, #tpu.memory_space<vmem>>, vector<1x16xf32>,
        %scan3A_608 = arith.constant 1 : i32
        %scan3A_609 = arith.addi %scan3A_509, %scan3A_608 : i32
        %get3A_610 = arith.index_cast %scan3A_609 : i32 to index
        %get3A_611 = arith.constant 0 : index
        %get3A_612 = tpu.vector_load %arg16[%get3A_610, %get3A_611] {strides = array<i32>} : memref<56x16xf32, #tpu.memory_space<vmem>>, vector<1x16xf32>,
        %get3A_613 = vector.shape_cast %get3A_612 : vector<1x16xf32> to vector<16xf32>
        %slice3A_614 = vector.extract_strided_slice %get3A_613 {offsets = [0], sizes = [1], strides = [1]} : vector<16xf32> to vector<1xf32>
        %squeeze3A_615 = vector.extract %slice3A_614[0] : f32 from vector<1xf32>
        %get3A_616 = arith.index_cast %scan3A_609 : i32 to index
        %get3A_617 = arith.constant 0 : index
        %get3A_618 = tpu.vector_load %arg15[%get3A_616, %get3A_617] {strides = array<i32>} : memref<56x128xf32, #tpu.memory_space<vmem>>, vector<1x16xf32>,
        %get3A_619 = vector.shape_cast %get3A_618 : vector<1x16xf32> to vector<16xf32>
        %mul3A_620 = vector.broadcast %squeeze3A_615 : f32 to vector<16xf32>
        %mul3A_621 = arith.mulf %get3A_619, %mul3A_620 : vector<16xf32>
        %swap3A_622 = arith.index_cast %scan3A_609 : i32 to index
        %swap3A_623 = arith.constant 0 : index
        %swap3A_624 = tpu.vector_load %arg15[%swap3A_622, %swap3A_623] {strides = array<i32>} : memref<56x128xf32, #tpu.memory_space<vmem>>, vector<1x16xf32>,
        %swap3A_625 = vector.shape_cast %swap3A_624 : vector<1x16xf32> to vector<16xf32>
        %swap3A_626 = vector.shape_cast %mul3A_621 : vector<16xf32> to vector<1x16xf32>
        tpu.vector_store %arg15[%swap3A_622, %swap3A_623], %swap3A_626 {strides = array<i32>} : memref<56x128xf32, #tpu.memory_space<vmem>>, vector<1x16xf32>,
        %get3A_627 = arith.index_cast %scan3A_609 : i32 to index
        %get3A_628 = arith.constant 16 : index
        %get3A_629 = tpu.vector_load %arg15[%get3A_627, %get3A_628] {strides = array<i32>} : memref<56x128xf32, #tpu.memory_space<vmem>>, vector<1x16xf32>,
        %get3A_630 = vector.shape_cast %get3A_629 : vector<1x16xf32> to vector<16xf32>
        %mul3A_631 = vector.broadcast %squeeze3A_615 : f32 to vector<16xf32>
        %mul3A_632 = arith.mulf %get3A_630, %mul3A_631 : vector<16xf32>
        %swap3A_633 = arith.index_cast %scan3A_609 : i32 to index
        %swap3A_634 = arith.constant 16 : index
        %swap3A_635 = tpu.vector_load %arg15[%swap3A_633, %swap3A_634] {strides = array<i32>} : memref<56x128xf32, #tpu.memory_space<vmem>>, vector<1x16xf32>,
        %swap3A_636 = vector.shape_cast %swap3A_635 : vector<1x16xf32> to vector<16xf32>
        %swap3A_637 = vector.shape_cast %mul3A_632 : vector<16xf32> to vector<1x16xf32>
        tpu.vector_store %arg15[%swap3A_633, %swap3A_634], %swap3A_637 {strides = array<i32>} : memref<56x128xf32, #tpu.memory_space<vmem>>, vector<1x16xf32>,
        %slice3A_638 = vector.extract_strided_slice %get3A_613 {offsets = [1], sizes = [1], strides = [1]} : vector<16xf32> to vector<1xf32>
        %squeeze3A_639 = vector.extract %slice3A_638[0] : f32 from vector<1xf32>
        %get3A_640 = arith.index_cast %scan3A_609 : i32 to index
        %get3A_641 = arith.constant 32 : index
        %get3A_642 = tpu.vector_load %arg15[%get3A_640, %get3A_641] {strides = array<i32>} : memref<56x128xf32, #tpu.memory_space<vmem>>, vector<1x16xf32>,
        %get3A_643 = vector.shape_cast %get3A_642 : vector<1x16xf32> to vector<16xf32>
        %mul3A_644 = vector.broadcast %squeeze3A_639 : f32 to vector<16xf32>
        %mul3A_645 = arith.mulf %get3A_643, %mul3A_644 : vector<16xf32>
        %swap3A_646 = arith.index_cast %scan3A_609 : i32 to index
        %swap3A_647 = arith.constant 32 : index
        %swap3A_648 = tpu.vector_load %arg15[%swap3A_646, %swap3A_647] {strides = array<i32>} : memref<56x128xf32, #tpu.memory_space<vmem>>, vector<1x16xf32>,
        %swap3A_649 = vector.shape_cast %swap3A_648 : vector<1x16xf32> to vector<16xf32>
        %swap3A_650 = vector.shape_cast %mul3A_645 : vector<16xf32> to vector<1x16xf32>
        tpu.vector_store %arg15[%swap3A_646, %swap3A_647], %swap3A_650 {strides = array<i32>} : memref<56x128xf32, #tpu.memory_space<vmem>>, vector<1x16xf32>,
        %get3A_651 = arith.index_cast %scan3A_609 : i32 to index
        %get3A_652 = arith.constant 48 : index
        %get3A_653 = tpu.vector_load %arg15[%get3A_651, %get3A_652] {strides = array<i32>} : memref<56x128xf32, #tpu.memory_space<vmem>>, vector<1x16xf32>,
        %get3A_654 = vector.shape_cast %get3A_653 : vector<1x16xf32> to vector<16xf32>
        %mul3A_655 = vector.broadcast %squeeze3A_639 : f32 to vector<16xf32>
        %mul3A_656 = arith.mulf %get3A_654, %mul3A_655 : vector<16xf32>
        %swap3A_657 = arith.index_cast %scan3A_609 : i32 to index
        %swap3A_658 = arith.constant 48 : index
        %swap3A_659 = tpu.vector_load %arg15[%swap3A_657, %swap3A_658] {strides = array<i32>} : memref<56x128xf32, #tpu.memory_space<vmem>>, vector<1x16xf32>,
        %swap3A_660 = vector.shape_cast %swap3A_659 : vector<1x16xf32> to vector<16xf32>
        %swap3A_661 = vector.shape_cast %mul3A_656 : vector<16xf32> to vector<1x16xf32>
        tpu.vector_store %arg15[%swap3A_657, %swap3A_658], %swap3A_661 {strides = array<i32>} : memref<56x128xf32, #tpu.memory_space<vmem>>, vector<1x16xf32>,
        %slice3A_662 = vector.extract_strided_slice %get3A_613 {offsets = [2], sizes = [1], strides = [1]} : vector<16xf32> to vector<1xf32>
        %squeeze3A_663 = vector.extract %slice3A_662[0] : f32 from vector<1xf32>
        %get3A_664 = arith.index_cast %scan3A_609 : i32 to index
        %get3A_665 = arith.constant 64 : index
        %get3A_666 = tpu.vector_load %arg15[%get3A_664, %get3A_665] {strides = array<i32>} : memref<56x128xf32, #tpu.memory_space<vmem>>, vector<1x16xf32>,
        %get3A_667 = vector.shape_cast %get3A_666 : vector<1x16xf32> to vector<16xf32>
        %mul3A_668 = vector.broadcast %squeeze3A_663 : f32 to vector<16xf32>
        %mul3A_669 = arith.mulf %get3A_667, %mul3A_668 : vector<16xf32>
        %swap3A_670 = arith.index_cast %scan3A_609 : i32 to index
        %swap3A_671 = arith.constant 64 : index
        %swap3A_672 = tpu.vector_load %arg15[%swap3A_670, %swap3A_671] {strides = array<i32>} : memref<56x128xf32, #tpu.memory_space<vmem>>, vector<1x16xf32>,
        %swap3A_673 = vector.shape_cast %swap3A_672 : vector<1x16xf32> to vector<16xf32>
        %swap3A_674 = vector.shape_cast %mul3A_669 : vector<16xf32> to vector<1x16xf32>
        tpu.vector_store %arg15[%swap3A_670, %swap3A_671], %swap3A_674 {strides = array<i32>} : memref<56x128xf32, #tpu.memory_space<vmem>>, vector<1x16xf32>,
        %get3A_675 = arith.index_cast %scan3A_609 : i32 to index
        %get3A_676 = arith.constant 80 : index
        %get3A_677 = tpu.vector_load %arg15[%get3A_675, %get3A_676] {strides = array<i32>} : memref<56x128xf32, #tpu.memory_space<vmem>>, vector<1x16xf32>,
        %get3A_678 = vector.shape_cast %get3A_677 : vector<1x16xf32> to vector<16xf32>
        %mul3A_679 = vector.broadcast %squeeze3A_663 : f32 to vector<16xf32>
        %mul3A_680 = arith.mulf %get3A_678, %mul3A_679 : vector<16xf32>
        %swap3A_681 = arith.index_cast %scan3A_609 : i32 to index
        %swap3A_682 = arith.constant 80 : index
        %swap3A_683 = tpu.vector_load %arg15[%swap3A_681, %swap3A_682] {strides = array<i32>} : memref<56x128xf32, #tpu.memory_space<vmem>>, vector<1x16xf32>,
        %swap3A_684 = vector.shape_cast %swap3A_683 : vector<1x16xf32> to vector<16xf32>
        %swap3A_685 = vector.shape_cast %mul3A_680 : vector<16xf32> to vector<1x16xf32>
        tpu.vector_store %arg15[%swap3A_681, %swap3A_682], %swap3A_685 {strides = array<i32>} : memref<56x128xf32, #tpu.memory_space<vmem>>, vector<1x16xf32>,
        %slice3A_686 = vector.extract_strided_slice %get3A_613 {offsets = [3], sizes = [1], strides = [1]} : vector<16xf32> to vector<1xf32>
        %squeeze3A_687 = vector.extract %slice3A_686[0] : f32 from vector<1xf32>
        %get3A_688 = arith.index_cast %scan3A_609 : i32 to index
        %get3A_689 = arith.constant 96 : index
        %get3A_690 = tpu.vector_load %arg15[%get3A_688, %get3A_689] {strides = array<i32>} : memref<56x128xf32, #tpu.memory_space<vmem>>, vector<1x16xf32>,
        %get3A_691 = vector.shape_cast %get3A_690 : vector<1x16xf32> to vector<16xf32>
        %mul3A_692 = vector.broadcast %squeeze3A_687 : f32 to vector<16xf32>
        %mul3A_693 = arith.mulf %get3A_691, %mul3A_692 : vector<16xf32>
        %swap3A_694 = arith.index_cast %scan3A_609 : i32 to index
        %swap3A_695 = arith.constant 96 : index
        %swap3A_696 = tpu.vector_load %arg15[%swap3A_694, %swap3A_695] {strides = array<i32>} : memref<56x128xf32, #tpu.memory_space<vmem>>, vector<1x16xf32>,
        %swap3A_697 = vector.shape_cast %swap3A_696 : vector<1x16xf32> to vector<16xf32>
        %swap3A_698 = vector.shape_cast %mul3A_693 : vector<16xf32> to vector<1x16xf32>
        tpu.vector_store %arg15[%swap3A_694, %swap3A_695], %swap3A_698 {strides = array<i32>} : memref<56x128xf32, #tpu.memory_space<vmem>>, vector<1x16xf32>,
        %get3A_699 = arith.index_cast %scan3A_609 : i32 to index
        %get3A_700 = arith.constant 112 : index
        %get3A_701 = tpu.vector_load %arg15[%get3A_699, %get3A_700] {strides = array<i32>} : memref<56x128xf32, #tpu.memory_space<vmem>>, vector<1x16xf32>,
        %get3A_702 = vector.shape_cast %get3A_701 : vector<1x16xf32> to vector<16xf32>
        %mul3A_703 = vector.broadcast %squeeze3A_687 : f32 to vector<16xf32>
        %mul3A_704 = arith.mulf %get3A_702, %mul3A_703 : vector<16xf32>
        %swap3A_705 = arith.index_cast %scan3A_609 : i32 to index
        %swap3A_706 = arith.constant 112 : index
        %swap3A_707 = tpu.vector_load %arg15[%swap3A_705, %swap3A_706] {strides = array<i32>} : memref<56x128xf32, #tpu.memory_space<vmem>>, vector<1x16xf32>,
        %swap3A_708 = vector.shape_cast %swap3A_707 : vector<1x16xf32> to vector<16xf32>
        %swap3A_709 = vector.shape_cast %mul3A_704 : vector<16xf32> to vector<1x16xf32>
        tpu.vector_store %arg15[%swap3A_705, %swap3A_706], %swap3A_709 {strides = array<i32>} : memref<56x128xf32, #tpu.memory_space<vmem>>, vector<1x16xf32>,
      }
      %scan3A_487 = arith.constant 56 : i32
      %dma_start3A_488 = arith.constant 1 : i32
      %dma_start3A_489 = arith.constant 0 : i32
      %dma_start3A_490 = tpu.memref_slice %arg11[%dma_start3A_488, %dma_start3A_489] : memref<4x56xi32, #tpu.memory_space<vmem>> -> memref<1x56xi32, #tpu.memory_space<vmem>>
      %dma_start3A_491 = tpu.memref_squeeze %dma_start3A_490 : memref<1x56xi32, #tpu.memory_space<vmem>> -> memref<56xi32, #tpu.memory_space<vmem>>
      %dma_start3A_492 = arith.constant 0 : i32
      %dma_start3A_493 = arith.constant 0 : i32
      %dma_start3A_494 = tpu.memref_slice %arg9[%dma_start3A_492, %dma_start3A_493] : memref<10240x128xf32, #tpu.memory_space<vmem_shared>> -> memref<10240x128xf32, #tpu.memory_space<vmem_shared>>
      tpu.enqueue_indirect_dma source(%arg15 : memref<56x128xf32, #tpu.memory_space<vmem>>) target(%dma_start3A_494 : memref<10240x128xf32, #tpu.memory_space<vmem_shared>>) offsets(%dma_start3A_491 : memref<56xi32, #tpu.memory_space<vmem>>) semaphore(%arg22 : memref<!tpu.dma_semaphore, #tpu.memory_space<semaphore_mem>>) {add = true}
      %dma_wait3A_495 = arith.constant 2 : i32
      %dma_wait3A_496 = arith.constant 0 : i32
      %dma_wait3A_497 = tpu.memref_slice %arg11[%dma_wait3A_495, %dma_wait3A_496] : memref<4x56xi32, #tpu.memory_space<vmem>> -> memref<1x56xi32, #tpu.memory_space<vmem>>
      %dma_wait3A_498 = tpu.memref_squeeze %dma_wait3A_497 : memref<1x56xi32, #tpu.memory_space<vmem>> -> memref<56xi32, #tpu.memory_space<vmem>>
      %dma_wait3A_499 = arith.constant 0 : i32
      %dma_wait3A_500 = arith.constant 0 : i32
      %dma_wait3A_501 = tpu.memref_slice %arg10[%dma_wait3A_499, %dma_wait3A_500] : memref<1280x128xf32, #tpu.memory_space<vmem_shared>> -> memref<1280x128xf32, #tpu.memory_space<vmem_shared>>
      tpu.wait_indirect_dma semaphore(%arg21 : memref<!tpu.dma_semaphore, #tpu.memory_space<semaphore_mem>>) src(%arg14 : memref<56x128xf32, #tpu.memory_space<vmem>>) dst(%dma_wait3A_501 : memref<1280x128xf32, #tpu.memory_space<vmem_shared>>)
      %dma_wait3A_502 = arith.constant 1 : i32
      %dma_wait3A_503 = arith.constant 0 : i32
      %dma_wait3A_504 = tpu.memref_slice %arg11[%dma_wait3A_502, %dma_wait3A_503] : memref<4x56xi32, #tpu.memory_space<vmem>> -> memref<1x56xi32, #tpu.memory_space<vmem>>
      %dma_wait3A_505 = tpu.memref_squeeze %dma_wait3A_504 : memref<1x56xi32, #tpu.memory_space<vmem>> -> memref<56xi32, #tpu.memory_space<vmem>>
      %dma_wait3A_506 = arith.constant 0 : i32
      %dma_wait3A_507 = arith.constant 0 : i32
      %dma_wait3A_508 = tpu.memref_slice %arg9[%dma_wait3A_506, %dma_wait3A_507] : memref<10240x128xf32, #tpu.memory_space<vmem_shared>> -> memref<10240x128xf32, #tpu.memory_space<vmem_shared>>
      tpu.wait_indirect_dma semaphore(%arg22 : memref<!tpu.dma_semaphore, #tpu.memory_space<semaphore_mem>>) src(%arg15 : memref<56x128xf32, #tpu.memory_space<vmem>>) dst(%dma_wait3A_508 : memref<10240x128xf32, #tpu.memory_space<vmem_shared>>)
    }
    %scan3A_409 = arith.constant 179 : i32
    %barrier3A_410 = arith.constant 0 : index
    tpu.barrier barrier_id(%barrier3A_410)
    "tpu.region"() ({
      %run_scoped3A = tpu.sem_alloc : memref<!tpu.dma_semaphore, #tpu.memory_space<semaphore_mem>>
      %dma_start3A = arith.constant 0 : i32
      %dma_start3A_411 = tpu.memref_slice %arg7[%arg0, %mul3A_384, %dma_start3A] : memref<2x10240x128xf32, #tpu.memory_space<hbm>> -> memref<1x640x128xf32, #tpu.memory_space<hbm>>
      %dma_start3A_412 = tpu.memref_squeeze %dma_start3A_411 : memref<1x640x128xf32, #tpu.memory_space<hbm>> -> memref<640x128xf32, #tpu.memory_space<hbm>>
      %dma_start3A_413 = arith.constant 0 : i32
      %dma_start3A_414 = tpu.memref_slice %arg9[%mul3A_384, %dma_start3A_413] : memref<10240x128xf32, #tpu.memory_space<vmem_shared>> -> memref<640x128xf32, #tpu.memory_space<vmem_shared>>
      tpu.enqueue_dma source(%dma_start3A_414 : memref<640x128xf32, #tpu.memory_space<vmem_shared>>) target(%dma_start3A_412 : memref<640x128xf32, #tpu.memory_space<hbm>>) target_semaphore(%run_scoped3A : memref<!tpu.dma_semaphore, #tpu.memory_space<semaphore_mem>>)
      %dma_wait3A = arith.constant 0 : i32
      %dma_wait3A_415 = tpu.memref_slice %arg7[%arg0, %mul3A_384, %dma_wait3A] : memref<2x10240x128xf32, #tpu.memory_space<hbm>> -> memref<1x640x128xf32, #tpu.memory_space<hbm>>
      %dma_wait3A_416 = tpu.memref_squeeze %dma_wait3A_415 : memref<1x640x128xf32, #tpu.memory_space<hbm>> -> memref<640x128xf32, #tpu.memory_space<hbm>>
      %dma_wait3A_417 = arith.constant 0 : i32
      %dma_wait3A_418 = tpu.memref_slice %arg9[%mul3A_384, %dma_wait3A_417] : memref<10240x128xf32, #tpu.memory_space<vmem_shared>> -> memref<640x128xf32, #tpu.memory_space<vmem_shared>>
      tpu.wait_dma2 semaphore(%run_scoped3A : memref<!tpu.dma_semaphore, #tpu.memory_space<semaphore_mem>>) src(%dma_wait3A_418 : memref<640x128xf32, #tpu.memory_space<vmem_shared>>) dst(%dma_wait3A_416 : memref<640x128xf32, #tpu.memory_space<hbm>>)
      tpu.yield
    }) : () -> ()
    "tpu.region"() ({
      %run_scoped3A = tpu.sem_alloc : memref<!tpu.dma_semaphore, #tpu.memory_space<semaphore_mem>>
      %dma_start3A = arith.constant 0 : i32
      %dma_start3A_411 = tpu.memref_slice %arg8[%arg0, %mul3A_386, %dma_start3A] : memref<2x1280x128xf32, #tpu.memory_space<hbm>> -> memref<1x80x128xf32, #tpu.memory_space<hbm>>
      %dma_start3A_412 = tpu.memref_squeeze %dma_start3A_411 : memref<1x80x128xf32, #tpu.memory_space<hbm>> -> memref<80x128xf32, #tpu.memory_space<hbm>>
      %dma_start3A_413 = arith.constant 0 : i32
      %dma_start3A_414 = tpu.memref_slice %arg10[%mul3A_386, %dma_start3A_413] : memref<1280x128xf32, #tpu.memory_space<vmem_shared>> -> memref<80x128xf32, #tpu.memory_space<vmem_shared>>
      tpu.enqueue_dma source(%dma_start3A_414 : memref<80x128xf32, #tpu.memory_space<vmem_shared>>) target(%dma_start3A_412 : memref<80x128xf32, #tpu.memory_space<hbm>>) target_semaphore(%run_scoped3A : memref<!tpu.dma_semaphore, #tpu.memory_space<semaphore_mem>>)
      %dma_wait3A = arith.constant 0 : i32
      %dma_wait3A_415 = tpu.memref_slice %arg8[%arg0, %mul3A_386, %dma_wait3A] : memref<2x1280x128xf32, #tpu.memory_space<hbm>> -> memref<1x80x128xf32, #tpu.memory_space<hbm>>
      %dma_wait3A_416 = tpu.memref_squeeze %dma_wait3A_415 : memref<1x80x128xf32, #tpu.memory_space<hbm>> -> memref<80x128xf32, #tpu.memory_space<hbm>>
      %dma_wait3A_417 = arith.constant 0 : i32
      %dma_wait3A_418 = tpu.memref_slice %arg10[%mul3A_386, %dma_wait3A_417] : memref<1280x128xf32, #tpu.memory_space<vmem_shared>> -> memref<80x128xf32, #tpu.memory_space<vmem_shared>>
      tpu.wait_dma2 semaphore(%run_scoped3A : memref<!tpu.dma_semaphore, #tpu.memory_space<semaphore_mem>>) src(%dma_wait3A_418 : memref<80x128xf32, #tpu.memory_space<vmem_shared>>) dst(%dma_wait3A_416 : memref<80x128xf32, #tpu.memory_space<hbm>>)
      tpu.yield
    }) : () -> ()
    return
  }
}

#map = affine_map<(d0, d1) -> (0, 0, 0)>
#map1 = affine_map<(d0, d1) -> (0, 0)>
#map2 = affine_map<(d0, d1) -> (0)>
module attributes {stable_mosaic.version = 14 : i64} {
  func.func @_sc_body(%arg0: i32, %arg1: i32, %arg2: memref<5728x4x56xi32, #tpu.memory_space<hbm>>, %arg3: memref<8x128xf32, #tpu.memory_space<hbm>>, %arg4: memref<10240x128xf32, #tpu.memory_space<hbm>>, %arg5: memref<10240x128xf32, #tpu.memory_space<hbm>>, %arg6: memref<16xf32, #tpu.memory_space<hbm>>, %arg7: memref<2x10240x128xf32, #tpu.memory_space<hbm>>, %arg8: memref<2x1280x128xf32, #tpu.memory_space<hbm>>, %arg9: memref<10240x128xf32, #tpu.memory_space<vmem_shared>>, %arg10: memref<1280x128xf32, #tpu.memory_space<vmem_shared>>, %arg11: memref<4x56xi32, #tpu.memory_space<vmem>>, %arg12: memref<56x128xf32, #tpu.memory_space<vmem>>, %arg13: memref<56x128xf32, #tpu.memory_space<vmem>>, %arg14: memref<56x128xf32, #tpu.memory_space<vmem>>, %arg15: memref<56x128xf32, #tpu.memory_space<vmem>>, %arg16: memref<56x16xf32, #tpu.memory_space<vmem>>, %arg17: memref<16xf32, #tpu.memory_space<vmem>>, %arg18: memref<8x128xf32, #tpu.memory_space<vmem>>, %arg19: memref<!tpu.dma_semaphore, #tpu.memory_space<semaphore_mem>>, %arg20: memref<!tpu.dma_semaphore, #tpu.memory_space<semaphore_mem>>, %arg21: memref<!tpu.dma_semaphore, #tpu.memory_space<semaphore_mem>>, %arg22: memref<!tpu.dma_semaphore, #tpu.memory_space<semaphore_mem>>) attributes {dimension_semantics = [#tpu.dimension_semantics<core_parallel>, #tpu.dimension_semantics<subcore_parallel>], iteration_bounds = array<i64: 2, 16>, scalar_prefetch = 0 : i64, scratch_operands = 14 : i64, tpu.core_type = #tpu.core_type<sc_vector_subcore>, window_params = [{transform_indices = #map}, {transform_indices = #map1}, {transform_indices = #map1}, {transform_indices = #map1}, {transform_indices = #map2}, {transform_indices = #map}, {transform_indices = #map}]} {
    %broadcast_in_dim3A = arith.constant 0.000000e+00 : f32
    %broadcast_in_dim3A_0 = vector.broadcast %broadcast_in_dim3A : f32 to vector<16xf32>
    %swap3A = arith.constant 0 : i32
    %swap3A_1 = arith.index_cast %swap3A : i32 to index
    %swap3A_2 = arith.constant 0 : index
    %swap3A_3 = tpu.vector_load %arg18[%swap3A_1, %swap3A_2] {strides = array<i32>} : memref<8x128xf32, #tpu.memory_space<vmem>>, vector<1x16xf32>,
    %swap3A_4 = vector.shape_cast %swap3A_3 : vector<1x16xf32> to vector<16xf32>
    %swap3A_5 = vector.shape_cast %broadcast_in_dim3A_0 : vector<16xf32> to vector<1x16xf32>
    tpu.vector_store %arg18[%swap3A_1, %swap3A_2], %swap3A_5 {strides = array<i32>} : memref<8x128xf32, #tpu.memory_space<vmem>>, vector<1x16xf32>,
    %swap3A_6 = arith.constant 0 : i32
    %swap3A_7 = arith.index_cast %swap3A_6 : i32 to index
    %swap3A_8 = arith.constant 16 : index
    %swap3A_9 = tpu.vector_load %arg18[%swap3A_7, %swap3A_8] {strides = array<i32>} : memref<8x128xf32, #tpu.memory_space<vmem>>, vector<1x16xf32>,
    %swap3A_10 = vector.shape_cast %swap3A_9 : vector<1x16xf32> to vector<16xf32>
    %swap3A_11 = vector.shape_cast %broadcast_in_dim3A_0 : vector<16xf32> to vector<1x16xf32>
    tpu.vector_store %arg18[%swap3A_7, %swap3A_8], %swap3A_11 {strides = array<i32>} : memref<8x128xf32, #tpu.memory_space<vmem>>, vector<1x16xf32>,
    %swap3A_12 = arith.constant 0 : i32
    %swap3A_13 = arith.index_cast %swap3A_12 : i32 to index
    %swap3A_14 = arith.constant 32 : index
    %swap3A_15 = tpu.vector_load %arg18[%swap3A_13, %swap3A_14] {strides = array<i32>} : memref<8x128xf32, #tpu.memory_space<vmem>>, vector<1x16xf32>,
    %swap3A_16 = vector.shape_cast %swap3A_15 : vector<1x16xf32> to vector<16xf32>
    %swap3A_17 = vector.shape_cast %broadcast_in_dim3A_0 : vector<16xf32> to vector<1x16xf32>
    tpu.vector_store %arg18[%swap3A_13, %swap3A_14], %swap3A_17 {strides = array<i32>} : memref<8x128xf32, #tpu.memory_space<vmem>>, vector<1x16xf32>,
    %swap3A_18 = arith.constant 0 : i32
    %swap3A_19 = arith.index_cast %swap3A_18 : i32 to index
    %swap3A_20 = arith.constant 48 : index
    %swap3A_21 = tpu.vector_load %arg18[%swap3A_19, %swap3A_20] {strides = array<i32>} : memref<8x128xf32, #tpu.memory_space<vmem>>, vector<1x16xf32>,
    %swap3A_22 = vector.shape_cast %swap3A_21 : vector<1x16xf32> to vector<16xf32>
    %swap3A_23 = vector.shape_cast %broadcast_in_dim3A_0 : vector<16xf32> to vector<1x16xf32>
    tpu.vector_store %arg18[%swap3A_19, %swap3A_20], %swap3A_23 {strides = array<i32>} : memref<8x128xf32, #tpu.memory_space<vmem>>, vector<1x16xf32>,
    %swap3A_24 = arith.constant 0 : i32
    %swap3A_25 = arith.index_cast %swap3A_24 : i32 to index
    %swap3A_26 = arith.constant 64 : index
    %swap3A_27 = tpu.vector_load %arg18[%swap3A_25, %swap3A_26] {strides = array<i32>} : memref<8x128xf32, #tpu.memory_space<vmem>>, vector<1x16xf32>,
    %swap3A_28 = vector.shape_cast %swap3A_27 : vector<1x16xf32> to vector<16xf32>
    %swap3A_29 = vector.shape_cast %broadcast_in_dim3A_0 : vector<16xf32> to vector<1x16xf32>
    tpu.vector_store %arg18[%swap3A_25, %swap3A_26], %swap3A_29 {strides = array<i32>} : memref<8x128xf32, #tpu.memory_space<vmem>>, vector<1x16xf32>,
    %swap3A_30 = arith.constant 0 : i32
    %swap3A_31 = arith.index_cast %swap3A_30 : i32 to index
    %swap3A_32 = arith.constant 80 : index
    %swap3A_33 = tpu.vector_load %arg18[%swap3A_31, %swap3A_32] {strides = array<i32>} : memref<8x128xf32, #tpu.memory_space<vmem>>, vector<1x16xf32>,
    %swap3A_34 = vector.shape_cast %swap3A_33 : vector<1x16xf32> to vector<16xf32>
    %swap3A_35 = vector.shape_cast %broadcast_in_dim3A_0 : vector<16xf32> to vector<1x16xf32>
    tpu.vector_store %arg18[%swap3A_31, %swap3A_32], %swap3A_35 {strides = array<i32>} : memref<8x128xf32, #tpu.memory_space<vmem>>, vector<1x16xf32>,
    %swap3A_36 = arith.constant 0 : i32
    %swap3A_37 = arith.index_cast %swap3A_36 : i32 to index
    %swap3A_38 = arith.constant 96 : index
    %swap3A_39 = tpu.vector_load %arg18[%swap3A_37, %swap3A_38] {strides = array<i32>} : memref<8x128xf32, #tpu.memory_space<vmem>>, vector<1x16xf32>,
    %swap3A_40 = vector.shape_cast %swap3A_39 : vector<1x16xf32> to vector<16xf32>
    %swap3A_41 = vector.shape_cast %broadcast_in_dim3A_0 : vector<16xf32> to vector<1x16xf32>
    tpu.vector_store %arg18[%swap3A_37, %swap3A_38], %swap3A_41 {strides = array<i32>} : memref<8x128xf32, #tpu.memory_space<vmem>>, vector<1x16xf32>,
    %swap3A_42 = arith.constant 0 : i32
    %swap3A_43 = arith.index_cast %swap3A_42 : i32 to index
    %swap3A_44 = arith.constant 112 : index
    %swap3A_45 = tpu.vector_load %arg18[%swap3A_43, %swap3A_44] {strides = array<i32>} : memref<8x128xf32, #tpu.memory_space<vmem>>, vector<1x16xf32>,
    %swap3A_46 = vector.shape_cast %swap3A_45 : vector<1x16xf32> to vector<16xf32>
    %swap3A_47 = vector.shape_cast %broadcast_in_dim3A_0 : vector<16xf32> to vector<1x16xf32>
    tpu.vector_store %arg18[%swap3A_43, %swap3A_44], %swap3A_47 {strides = array<i32>} : memref<8x128xf32, #tpu.memory_space<vmem>>, vector<1x16xf32>,
    %swap3A_48 = arith.constant 1 : i32
    %swap3A_49 = arith.index_cast %swap3A_48 : i32 to index
    %swap3A_50 = arith.constant 0 : index
    %swap3A_51 = tpu.vector_load %arg18[%swap3A_49, %swap3A_50] {strides = array<i32>} : memref<8x128xf32, #tpu.memory_space<vmem>>, vector<1x16xf32>,
    %swap3A_52 = vector.shape_cast %swap3A_51 : vector<1x16xf32> to vector<16xf32>
    %swap3A_53 = vector.shape_cast %broadcast_in_dim3A_0 : vector<16xf32> to vector<1x16xf32>
    tpu.vector_store %arg18[%swap3A_49, %swap3A_50], %swap3A_53 {strides = array<i32>} : memref<8x128xf32, #tpu.memory_space<vmem>>, vector<1x16xf32>,
    %swap3A_54 = arith.constant 1 : i32
    %swap3A_55 = arith.index_cast %swap3A_54 : i32 to index
    %swap3A_56 = arith.constant 16 : index
    %swap3A_57 = tpu.vector_load %arg18[%swap3A_55, %swap3A_56] {strides = array<i32>} : memref<8x128xf32, #tpu.memory_space<vmem>>, vector<1x16xf32>,
    %swap3A_58 = vector.shape_cast %swap3A_57 : vector<1x16xf32> to vector<16xf32>
    %swap3A_59 = vector.shape_cast %broadcast_in_dim3A_0 : vector<16xf32> to vector<1x16xf32>
    tpu.vector_store %arg18[%swap3A_55, %swap3A_56], %swap3A_59 {strides = array<i32>} : memref<8x128xf32, #tpu.memory_space<vmem>>, vector<1x16xf32>,
    %swap3A_60 = arith.constant 1 : i32
    %swap3A_61 = arith.index_cast %swap3A_60 : i32 to index
    %swap3A_62 = arith.constant 32 : index
    %swap3A_63 = tpu.vector_load %arg18[%swap3A_61, %swap3A_62] {strides = array<i32>} : memref<8x128xf32, #tpu.memory_space<vmem>>, vector<1x16xf32>,
    %swap3A_64 = vector.shape_cast %swap3A_63 : vector<1x16xf32> to vector<16xf32>
    %swap3A_65 = vector.shape_cast %broadcast_in_dim3A_0 : vector<16xf32> to vector<1x16xf32>
    tpu.vector_store %arg18[%swap3A_61, %swap3A_62], %swap3A_65 {strides = array<i32>} : memref<8x128xf32, #tpu.memory_space<vmem>>, vector<1x16xf32>,
    %swap3A_66 = arith.constant 1 : i32
    %swap3A_67 = arith.index_cast %swap3A_66 : i32 to index
    %swap3A_68 = arith.constant 48 : index
    %swap3A_69 = tpu.vector_load %arg18[%swap3A_67, %swap3A_68] {strides = array<i32>} : memref<8x128xf32, #tpu.memory_space<vmem>>, vector<1x16xf32>,
    %swap3A_70 = vector.shape_cast %swap3A_69 : vector<1x16xf32> to vector<16xf32>
    %swap3A_71 = vector.shape_cast %broadcast_in_dim3A_0 : vector<16xf32> to vector<1x16xf32>
    tpu.vector_store %arg18[%swap3A_67, %swap3A_68], %swap3A_71 {strides = array<i32>} : memref<8x128xf32, #tpu.memory_space<vmem>>, vector<1x16xf32>,
    %swap3A_72 = arith.constant 1 : i32
    %swap3A_73 = arith.index_cast %swap3A_72 : i32 to index
    %swap3A_74 = arith.constant 64 : index
    %swap3A_75 = tpu.vector_load %arg18[%swap3A_73, %swap3A_74] {strides = array<i32>} : memref<8x128xf32, #tpu.memory_space<vmem>>, vector<1x16xf32>,
    %swap3A_76 = vector.shape_cast %swap3A_75 : vector<1x16xf32> to vector<16xf32>
    %swap3A_77 = vector.shape_cast %broadcast_in_dim3A_0 : vector<16xf32> to vector<1x16xf32>
    tpu.vector_store %arg18[%swap3A_73, %swap3A_74], %swap3A_77 {strides = array<i32>} : memref<8x128xf32, #tpu.memory_space<vmem>>, vector<1x16xf32>,
    %swap3A_78 = arith.constant 1 : i32
    %swap3A_79 = arith.index_cast %swap3A_78 : i32 to index
    %swap3A_80 = arith.constant 80 : index
    %swap3A_81 = tpu.vector_load %arg18[%swap3A_79, %swap3A_80] {strides = array<i32>} : memref<8x128xf32, #tpu.memory_space<vmem>>, vector<1x16xf32>,
    %swap3A_82 = vector.shape_cast %swap3A_81 : vector<1x16xf32> to vector<16xf32>
    %swap3A_83 = vector.shape_cast %broadcast_in_dim3A_0 : vector<16xf32> to vector<1x16xf32>
    tpu.vector_store %arg18[%swap3A_79, %swap3A_80], %swap3A_83 {strides = array<i32>} : memref<8x128xf32, #tpu.memory_space<vmem>>, vector<1x16xf32>,
    %swap3A_84 = arith.constant 1 : i32
    %swap3A_85 = arith.index_cast %swap3A_84 : i32 to index
    %swap3A_86 = arith.constant 96 : index
    %swap3A_87 = tpu.vector_load %arg18[%swap3A_85, %swap3A_86] {strides = array<i32>} : memref<8x128xf32, #tpu.memory_space<vmem>>, vector<1x16xf32>,
    %swap3A_88 = vector.shape_cast %swap3A_87 : vector<1x16xf32> to vector<16xf32>
    %swap3A_89 = vector.shape_cast %broadcast_in_dim3A_0 : vector<16xf32> to vector<1x16xf32>
    tpu.vector_store %arg18[%swap3A_85, %swap3A_86], %swap3A_89 {strides = array<i32>} : memref<8x128xf32, #tpu.memory_space<vmem>>, vector<1x16xf32>,
    %swap3A_90 = arith.constant 1 : i32
    %swap3A_91 = arith.index_cast %swap3A_90 : i32 to index
    %swap3A_92 = arith.constant 112 : index
    %swap3A_93 = tpu.vector_load %arg18[%swap3A_91, %swap3A_92] {strides = array<i32>} : memref<8x128xf32, #tpu.memory_space<vmem>>, vector<1x16xf32>,
    %swap3A_94 = vector.shape_cast %swap3A_93 : vector<1x16xf32> to vector<16xf32>
    %swap3A_95 = vector.shape_cast %broadcast_in_dim3A_0 : vector<16xf32> to vector<1x16xf32>
    tpu.vector_store %arg18[%swap3A_91, %swap3A_92], %swap3A_95 {strides = array<i32>} : memref<8x128xf32, #tpu.memory_space<vmem>>, vector<1x16xf32>,
    %swap3A_96 = arith.constant 2 : i32
    %swap3A_97 = arith.index_cast %swap3A_96 : i32 to index
    %swap3A_98 = arith.constant 0 : index
    %swap3A_99 = tpu.vector_load %arg18[%swap3A_97, %swap3A_98] {strides = array<i32>} : memref<8x128xf32, #tpu.memory_space<vmem>>, vector<1x16xf32>,
    %swap3A_100 = vector.shape_cast %swap3A_99 : vector<1x16xf32> to vector<16xf32>
    %swap3A_101 = vector.shape_cast %broadcast_in_dim3A_0 : vector<16xf32> to vector<1x16xf32>
    tpu.vector_store %arg18[%swap3A_97, %swap3A_98], %swap3A_101 {strides = array<i32>} : memref<8x128xf32, #tpu.memory_space<vmem>>, vector<1x16xf32>,
    %swap3A_102 = arith.constant 2 : i32
    %swap3A_103 = arith.index_cast %swap3A_102 : i32 to index
    %swap3A_104 = arith.constant 16 : index
    %swap3A_105 = tpu.vector_load %arg18[%swap3A_103, %swap3A_104] {strides = array<i32>} : memref<8x128xf32, #tpu.memory_space<vmem>>, vector<1x16xf32>,
    %swap3A_106 = vector.shape_cast %swap3A_105 : vector<1x16xf32> to vector<16xf32>
    %swap3A_107 = vector.shape_cast %broadcast_in_dim3A_0 : vector<16xf32> to vector<1x16xf32>
    tpu.vector_store %arg18[%swap3A_103, %swap3A_104], %swap3A_107 {strides = array<i32>} : memref<8x128xf32, #tpu.memory_space<vmem>>, vector<1x16xf32>,
    %swap3A_108 = arith.constant 2 : i32
    %swap3A_109 = arith.index_cast %swap3A_108 : i32 to index
    %swap3A_110 = arith.constant 32 : index
    %swap3A_111 = tpu.vector_load %arg18[%swap3A_109, %swap3A_110] {strides = array<i32>} : memref<8x128xf32, #tpu.memory_space<vmem>>, vector<1x16xf32>,
    %swap3A_112 = vector.shape_cast %swap3A_111 : vector<1x16xf32> to vector<16xf32>
    %swap3A_113 = vector.shape_cast %broadcast_in_dim3A_0 : vector<16xf32> to vector<1x16xf32>
    tpu.vector_store %arg18[%swap3A_109, %swap3A_110], %swap3A_113 {strides = array<i32>} : memref<8x128xf32, #tpu.memory_space<vmem>>, vector<1x16xf32>,
    %swap3A_114 = arith.constant 2 : i32
    %swap3A_115 = arith.index_cast %swap3A_114 : i32 to index
    %swap3A_116 = arith.constant 48 : index
    %swap3A_117 = tpu.vector_load %arg18[%swap3A_115, %swap3A_116] {strides = array<i32>} : memref<8x128xf32, #tpu.memory_space<vmem>>, vector<1x16xf32>,
    %swap3A_118 = vector.shape_cast %swap3A_117 : vector<1x16xf32> to vector<16xf32>
    %swap3A_119 = vector.shape_cast %broadcast_in_dim3A_0 : vector<16xf32> to vector<1x16xf32>
    tpu.vector_store %arg18[%swap3A_115, %swap3A_116], %swap3A_119 {strides = array<i32>} : memref<8x128xf32, #tpu.memory_space<vmem>>, vector<1x16xf32>,
    %swap3A_120 = arith.constant 2 : i32
    %swap3A_121 = arith.index_cast %swap3A_120 : i32 to index
    %swap3A_122 = arith.constant 64 : index
    %swap3A_123 = tpu.vector_load %arg18[%swap3A_121, %swap3A_122] {strides = array<i32>} : memref<8x128xf32, #tpu.memory_space<vmem>>, vector<1x16xf32>,
    %swap3A_124 = vector.shape_cast %swap3A_123 : vector<1x16xf32> to vector<16xf32>
    %swap3A_125 = vector.shape_cast %broadcast_in_dim3A_0 : vector<16xf32> to vector<1x16xf32>
    tpu.vector_store %arg18[%swap3A_121, %swap3A_122], %swap3A_125 {strides = array<i32>} : memref<8x128xf32, #tpu.memory_space<vmem>>, vector<1x16xf32>,
    %swap3A_126 = arith.constant 2 : i32
    %swap3A_127 = arith.index_cast %swap3A_126 : i32 to index
    %swap3A_128 = arith.constant 80 : index
    %swap3A_129 = tpu.vector_load %arg18[%swap3A_127, %swap3A_128] {strides = array<i32>} : memref<8x128xf32, #tpu.memory_space<vmem>>, vector<1x16xf32>,
    %swap3A_130 = vector.shape_cast %swap3A_129 : vector<1x16xf32> to vector<16xf32>
    %swap3A_131 = vector.shape_cast %broadcast_in_dim3A_0 : vector<16xf32> to vector<1x16xf32>
    tpu.vector_store %arg18[%swap3A_127, %swap3A_128], %swap3A_131 {strides = array<i32>} : memref<8x128xf32, #tpu.memory_space<vmem>>, vector<1x16xf32>,
    %swap3A_132 = arith.constant 2 : i32
    %swap3A_133 = arith.index_cast %swap3A_132 : i32 to index
    %swap3A_134 = arith.constant 96 : index
    %swap3A_135 = tpu.vector_load %arg18[%swap3A_133, %swap3A_134] {strides = array<i32>} : memref<8x128xf32, #tpu.memory_space<vmem>>, vector<1x16xf32>,
    %swap3A_136 = vector.shape_cast %swap3A_135 : vector<1x16xf32> to vector<16xf32>
    %swap3A_137 = vector.shape_cast %broadcast_in_dim3A_0 : vector<16xf32> to vector<1x16xf32>
    tpu.vector_store %arg18[%swap3A_133, %swap3A_134], %swap3A_137 {strides = array<i32>} : memref<8x128xf32, #tpu.memory_space<vmem>>, vector<1x16xf32>,
    %swap3A_138 = arith.constant 2 : i32
    %swap3A_139 = arith.index_cast %swap3A_138 : i32 to index
    %swap3A_140 = arith.constant 112 : index
    %swap3A_141 = tpu.vector_load %arg18[%swap3A_139, %swap3A_140] {strides = array<i32>} : memref<8x128xf32, #tpu.memory_space<vmem>>, vector<1x16xf32>,
    %swap3A_142 = vector.shape_cast %swap3A_141 : vector<1x16xf32> to vector<16xf32>
    %swap3A_143 = vector.shape_cast %broadcast_in_dim3A_0 : vector<16xf32> to vector<1x16xf32>
    tpu.vector_store %arg18[%swap3A_139, %swap3A_140], %swap3A_143 {strides = array<i32>} : memref<8x128xf32, #tpu.memory_space<vmem>>, vector<1x16xf32>,
    %swap3A_144 = arith.constant 3 : i32
    %swap3A_145 = arith.index_cast %swap3A_144 : i32 to index
    %swap3A_146 = arith.constant 0 : index
    %swap3A_147 = tpu.vector_load %arg18[%swap3A_145, %swap3A_146] {strides = array<i32>} : memref<8x128xf32, #tpu.memory_space<vmem>>, vector<1x16xf32>,
    %swap3A_148 = vector.shape_cast %swap3A_147 : vector<1x16xf32> to vector<16xf32>
    %swap3A_149 = vector.shape_cast %broadcast_in_dim3A_0 : vector<16xf32> to vector<1x16xf32>
    tpu.vector_store %arg18[%swap3A_145, %swap3A_146], %swap3A_149 {strides = array<i32>} : memref<8x128xf32, #tpu.memory_space<vmem>>, vector<1x16xf32>,
    %swap3A_150 = arith.constant 3 : i32
    %swap3A_151 = arith.index_cast %swap3A_150 : i32 to index
    %swap3A_152 = arith.constant 16 : index
    %swap3A_153 = tpu.vector_load %arg18[%swap3A_151, %swap3A_152] {strides = array<i32>} : memref<8x128xf32, #tpu.memory_space<vmem>>, vector<1x16xf32>,
    %swap3A_154 = vector.shape_cast %swap3A_153 : vector<1x16xf32> to vector<16xf32>
    %swap3A_155 = vector.shape_cast %broadcast_in_dim3A_0 : vector<16xf32> to vector<1x16xf32>
    tpu.vector_store %arg18[%swap3A_151, %swap3A_152], %swap3A_155 {strides = array<i32>} : memref<8x128xf32, #tpu.memory_space<vmem>>, vector<1x16xf32>,
    %swap3A_156 = arith.constant 3 : i32
    %swap3A_157 = arith.index_cast %swap3A_156 : i32 to index
    %swap3A_158 = arith.constant 32 : index
    %swap3A_159 = tpu.vector_load %arg18[%swap3A_157, %swap3A_158] {strides = array<i32>} : memref<8x128xf32, #tpu.memory_space<vmem>>, vector<1x16xf32>,
    %swap3A_160 = vector.shape_cast %swap3A_159 : vector<1x16xf32> to vector<16xf32>
    %swap3A_161 = vector.shape_cast %broadcast_in_dim3A_0 : vector<16xf32> to vector<1x16xf32>
    tpu.vector_store %arg18[%swap3A_157, %swap3A_158], %swap3A_161 {strides = array<i32>} : memref<8x128xf32, #tpu.memory_space<vmem>>, vector<1x16xf32>,
    %swap3A_162 = arith.constant 3 : i32
    %swap3A_163 = arith.index_cast %swap3A_162 : i32 to index
    %swap3A_164 = arith.constant 48 : index
    %swap3A_165 = tpu.vector_load %arg18[%swap3A_163, %swap3A_164] {strides = array<i32>} : memref<8x128xf32, #tpu.memory_space<vmem>>, vector<1x16xf32>,
    %swap3A_166 = vector.shape_cast %swap3A_165 : vector<1x16xf32> to vector<16xf32>
    %swap3A_167 = vector.shape_cast %broadcast_in_dim3A_0 : vector<16xf32> to vector<1x16xf32>
    tpu.vector_store %arg18[%swap3A_163, %swap3A_164], %swap3A_167 {strides = array<i32>} : memref<8x128xf32, #tpu.memory_space<vmem>>, vector<1x16xf32>,
    %swap3A_168 = arith.constant 3 : i32
    %swap3A_169 = arith.index_cast %swap3A_168 : i32 to index
    %swap3A_170 = arith.constant 64 : index
    %swap3A_171 = tpu.vector_load %arg18[%swap3A_169, %swap3A_170] {strides = array<i32>} : memref<8x128xf32, #tpu.memory_space<vmem>>, vector<1x16xf32>,
    %swap3A_172 = vector.shape_cast %swap3A_171 : vector<1x16xf32> to vector<16xf32>
    %swap3A_173 = vector.shape_cast %broadcast_in_dim3A_0 : vector<16xf32> to vector<1x16xf32>
    tpu.vector_store %arg18[%swap3A_169, %swap3A_170], %swap3A_173 {strides = array<i32>} : memref<8x128xf32, #tpu.memory_space<vmem>>, vector<1x16xf32>,
    %swap3A_174 = arith.constant 3 : i32
    %swap3A_175 = arith.index_cast %swap3A_174 : i32 to index
    %swap3A_176 = arith.constant 80 : index
    %swap3A_177 = tpu.vector_load %arg18[%swap3A_175, %swap3A_176] {strides = array<i32>} : memref<8x128xf32, #tpu.memory_space<vmem>>, vector<1x16xf32>,
    %swap3A_178 = vector.shape_cast %swap3A_177 : vector<1x16xf32> to vector<16xf32>
    %swap3A_179 = vector.shape_cast %broadcast_in_dim3A_0 : vector<16xf32> to vector<1x16xf32>
    tpu.vector_store %arg18[%swap3A_175, %swap3A_176], %swap3A_179 {strides = array<i32>} : memref<8x128xf32, #tpu.memory_space<vmem>>, vector<1x16xf32>,
    %swap3A_180 = arith.constant 3 : i32
    %swap3A_181 = arith.index_cast %swap3A_180 : i32 to index
    %swap3A_182 = arith.constant 96 : index
    %swap3A_183 = tpu.vector_load %arg18[%swap3A_181, %swap3A_182] {strides = array<i32>} : memref<8x128xf32, #tpu.memory_space<vmem>>, vector<1x16xf32>,
    %swap3A_184 = vector.shape_cast %swap3A_183 : vector<1x16xf32> to vector<16xf32>
    %swap3A_185 = vector.shape_cast %broadcast_in_dim3A_0 : vector<16xf32> to vector<1x16xf32>
    tpu.vector_store %arg18[%swap3A_181, %swap3A_182], %swap3A_185 {strides = array<i32>} : memref<8x128xf32, #tpu.memory_space<vmem>>, vector<1x16xf32>,
    %swap3A_186 = arith.constant 3 : i32
    %swap3A_187 = arith.index_cast %swap3A_186 : i32 to index
    %swap3A_188 = arith.constant 112 : index
    %swap3A_189 = tpu.vector_load %arg18[%swap3A_187, %swap3A_188] {strides = array<i32>} : memref<8x128xf32, #tpu.memory_space<vmem>>, vector<1x16xf32>,
    %swap3A_190 = vector.shape_cast %swap3A_189 : vector<1x16xf32> to vector<16xf32>
    %swap3A_191 = vector.shape_cast %broadcast_in_dim3A_0 : vector<16xf32> to vector<1x16xf32>
    tpu.vector_store %arg18[%swap3A_187, %swap3A_188], %swap3A_191 {strides = array<i32>} : memref<8x128xf32, #tpu.memory_space<vmem>>, vector<1x16xf32>,
    %swap3A_192 = arith.constant 4 : i32
    %swap3A_193 = arith.index_cast %swap3A_192 : i32 to index
    %swap3A_194 = arith.constant 0 : index
    %swap3A_195 = tpu.vector_load %arg18[%swap3A_193, %swap3A_194] {strides = array<i32>} : memref<8x128xf32, #tpu.memory_space<vmem>>, vector<1x16xf32>,
    %swap3A_196 = vector.shape_cast %swap3A_195 : vector<1x16xf32> to vector<16xf32>
    %swap3A_197 = vector.shape_cast %broadcast_in_dim3A_0 : vector<16xf32> to vector<1x16xf32>
    tpu.vector_store %arg18[%swap3A_193, %swap3A_194], %swap3A_197 {strides = array<i32>} : memref<8x128xf32, #tpu.memory_space<vmem>>, vector<1x16xf32>,
    %swap3A_198 = arith.constant 4 : i32
    %swap3A_199 = arith.index_cast %swap3A_198 : i32 to index
    %swap3A_200 = arith.constant 16 : index
    %swap3A_201 = tpu.vector_load %arg18[%swap3A_199, %swap3A_200] {strides = array<i32>} : memref<8x128xf32, #tpu.memory_space<vmem>>, vector<1x16xf32>,
    %swap3A_202 = vector.shape_cast %swap3A_201 : vector<1x16xf32> to vector<16xf32>
    %swap3A_203 = vector.shape_cast %broadcast_in_dim3A_0 : vector<16xf32> to vector<1x16xf32>
    tpu.vector_store %arg18[%swap3A_199, %swap3A_200], %swap3A_203 {strides = array<i32>} : memref<8x128xf32, #tpu.memory_space<vmem>>, vector<1x16xf32>,
    %swap3A_204 = arith.constant 4 : i32
    %swap3A_205 = arith.index_cast %swap3A_204 : i32 to index
    %swap3A_206 = arith.constant 32 : index
    %swap3A_207 = tpu.vector_load %arg18[%swap3A_205, %swap3A_206] {strides = array<i32>} : memref<8x128xf32, #tpu.memory_space<vmem>>, vector<1x16xf32>,
    %swap3A_208 = vector.shape_cast %swap3A_207 : vector<1x16xf32> to vector<16xf32>
    %swap3A_209 = vector.shape_cast %broadcast_in_dim3A_0 : vector<16xf32> to vector<1x16xf32>
    tpu.vector_store %arg18[%swap3A_205, %swap3A_206], %swap3A_209 {strides = array<i32>} : memref<8x128xf32, #tpu.memory_space<vmem>>, vector<1x16xf32>,
    %swap3A_210 = arith.constant 4 : i32
    %swap3A_211 = arith.index_cast %swap3A_210 : i32 to index
    %swap3A_212 = arith.constant 48 : index
    %swap3A_213 = tpu.vector_load %arg18[%swap3A_211, %swap3A_212] {strides = array<i32>} : memref<8x128xf32, #tpu.memory_space<vmem>>, vector<1x16xf32>,
    %swap3A_214 = vector.shape_cast %swap3A_213 : vector<1x16xf32> to vector<16xf32>
    %swap3A_215 = vector.shape_cast %broadcast_in_dim3A_0 : vector<16xf32> to vector<1x16xf32>
    tpu.vector_store %arg18[%swap3A_211, %swap3A_212], %swap3A_215 {strides = array<i32>} : memref<8x128xf32, #tpu.memory_space<vmem>>, vector<1x16xf32>,
    %swap3A_216 = arith.constant 4 : i32
    %swap3A_217 = arith.index_cast %swap3A_216 : i32 to index
    %swap3A_218 = arith.constant 64 : index
    %swap3A_219 = tpu.vector_load %arg18[%swap3A_217, %swap3A_218] {strides = array<i32>} : memref<8x128xf32, #tpu.memory_space<vmem>>, vector<1x16xf32>,
    %swap3A_220 = vector.shape_cast %swap3A_219 : vector<1x16xf32> to vector<16xf32>
    %swap3A_221 = vector.shape_cast %broadcast_in_dim3A_0 : vector<16xf32> to vector<1x16xf32>
    tpu.vector_store %arg18[%swap3A_217, %swap3A_218], %swap3A_221 {strides = array<i32>} : memref<8x128xf32, #tpu.memory_space<vmem>>, vector<1x16xf32>,
    %swap3A_222 = arith.constant 4 : i32
    %swap3A_223 = arith.index_cast %swap3A_222 : i32 to index
    %swap3A_224 = arith.constant 80 : index
    %swap3A_225 = tpu.vector_load %arg18[%swap3A_223, %swap3A_224] {strides = array<i32>} : memref<8x128xf32, #tpu.memory_space<vmem>>, vector<1x16xf32>,
    %swap3A_226 = vector.shape_cast %swap3A_225 : vector<1x16xf32> to vector<16xf32>
    %swap3A_227 = vector.shape_cast %broadcast_in_dim3A_0 : vector<16xf32> to vector<1x16xf32>
    tpu.vector_store %arg18[%swap3A_223, %swap3A_224], %swap3A_227 {strides = array<i32>} : memref<8x128xf32, #tpu.memory_space<vmem>>, vector<1x16xf32>,
    %swap3A_228 = arith.constant 4 : i32
    %swap3A_229 = arith.index_cast %swap3A_228 : i32 to index
    %swap3A_230 = arith.constant 96 : index
    %swap3A_231 = tpu.vector_load %arg18[%swap3A_229, %swap3A_230] {strides = array<i32>} : memref<8x128xf32, #tpu.memory_space<vmem>>, vector<1x16xf32>,
    %swap3A_232 = vector.shape_cast %swap3A_231 : vector<1x16xf32> to vector<16xf32>
    %swap3A_233 = vector.shape_cast %broadcast_in_dim3A_0 : vector<16xf32> to vector<1x16xf32>
    tpu.vector_store %arg18[%swap3A_229, %swap3A_230], %swap3A_233 {strides = array<i32>} : memref<8x128xf32, #tpu.memory_space<vmem>>, vector<1x16xf32>,
    %swap3A_234 = arith.constant 4 : i32
    %swap3A_235 = arith.index_cast %swap3A_234 : i32 to index
    %swap3A_236 = arith.constant 112 : index
    %swap3A_237 = tpu.vector_load %arg18[%swap3A_235, %swap3A_236] {strides = array<i32>} : memref<8x128xf32, #tpu.memory_space<vmem>>, vector<1x16xf32>,
    %swap3A_238 = vector.shape_cast %swap3A_237 : vector<1x16xf32> to vector<16xf32>
    %swap3A_239 = vector.shape_cast %broadcast_in_dim3A_0 : vector<16xf32> to vector<1x16xf32>
    tpu.vector_store %arg18[%swap3A_235, %swap3A_236], %swap3A_239 {strides = array<i32>} : memref<8x128xf32, #tpu.memory_space<vmem>>, vector<1x16xf32>,
    %swap3A_240 = arith.constant 5 : i32
    %swap3A_241 = arith.index_cast %swap3A_240 : i32 to index
    %swap3A_242 = arith.constant 0 : index
    %swap3A_243 = tpu.vector_load %arg18[%swap3A_241, %swap3A_242] {strides = array<i32>} : memref<8x128xf32, #tpu.memory_space<vmem>>, vector<1x16xf32>,
    %swap3A_244 = vector.shape_cast %swap3A_243 : vector<1x16xf32> to vector<16xf32>
    %swap3A_245 = vector.shape_cast %broadcast_in_dim3A_0 : vector<16xf32> to vector<1x16xf32>
    tpu.vector_store %arg18[%swap3A_241, %swap3A_242], %swap3A_245 {strides = array<i32>} : memref<8x128xf32, #tpu.memory_space<vmem>>, vector<1x16xf32>,
    %swap3A_246 = arith.constant 5 : i32
    %swap3A_247 = arith.index_cast %swap3A_246 : i32 to index
    %swap3A_248 = arith.constant 16 : index
    %swap3A_249 = tpu.vector_load %arg18[%swap3A_247, %swap3A_248] {strides = array<i32>} : memref<8x128xf32, #tpu.memory_space<vmem>>, vector<1x16xf32>,
    %swap3A_250 = vector.shape_cast %swap3A_249 : vector<1x16xf32> to vector<16xf32>
    %swap3A_251 = vector.shape_cast %broadcast_in_dim3A_0 : vector<16xf32> to vector<1x16xf32>
    tpu.vector_store %arg18[%swap3A_247, %swap3A_248], %swap3A_251 {strides = array<i32>} : memref<8x128xf32, #tpu.memory_space<vmem>>, vector<1x16xf32>,
    %swap3A_252 = arith.constant 5 : i32
    %swap3A_253 = arith.index_cast %swap3A_252 : i32 to index
    %swap3A_254 = arith.constant 32 : index
    %swap3A_255 = tpu.vector_load %arg18[%swap3A_253, %swap3A_254] {strides = array<i32>} : memref<8x128xf32, #tpu.memory_space<vmem>>, vector<1x16xf32>,
    %swap3A_256 = vector.shape_cast %swap3A_255 : vector<1x16xf32> to vector<16xf32>
    %swap3A_257 = vector.shape_cast %broadcast_in_dim3A_0 : vector<16xf32> to vector<1x16xf32>
    tpu.vector_store %arg18[%swap3A_253, %swap3A_254], %swap3A_257 {strides = array<i32>} : memref<8x128xf32, #tpu.memory_space<vmem>>, vector<1x16xf32>,
    %swap3A_258 = arith.constant 5 : i32
    %swap3A_259 = arith.index_cast %swap3A_258 : i32 to index
    %swap3A_260 = arith.constant 48 : index
    %swap3A_261 = tpu.vector_load %arg18[%swap3A_259, %swap3A_260] {strides = array<i32>} : memref<8x128xf32, #tpu.memory_space<vmem>>, vector<1x16xf32>,
    %swap3A_262 = vector.shape_cast %swap3A_261 : vector<1x16xf32> to vector<16xf32>
    %swap3A_263 = vector.shape_cast %broadcast_in_dim3A_0 : vector<16xf32> to vector<1x16xf32>
    tpu.vector_store %arg18[%swap3A_259, %swap3A_260], %swap3A_263 {strides = array<i32>} : memref<8x128xf32, #tpu.memory_space<vmem>>, vector<1x16xf32>,
    %swap3A_264 = arith.constant 5 : i32
    %swap3A_265 = arith.index_cast %swap3A_264 : i32 to index
    %swap3A_266 = arith.constant 64 : index
    %swap3A_267 = tpu.vector_load %arg18[%swap3A_265, %swap3A_266] {strides = array<i32>} : memref<8x128xf32, #tpu.memory_space<vmem>>, vector<1x16xf32>,
    %swap3A_268 = vector.shape_cast %swap3A_267 : vector<1x16xf32> to vector<16xf32>
    %swap3A_269 = vector.shape_cast %broadcast_in_dim3A_0 : vector<16xf32> to vector<1x16xf32>
    tpu.vector_store %arg18[%swap3A_265, %swap3A_266], %swap3A_269 {strides = array<i32>} : memref<8x128xf32, #tpu.memory_space<vmem>>, vector<1x16xf32>,
    %swap3A_270 = arith.constant 5 : i32
    %swap3A_271 = arith.index_cast %swap3A_270 : i32 to index
    %swap3A_272 = arith.constant 80 : index
    %swap3A_273 = tpu.vector_load %arg18[%swap3A_271, %swap3A_272] {strides = array<i32>} : memref<8x128xf32, #tpu.memory_space<vmem>>, vector<1x16xf32>,
    %swap3A_274 = vector.shape_cast %swap3A_273 : vector<1x16xf32> to vector<16xf32>
    %swap3A_275 = vector.shape_cast %broadcast_in_dim3A_0 : vector<16xf32> to vector<1x16xf32>
    tpu.vector_store %arg18[%swap3A_271, %swap3A_272], %swap3A_275 {strides = array<i32>} : memref<8x128xf32, #tpu.memory_space<vmem>>, vector<1x16xf32>,
    %swap3A_276 = arith.constant 5 : i32
    %swap3A_277 = arith.index_cast %swap3A_276 : i32 to index
    %swap3A_278 = arith.constant 96 : index
    %swap3A_279 = tpu.vector_load %arg18[%swap3A_277, %swap3A_278] {strides = array<i32>} : memref<8x128xf32, #tpu.memory_space<vmem>>, vector<1x16xf32>,
    %swap3A_280 = vector.shape_cast %swap3A_279 : vector<1x16xf32> to vector<16xf32>
    %swap3A_281 = vector.shape_cast %broadcast_in_dim3A_0 : vector<16xf32> to vector<1x16xf32>
    tpu.vector_store %arg18[%swap3A_277, %swap3A_278], %swap3A_281 {strides = array<i32>} : memref<8x128xf32, #tpu.memory_space<vmem>>, vector<1x16xf32>,
    %swap3A_282 = arith.constant 5 : i32
    %swap3A_283 = arith.index_cast %swap3A_282 : i32 to index
    %swap3A_284 = arith.constant 112 : index
    %swap3A_285 = tpu.vector_load %arg18[%swap3A_283, %swap3A_284] {strides = array<i32>} : memref<8x128xf32, #tpu.memory_space<vmem>>, vector<1x16xf32>,
    %swap3A_286 = vector.shape_cast %swap3A_285 : vector<1x16xf32> to vector<16xf32>
    %swap3A_287 = vector.shape_cast %broadcast_in_dim3A_0 : vector<16xf32> to vector<1x16xf32>
    tpu.vector_store %arg18[%swap3A_283, %swap3A_284], %swap3A_287 {strides = array<i32>} : memref<8x128xf32, #tpu.memory_space<vmem>>, vector<1x16xf32>,
    %swap3A_288 = arith.constant 6 : i32
    %swap3A_289 = arith.index_cast %swap3A_288 : i32 to index
    %swap3A_290 = arith.constant 0 : index
    %swap3A_291 = tpu.vector_load %arg18[%swap3A_289, %swap3A_290] {strides = array<i32>} : memref<8x128xf32, #tpu.memory_space<vmem>>, vector<1x16xf32>,
    %swap3A_292 = vector.shape_cast %swap3A_291 : vector<1x16xf32> to vector<16xf32>
    %swap3A_293 = vector.shape_cast %broadcast_in_dim3A_0 : vector<16xf32> to vector<1x16xf32>
    tpu.vector_store %arg18[%swap3A_289, %swap3A_290], %swap3A_293 {strides = array<i32>} : memref<8x128xf32, #tpu.memory_space<vmem>>, vector<1x16xf32>,
    %swap3A_294 = arith.constant 6 : i32
    %swap3A_295 = arith.index_cast %swap3A_294 : i32 to index
    %swap3A_296 = arith.constant 16 : index
    %swap3A_297 = tpu.vector_load %arg18[%swap3A_295, %swap3A_296] {strides = array<i32>} : memref<8x128xf32, #tpu.memory_space<vmem>>, vector<1x16xf32>,
    %swap3A_298 = vector.shape_cast %swap3A_297 : vector<1x16xf32> to vector<16xf32>
    %swap3A_299 = vector.shape_cast %broadcast_in_dim3A_0 : vector<16xf32> to vector<1x16xf32>
    tpu.vector_store %arg18[%swap3A_295, %swap3A_296], %swap3A_299 {strides = array<i32>} : memref<8x128xf32, #tpu.memory_space<vmem>>, vector<1x16xf32>,
    %swap3A_300 = arith.constant 6 : i32
    %swap3A_301 = arith.index_cast %swap3A_300 : i32 to index
    %swap3A_302 = arith.constant 32 : index
    %swap3A_303 = tpu.vector_load %arg18[%swap3A_301, %swap3A_302] {strides = array<i32>} : memref<8x128xf32, #tpu.memory_space<vmem>>, vector<1x16xf32>,
    %swap3A_304 = vector.shape_cast %swap3A_303 : vector<1x16xf32> to vector<16xf32>
    %swap3A_305 = vector.shape_cast %broadcast_in_dim3A_0 : vector<16xf32> to vector<1x16xf32>
    tpu.vector_store %arg18[%swap3A_301, %swap3A_302], %swap3A_305 {strides = array<i32>} : memref<8x128xf32, #tpu.memory_space<vmem>>, vector<1x16xf32>,
    %swap3A_306 = arith.constant 6 : i32
    %swap3A_307 = arith.index_cast %swap3A_306 : i32 to index
    %swap3A_308 = arith.constant 48 : index
    %swap3A_309 = tpu.vector_load %arg18[%swap3A_307, %swap3A_308] {strides = array<i32>} : memref<8x128xf32, #tpu.memory_space<vmem>>, vector<1x16xf32>,
    %swap3A_310 = vector.shape_cast %swap3A_309 : vector<1x16xf32> to vector<16xf32>
    %swap3A_311 = vector.shape_cast %broadcast_in_dim3A_0 : vector<16xf32> to vector<1x16xf32>
    tpu.vector_store %arg18[%swap3A_307, %swap3A_308], %swap3A_311 {strides = array<i32>} : memref<8x128xf32, #tpu.memory_space<vmem>>, vector<1x16xf32>,
    %swap3A_312 = arith.constant 6 : i32
    %swap3A_313 = arith.index_cast %swap3A_312 : i32 to index
    %swap3A_314 = arith.constant 64 : index
    %swap3A_315 = tpu.vector_load %arg18[%swap3A_313, %swap3A_314] {strides = array<i32>} : memref<8x128xf32, #tpu.memory_space<vmem>>, vector<1x16xf32>,
    %swap3A_316 = vector.shape_cast %swap3A_315 : vector<1x16xf32> to vector<16xf32>
    %swap3A_317 = vector.shape_cast %broadcast_in_dim3A_0 : vector<16xf32> to vector<1x16xf32>
    tpu.vector_store %arg18[%swap3A_313, %swap3A_314], %swap3A_317 {strides = array<i32>} : memref<8x128xf32, #tpu.memory_space<vmem>>, vector<1x16xf32>,
    %swap3A_318 = arith.constant 6 : i32
    %swap3A_319 = arith.index_cast %swap3A_318 : i32 to index
    %swap3A_320 = arith.constant 80 : index
    %swap3A_321 = tpu.vector_load %arg18[%swap3A_319, %swap3A_320] {strides = array<i32>} : memref<8x128xf32, #tpu.memory_space<vmem>>, vector<1x16xf32>,
    %swap3A_322 = vector.shape_cast %swap3A_321 : vector<1x16xf32> to vector<16xf32>
    %swap3A_323 = vector.shape_cast %broadcast_in_dim3A_0 : vector<16xf32> to vector<1x16xf32>
    tpu.vector_store %arg18[%swap3A_319, %swap3A_320], %swap3A_323 {strides = array<i32>} : memref<8x128xf32, #tpu.memory_space<vmem>>, vector<1x16xf32>,
    %swap3A_324 = arith.constant 6 : i32
    %swap3A_325 = arith.index_cast %swap3A_324 : i32 to index
    %swap3A_326 = arith.constant 96 : index
    %swap3A_327 = tpu.vector_load %arg18[%swap3A_325, %swap3A_326] {strides = array<i32>} : memref<8x128xf32, #tpu.memory_space<vmem>>, vector<1x16xf32>,
    %swap3A_328 = vector.shape_cast %swap3A_327 : vector<1x16xf32> to vector<16xf32>
    %swap3A_329 = vector.shape_cast %broadcast_in_dim3A_0 : vector<16xf32> to vector<1x16xf32>
    tpu.vector_store %arg18[%swap3A_325, %swap3A_326], %swap3A_329 {strides = array<i32>} : memref<8x128xf32, #tpu.memory_space<vmem>>, vector<1x16xf32>,
    %swap3A_330 = arith.constant 6 : i32
    %swap3A_331 = arith.index_cast %swap3A_330 : i32 to index
    %swap3A_332 = arith.constant 112 : index
    %swap3A_333 = tpu.vector_load %arg18[%swap3A_331, %swap3A_332] {strides = array<i32>} : memref<8x128xf32, #tpu.memory_space<vmem>>, vector<1x16xf32>,
    %swap3A_334 = vector.shape_cast %swap3A_333 : vector<1x16xf32> to vector<16xf32>
    %swap3A_335 = vector.shape_cast %broadcast_in_dim3A_0 : vector<16xf32> to vector<1x16xf32>
    tpu.vector_store %arg18[%swap3A_331, %swap3A_332], %swap3A_335 {strides = array<i32>} : memref<8x128xf32, #tpu.memory_space<vmem>>, vector<1x16xf32>,
    %swap3A_336 = arith.constant 7 : i32
    %swap3A_337 = arith.index_cast %swap3A_336 : i32 to index
    %swap3A_338 = arith.constant 0 : index
    %swap3A_339 = tpu.vector_load %arg18[%swap3A_337, %swap3A_338] {strides = array<i32>} : memref<8x128xf32, #tpu.memory_space<vmem>>, vector<1x16xf32>,
    %swap3A_340 = vector.shape_cast %swap3A_339 : vector<1x16xf32> to vector<16xf32>
    %swap3A_341 = vector.shape_cast %broadcast_in_dim3A_0 : vector<16xf32> to vector<1x16xf32>
    tpu.vector_store %arg18[%swap3A_337, %swap3A_338], %swap3A_341 {strides = array<i32>} : memref<8x128xf32, #tpu.memory_space<vmem>>, vector<1x16xf32>,
    %swap3A_342 = arith.constant 7 : i32
    %swap3A_343 = arith.index_cast %swap3A_342 : i32 to index
    %swap3A_344 = arith.constant 16 : index
    %swap3A_345 = tpu.vector_load %arg18[%swap3A_343, %swap3A_344] {strides = array<i32>} : memref<8x128xf32, #tpu.memory_space<vmem>>, vector<1x16xf32>,
    %swap3A_346 = vector.shape_cast %swap3A_345 : vector<1x16xf32> to vector<16xf32>
    %swap3A_347 = vector.shape_cast %broadcast_in_dim3A_0 : vector<16xf32> to vector<1x16xf32>
    tpu.vector_store %arg18[%swap3A_343, %swap3A_344], %swap3A_347 {strides = array<i32>} : memref<8x128xf32, #tpu.memory_space<vmem>>, vector<1x16xf32>,
    %swap3A_348 = arith.constant 7 : i32
    %swap3A_349 = arith.index_cast %swap3A_348 : i32 to index
    %swap3A_350 = arith.constant 32 : index
    %swap3A_351 = tpu.vector_load %arg18[%swap3A_349, %swap3A_350] {strides = array<i32>} : memref<8x128xf32, #tpu.memory_space<vmem>>, vector<1x16xf32>,
    %swap3A_352 = vector.shape_cast %swap3A_351 : vector<1x16xf32> to vector<16xf32>
    %swap3A_353 = vector.shape_cast %broadcast_in_dim3A_0 : vector<16xf32> to vector<1x16xf32>
    tpu.vector_store %arg18[%swap3A_349, %swap3A_350], %swap3A_353 {strides = array<i32>} : memref<8x128xf32, #tpu.memory_space<vmem>>, vector<1x16xf32>,
    %swap3A_354 = arith.constant 7 : i32
    %swap3A_355 = arith.index_cast %swap3A_354 : i32 to index
    %swap3A_356 = arith.constant 48 : index
    %swap3A_357 = tpu.vector_load %arg18[%swap3A_355, %swap3A_356] {strides = array<i32>} : memref<8x128xf32, #tpu.memory_space<vmem>>, vector<1x16xf32>,
    %swap3A_358 = vector.shape_cast %swap3A_357 : vector<1x16xf32> to vector<16xf32>
    %swap3A_359 = vector.shape_cast %broadcast_in_dim3A_0 : vector<16xf32> to vector<1x16xf32>
    tpu.vector_store %arg18[%swap3A_355, %swap3A_356], %swap3A_359 {strides = array<i32>} : memref<8x128xf32, #tpu.memory_space<vmem>>, vector<1x16xf32>,
    %swap3A_360 = arith.constant 7 : i32
    %swap3A_361 = arith.index_cast %swap3A_360 : i32 to index
    %swap3A_362 = arith.constant 64 : index
    %swap3A_363 = tpu.vector_load %arg18[%swap3A_361, %swap3A_362] {strides = array<i32>} : memref<8x128xf32, #tpu.memory_space<vmem>>, vector<1x16xf32>,
    %swap3A_364 = vector.shape_cast %swap3A_363 : vector<1x16xf32> to vector<16xf32>
    %swap3A_365 = vector.shape_cast %broadcast_in_dim3A_0 : vector<16xf32> to vector<1x16xf32>
    tpu.vector_store %arg18[%swap3A_361, %swap3A_362], %swap3A_365 {strides = array<i32>} : memref<8x128xf32, #tpu.memory_space<vmem>>, vector<1x16xf32>,
    %swap3A_366 = arith.constant 7 : i32
    %swap3A_367 = arith.index_cast %swap3A_366 : i32 to index
    %swap3A_368 = arith.constant 80 : index
    %swap3A_369 = tpu.vector_load %arg18[%swap3A_367, %swap3A_368] {strides = array<i32>} : memref<8x128xf32, #tpu.memory_space<vmem>>, vector<1x16xf32>,
    %swap3A_370 = vector.shape_cast %swap3A_369 : vector<1x16xf32> to vector<16xf32>
    %swap3A_371 = vector.shape_cast %broadcast_in_dim3A_0 : vector<16xf32> to vector<1x16xf32>
    tpu.vector_store %arg18[%swap3A_367, %swap3A_368], %swap3A_371 {strides = array<i32>} : memref<8x128xf32, #tpu.memory_space<vmem>>, vector<1x16xf32>,
    %swap3A_372 = arith.constant 7 : i32
    %swap3A_373 = arith.index_cast %swap3A_372 : i32 to index
    %swap3A_374 = arith.constant 96 : index
    %swap3A_375 = tpu.vector_load %arg18[%swap3A_373, %swap3A_374] {strides = array<i32>} : memref<8x128xf32, #tpu.memory_space<vmem>>, vector<1x16xf32>,
    %swap3A_376 = vector.shape_cast %swap3A_375 : vector<1x16xf32> to vector<16xf32>
    %swap3A_377 = vector.shape_cast %broadcast_in_dim3A_0 : vector<16xf32> to vector<1x16xf32>
    tpu.vector_store %arg18[%swap3A_373, %swap3A_374], %swap3A_377 {strides = array<i32>} : memref<8x128xf32, #tpu.memory_space<vmem>>, vector<1x16xf32>,
    %swap3A_378 = arith.constant 7 : i32
    %swap3A_379 = arith.index_cast %swap3A_378 : i32 to index
    %swap3A_380 = arith.constant 112 : index
    %swap3A_381 = tpu.vector_load %arg18[%swap3A_379, %swap3A_380] {strides = array<i32>} : memref<8x128xf32, #tpu.memory_space<vmem>>, vector<1x16xf32>,
    %swap3A_382 = vector.shape_cast %swap3A_381 : vector<1x16xf32> to vector<16xf32>
    %swap3A_383 = vector.shape_cast %broadcast_in_dim3A_0 : vector<16xf32> to vector<1x16xf32>
    tpu.vector_store %arg18[%swap3A_379, %swap3A_380], %swap3A_383 {strides = array<i32>} : memref<8x128xf32, #tpu.memory_space<vmem>>, vector<1x16xf32>,
    %mul3A = arith.constant 640 : i32
    %mul3A_384 = arith.muli %arg1, %mul3A : i32
    %mul3A_385 = arith.constant 80 : i32
    %mul3A_386 = arith.muli %arg1, %mul3A_385 : i32
    %scan3A = arith.constant 0 : i32
    %scan3A_387 = arith.constant 0 : i32
    %scan3A_388 = arith.constant 80 : i32
    %scan3A_389 = arith.addi %scan3A_387, %scan3A_388 : i32
    %scan3A_390 = arith.constant 1 : i32
    scf.for %scan3A_411 = %scan3A_387 to %scan3A_389 step %scan3A_390  : i32 {
      %mul3A_412 = arith.constant 8 : i32
      %mul3A_413 = arith.muli %scan3A_411, %mul3A_412 : i32
      %add3A_414 = arith.addi %mul3A_384, %mul3A_413 : i32
      "tpu.region"() ({
        %run_scoped3A = tpu.sem_alloc : memref<!tpu.dma_semaphore, #tpu.memory_space<semaphore_mem>>
        %dma_start3A = arith.constant 0 : i32
        %dma_start3A_415 = tpu.memref_slice %arg9[%add3A_414, %dma_start3A] : memref<10240x128xf32, #tpu.memory_space<vmem_shared>> -> memref<8x128xf32, #tpu.memory_space<vmem_shared>>
        %dma_start3A_416 = arith.constant 0 : i32
        %dma_start3A_417 = tpu.memref_slice %arg9[%add3A_414, %dma_start3A_416] : memref<10240x128xf32, #tpu.memory_space<vmem_shared>> -> memref<8x128xf32, #tpu.memory_space<vmem_shared>>
        tpu.enqueue_dma source(%arg18 : memref<8x128xf32, #tpu.memory_space<vmem>>) target(%dma_start3A_417 : memref<8x128xf32, #tpu.memory_space<vmem_shared>>) target_semaphore(%run_scoped3A : memref<!tpu.dma_semaphore, #tpu.memory_space<semaphore_mem>>)
        %dma_wait3A = arith.constant 0 : i32
        %dma_wait3A_418 = tpu.memref_slice %arg9[%add3A_414, %dma_wait3A] : memref<10240x128xf32, #tpu.memory_space<vmem_shared>> -> memref<8x128xf32, #tpu.memory_space<vmem_shared>>
        %dma_wait3A_419 = arith.constant 0 : i32
        %dma_wait3A_420 = tpu.memref_slice %arg9[%add3A_414, %dma_wait3A_419] : memref<10240x128xf32, #tpu.memory_space<vmem_shared>> -> memref<8x128xf32, #tpu.memory_space<vmem_shared>>
        tpu.wait_dma2 semaphore(%run_scoped3A : memref<!tpu.dma_semaphore, #tpu.memory_space<semaphore_mem>>) src(%arg18 : memref<8x128xf32, #tpu.memory_space<vmem>>) dst(%dma_wait3A_420 : memref<8x128xf32, #tpu.memory_space<vmem_shared>>)
        tpu.yield
      }) : () -> ()
    }
    %scan3A_391 = arith.constant 80 : i32
    %scan3A_392 = arith.constant 0 : i32
    %scan3A_393 = arith.constant 0 : i32
    %scan3A_394 = arith.constant 10 : i32
    %scan3A_395 = arith.addi %scan3A_393, %scan3A_394 : i32
    %scan3A_396 = arith.constant 1 : i32
    scf.for %scan3A_411 = %scan3A_393 to %scan3A_395 step %scan3A_396  : i32 {
      %mul3A_412 = arith.constant 8 : i32
      %mul3A_413 = arith.muli %scan3A_411, %mul3A_412 : i32
      %add3A_414 = arith.addi %mul3A_386, %mul3A_413 : i32
      "tpu.region"() ({
        %run_scoped3A = tpu.sem_alloc : memref<!tpu.dma_semaphore, #tpu.memory_space<semaphore_mem>>
        %dma_start3A = arith.constant 0 : i32
        %dma_start3A_415 = tpu.memref_slice %arg10[%add3A_414, %dma_start3A] : memref<1280x128xf32, #tpu.memory_space<vmem_shared>> -> memref<8x128xf32, #tpu.memory_space<vmem_shared>>
        %dma_start3A_416 = arith.constant 0 : i32
        %dma_start3A_417 = tpu.memref_slice %arg10[%add3A_414, %dma_start3A_416] : memref<1280x128xf32, #tpu.memory_space<vmem_shared>> -> memref<8x128xf32, #tpu.memory_space<vmem_shared>>
        tpu.enqueue_dma source(%arg18 : memref<8x128xf32, #tpu.memory_space<vmem>>) target(%dma_start3A_417 : memref<8x128xf32, #tpu.memory_space<vmem_shared>>) target_semaphore(%run_scoped3A : memref<!tpu.dma_semaphore, #tpu.memory_space<semaphore_mem>>)
        %dma_wait3A = arith.constant 0 : i32
        %dma_wait3A_418 = tpu.memref_slice %arg10[%add3A_414, %dma_wait3A] : memref<1280x128xf32, #tpu.memory_space<vmem_shared>> -> memref<8x128xf32, #tpu.memory_space<vmem_shared>>
        %dma_wait3A_419 = arith.constant 0 : i32
        %dma_wait3A_420 = tpu.memref_slice %arg10[%add3A_414, %dma_wait3A_419] : memref<1280x128xf32, #tpu.memory_space<vmem_shared>> -> memref<8x128xf32, #tpu.memory_space<vmem_shared>>
        tpu.wait_dma2 semaphore(%run_scoped3A : memref<!tpu.dma_semaphore, #tpu.memory_space<semaphore_mem>>) src(%arg18 : memref<8x128xf32, #tpu.memory_space<vmem>>) dst(%dma_wait3A_420 : memref<8x128xf32, #tpu.memory_space<vmem_shared>>)
        tpu.yield
      }) : () -> ()
    }
    %scan3A_397 = arith.constant 10 : i32
    "tpu.region"() ({
      %run_scoped3A = tpu.sem_alloc : memref<!tpu.dma_semaphore, #tpu.memory_space<semaphore_mem>>
      tpu.enqueue_dma source(%arg6 : memref<16xf32, #tpu.memory_space<hbm>>) target(%arg17 : memref<16xf32, #tpu.memory_space<vmem>>) target_semaphore(%run_scoped3A : memref<!tpu.dma_semaphore, #tpu.memory_space<semaphore_mem>>)
      tpu.wait_dma2 semaphore(%run_scoped3A : memref<!tpu.dma_semaphore, #tpu.memory_space<semaphore_mem>>) src(%arg6 : memref<16xf32, #tpu.memory_space<hbm>>) dst(%arg17 : memref<16xf32, #tpu.memory_space<vmem>>)
      tpu.yield
    }) : () -> ()
    %barrier3A = arith.constant 0 : index
    tpu.barrier barrier_id(%barrier3A)
    %mul3A_398 = arith.constant 2 : i32
    %mul3A_399 = arith.muli %arg1, %mul3A_398 : i32
    %add3A = arith.addi %mul3A_399, %arg0 : i32
    %mul3A_400 = arith.constant 10024 : i32
    %mul3A_401 = arith.muli %add3A, %mul3A_400 : i32
    %get3A = arith.constant 0 : index
    %get3A_402 = tpu.vector_load %arg17[%get3A] {strides = array<i32>} : memref<16xf32, #tpu.memory_space<vmem>>, vector<16xf32>,
    %get3A_403 = vector.shape_cast %get3A_402 : vector<16xf32> to vector<16xf32>
    %scan3A_404 = arith.constant 0 : i32
    %scan3A_405 = arith.constant 0 : i32
    %scan3A_406 = arith.constant 179 : i32
    %scan3A_407 = arith.addi %scan3A_405, %scan3A_406 : i32
    %scan3A_408 = arith.constant 1 : i32
    scf.for %scan3A_411 = %scan3A_405 to %scan3A_407 step %scan3A_408  : i32 {
      %mul3A_412 = arith.constant 179 : i32
      %mul3A_413 = arith.muli %add3A, %mul3A_412 : i32
      %add3A_414 = arith.addi %mul3A_413, %scan3A_411 : i32
      "tpu.region"() ({
        %run_scoped3A = tpu.sem_alloc : memref<!tpu.dma_semaphore, #tpu.memory_space<semaphore_mem>>
        %dma_start3A_509 = arith.constant 0 : i32
        %dma_start3A_510 = arith.constant 0 : i32
        %dma_start3A_511 = tpu.memref_slice %arg2[%add3A_414, %dma_start3A_509, %dma_start3A_510] : memref<5728x4x56xi32, #tpu.memory_space<hbm>> -> memref<1x4x56xi32, #tpu.memory_space<hbm>>
        %dma_start3A_512 = tpu.memref_squeeze %dma_start3A_511 : memref<1x4x56xi32, #tpu.memory_space<hbm>> -> memref<4x56xi32, #tpu.memory_space<hbm>>
        %dma_start3A_513 = arith.constant 0 : i32
        %dma_start3A_514 = arith.constant 0 : i32
        %dma_start3A_515 = tpu.memref_slice %arg2[%add3A_414, %dma_start3A_513, %dma_start3A_514] : memref<5728x4x56xi32, #tpu.memory_space<hbm>> -> memref<1x4x56xi32, #tpu.memory_space<hbm>>
        %dma_start3A_516 = tpu.memref_squeeze %dma_start3A_515 : memref<1x4x56xi32, #tpu.memory_space<hbm>> -> memref<4x56xi32, #tpu.memory_space<hbm>>
        tpu.enqueue_dma source(%dma_start3A_516 : memref<4x56xi32, #tpu.memory_space<hbm>>) target(%arg11 : memref<4x56xi32, #tpu.memory_space<vmem>>) target_semaphore(%run_scoped3A : memref<!tpu.dma_semaphore, #tpu.memory_space<semaphore_mem>>)
        %dma_wait3A_517 = arith.constant 0 : i32
        %dma_wait3A_518 = arith.constant 0 : i32
        %dma_wait3A_519 = tpu.memref_slice %arg2[%add3A_414, %dma_wait3A_517, %dma_wait3A_518] : memref<5728x4x56xi32, #tpu.memory_space<hbm>> -> memref<1x4x56xi32, #tpu.memory_space<hbm>>
        %dma_wait3A_520 = tpu.memref_squeeze %dma_wait3A_519 : memref<1x4x56xi32, #tpu.memory_space<hbm>> -> memref<4x56xi32, #tpu.memory_space<hbm>>
        %dma_wait3A_521 = arith.constant 0 : i32
        %dma_wait3A_522 = arith.constant 0 : i32
        %dma_wait3A_523 = tpu.memref_slice %arg2[%add3A_414, %dma_wait3A_521, %dma_wait3A_522] : memref<5728x4x56xi32, #tpu.memory_space<hbm>> -> memref<1x4x56xi32, #tpu.memory_space<hbm>>
        %dma_wait3A_524 = tpu.memref_squeeze %dma_wait3A_523 : memref<1x4x56xi32, #tpu.memory_space<hbm>> -> memref<4x56xi32, #tpu.memory_space<hbm>>
        tpu.wait_dma2 semaphore(%run_scoped3A : memref<!tpu.dma_semaphore, #tpu.memory_space<semaphore_mem>>) src(%dma_wait3A_524 : memref<4x56xi32, #tpu.memory_space<hbm>>) dst(%arg11 : memref<4x56xi32, #tpu.memory_space<vmem>>)
        tpu.yield
      }) : () -> ()
      %dma_start3A = arith.constant 0 : i32
      %dma_start3A_415 = arith.constant 0 : i32
      %dma_start3A_416 = tpu.memref_slice %arg11[%dma_start3A, %dma_start3A_415] : memref<4x56xi32, #tpu.memory_space<vmem>> -> memref<1x56xi32, #tpu.memory_space<vmem>>
      %dma_start3A_417 = tpu.memref_squeeze %dma_start3A_416 : memref<1x56xi32, #tpu.memory_space<vmem>> -> memref<56xi32, #tpu.memory_space<vmem>>
      %dma_start3A_418 = arith.constant 0 : i32
      %dma_start3A_419 = arith.constant 0 : i32
      %dma_start3A_420 = tpu.memref_slice %arg5[%dma_start3A_418, %dma_start3A_419] : memref<10240x128xf32, #tpu.memory_space<hbm>> -> memref<10240x128xf32, #tpu.memory_space<hbm>>
      tpu.enqueue_indirect_dma source(%dma_start3A_420 : memref<10240x128xf32, #tpu.memory_space<hbm>>) target(%arg12 : memref<56x128xf32, #tpu.memory_space<vmem>>) offsets(%dma_start3A_417 : memref<56xi32, #tpu.memory_space<vmem>>) semaphore(%arg19 : memref<!tpu.dma_semaphore, #tpu.memory_space<semaphore_mem>>)
      %dma_start3A_421 = arith.constant 1 : i32
      %dma_start3A_422 = arith.constant 0 : i32
      %dma_start3A_423 = tpu.memref_slice %arg11[%dma_start3A_421, %dma_start3A_422] : memref<4x56xi32, #tpu.memory_space<vmem>> -> memref<1x56xi32, #tpu.memory_space<vmem>>
      %dma_start3A_424 = tpu.memref_squeeze %dma_start3A_423 : memref<1x56xi32, #tpu.memory_space<vmem>> -> memref<56xi32, #tpu.memory_space<vmem>>
      %dma_start3A_425 = arith.constant 0 : i32
      %dma_start3A_426 = arith.constant 0 : i32
      %dma_start3A_427 = tpu.memref_slice %arg5[%dma_start3A_425, %dma_start3A_426] : memref<10240x128xf32, #tpu.memory_space<hbm>> -> memref<10240x128xf32, #tpu.memory_space<hbm>>
      tpu.enqueue_indirect_dma source(%dma_start3A_427 : memref<10240x128xf32, #tpu.memory_space<hbm>>) target(%arg13 : memref<56x128xf32, #tpu.memory_space<vmem>>) offsets(%dma_start3A_424 : memref<56xi32, #tpu.memory_space<vmem>>) semaphore(%arg20 : memref<!tpu.dma_semaphore, #tpu.memory_space<semaphore_mem>>)
      %dma_start3A_428 = arith.constant 3 : i32
      %dma_start3A_429 = arith.constant 0 : i32
      %dma_start3A_430 = tpu.memref_slice %arg11[%dma_start3A_428, %dma_start3A_429] : memref<4x56xi32, #tpu.memory_space<vmem>> -> memref<1x56xi32, #tpu.memory_space<vmem>>
      %dma_start3A_431 = tpu.memref_squeeze %dma_start3A_430 : memref<1x56xi32, #tpu.memory_space<vmem>> -> memref<56xi32, #tpu.memory_space<vmem>>
      %dma_start3A_432 = arith.constant 0 : i32
      %dma_start3A_433 = arith.constant 0 : i32
      %dma_start3A_434 = tpu.memref_slice %arg3[%dma_start3A_432, %dma_start3A_433] : memref<8x128xf32, #tpu.memory_space<hbm>> -> memref<8x128xf32, #tpu.memory_space<hbm>>
      tpu.enqueue_indirect_dma source(%dma_start3A_434 : memref<8x128xf32, #tpu.memory_space<hbm>>) target(%arg14 : memref<56x128xf32, #tpu.memory_space<vmem>>) offsets(%dma_start3A_431 : memref<56xi32, #tpu.memory_space<vmem>>) semaphore(%arg21 : memref<!tpu.dma_semaphore, #tpu.memory_space<semaphore_mem>>)
      %dma_start3A_435 = arith.constant 0 : i32
      %dma_start3A_436 = arith.constant 0 : i32
      %dma_start3A_437 = tpu.memref_slice %arg11[%dma_start3A_435, %dma_start3A_436] : memref<4x56xi32, #tpu.memory_space<vmem>> -> memref<1x56xi32, #tpu.memory_space<vmem>>
      %dma_start3A_438 = tpu.memref_squeeze %dma_start3A_437 : memref<1x56xi32, #tpu.memory_space<vmem>> -> memref<56xi32, #tpu.memory_space<vmem>>
      %dma_start3A_439 = arith.constant 0 : i32
      %dma_start3A_440 = arith.constant 0 : i32
      %dma_start3A_441 = tpu.memref_slice %arg4[%dma_start3A_439, %dma_start3A_440] : memref<10240x128xf32, #tpu.memory_space<hbm>> -> memref<10240x128xf32, #tpu.memory_space<hbm>>
      tpu.enqueue_indirect_dma source(%dma_start3A_441 : memref<10240x128xf32, #tpu.memory_space<hbm>>) target(%arg15 : memref<56x128xf32, #tpu.memory_space<vmem>>) offsets(%dma_start3A_438 : memref<56xi32, #tpu.memory_space<vmem>>) semaphore(%arg22 : memref<!tpu.dma_semaphore, #tpu.memory_space<semaphore_mem>>)
      %dma_wait3A = arith.constant 0 : i32
      %dma_wait3A_442 = arith.constant 0 : i32
      %dma_wait3A_443 = tpu.memref_slice %arg11[%dma_wait3A, %dma_wait3A_442] : memref<4x56xi32, #tpu.memory_space<vmem>> -> memref<1x56xi32, #tpu.memory_space<vmem>>
      %dma_wait3A_444 = tpu.memref_squeeze %dma_wait3A_443 : memref<1x56xi32, #tpu.memory_space<vmem>> -> memref<56xi32, #tpu.memory_space<vmem>>
      %dma_wait3A_445 = arith.constant 0 : i32
      %dma_wait3A_446 = arith.constant 0 : i32
      %dma_wait3A_447 = tpu.memref_slice %arg5[%dma_wait3A_445, %dma_wait3A_446] : memref<10240x128xf32, #tpu.memory_space<hbm>> -> memref<10240x128xf32, #tpu.memory_space<hbm>>
      tpu.wait_indirect_dma semaphore(%arg19 : memref<!tpu.dma_semaphore, #tpu.memory_space<semaphore_mem>>) src(%dma_wait3A_447 : memref<10240x128xf32, #tpu.memory_space<hbm>>) dst(%arg12 : memref<56x128xf32, #tpu.memory_space<vmem>>)
      %dma_wait3A_448 = arith.constant 1 : i32
      %dma_wait3A_449 = arith.constant 0 : i32
      %dma_wait3A_450 = tpu.memref_slice %arg11[%dma_wait3A_448, %dma_wait3A_449] : memref<4x56xi32, #tpu.memory_space<vmem>> -> memref<1x56xi32, #tpu.memory_space<vmem>>
      %dma_wait3A_451 = tpu.memref_squeeze %dma_wait3A_450 : memref<1x56xi32, #tpu.memory_space<vmem>> -> memref<56xi32, #tpu.memory_space<vmem>>
      %dma_wait3A_452 = arith.constant 0 : i32
      %dma_wait3A_453 = arith.constant 0 : i32
      %dma_wait3A_454 = tpu.memref_slice %arg5[%dma_wait3A_452, %dma_wait3A_453] : memref<10240x128xf32, #tpu.memory_space<hbm>> -> memref<10240x128xf32, #tpu.memory_space<hbm>>
      tpu.wait_indirect_dma semaphore(%arg20 : memref<!tpu.dma_semaphore, #tpu.memory_space<semaphore_mem>>) src(%dma_wait3A_454 : memref<10240x128xf32, #tpu.memory_space<hbm>>) dst(%arg13 : memref<56x128xf32, #tpu.memory_space<vmem>>)
      %dma_wait3A_455 = arith.constant 3 : i32
      %dma_wait3A_456 = arith.constant 0 : i32
      %dma_wait3A_457 = tpu.memref_slice %arg11[%dma_wait3A_455, %dma_wait3A_456] : memref<4x56xi32, #tpu.memory_space<vmem>> -> memref<1x56xi32, #tpu.memory_space<vmem>>
      %dma_wait3A_458 = tpu.memref_squeeze %dma_wait3A_457 : memref<1x56xi32, #tpu.memory_space<vmem>> -> memref<56xi32, #tpu.memory_space<vmem>>
      %dma_wait3A_459 = arith.constant 0 : i32
      %dma_wait3A_460 = arith.constant 0 : i32
      %dma_wait3A_461 = tpu.memref_slice %arg3[%dma_wait3A_459, %dma_wait3A_460] : memref<8x128xf32, #tpu.memory_space<hbm>> -> memref<8x128xf32, #tpu.memory_space<hbm>>
      tpu.wait_indirect_dma semaphore(%arg21 : memref<!tpu.dma_semaphore, #tpu.memory_space<semaphore_mem>>) src(%dma_wait3A_461 : memref<8x128xf32, #tpu.memory_space<hbm>>) dst(%arg14 : memref<56x128xf32, #tpu.memory_space<vmem>>)
      %scan3A_462 = arith.constant 0 : i32
      %scan3A_463 = arith.constant 0 : i32
      %scan3A_464 = arith.constant 56 : i32
      %scan3A_465 = arith.addi %scan3A_463, %scan3A_464 : i32
      %scan3A_466 = arith.constant 2 : i32
      scf.for %scan3A_509 = %scan3A_463 to %scan3A_465 step %scan3A_466  : i32 {
        %get3A_510 = arith.index_cast %scan3A_509 : i32 to index
        %get3A_511 = arith.constant 0 : index
        %get3A_512 = tpu.vector_load %arg12[%get3A_510, %get3A_511] {strides = array<i32>} : memref<56x128xf32, #tpu.memory_space<vmem>>, vector<1x16xf32>,
        %get3A_513 = vector.shape_cast %get3A_512 : vector<1x16xf32> to vector<16xf32>
        %get3A_514 = arith.index_cast %scan3A_509 : i32 to index
        %get3A_515 = arith.constant 16 : index
        %get3A_516 = tpu.vector_load %arg13[%get3A_514, %get3A_515] {strides = array<i32>} : memref<56x128xf32, #tpu.memory_space<vmem>>, vector<1x16xf32>,
        %get3A_517 = vector.shape_cast %get3A_516 : vector<1x16xf32> to vector<16xf32>
        %add3A_518 = arith.addf %get3A_513, %get3A_517 : vector<16xf32>
        %mul3A_519 = arith.constant 2.000000e-01 : f32
        %mul3A_520 = vector.broadcast %mul3A_519 : f32 to vector<16xf32>
        %mul3A_521 = arith.mulf %mul3A_520, %add3A_518 : vector<16xf32>
        %max3A = arith.maximumf %add3A_518, %mul3A_521 : vector<16xf32>
        %add3A_522 = arith.addf %get3A_403, %get3A_517 : vector<16xf32>
        %mul3A_523 = arith.constant 2.000000e-01 : f32
        %mul3A_524 = vector.broadcast %mul3A_523 : f32 to vector<16xf32>
        %mul3A_525 = arith.mulf %mul3A_524, %add3A_522 : vector<16xf32>
        %max3A_526 = arith.maximumf %add3A_522, %mul3A_525 : vector<16xf32>
        %sub3A = arith.subf %max3A, %max3A_526 : vector<16xf32>
        %exp3A = math.exp %sub3A : vector<16xf32>
        %swap3A_527 = arith.index_cast %scan3A_509 : i32 to index
        %swap3A_528 = arith.constant 0 : index
        %swap3A_529 = tpu.vector_load %arg16[%swap3A_527, %swap3A_528] {strides = array<i32>} : memref<56x16xf32, #tpu.memory_space<vmem>>, vector<1x16xf32>,
        %swap3A_530 = vector.shape_cast %swap3A_529 : vector<1x16xf32> to vector<16xf32>
        %swap3A_531 = vector.shape_cast %exp3A : vector<16xf32> to vector<1x16xf32>
        tpu.vector_store %arg16[%swap3A_527, %swap3A_528], %swap3A_531 {strides = array<i32>} : memref<56x16xf32, #tpu.memory_space<vmem>>, vector<1x16xf32>,
        %get3A_532 = arith.index_cast %scan3A_509 : i32 to index
        %get3A_533 = arith.constant 0 : index
        %get3A_534 = tpu.vector_load %arg14[%get3A_532, %get3A_533] {strides = array<i32>} : memref<56x128xf32, #tpu.memory_space<vmem>>, vector<1x16xf32>,
        %get3A_535 = vector.shape_cast %get3A_534 : vector<1x16xf32> to vector<16xf32>
        %mul3A_536 = arith.mulf %get3A_535, %exp3A : vector<16xf32>
        %swap3A_537 = arith.index_cast %scan3A_509 : i32 to index
        %swap3A_538 = arith.constant 0 : index
        %swap3A_539 = tpu.vector_load %arg14[%swap3A_537, %swap3A_538] {strides = array<i32>} : memref<56x128xf32, #tpu.memory_space<vmem>>, vector<1x16xf32>,
        %swap3A_540 = vector.shape_cast %swap3A_539 : vector<1x16xf32> to vector<16xf32>
        %swap3A_541 = vector.shape_cast %mul3A_536 : vector<16xf32> to vector<1x16xf32>
        tpu.vector_store %arg14[%swap3A_537, %swap3A_538], %swap3A_541 {strides = array<i32>} : memref<56x128xf32, #tpu.memory_space<vmem>>, vector<1x16xf32>,
        %get3A_542 = arith.index_cast %scan3A_509 : i32 to index
        %get3A_543 = arith.constant 16 : index
        %get3A_544 = tpu.vector_load %arg14[%get3A_542, %get3A_543] {strides = array<i32>} : memref<56x128xf32, #tpu.memory_space<vmem>>, vector<1x16xf32>,
        %get3A_545 = vector.shape_cast %get3A_544 : vector<1x16xf32> to vector<16xf32>
        %mul3A_546 = arith.mulf %get3A_545, %exp3A : vector<16xf32>
        %swap3A_547 = arith.index_cast %scan3A_509 : i32 to index
        %swap3A_548 = arith.constant 16 : index
        %swap3A_549 = tpu.vector_load %arg14[%swap3A_547, %swap3A_548] {strides = array<i32>} : memref<56x128xf32, #tpu.memory_space<vmem>>, vector<1x16xf32>,
        %swap3A_550 = vector.shape_cast %swap3A_549 : vector<1x16xf32> to vector<16xf32>
        %swap3A_551 = vector.shape_cast %mul3A_546 : vector<16xf32> to vector<1x16xf32>
        tpu.vector_store %arg14[%swap3A_547, %swap3A_548], %swap3A_551 {strides = array<i32>} : memref<56x128xf32, #tpu.memory_space<vmem>>, vector<1x16xf32>,
        %get3A_552 = arith.index_cast %scan3A_509 : i32 to index
        %get3A_553 = arith.constant 32 : index
        %get3A_554 = tpu.vector_load %arg14[%get3A_552, %get3A_553] {strides = array<i32>} : memref<56x128xf32, #tpu.memory_space<vmem>>, vector<1x16xf32>,
        %get3A_555 = vector.shape_cast %get3A_554 : vector<1x16xf32> to vector<16xf32>
        %mul3A_556 = arith.mulf %get3A_555, %exp3A : vector<16xf32>
        %swap3A_557 = arith.index_cast %scan3A_509 : i32 to index
        %swap3A_558 = arith.constant 32 : index
        %swap3A_559 = tpu.vector_load %arg14[%swap3A_557, %swap3A_558] {strides = array<i32>} : memref<56x128xf32, #tpu.memory_space<vmem>>, vector<1x16xf32>,
        %swap3A_560 = vector.shape_cast %swap3A_559 : vector<1x16xf32> to vector<16xf32>
        %swap3A_561 = vector.shape_cast %mul3A_556 : vector<16xf32> to vector<1x16xf32>
        tpu.vector_store %arg14[%swap3A_557, %swap3A_558], %swap3A_561 {strides = array<i32>} : memref<56x128xf32, #tpu.memory_space<vmem>>, vector<1x16xf32>,
        %get3A_562 = arith.index_cast %scan3A_509 : i32 to index
        %get3A_563 = arith.constant 48 : index
        %get3A_564 = tpu.vector_load %arg14[%get3A_562, %get3A_563] {strides = array<i32>} : memref<56x128xf32, #tpu.memory_space<vmem>>, vector<1x16xf32>,
        %get3A_565 = vector.shape_cast %get3A_564 : vector<1x16xf32> to vector<16xf32>
        %mul3A_566 = arith.mulf %get3A_565, %exp3A : vector<16xf32>
        %swap3A_567 = arith.index_cast %scan3A_509 : i32 to index
        %swap3A_568 = arith.constant 48 : index
        %swap3A_569 = tpu.vector_load %arg14[%swap3A_567, %swap3A_568] {strides = array<i32>} : memref<56x128xf32, #tpu.memory_space<vmem>>, vector<1x16xf32>,
        %swap3A_570 = vector.shape_cast %swap3A_569 : vector<1x16xf32> to vector<16xf32>
        %swap3A_571 = vector.shape_cast %mul3A_566 : vector<16xf32> to vector<1x16xf32>
        tpu.vector_store %arg14[%swap3A_567, %swap3A_568], %swap3A_571 {strides = array<i32>} : memref<56x128xf32, #tpu.memory_space<vmem>>, vector<1x16xf32>,
        %get3A_572 = arith.index_cast %scan3A_509 : i32 to index
        %get3A_573 = arith.constant 64 : index
        %get3A_574 = tpu.vector_load %arg14[%get3A_572, %get3A_573] {strides = array<i32>} : memref<56x128xf32, #tpu.memory_space<vmem>>, vector<1x16xf32>,
        %get3A_575 = vector.shape_cast %get3A_574 : vector<1x16xf32> to vector<16xf32>
        %mul3A_576 = arith.mulf %get3A_575, %exp3A : vector<16xf32>
        %swap3A_577 = arith.index_cast %scan3A_509 : i32 to index
        %swap3A_578 = arith.constant 64 : index
        %swap3A_579 = tpu.vector_load %arg14[%swap3A_577, %swap3A_578] {strides = array<i32>} : memref<56x128xf32, #tpu.memory_space<vmem>>, vector<1x16xf32>,
        %swap3A_580 = vector.shape_cast %swap3A_579 : vector<1x16xf32> to vector<16xf32>
        %swap3A_581 = vector.shape_cast %mul3A_576 : vector<16xf32> to vector<1x16xf32>
        tpu.vector_store %arg14[%swap3A_577, %swap3A_578], %swap3A_581 {strides = array<i32>} : memref<56x128xf32, #tpu.memory_space<vmem>>, vector<1x16xf32>,
        %get3A_582 = arith.index_cast %scan3A_509 : i32 to index
        %get3A_583 = arith.constant 80 : index
        %get3A_584 = tpu.vector_load %arg14[%get3A_582, %get3A_583] {strides = array<i32>} : memref<56x128xf32, #tpu.memory_space<vmem>>, vector<1x16xf32>,
        %get3A_585 = vector.shape_cast %get3A_584 : vector<1x16xf32> to vector<16xf32>
        %mul3A_586 = arith.mulf %get3A_585, %exp3A : vector<16xf32>
        %swap3A_587 = arith.index_cast %scan3A_509 : i32 to index
        %swap3A_588 = arith.constant 80 : index
        %swap3A_589 = tpu.vector_load %arg14[%swap3A_587, %swap3A_588] {strides = array<i32>} : memref<56x128xf32, #tpu.memory_space<vmem>>, vector<1x16xf32>,
        %swap3A_590 = vector.shape_cast %swap3A_589 : vector<1x16xf32> to vector<16xf32>
        %swap3A_591 = vector.shape_cast %mul3A_586 : vector<16xf32> to vector<1x16xf32>
        tpu.vector_store %arg14[%swap3A_587, %swap3A_588], %swap3A_591 {strides = array<i32>} : memref<56x128xf32, #tpu.memory_space<vmem>>, vector<1x16xf32>,
        %get3A_592 = arith.index_cast %scan3A_509 : i32 to index
        %get3A_593 = arith.constant 96 : index
        %get3A_594 = tpu.vector_load %arg14[%get3A_592, %get3A_593] {strides = array<i32>} : memref<56x128xf32, #tpu.memory_space<vmem>>, vector<1x16xf32>,
        %get3A_595 = vector.shape_cast %get3A_594 : vector<1x16xf32> to vector<16xf32>
        %mul3A_596 = arith.mulf %get3A_595, %exp3A : vector<16xf32>
        %swap3A_597 = arith.index_cast %scan3A_509 : i32 to index
        %swap3A_598 = arith.constant 96 : index
        %swap3A_599 = tpu.vector_load %arg14[%swap3A_597, %swap3A_598] {strides = array<i32>} : memref<56x128xf32, #tpu.memory_space<vmem>>, vector<1x16xf32>,
        %swap3A_600 = vector.shape_cast %swap3A_599 : vector<1x16xf32> to vector<16xf32>
        %swap3A_601 = vector.shape_cast %mul3A_596 : vector<16xf32> to vector<1x16xf32>
        tpu.vector_store %arg14[%swap3A_597, %swap3A_598], %swap3A_601 {strides = array<i32>} : memref<56x128xf32, #tpu.memory_space<vmem>>, vector<1x16xf32>,
        %get3A_602 = arith.index_cast %scan3A_509 : i32 to index
        %get3A_603 = arith.constant 112 : index
        %get3A_604 = tpu.vector_load %arg14[%get3A_602, %get3A_603] {strides = array<i32>} : memref<56x128xf32, #tpu.memory_space<vmem>>, vector<1x16xf32>,
        %get3A_605 = vector.shape_cast %get3A_604 : vector<1x16xf32> to vector<16xf32>
        %mul3A_606 = arith.mulf %get3A_605, %exp3A : vector<16xf32>
        %swap3A_607 = arith.index_cast %scan3A_509 : i32 to index
        %swap3A_608 = arith.constant 112 : index
        %swap3A_609 = tpu.vector_load %arg14[%swap3A_607, %swap3A_608] {strides = array<i32>} : memref<56x128xf32, #tpu.memory_space<vmem>>, vector<1x16xf32>,
        %swap3A_610 = vector.shape_cast %swap3A_609 : vector<1x16xf32> to vector<16xf32>
        %swap3A_611 = vector.shape_cast %mul3A_606 : vector<16xf32> to vector<1x16xf32>
        tpu.vector_store %arg14[%swap3A_607, %swap3A_608], %swap3A_611 {strides = array<i32>} : memref<56x128xf32, #tpu.memory_space<vmem>>, vector<1x16xf32>,
        %scan3A_612 = arith.constant 1 : i32
        %scan3A_613 = arith.addi %scan3A_509, %scan3A_612 : i32
        %get3A_614 = arith.index_cast %scan3A_613 : i32 to index
        %get3A_615 = arith.constant 0 : index
        %get3A_616 = tpu.vector_load %arg12[%get3A_614, %get3A_615] {strides = array<i32>} : memref<56x128xf32, #tpu.memory_space<vmem>>, vector<1x16xf32>,
        %get3A_617 = vector.shape_cast %get3A_616 : vector<1x16xf32> to vector<16xf32>
        %get3A_618 = arith.index_cast %scan3A_613 : i32 to index
        %get3A_619 = arith.constant 16 : index
        %get3A_620 = tpu.vector_load %arg13[%get3A_618, %get3A_619] {strides = array<i32>} : memref<56x128xf32, #tpu.memory_space<vmem>>, vector<1x16xf32>,
        %get3A_621 = vector.shape_cast %get3A_620 : vector<1x16xf32> to vector<16xf32>
        %add3A_622 = arith.addf %get3A_617, %get3A_621 : vector<16xf32>
        %mul3A_623 = arith.constant 2.000000e-01 : f32
        %mul3A_624 = vector.broadcast %mul3A_623 : f32 to vector<16xf32>
        %mul3A_625 = arith.mulf %mul3A_624, %add3A_622 : vector<16xf32>
        %max3A_626 = arith.maximumf %add3A_622, %mul3A_625 : vector<16xf32>
        %add3A_627 = arith.addf %get3A_403, %get3A_621 : vector<16xf32>
        %mul3A_628 = arith.constant 2.000000e-01 : f32
        %mul3A_629 = vector.broadcast %mul3A_628 : f32 to vector<16xf32>
        %mul3A_630 = arith.mulf %mul3A_629, %add3A_627 : vector<16xf32>
        %max3A_631 = arith.maximumf %add3A_627, %mul3A_630 : vector<16xf32>
        %sub3A_632 = arith.subf %max3A_626, %max3A_631 : vector<16xf32>
        %exp3A_633 = math.exp %sub3A_632 : vector<16xf32>
        %swap3A_634 = arith.index_cast %scan3A_613 : i32 to index
        %swap3A_635 = arith.constant 0 : index
        %swap3A_636 = tpu.vector_load %arg16[%swap3A_634, %swap3A_635] {strides = array<i32>} : memref<56x16xf32, #tpu.memory_space<vmem>>, vector<1x16xf32>,
        %swap3A_637 = vector.shape_cast %swap3A_636 : vector<1x16xf32> to vector<16xf32>
        %swap3A_638 = vector.shape_cast %exp3A_633 : vector<16xf32> to vector<1x16xf32>
        tpu.vector_store %arg16[%swap3A_634, %swap3A_635], %swap3A_638 {strides = array<i32>} : memref<56x16xf32, #tpu.memory_space<vmem>>, vector<1x16xf32>,
        %get3A_639 = arith.index_cast %scan3A_613 : i32 to index
        %get3A_640 = arith.constant 0 : index
        %get3A_641 = tpu.vector_load %arg14[%get3A_639, %get3A_640] {strides = array<i32>} : memref<56x128xf32, #tpu.memory_space<vmem>>, vector<1x16xf32>,
        %get3A_642 = vector.shape_cast %get3A_641 : vector<1x16xf32> to vector<16xf32>
        %mul3A_643 = arith.mulf %get3A_642, %exp3A_633 : vector<16xf32>
        %swap3A_644 = arith.index_cast %scan3A_613 : i32 to index
        %swap3A_645 = arith.constant 0 : index
        %swap3A_646 = tpu.vector_load %arg14[%swap3A_644, %swap3A_645] {strides = array<i32>} : memref<56x128xf32, #tpu.memory_space<vmem>>, vector<1x16xf32>,
        %swap3A_647 = vector.shape_cast %swap3A_646 : vector<1x16xf32> to vector<16xf32>
        %swap3A_648 = vector.shape_cast %mul3A_643 : vector<16xf32> to vector<1x16xf32>
        tpu.vector_store %arg14[%swap3A_644, %swap3A_645], %swap3A_648 {strides = array<i32>} : memref<56x128xf32, #tpu.memory_space<vmem>>, vector<1x16xf32>,
        %get3A_649 = arith.index_cast %scan3A_613 : i32 to index
        %get3A_650 = arith.constant 16 : index
        %get3A_651 = tpu.vector_load %arg14[%get3A_649, %get3A_650] {strides = array<i32>} : memref<56x128xf32, #tpu.memory_space<vmem>>, vector<1x16xf32>,
        %get3A_652 = vector.shape_cast %get3A_651 : vector<1x16xf32> to vector<16xf32>
        %mul3A_653 = arith.mulf %get3A_652, %exp3A_633 : vector<16xf32>
        %swap3A_654 = arith.index_cast %scan3A_613 : i32 to index
        %swap3A_655 = arith.constant 16 : index
        %swap3A_656 = tpu.vector_load %arg14[%swap3A_654, %swap3A_655] {strides = array<i32>} : memref<56x128xf32, #tpu.memory_space<vmem>>, vector<1x16xf32>,
        %swap3A_657 = vector.shape_cast %swap3A_656 : vector<1x16xf32> to vector<16xf32>
        %swap3A_658 = vector.shape_cast %mul3A_653 : vector<16xf32> to vector<1x16xf32>
        tpu.vector_store %arg14[%swap3A_654, %swap3A_655], %swap3A_658 {strides = array<i32>} : memref<56x128xf32, #tpu.memory_space<vmem>>, vector<1x16xf32>,
        %get3A_659 = arith.index_cast %scan3A_613 : i32 to index
        %get3A_660 = arith.constant 32 : index
        %get3A_661 = tpu.vector_load %arg14[%get3A_659, %get3A_660] {strides = array<i32>} : memref<56x128xf32, #tpu.memory_space<vmem>>, vector<1x16xf32>,
        %get3A_662 = vector.shape_cast %get3A_661 : vector<1x16xf32> to vector<16xf32>
        %mul3A_663 = arith.mulf %get3A_662, %exp3A_633 : vector<16xf32>
        %swap3A_664 = arith.index_cast %scan3A_613 : i32 to index
        %swap3A_665 = arith.constant 32 : index
        %swap3A_666 = tpu.vector_load %arg14[%swap3A_664, %swap3A_665] {strides = array<i32>} : memref<56x128xf32, #tpu.memory_space<vmem>>, vector<1x16xf32>,
        %swap3A_667 = vector.shape_cast %swap3A_666 : vector<1x16xf32> to vector<16xf32>
        %swap3A_668 = vector.shape_cast %mul3A_663 : vector<16xf32> to vector<1x16xf32>
        tpu.vector_store %arg14[%swap3A_664, %swap3A_665], %swap3A_668 {strides = array<i32>} : memref<56x128xf32, #tpu.memory_space<vmem>>, vector<1x16xf32>,
        %get3A_669 = arith.index_cast %scan3A_613 : i32 to index
        %get3A_670 = arith.constant 48 : index
        %get3A_671 = tpu.vector_load %arg14[%get3A_669, %get3A_670] {strides = array<i32>} : memref<56x128xf32, #tpu.memory_space<vmem>>, vector<1x16xf32>,
        %get3A_672 = vector.shape_cast %get3A_671 : vector<1x16xf32> to vector<16xf32>
        %mul3A_673 = arith.mulf %get3A_672, %exp3A_633 : vector<16xf32>
        %swap3A_674 = arith.index_cast %scan3A_613 : i32 to index
        %swap3A_675 = arith.constant 48 : index
        %swap3A_676 = tpu.vector_load %arg14[%swap3A_674, %swap3A_675] {strides = array<i32>} : memref<56x128xf32, #tpu.memory_space<vmem>>, vector<1x16xf32>,
        %swap3A_677 = vector.shape_cast %swap3A_676 : vector<1x16xf32> to vector<16xf32>
        %swap3A_678 = vector.shape_cast %mul3A_673 : vector<16xf32> to vector<1x16xf32>
        tpu.vector_store %arg14[%swap3A_674, %swap3A_675], %swap3A_678 {strides = array<i32>} : memref<56x128xf32, #tpu.memory_space<vmem>>, vector<1x16xf32>,
        %get3A_679 = arith.index_cast %scan3A_613 : i32 to index
        %get3A_680 = arith.constant 64 : index
        %get3A_681 = tpu.vector_load %arg14[%get3A_679, %get3A_680] {strides = array<i32>} : memref<56x128xf32, #tpu.memory_space<vmem>>, vector<1x16xf32>,
        %get3A_682 = vector.shape_cast %get3A_681 : vector<1x16xf32> to vector<16xf32>
        %mul3A_683 = arith.mulf %get3A_682, %exp3A_633 : vector<16xf32>
        %swap3A_684 = arith.index_cast %scan3A_613 : i32 to index
        %swap3A_685 = arith.constant 64 : index
        %swap3A_686 = tpu.vector_load %arg14[%swap3A_684, %swap3A_685] {strides = array<i32>} : memref<56x128xf32, #tpu.memory_space<vmem>>, vector<1x16xf32>,
        %swap3A_687 = vector.shape_cast %swap3A_686 : vector<1x16xf32> to vector<16xf32>
        %swap3A_688 = vector.shape_cast %mul3A_683 : vector<16xf32> to vector<1x16xf32>
        tpu.vector_store %arg14[%swap3A_684, %swap3A_685], %swap3A_688 {strides = array<i32>} : memref<56x128xf32, #tpu.memory_space<vmem>>, vector<1x16xf32>,
        %get3A_689 = arith.index_cast %scan3A_613 : i32 to index
        %get3A_690 = arith.constant 80 : index
        %get3A_691 = tpu.vector_load %arg14[%get3A_689, %get3A_690] {strides = array<i32>} : memref<56x128xf32, #tpu.memory_space<vmem>>, vector<1x16xf32>,
        %get3A_692 = vector.shape_cast %get3A_691 : vector<1x16xf32> to vector<16xf32>
        %mul3A_693 = arith.mulf %get3A_692, %exp3A_633 : vector<16xf32>
        %swap3A_694 = arith.index_cast %scan3A_613 : i32 to index
        %swap3A_695 = arith.constant 80 : index
        %swap3A_696 = tpu.vector_load %arg14[%swap3A_694, %swap3A_695] {strides = array<i32>} : memref<56x128xf32, #tpu.memory_space<vmem>>, vector<1x16xf32>,
        %swap3A_697 = vector.shape_cast %swap3A_696 : vector<1x16xf32> to vector<16xf32>
        %swap3A_698 = vector.shape_cast %mul3A_693 : vector<16xf32> to vector<1x16xf32>
        tpu.vector_store %arg14[%swap3A_694, %swap3A_695], %swap3A_698 {strides = array<i32>} : memref<56x128xf32, #tpu.memory_space<vmem>>, vector<1x16xf32>,
        %get3A_699 = arith.index_cast %scan3A_613 : i32 to index
        %get3A_700 = arith.constant 96 : index
        %get3A_701 = tpu.vector_load %arg14[%get3A_699, %get3A_700] {strides = array<i32>} : memref<56x128xf32, #tpu.memory_space<vmem>>, vector<1x16xf32>,
        %get3A_702 = vector.shape_cast %get3A_701 : vector<1x16xf32> to vector<16xf32>
        %mul3A_703 = arith.mulf %get3A_702, %exp3A_633 : vector<16xf32>
        %swap3A_704 = arith.index_cast %scan3A_613 : i32 to index
        %swap3A_705 = arith.constant 96 : index
        %swap3A_706 = tpu.vector_load %arg14[%swap3A_704, %swap3A_705] {strides = array<i32>} : memref<56x128xf32, #tpu.memory_space<vmem>>, vector<1x16xf32>,
        %swap3A_707 = vector.shape_cast %swap3A_706 : vector<1x16xf32> to vector<16xf32>
        %swap3A_708 = vector.shape_cast %mul3A_703 : vector<16xf32> to vector<1x16xf32>
        tpu.vector_store %arg14[%swap3A_704, %swap3A_705], %swap3A_708 {strides = array<i32>} : memref<56x128xf32, #tpu.memory_space<vmem>>, vector<1x16xf32>,
        %get3A_709 = arith.index_cast %scan3A_613 : i32 to index
        %get3A_710 = arith.constant 112 : index
        %get3A_711 = tpu.vector_load %arg14[%get3A_709, %get3A_710] {strides = array<i32>} : memref<56x128xf32, #tpu.memory_space<vmem>>, vector<1x16xf32>,
        %get3A_712 = vector.shape_cast %get3A_711 : vector<1x16xf32> to vector<16xf32>
        %mul3A_713 = arith.mulf %get3A_712, %exp3A_633 : vector<16xf32>
        %swap3A_714 = arith.index_cast %scan3A_613 : i32 to index
        %swap3A_715 = arith.constant 112 : index
        %swap3A_716 = tpu.vector_load %arg14[%swap3A_714, %swap3A_715] {strides = array<i32>} : memref<56x128xf32, #tpu.memory_space<vmem>>, vector<1x16xf32>,
        %swap3A_717 = vector.shape_cast %swap3A_716 : vector<1x16xf32> to vector<16xf32>
        %swap3A_718 = vector.shape_cast %mul3A_713 : vector<16xf32> to vector<1x16xf32>
        tpu.vector_store %arg14[%swap3A_714, %swap3A_715], %swap3A_718 {strides = array<i32>} : memref<56x128xf32, #tpu.memory_space<vmem>>, vector<1x16xf32>,
      }
      %scan3A_467 = arith.constant 56 : i32
      %dma_start3A_468 = arith.constant 2 : i32
      %dma_start3A_469 = arith.constant 0 : i32
      %dma_start3A_470 = tpu.memref_slice %arg11[%dma_start3A_468, %dma_start3A_469] : memref<4x56xi32, #tpu.memory_space<vmem>> -> memref<1x56xi32, #tpu.memory_space<vmem>>
      %dma_start3A_471 = tpu.memref_squeeze %dma_start3A_470 : memref<1x56xi32, #tpu.memory_space<vmem>> -> memref<56xi32, #tpu.memory_space<vmem>>
      %dma_start3A_472 = arith.constant 0 : i32
      %dma_start3A_473 = arith.constant 0 : i32
      %dma_start3A_474 = tpu.memref_slice %arg10[%dma_start3A_472, %dma_start3A_473] : memref<1280x128xf32, #tpu.memory_space<vmem_shared>> -> memref<1280x128xf32, #tpu.memory_space<vmem_shared>>
      tpu.enqueue_indirect_dma source(%arg14 : memref<56x128xf32, #tpu.memory_space<vmem>>) target(%dma_start3A_474 : memref<1280x128xf32, #tpu.memory_space<vmem_shared>>) offsets(%dma_start3A_471 : memref<56xi32, #tpu.memory_space<vmem>>) semaphore(%arg21 : memref<!tpu.dma_semaphore, #tpu.memory_space<semaphore_mem>>) {add = true}
      %dma_wait3A_475 = arith.constant 0 : i32
      %dma_wait3A_476 = arith.constant 0 : i32
      %dma_wait3A_477 = tpu.memref_slice %arg11[%dma_wait3A_475, %dma_wait3A_476] : memref<4x56xi32, #tpu.memory_space<vmem>> -> memref<1x56xi32, #tpu.memory_space<vmem>>
      %dma_wait3A_478 = tpu.memref_squeeze %dma_wait3A_477 : memref<1x56xi32, #tpu.memory_space<vmem>> -> memref<56xi32, #tpu.memory_space<vmem>>
      %dma_wait3A_479 = arith.constant 0 : i32
      %dma_wait3A_480 = arith.constant 0 : i32
      %dma_wait3A_481 = tpu.memref_slice %arg4[%dma_wait3A_479, %dma_wait3A_480] : memref<10240x128xf32, #tpu.memory_space<hbm>> -> memref<10240x128xf32, #tpu.memory_space<hbm>>
      tpu.wait_indirect_dma semaphore(%arg22 : memref<!tpu.dma_semaphore, #tpu.memory_space<semaphore_mem>>) src(%dma_wait3A_481 : memref<10240x128xf32, #tpu.memory_space<hbm>>) dst(%arg15 : memref<56x128xf32, #tpu.memory_space<vmem>>)
      %scan3A_482 = arith.constant 0 : i32
      %scan3A_483 = arith.constant 0 : i32
      %scan3A_484 = arith.constant 56 : i32
      %scan3A_485 = arith.addi %scan3A_483, %scan3A_484 : i32
      %scan3A_486 = arith.constant 2 : i32
      scf.for %scan3A_509 = %scan3A_483 to %scan3A_485 step %scan3A_486  : i32 {
        %get3A_510 = arith.index_cast %scan3A_509 : i32 to index
        %get3A_511 = arith.constant 0 : index
        %get3A_512 = tpu.vector_load %arg16[%get3A_510, %get3A_511] {strides = array<i32>} : memref<56x16xf32, #tpu.memory_space<vmem>>, vector<1x16xf32>,
        %get3A_513 = vector.shape_cast %get3A_512 : vector<1x16xf32> to vector<16xf32>
        %slice3A = vector.extract_strided_slice %get3A_513 {offsets = [0], sizes = [1], strides = [1]} : vector<16xf32> to vector<1xf32>
        %squeeze3A = vector.extract %slice3A[0] : f32 from vector<1xf32>
        %get3A_514 = arith.index_cast %scan3A_509 : i32 to index
        %get3A_515 = arith.constant 0 : index
        %get3A_516 = tpu.vector_load %arg15[%get3A_514, %get3A_515] {strides = array<i32>} : memref<56x128xf32, #tpu.memory_space<vmem>>, vector<1x16xf32>,
        %get3A_517 = vector.shape_cast %get3A_516 : vector<1x16xf32> to vector<16xf32>
        %mul3A_518 = vector.broadcast %squeeze3A : f32 to vector<16xf32>
        %mul3A_519 = arith.mulf %get3A_517, %mul3A_518 : vector<16xf32>
        %swap3A_520 = arith.index_cast %scan3A_509 : i32 to index
        %swap3A_521 = arith.constant 0 : index
        %swap3A_522 = tpu.vector_load %arg15[%swap3A_520, %swap3A_521] {strides = array<i32>} : memref<56x128xf32, #tpu.memory_space<vmem>>, vector<1x16xf32>,
        %swap3A_523 = vector.shape_cast %swap3A_522 : vector<1x16xf32> to vector<16xf32>
        %swap3A_524 = vector.shape_cast %mul3A_519 : vector<16xf32> to vector<1x16xf32>
        tpu.vector_store %arg15[%swap3A_520, %swap3A_521], %swap3A_524 {strides = array<i32>} : memref<56x128xf32, #tpu.memory_space<vmem>>, vector<1x16xf32>,
        %get3A_525 = arith.index_cast %scan3A_509 : i32 to index
        %get3A_526 = arith.constant 16 : index
        %get3A_527 = tpu.vector_load %arg15[%get3A_525, %get3A_526] {strides = array<i32>} : memref<56x128xf32, #tpu.memory_space<vmem>>, vector<1x16xf32>,
        %get3A_528 = vector.shape_cast %get3A_527 : vector<1x16xf32> to vector<16xf32>
        %mul3A_529 = vector.broadcast %squeeze3A : f32 to vector<16xf32>
        %mul3A_530 = arith.mulf %get3A_528, %mul3A_529 : vector<16xf32>
        %swap3A_531 = arith.index_cast %scan3A_509 : i32 to index
        %swap3A_532 = arith.constant 16 : index
        %swap3A_533 = tpu.vector_load %arg15[%swap3A_531, %swap3A_532] {strides = array<i32>} : memref<56x128xf32, #tpu.memory_space<vmem>>, vector<1x16xf32>,
        %swap3A_534 = vector.shape_cast %swap3A_533 : vector<1x16xf32> to vector<16xf32>
        %swap3A_535 = vector.shape_cast %mul3A_530 : vector<16xf32> to vector<1x16xf32>
        tpu.vector_store %arg15[%swap3A_531, %swap3A_532], %swap3A_535 {strides = array<i32>} : memref<56x128xf32, #tpu.memory_space<vmem>>, vector<1x16xf32>,
        %slice3A_536 = vector.extract_strided_slice %get3A_513 {offsets = [1], sizes = [1], strides = [1]} : vector<16xf32> to vector<1xf32>
        %squeeze3A_537 = vector.extract %slice3A_536[0] : f32 from vector<1xf32>
        %get3A_538 = arith.index_cast %scan3A_509 : i32 to index
        %get3A_539 = arith.constant 32 : index
        %get3A_540 = tpu.vector_load %arg15[%get3A_538, %get3A_539] {strides = array<i32>} : memref<56x128xf32, #tpu.memory_space<vmem>>, vector<1x16xf32>,
        %get3A_541 = vector.shape_cast %get3A_540 : vector<1x16xf32> to vector<16xf32>
        %mul3A_542 = vector.broadcast %squeeze3A_537 : f32 to vector<16xf32>
        %mul3A_543 = arith.mulf %get3A_541, %mul3A_542 : vector<16xf32>
        %swap3A_544 = arith.index_cast %scan3A_509 : i32 to index
        %swap3A_545 = arith.constant 32 : index
        %swap3A_546 = tpu.vector_load %arg15[%swap3A_544, %swap3A_545] {strides = array<i32>} : memref<56x128xf32, #tpu.memory_space<vmem>>, vector<1x16xf32>,
        %swap3A_547 = vector.shape_cast %swap3A_546 : vector<1x16xf32> to vector<16xf32>
        %swap3A_548 = vector.shape_cast %mul3A_543 : vector<16xf32> to vector<1x16xf32>
        tpu.vector_store %arg15[%swap3A_544, %swap3A_545], %swap3A_548 {strides = array<i32>} : memref<56x128xf32, #tpu.memory_space<vmem>>, vector<1x16xf32>,
        %get3A_549 = arith.index_cast %scan3A_509 : i32 to index
        %get3A_550 = arith.constant 48 : index
        %get3A_551 = tpu.vector_load %arg15[%get3A_549, %get3A_550] {strides = array<i32>} : memref<56x128xf32, #tpu.memory_space<vmem>>, vector<1x16xf32>,
        %get3A_552 = vector.shape_cast %get3A_551 : vector<1x16xf32> to vector<16xf32>
        %mul3A_553 = vector.broadcast %squeeze3A_537 : f32 to vector<16xf32>
        %mul3A_554 = arith.mulf %get3A_552, %mul3A_553 : vector<16xf32>
        %swap3A_555 = arith.index_cast %scan3A_509 : i32 to index
        %swap3A_556 = arith.constant 48 : index
        %swap3A_557 = tpu.vector_load %arg15[%swap3A_555, %swap3A_556] {strides = array<i32>} : memref<56x128xf32, #tpu.memory_space<vmem>>, vector<1x16xf32>,
        %swap3A_558 = vector.shape_cast %swap3A_557 : vector<1x16xf32> to vector<16xf32>
        %swap3A_559 = vector.shape_cast %mul3A_554 : vector<16xf32> to vector<1x16xf32>
        tpu.vector_store %arg15[%swap3A_555, %swap3A_556], %swap3A_559 {strides = array<i32>} : memref<56x128xf32, #tpu.memory_space<vmem>>, vector<1x16xf32>,
        %slice3A_560 = vector.extract_strided_slice %get3A_513 {offsets = [2], sizes = [1], strides = [1]} : vector<16xf32> to vector<1xf32>
        %squeeze3A_561 = vector.extract %slice3A_560[0] : f32 from vector<1xf32>
        %get3A_562 = arith.index_cast %scan3A_509 : i32 to index
        %get3A_563 = arith.constant 64 : index
        %get3A_564 = tpu.vector_load %arg15[%get3A_562, %get3A_563] {strides = array<i32>} : memref<56x128xf32, #tpu.memory_space<vmem>>, vector<1x16xf32>,
        %get3A_565 = vector.shape_cast %get3A_564 : vector<1x16xf32> to vector<16xf32>
        %mul3A_566 = vector.broadcast %squeeze3A_561 : f32 to vector<16xf32>
        %mul3A_567 = arith.mulf %get3A_565, %mul3A_566 : vector<16xf32>
        %swap3A_568 = arith.index_cast %scan3A_509 : i32 to index
        %swap3A_569 = arith.constant 64 : index
        %swap3A_570 = tpu.vector_load %arg15[%swap3A_568, %swap3A_569] {strides = array<i32>} : memref<56x128xf32, #tpu.memory_space<vmem>>, vector<1x16xf32>,
        %swap3A_571 = vector.shape_cast %swap3A_570 : vector<1x16xf32> to vector<16xf32>
        %swap3A_572 = vector.shape_cast %mul3A_567 : vector<16xf32> to vector<1x16xf32>
        tpu.vector_store %arg15[%swap3A_568, %swap3A_569], %swap3A_572 {strides = array<i32>} : memref<56x128xf32, #tpu.memory_space<vmem>>, vector<1x16xf32>,
        %get3A_573 = arith.index_cast %scan3A_509 : i32 to index
        %get3A_574 = arith.constant 80 : index
        %get3A_575 = tpu.vector_load %arg15[%get3A_573, %get3A_574] {strides = array<i32>} : memref<56x128xf32, #tpu.memory_space<vmem>>, vector<1x16xf32>,
        %get3A_576 = vector.shape_cast %get3A_575 : vector<1x16xf32> to vector<16xf32>
        %mul3A_577 = vector.broadcast %squeeze3A_561 : f32 to vector<16xf32>
        %mul3A_578 = arith.mulf %get3A_576, %mul3A_577 : vector<16xf32>
        %swap3A_579 = arith.index_cast %scan3A_509 : i32 to index
        %swap3A_580 = arith.constant 80 : index
        %swap3A_581 = tpu.vector_load %arg15[%swap3A_579, %swap3A_580] {strides = array<i32>} : memref<56x128xf32, #tpu.memory_space<vmem>>, vector<1x16xf32>,
        %swap3A_582 = vector.shape_cast %swap3A_581 : vector<1x16xf32> to vector<16xf32>
        %swap3A_583 = vector.shape_cast %mul3A_578 : vector<16xf32> to vector<1x16xf32>
        tpu.vector_store %arg15[%swap3A_579, %swap3A_580], %swap3A_583 {strides = array<i32>} : memref<56x128xf32, #tpu.memory_space<vmem>>, vector<1x16xf32>,
        %slice3A_584 = vector.extract_strided_slice %get3A_513 {offsets = [3], sizes = [1], strides = [1]} : vector<16xf32> to vector<1xf32>
        %squeeze3A_585 = vector.extract %slice3A_584[0] : f32 from vector<1xf32>
        %get3A_586 = arith.index_cast %scan3A_509 : i32 to index
        %get3A_587 = arith.constant 96 : index
        %get3A_588 = tpu.vector_load %arg15[%get3A_586, %get3A_587] {strides = array<i32>} : memref<56x128xf32, #tpu.memory_space<vmem>>, vector<1x16xf32>,
        %get3A_589 = vector.shape_cast %get3A_588 : vector<1x16xf32> to vector<16xf32>
        %mul3A_590 = vector.broadcast %squeeze3A_585 : f32 to vector<16xf32>
        %mul3A_591 = arith.mulf %get3A_589, %mul3A_590 : vector<16xf32>
        %swap3A_592 = arith.index_cast %scan3A_509 : i32 to index
        %swap3A_593 = arith.constant 96 : index
        %swap3A_594 = tpu.vector_load %arg15[%swap3A_592, %swap3A_593] {strides = array<i32>} : memref<56x128xf32, #tpu.memory_space<vmem>>, vector<1x16xf32>,
        %swap3A_595 = vector.shape_cast %swap3A_594 : vector<1x16xf32> to vector<16xf32>
        %swap3A_596 = vector.shape_cast %mul3A_591 : vector<16xf32> to vector<1x16xf32>
        tpu.vector_store %arg15[%swap3A_592, %swap3A_593], %swap3A_596 {strides = array<i32>} : memref<56x128xf32, #tpu.memory_space<vmem>>, vector<1x16xf32>,
        %get3A_597 = arith.index_cast %scan3A_509 : i32 to index
        %get3A_598 = arith.constant 112 : index
        %get3A_599 = tpu.vector_load %arg15[%get3A_597, %get3A_598] {strides = array<i32>} : memref<56x128xf32, #tpu.memory_space<vmem>>, vector<1x16xf32>,
        %get3A_600 = vector.shape_cast %get3A_599 : vector<1x16xf32> to vector<16xf32>
        %mul3A_601 = vector.broadcast %squeeze3A_585 : f32 to vector<16xf32>
        %mul3A_602 = arith.mulf %get3A_600, %mul3A_601 : vector<16xf32>
        %swap3A_603 = arith.index_cast %scan3A_509 : i32 to index
        %swap3A_604 = arith.constant 112 : index
        %swap3A_605 = tpu.vector_load %arg15[%swap3A_603, %swap3A_604] {strides = array<i32>} : memref<56x128xf32, #tpu.memory_space<vmem>>, vector<1x16xf32>,
        %swap3A_606 = vector.shape_cast %swap3A_605 : vector<1x16xf32> to vector<16xf32>
        %swap3A_607 = vector.shape_cast %mul3A_602 : vector<16xf32> to vector<1x16xf32>
        tpu.vector_store %arg15[%swap3A_603, %swap3A_604], %swap3A_607 {strides = array<i32>} : memref<56x128xf32, #tpu.memory_space<vmem>>, vector<1x16xf32>,
        %scan3A_608 = arith.constant 1 : i32
        %scan3A_609 = arith.addi %scan3A_509, %scan3A_608 : i32
        %get3A_610 = arith.index_cast %scan3A_609 : i32 to index
        %get3A_611 = arith.constant 0 : index
        %get3A_612 = tpu.vector_load %arg16[%get3A_610, %get3A_611] {strides = array<i32>} : memref<56x16xf32, #tpu.memory_space<vmem>>, vector<1x16xf32>,
        %get3A_613 = vector.shape_cast %get3A_612 : vector<1x16xf32> to vector<16xf32>
        %slice3A_614 = vector.extract_strided_slice %get3A_613 {offsets = [0], sizes = [1], strides = [1]} : vector<16xf32> to vector<1xf32>
        %squeeze3A_615 = vector.extract %slice3A_614[0] : f32 from vector<1xf32>
        %get3A_616 = arith.index_cast %scan3A_609 : i32 to index
        %get3A_617 = arith.constant 0 : index
        %get3A_618 = tpu.vector_load %arg15[%get3A_616, %get3A_617] {strides = array<i32>} : memref<56x128xf32, #tpu.memory_space<vmem>>, vector<1x16xf32>,
        %get3A_619 = vector.shape_cast %get3A_618 : vector<1x16xf32> to vector<16xf32>
        %mul3A_620 = vector.broadcast %squeeze3A_615 : f32 to vector<16xf32>
        %mul3A_621 = arith.mulf %get3A_619, %mul3A_620 : vector<16xf32>
        %swap3A_622 = arith.index_cast %scan3A_609 : i32 to index
        %swap3A_623 = arith.constant 0 : index
        %swap3A_624 = tpu.vector_load %arg15[%swap3A_622, %swap3A_623] {strides = array<i32>} : memref<56x128xf32, #tpu.memory_space<vmem>>, vector<1x16xf32>,
        %swap3A_625 = vector.shape_cast %swap3A_624 : vector<1x16xf32> to vector<16xf32>
        %swap3A_626 = vector.shape_cast %mul3A_621 : vector<16xf32> to vector<1x16xf32>
        tpu.vector_store %arg15[%swap3A_622, %swap3A_623], %swap3A_626 {strides = array<i32>} : memref<56x128xf32, #tpu.memory_space<vmem>>, vector<1x16xf32>,
        %get3A_627 = arith.index_cast %scan3A_609 : i32 to index
        %get3A_628 = arith.constant 16 : index
        %get3A_629 = tpu.vector_load %arg15[%get3A_627, %get3A_628] {strides = array<i32>} : memref<56x128xf32, #tpu.memory_space<vmem>>, vector<1x16xf32>,
        %get3A_630 = vector.shape_cast %get3A_629 : vector<1x16xf32> to vector<16xf32>
        %mul3A_631 = vector.broadcast %squeeze3A_615 : f32 to vector<16xf32>
        %mul3A_632 = arith.mulf %get3A_630, %mul3A_631 : vector<16xf32>
        %swap3A_633 = arith.index_cast %scan3A_609 : i32 to index
        %swap3A_634 = arith.constant 16 : index
        %swap3A_635 = tpu.vector_load %arg15[%swap3A_633, %swap3A_634] {strides = array<i32>} : memref<56x128xf32, #tpu.memory_space<vmem>>, vector<1x16xf32>,
        %swap3A_636 = vector.shape_cast %swap3A_635 : vector<1x16xf32> to vector<16xf32>
        %swap3A_637 = vector.shape_cast %mul3A_632 : vector<16xf32> to vector<1x16xf32>
        tpu.vector_store %arg15[%swap3A_633, %swap3A_634], %swap3A_637 {strides = array<i32>} : memref<56x128xf32, #tpu.memory_space<vmem>>, vector<1x16xf32>,
        %slice3A_638 = vector.extract_strided_slice %get3A_613 {offsets = [1], sizes = [1], strides = [1]} : vector<16xf32> to vector<1xf32>
        %squeeze3A_639 = vector.extract %slice3A_638[0] : f32 from vector<1xf32>
        %get3A_640 = arith.index_cast %scan3A_609 : i32 to index
        %get3A_641 = arith.constant 32 : index
        %get3A_642 = tpu.vector_load %arg15[%get3A_640, %get3A_641] {strides = array<i32>} : memref<56x128xf32, #tpu.memory_space<vmem>>, vector<1x16xf32>,
        %get3A_643 = vector.shape_cast %get3A_642 : vector<1x16xf32> to vector<16xf32>
        %mul3A_644 = vector.broadcast %squeeze3A_639 : f32 to vector<16xf32>
        %mul3A_645 = arith.mulf %get3A_643, %mul3A_644 : vector<16xf32>
        %swap3A_646 = arith.index_cast %scan3A_609 : i32 to index
        %swap3A_647 = arith.constant 32 : index
        %swap3A_648 = tpu.vector_load %arg15[%swap3A_646, %swap3A_647] {strides = array<i32>} : memref<56x128xf32, #tpu.memory_space<vmem>>, vector<1x16xf32>,
        %swap3A_649 = vector.shape_cast %swap3A_648 : vector<1x16xf32> to vector<16xf32>
        %swap3A_650 = vector.shape_cast %mul3A_645 : vector<16xf32> to vector<1x16xf32>
        tpu.vector_store %arg15[%swap3A_646, %swap3A_647], %swap3A_650 {strides = array<i32>} : memref<56x128xf32, #tpu.memory_space<vmem>>, vector<1x16xf32>,
        %get3A_651 = arith.index_cast %scan3A_609 : i32 to index
        %get3A_652 = arith.constant 48 : index
        %get3A_653 = tpu.vector_load %arg15[%get3A_651, %get3A_652] {strides = array<i32>} : memref<56x128xf32, #tpu.memory_space<vmem>>, vector<1x16xf32>,
        %get3A_654 = vector.shape_cast %get3A_653 : vector<1x16xf32> to vector<16xf32>
        %mul3A_655 = vector.broadcast %squeeze3A_639 : f32 to vector<16xf32>
        %mul3A_656 = arith.mulf %get3A_654, %mul3A_655 : vector<16xf32>
        %swap3A_657 = arith.index_cast %scan3A_609 : i32 to index
        %swap3A_658 = arith.constant 48 : index
        %swap3A_659 = tpu.vector_load %arg15[%swap3A_657, %swap3A_658] {strides = array<i32>} : memref<56x128xf32, #tpu.memory_space<vmem>>, vector<1x16xf32>,
        %swap3A_660 = vector.shape_cast %swap3A_659 : vector<1x16xf32> to vector<16xf32>
        %swap3A_661 = vector.shape_cast %mul3A_656 : vector<16xf32> to vector<1x16xf32>
        tpu.vector_store %arg15[%swap3A_657, %swap3A_658], %swap3A_661 {strides = array<i32>} : memref<56x128xf32, #tpu.memory_space<vmem>>, vector<1x16xf32>,
        %slice3A_662 = vector.extract_strided_slice %get3A_613 {offsets = [2], sizes = [1], strides = [1]} : vector<16xf32> to vector<1xf32>
        %squeeze3A_663 = vector.extract %slice3A_662[0] : f32 from vector<1xf32>
        %get3A_664 = arith.index_cast %scan3A_609 : i32 to index
        %get3A_665 = arith.constant 64 : index
        %get3A_666 = tpu.vector_load %arg15[%get3A_664, %get3A_665] {strides = array<i32>} : memref<56x128xf32, #tpu.memory_space<vmem>>, vector<1x16xf32>,
        %get3A_667 = vector.shape_cast %get3A_666 : vector<1x16xf32> to vector<16xf32>
        %mul3A_668 = vector.broadcast %squeeze3A_663 : f32 to vector<16xf32>
        %mul3A_669 = arith.mulf %get3A_667, %mul3A_668 : vector<16xf32>
        %swap3A_670 = arith.index_cast %scan3A_609 : i32 to index
        %swap3A_671 = arith.constant 64 : index
        %swap3A_672 = tpu.vector_load %arg15[%swap3A_670, %swap3A_671] {strides = array<i32>} : memref<56x128xf32, #tpu.memory_space<vmem>>, vector<1x16xf32>,
        %swap3A_673 = vector.shape_cast %swap3A_672 : vector<1x16xf32> to vector<16xf32>
        %swap3A_674 = vector.shape_cast %mul3A_669 : vector<16xf32> to vector<1x16xf32>
        tpu.vector_store %arg15[%swap3A_670, %swap3A_671], %swap3A_674 {strides = array<i32>} : memref<56x128xf32, #tpu.memory_space<vmem>>, vector<1x16xf32>,
        %get3A_675 = arith.index_cast %scan3A_609 : i32 to index
        %get3A_676 = arith.constant 80 : index
        %get3A_677 = tpu.vector_load %arg15[%get3A_675, %get3A_676] {strides = array<i32>} : memref<56x128xf32, #tpu.memory_space<vmem>>, vector<1x16xf32>,
        %get3A_678 = vector.shape_cast %get3A_677 : vector<1x16xf32> to vector<16xf32>
        %mul3A_679 = vector.broadcast %squeeze3A_663 : f32 to vector<16xf32>
        %mul3A_680 = arith.mulf %get3A_678, %mul3A_679 : vector<16xf32>
        %swap3A_681 = arith.index_cast %scan3A_609 : i32 to index
        %swap3A_682 = arith.constant 80 : index
        %swap3A_683 = tpu.vector_load %arg15[%swap3A_681, %swap3A_682] {strides = array<i32>} : memref<56x128xf32, #tpu.memory_space<vmem>>, vector<1x16xf32>,
        %swap3A_684 = vector.shape_cast %swap3A_683 : vector<1x16xf32> to vector<16xf32>
        %swap3A_685 = vector.shape_cast %mul3A_680 : vector<16xf32> to vector<1x16xf32>
        tpu.vector_store %arg15[%swap3A_681, %swap3A_682], %swap3A_685 {strides = array<i32>} : memref<56x128xf32, #tpu.memory_space<vmem>>, vector<1x16xf32>,
        %slice3A_686 = vector.extract_strided_slice %get3A_613 {offsets = [3], sizes = [1], strides = [1]} : vector<16xf32> to vector<1xf32>
        %squeeze3A_687 = vector.extract %slice3A_686[0] : f32 from vector<1xf32>
        %get3A_688 = arith.index_cast %scan3A_609 : i32 to index
        %get3A_689 = arith.constant 96 : index
        %get3A_690 = tpu.vector_load %arg15[%get3A_688, %get3A_689] {strides = array<i32>} : memref<56x128xf32, #tpu.memory_space<vmem>>, vector<1x16xf32>,
        %get3A_691 = vector.shape_cast %get3A_690 : vector<1x16xf32> to vector<16xf32>
        %mul3A_692 = vector.broadcast %squeeze3A_687 : f32 to vector<16xf32>
        %mul3A_693 = arith.mulf %get3A_691, %mul3A_692 : vector<16xf32>
        %swap3A_694 = arith.index_cast %scan3A_609 : i32 to index
        %swap3A_695 = arith.constant 96 : index
        %swap3A_696 = tpu.vector_load %arg15[%swap3A_694, %swap3A_695] {strides = array<i32>} : memref<56x128xf32, #tpu.memory_space<vmem>>, vector<1x16xf32>,
        %swap3A_697 = vector.shape_cast %swap3A_696 : vector<1x16xf32> to vector<16xf32>
        %swap3A_698 = vector.shape_cast %mul3A_693 : vector<16xf32> to vector<1x16xf32>
        tpu.vector_store %arg15[%swap3A_694, %swap3A_695], %swap3A_698 {strides = array<i32>} : memref<56x128xf32, #tpu.memory_space<vmem>>, vector<1x16xf32>,
        %get3A_699 = arith.index_cast %scan3A_609 : i32 to index
        %get3A_700 = arith.constant 112 : index
        %get3A_701 = tpu.vector_load %arg15[%get3A_699, %get3A_700] {strides = array<i32>} : memref<56x128xf32, #tpu.memory_space<vmem>>, vector<1x16xf32>,
        %get3A_702 = vector.shape_cast %get3A_701 : vector<1x16xf32> to vector<16xf32>
        %mul3A_703 = vector.broadcast %squeeze3A_687 : f32 to vector<16xf32>
        %mul3A_704 = arith.mulf %get3A_702, %mul3A_703 : vector<16xf32>
        %swap3A_705 = arith.index_cast %scan3A_609 : i32 to index
        %swap3A_706 = arith.constant 112 : index
        %swap3A_707 = tpu.vector_load %arg15[%swap3A_705, %swap3A_706] {strides = array<i32>} : memref<56x128xf32, #tpu.memory_space<vmem>>, vector<1x16xf32>,
        %swap3A_708 = vector.shape_cast %swap3A_707 : vector<1x16xf32> to vector<16xf32>
        %swap3A_709 = vector.shape_cast %mul3A_704 : vector<16xf32> to vector<1x16xf32>
        tpu.vector_store %arg15[%swap3A_705, %swap3A_706], %swap3A_709 {strides = array<i32>} : memref<56x128xf32, #tpu.memory_space<vmem>>, vector<1x16xf32>,
      }
      %scan3A_487 = arith.constant 56 : i32
      %dma_start3A_488 = arith.constant 1 : i32
      %dma_start3A_489 = arith.constant 0 : i32
      %dma_start3A_490 = tpu.memref_slice %arg11[%dma_start3A_488, %dma_start3A_489] : memref<4x56xi32, #tpu.memory_space<vmem>> -> memref<1x56xi32, #tpu.memory_space<vmem>>
      %dma_start3A_491 = tpu.memref_squeeze %dma_start3A_490 : memref<1x56xi32, #tpu.memory_space<vmem>> -> memref<56xi32, #tpu.memory_space<vmem>>
      %dma_start3A_492 = arith.constant 0 : i32
      %dma_start3A_493 = arith.constant 0 : i32
      %dma_start3A_494 = tpu.memref_slice %arg9[%dma_start3A_492, %dma_start3A_493] : memref<10240x128xf32, #tpu.memory_space<vmem_shared>> -> memref<10240x128xf32, #tpu.memory_space<vmem_shared>>
      tpu.enqueue_indirect_dma source(%arg15 : memref<56x128xf32, #tpu.memory_space<vmem>>) target(%dma_start3A_494 : memref<10240x128xf32, #tpu.memory_space<vmem_shared>>) offsets(%dma_start3A_491 : memref<56xi32, #tpu.memory_space<vmem>>) semaphore(%arg22 : memref<!tpu.dma_semaphore, #tpu.memory_space<semaphore_mem>>) {add = true}
      %dma_wait3A_495 = arith.constant 2 : i32
      %dma_wait3A_496 = arith.constant 0 : i32
      %dma_wait3A_497 = tpu.memref_slice %arg11[%dma_wait3A_495, %dma_wait3A_496] : memref<4x56xi32, #tpu.memory_space<vmem>> -> memref<1x56xi32, #tpu.memory_space<vmem>>
      %dma_wait3A_498 = tpu.memref_squeeze %dma_wait3A_497 : memref<1x56xi32, #tpu.memory_space<vmem>> -> memref<56xi32, #tpu.memory_space<vmem>>
      %dma_wait3A_499 = arith.constant 0 : i32
      %dma_wait3A_500 = arith.constant 0 : i32
      %dma_wait3A_501 = tpu.memref_slice %arg10[%dma_wait3A_499, %dma_wait3A_500] : memref<1280x128xf32, #tpu.memory_space<vmem_shared>> -> memref<1280x128xf32, #tpu.memory_space<vmem_shared>>
      tpu.wait_indirect_dma semaphore(%arg21 : memref<!tpu.dma_semaphore, #tpu.memory_space<semaphore_mem>>) src(%arg14 : memref<56x128xf32, #tpu.memory_space<vmem>>) dst(%dma_wait3A_501 : memref<1280x128xf32, #tpu.memory_space<vmem_shared>>)
      %dma_wait3A_502 = arith.constant 1 : i32
      %dma_wait3A_503 = arith.constant 0 : i32
      %dma_wait3A_504 = tpu.memref_slice %arg11[%dma_wait3A_502, %dma_wait3A_503] : memref<4x56xi32, #tpu.memory_space<vmem>> -> memref<1x56xi32, #tpu.memory_space<vmem>>
      %dma_wait3A_505 = tpu.memref_squeeze %dma_wait3A_504 : memref<1x56xi32, #tpu.memory_space<vmem>> -> memref<56xi32, #tpu.memory_space<vmem>>
      %dma_wait3A_506 = arith.constant 0 : i32
      %dma_wait3A_507 = arith.constant 0 : i32
      %dma_wait3A_508 = tpu.memref_slice %arg9[%dma_wait3A_506, %dma_wait3A_507] : memref<10240x128xf32, #tpu.memory_space<vmem_shared>> -> memref<10240x128xf32, #tpu.memory_space<vmem_shared>>
      tpu.wait_indirect_dma semaphore(%arg22 : memref<!tpu.dma_semaphore, #tpu.memory_space<semaphore_mem>>) src(%arg15 : memref<56x128xf32, #tpu.memory_space<vmem>>) dst(%dma_wait3A_508 : memref<10240x128xf32, #tpu.memory_space<vmem_shared>>)
    }
    %scan3A_409 = arith.constant 179 : i32
    %barrier3A_410 = arith.constant 0 : index
    tpu.barrier barrier_id(%barrier3A_410)
    "tpu.region"() ({
      %run_scoped3A = tpu.sem_alloc : memref<!tpu.dma_semaphore, #tpu.memory_space<semaphore_mem>>
      %dma_start3A = arith.constant 0 : i32
      %dma_start3A_411 = tpu.memref_slice %arg7[%arg0, %mul3A_384, %dma_start3A] : memref<2x10240x128xf32, #tpu.memory_space<hbm>> -> memref<1x640x128xf32, #tpu.memory_space<hbm>>
      %dma_start3A_412 = tpu.memref_squeeze %dma_start3A_411 : memref<1x640x128xf32, #tpu.memory_space<hbm>> -> memref<640x128xf32, #tpu.memory_space<hbm>>
      %dma_start3A_413 = arith.constant 0 : i32
      %dma_start3A_414 = tpu.memref_slice %arg9[%mul3A_384, %dma_start3A_413] : memref<10240x128xf32, #tpu.memory_space<vmem_shared>> -> memref<640x128xf32, #tpu.memory_space<vmem_shared>>
      tpu.enqueue_dma source(%dma_start3A_414 : memref<640x128xf32, #tpu.memory_space<vmem_shared>>) target(%dma_start3A_412 : memref<640x128xf32, #tpu.memory_space<hbm>>) target_semaphore(%run_scoped3A : memref<!tpu.dma_semaphore, #tpu.memory_space<semaphore_mem>>)
      %dma_wait3A = arith.constant 0 : i32
      %dma_wait3A_415 = tpu.memref_slice %arg7[%arg0, %mul3A_384, %dma_wait3A] : memref<2x10240x128xf32, #tpu.memory_space<hbm>> -> memref<1x640x128xf32, #tpu.memory_space<hbm>>
      %dma_wait3A_416 = tpu.memref_squeeze %dma_wait3A_415 : memref<1x640x128xf32, #tpu.memory_space<hbm>> -> memref<640x128xf32, #tpu.memory_space<hbm>>
      %dma_wait3A_417 = arith.constant 0 : i32
      %dma_wait3A_418 = tpu.memref_slice %arg9[%mul3A_384, %dma_wait3A_417] : memref<10240x128xf32, #tpu.memory_space<vmem_shared>> -> memref<640x128xf32, #tpu.memory_space<vmem_shared>>
      tpu.wait_dma2 semaphore(%run_scoped3A : memref<!tpu.dma_semaphore, #tpu.memory_space<semaphore_mem>>) src(%dma_wait3A_418 : memref<640x128xf32, #tpu.memory_space<vmem_shared>>) dst(%dma_wait3A_416 : memref<640x128xf32, #tpu.memory_space<hbm>>)
      tpu.yield
    }) : () -> ()
    "tpu.region"() ({
      %run_scoped3A = tpu.sem_alloc : memref<!tpu.dma_semaphore, #tpu.memory_space<semaphore_mem>>
      %dma_start3A = arith.constant 0 : i32
      %dma_start3A_411 = tpu.memref_slice %arg8[%arg0, %mul3A_386, %dma_start3A] : memref<2x1280x128xf32, #tpu.memory_space<hbm>> -> memref<1x80x128xf32, #tpu.memory_space<hbm>>
      %dma_start3A_412 = tpu.memref_squeeze %dma_start3A_411 : memref<1x80x128xf32, #tpu.memory_space<hbm>> -> memref<80x128xf32, #tpu.memory_space<hbm>>
      %dma_start3A_413 = arith.constant 0 : i32
      %dma_start3A_414 = tpu.memref_slice %arg10[%mul3A_386, %dma_start3A_413] : memref<1280x128xf32, #tpu.memory_space<vmem_shared>> -> memref<80x128xf32, #tpu.memory_space<vmem_shared>>
      tpu.enqueue_dma source(%dma_start3A_414 : memref<80x128xf32, #tpu.memory_space<vmem_shared>>) target(%dma_start3A_412 : memref<80x128xf32, #tpu.memory_space<hbm>>) target_semaphore(%run_scoped3A : memref<!tpu.dma_semaphore, #tpu.memory_space<semaphore_mem>>)
      %dma_wait3A = arith.constant 0 : i32
      %dma_wait3A_415 = tpu.memref_slice %arg8[%arg0, %mul3A_386, %dma_wait3A] : memref<2x1280x128xf32, #tpu.memory_space<hbm>> -> memref<1x80x128xf32, #tpu.memory_space<hbm>>
      %dma_wait3A_416 = tpu.memref_squeeze %dma_wait3A_415 : memref<1x80x128xf32, #tpu.memory_space<hbm>> -> memref<80x128xf32, #tpu.memory_space<hbm>>
      %dma_wait3A_417 = arith.constant 0 : i32
      %dma_wait3A_418 = tpu.memref_slice %arg10[%mul3A_386, %dma_wait3A_417] : memref<1280x128xf32, #tpu.memory_space<vmem_shared>> -> memref<80x128xf32, #tpu.memory_space<vmem_shared>>
      tpu.wait_dma2 semaphore(%run_scoped3A : memref<!tpu.dma_semaphore, #tpu.memory_space<semaphore_mem>>) src(%dma_wait3A_418 : memref<80x128xf32, #tpu.memory_space<vmem_shared>>) dst(%dma_wait3A_416 : memref<80x128xf32, #tpu.memory_space<hbm>>)
      tpu.yield
    }) : () -> ()
    return
  }
}

module attributes {stable_mosaic.version = 14 : i64} {
  func.func @_tc_first_body(%arg0: i32, %arg1: memref<1024x128xf32, #tpu.memory_space<vmem>>, %arg2: memref<128x128xf32, #tpu.memory_space<vmem>>, %arg3: memref<128x16xf32, #tpu.memory_space<vmem>>, %arg4: memref<128x16xf32, #tpu.memory_space<vmem>>, %arg5: memref<1024x128xf32, #tpu.memory_space<vmem>>, %arg6: memref<1024x128xf32, #tpu.memory_space<vmem>>, %arg7: memref<8x16xf32, #tpu.memory_space<vmem>>) attributes {dimension_semantics = [#tpu.dimension_semantics<arbitrary>], iteration_bounds = array<i64: 10>, scalar_prefetch = 0 : i64, scratch_operands = 0 : i64, tpu.core_type = #tpu.core_type<tc>, window_params = [{transform_indices = @transform_0, window_bounds = array<i64: 1024, 128>}, {pipeline_mode = #tpu.pipeline_mode<synchronous>, transform_indices = @transform_1, window_bounds = array<i64: 128, 128>}, {pipeline_mode = #tpu.pipeline_mode<synchronous>, transform_indices = @transform_2, window_bounds = array<i64: 128, 16>}, {pipeline_mode = #tpu.pipeline_mode<synchronous>, transform_indices = @transform_3, window_bounds = array<i64: 128, 16>}, {transform_indices = @transform_4, window_bounds = array<i64: 1024, 128>}, {transform_indices = @transform_5, window_bounds = array<i64: 1024, 128>}, {pipeline_mode = #tpu.pipeline_mode<synchronous>, transform_indices = @transform_6, window_bounds = array<i64: 8, 16>}]} {
    %get3A = arith.constant 0 : index
    %get3A_0 = arith.constant 0 : index
    %get3A_1 = vector.load %arg1[%get3A, %get3A_0] : memref<1024x128xf32, #tpu.memory_space<vmem>>, vector<1024x128xf32>
    %get3A_2 = arith.constant 0 : index
    %get3A_3 = arith.constant 0 : index
    %get3A_4 = vector.load %arg2[%get3A_2, %get3A_3] : memref<128x128xf32, #tpu.memory_space<vmem>>, vector<128x128xf32>
    %dot_general3A = arith.constant dense<0.000000e+00> : vector<1024x128xf32>
    %dot_general3A_5 = tpu.matmul %get3A_1, %get3A_4, %dot_general3A {dimension_numbers = #tpu.dot_dimension_numbers<[1], [0], [0], [1], [0, 0, 1, 1], [], []>, transpose_lhs_hint = false} : vector<1024x128xf32>, vector<128x128xf32>, vector<1024x128xf32> -> vector<1024x128xf32>
    %swap3A = arith.constant 0 : index
    %swap3A_6 = arith.constant 0 : index
    %swap3A_7 = vector.load %arg5[%swap3A, %swap3A_6] : memref<1024x128xf32, #tpu.memory_space<vmem>>, vector<1024x128xf32>
    tpu.vector_store %arg5[%swap3A, %swap3A_6], %dot_general3A_5 {strides = array<i32>} : memref<1024x128xf32, #tpu.memory_space<vmem>>, vector<1024x128xf32>,
    %get3A_8 = arith.constant 0 : index
    %get3A_9 = arith.constant 0 : index
    %get3A_10 = vector.load %arg3[%get3A_8, %get3A_9] : memref<128x16xf32, #tpu.memory_space<vmem>>, vector<128x16xf32>
    %dot_general3A_11 = arith.constant dense<0.000000e+00> : vector<1024x16xf32>
    %dot_general3A_12 = tpu.matmul %dot_general3A_5, %get3A_10, %dot_general3A_11 {dimension_numbers = #tpu.dot_dimension_numbers<[1], [0], [0], [1], [0, 0, 1, 1], [], []>, precision = #tpu.contract_precision<fp32>, transpose_lhs_hint = false} : vector<1024x128xf32>, vector<128x16xf32>, vector<1024x16xf32> -> vector<1024x16xf32>
    %get3A_13 = arith.constant 0 : index
    %get3A_14 = arith.constant 0 : index
    %get3A_15 = vector.load %arg4[%get3A_13, %get3A_14] : memref<128x16xf32, #tpu.memory_space<vmem>>, vector<128x16xf32>
    %dot_general3A_16 = arith.constant dense<0.000000e+00> : vector<1024x16xf32>
    %dot_general3A_17 = tpu.matmul %dot_general3A_5, %get3A_15, %dot_general3A_16 {dimension_numbers = #tpu.dot_dimension_numbers<[1], [0], [0], [1], [0, 0, 1, 1], [], []>, precision = #tpu.contract_precision<fp32>, transpose_lhs_hint = false} : vector<1024x128xf32>, vector<128x16xf32>, vector<1024x16xf32> -> vector<1024x16xf32>
    %broadcast_in_dim3A = arith.constant 0.000000e+00 : f32
    %broadcast_in_dim3A_18 = vector.broadcast %broadcast_in_dim3A : f32 to vector<1024x96xf32>
    %concatenate3A = tpu.concatenate %dot_general3A_12, %dot_general3A_17, %broadcast_in_dim3A_18 in 1 : vector<1024x16xf32>, vector<1024x16xf32>, vector<1024x96xf32> -> vector<1024x128xf32>
    %swap3A_19 = arith.constant 0 : index
    %swap3A_20 = arith.constant 0 : index
    %swap3A_21 = vector.load %arg6[%swap3A_19, %swap3A_20] : memref<1024x128xf32, #tpu.memory_space<vmem>>, vector<1024x128xf32>
    tpu.vector_store %arg6[%swap3A_19, %swap3A_20], %concatenate3A {strides = array<i32>} : memref<1024x128xf32, #tpu.memory_space<vmem>>, vector<1024x128xf32>,
    %reduce_max3A = arith.constant dense<0xFF800000> : vector<16xf32>
    %reduce_max3A_22 = vector.multi_reduction <maximumf>, %dot_general3A_12, %reduce_max3A [0] : vector<1024x16xf32> to vector<16xf32>
    %broadcast_in_dim3A_23 = vector.shape_cast %reduce_max3A_22 : vector<16xf32> to vector<1x16xf32>
    %broadcast_in_dim3A_24 = vector.shape_cast %broadcast_in_dim3A_23 : vector<1x16xf32> to vector<1x16xf32>
    %broadcast_in_dim3A_25 = vector.broadcast %broadcast_in_dim3A_24 : vector<1x16xf32> to vector<8x16xf32>
    %eq3A = arith.constant 0 : i32
    %eq3A_26 = arith.cmpi eq, %arg0, %eq3A : i32
    %convert_element_type3A = arith.extui %eq3A_26 : i1 to i32
    %cond3A = arith.constant 0 : i32
    %cond3A_27 = arith.cmpi ne, %convert_element_type3A, %cond3A : i32
    scf.if %cond3A_27 {
      %swap3A_32 = arith.constant 0 : index
      %swap3A_33 = arith.constant 0 : index
      %swap3A_34 = vector.load %arg7[%swap3A_32, %swap3A_33] : memref<8x16xf32, #tpu.memory_space<vmem>>, vector<8x16xf32>
      tpu.vector_store %arg7[%swap3A_32, %swap3A_33], %broadcast_in_dim3A_25 {strides = array<i32>} : memref<8x16xf32, #tpu.memory_space<vmem>>, vector<8x16xf32>,
    } else {
    }
    %gt3A = arith.constant 0 : i32
    %gt3A_28 = arith.cmpi sgt, %arg0, %gt3A : i32
    %convert_element_type3A_29 = arith.extui %gt3A_28 : i1 to i32
    %cond3A_30 = arith.constant 0 : i32
    %cond3A_31 = arith.cmpi ne, %convert_element_type3A_29, %cond3A_30 : i32
    scf.if %cond3A_31 {
      %get3A_32 = arith.constant 0 : index
      %get3A_33 = arith.constant 0 : index
      %get3A_34 = vector.load %arg7[%get3A_32, %get3A_33] : memref<8x16xf32, #tpu.memory_space<vmem>>, vector<8x16xf32>
      %max3A = arith.maximumf %get3A_34, %broadcast_in_dim3A_25 : vector<8x16xf32>
      %swap3A_35 = arith.constant 0 : index
      %swap3A_36 = arith.constant 0 : index
      %swap3A_37 = vector.load %arg7[%swap3A_35, %swap3A_36] : memref<8x16xf32, #tpu.memory_space<vmem>>, vector<8x16xf32>
      tpu.vector_store %arg7[%swap3A_35, %swap3A_36], %max3A {strides = array<i32>} : memref<8x16xf32, #tpu.memory_space<vmem>>, vector<8x16xf32>,
    } else {
    }
    return
  }
  func.func @transform_0(%arg0: i32) -> (i32, i32) {
    %c0_i32 = arith.constant 0 : i32
    %c0_i32_0 = arith.constant 0 : i32
    return %arg0, %c0_i32 : i32, i32
  }
  func.func @transform_1(%arg0: i32) -> (i32, i32) {
    %c0_i32 = arith.constant 0 : i32
    %c0_i32_0 = arith.constant 0 : i32
    %c0_i32_1 = arith.constant 0 : i32
    return %c0_i32, %c0_i32_0 : i32, i32
  }
  func.func @transform_2(%arg0: i32) -> (i32, i32) {
    %c0_i32 = arith.constant 0 : i32
    %c0_i32_0 = arith.constant 0 : i32
    %c0_i32_1 = arith.constant 0 : i32
    return %c0_i32, %c0_i32_0 : i32, i32
  }
  func.func @transform_3(%arg0: i32) -> (i32, i32) {
    %c0_i32 = arith.constant 0 : i32
    %c0_i32_0 = arith.constant 0 : i32
    %c0_i32_1 = arith.constant 0 : i32
    return %c0_i32, %c0_i32_0 : i32, i32
  }
  func.func @transform_4(%arg0: i32) -> (i32, i32) {
    %c0_i32 = arith.constant 0 : i32
    %c0_i32_0 = arith.constant 0 : i32
    return %arg0, %c0_i32 : i32, i32
  }
  func.func @transform_5(%arg0: i32) -> (i32, i32) {
    %c0_i32 = arith.constant 0 : i32
    %c0_i32_0 = arith.constant 0 : i32
    return %arg0, %c0_i32 : i32, i32
  }
  func.func @transform_6(%arg0: i32) -> (i32, i32) {
    %c0_i32 = arith.constant 0 : i32
    %c0_i32_0 = arith.constant 0 : i32
    %c0_i32_1 = arith.constant 0 : i32
    return %c0_i32, %c0_i32_0 : i32, i32
  }
}

module attributes {stable_mosaic.version = 14 : i64} {
  func.func @_tc_combine_body(%arg0: i32, %arg1: memref<2x1024x128xf32, #tpu.memory_space<vmem>>, %arg2: memref<2x1024x16xf32, #tpu.memory_space<vmem>>, %arg3: memref<1024x128xf32, #tpu.memory_space<vmem>>, %arg4: memref<1024x128xf32, #tpu.memory_space<vmem>>, %arg5: memref<8x16xf32, #tpu.memory_space<vmem>>, %arg6: memref<4x128xf32, #tpu.memory_space<vmem>>, %arg7: memref<1x128xf32, #tpu.memory_space<vmem>>, %arg8: memref<1x128xf32, #tpu.memory_space<vmem>>, %arg9: memref<1x128xf32, #tpu.memory_space<vmem>>, %arg10: memref<1024x128xf32, #tpu.memory_space<vmem>>, %arg11: memref<128x128xf32, #tpu.memory_space<vmem>>, %arg12: memref<128x16xf32, #tpu.memory_space<vmem>>, %arg13: memref<128x16xf32, #tpu.memory_space<vmem>>, %arg14: memref<1024x128xf32, #tpu.memory_space<vmem>>, %arg15: memref<1024x128xf32, #tpu.memory_space<vmem>>, %arg16: memref<1024x128xf32, #tpu.memory_space<vmem>>, %arg17: memref<8x16xf32, #tpu.memory_space<vmem>>) attributes {dimension_semantics = [#tpu.dimension_semantics<arbitrary>], iteration_bounds = array<i64: 10>, scalar_prefetch = 0 : i64, scratch_operands = 0 : i64, tpu.core_type = #tpu.core_type<tc>, window_params = [{transform_indices = @transform_0, window_bounds = array<i64: 2, 1024, 128>}, {transform_indices = @transform_1, window_bounds = array<i64: 2, 1024, 16>}, {transform_indices = @transform_2, window_bounds = array<i64: 1024, 128>}, {transform_indices = @transform_3, window_bounds = array<i64: 1024, 128>}, {pipeline_mode = #tpu.pipeline_mode<synchronous>, transform_indices = @transform_4, window_bounds = array<i64: 8, 16>}, {pipeline_mode = #tpu.pipeline_mode<synchronous>, transform_indices = @transform_5, window_bounds = array<i64: 4, 128>}, {pipeline_mode = #tpu.pipeline_mode<synchronous>, transform_indices = @transform_6, window_bounds = array<i64: 1, 128>}, {pipeline_mode = #tpu.pipeline_mode<synchronous>, transform_indices = @transform_7, window_bounds = array<i64: 1, 128>}, {pipeline_mode = #tpu.pipeline_mode<synchronous>, transform_indices = @transform_8, window_bounds = array<i64: 1, 128>}, {transform_indices = @transform_9, window_bounds = array<i64: 1024, 128>}, {pipeline_mode = #tpu.pipeline_mode<synchronous>, transform_indices = @transform_10, window_bounds = array<i64: 128, 128>}, {pipeline_mode = #tpu.pipeline_mode<synchronous>, transform_indices = @transform_11, window_bounds = array<i64: 128, 16>}, {pipeline_mode = #tpu.pipeline_mode<synchronous>, transform_indices = @transform_12, window_bounds = array<i64: 128, 16>}, {transform_indices = @transform_13, window_bounds = array<i64: 1024, 128>}, {transform_indices = @transform_14, window_bounds = array<i64: 1024, 128>}, {transform_indices = @transform_15, window_bounds = array<i64: 1024, 128>}, {pipeline_mode = #tpu.pipeline_mode<synchronous>, transform_indices = @transform_16, window_bounds = array<i64: 8, 16>}]} {
    %get3A = arith.constant 0 : index
    %get3A_0 = arith.constant 0 : index
    %get3A_1 = arith.constant 0 : index
    %get3A_2 = vector.load %arg1[%get3A, %get3A_0, %get3A_1] : memref<2x1024x128xf32, #tpu.memory_space<vmem>>, vector<2x1024x128xf32>
    %get3A_3 = arith.constant 0 : index
    %get3A_4 = arith.constant 0 : index
    %get3A_5 = arith.constant 0 : index
    %get3A_6 = vector.load %arg2[%get3A_3, %get3A_4, %get3A_5] : memref<2x1024x16xf32, #tpu.memory_space<vmem>>, vector<2x1024x16xf32>
    %get3A_7 = arith.constant 0 : index
    %get3A_8 = arith.constant 0 : index
    %get3A_9 = vector.load %arg3[%get3A_7, %get3A_8] : memref<1024x128xf32, #tpu.memory_space<vmem>>, vector<1024x128xf32>
    %get3A_10 = arith.constant 0 : index
    %get3A_11 = arith.constant 0 : index
    %get3A_12 = vector.load %arg4[%get3A_10, %get3A_11] : memref<1024x128xf32, #tpu.memory_space<vmem>>, vector<1024x128xf32>
    %get3A_13 = arith.constant 0 : index
    %get3A_14 = arith.constant 0 : index
    %get3A_15 = vector.load %arg5[%get3A_13, %get3A_14] : memref<8x16xf32, #tpu.memory_space<vmem>>, vector<8x16xf32>
    %get3A_16 = arith.constant 0 : index
    %get3A_17 = arith.constant 0 : index
    %get3A_18 = vector.load %arg6[%get3A_16, %get3A_17] : memref<4x128xf32, #tpu.memory_space<vmem>>, vector<4x128xf32>
    %get3A_19 = arith.constant 0 : index
    %get3A_20 = arith.constant 0 : index
    %get3A_21 = vector.load %arg7[%get3A_19, %get3A_20] : memref<1x128xf32, #tpu.memory_space<vmem>>, vector<1x128xf32>
    %slice3A = vector.extract_strided_slice %get3A_12 {offsets = [0, 0], sizes = [1024, 16], strides = [1, 1]} : vector<1024x128xf32> to vector<1024x16xf32>
    %slice3A_22 = vector.extract_strided_slice %get3A_12 {offsets = [0, 16], sizes = [1024, 16], strides = [1, 1]} : vector<1024x128xf32> to vector<1024x16xf32>
    %add3A = arith.addf %slice3A, %slice3A_22 : vector<1024x16xf32>
    %mul3A = arith.constant 2.000000e-01 : f32
    %mul3A_23 = vector.broadcast %mul3A : f32 to vector<1024x16xf32>
    %mul3A_24 = arith.mulf %mul3A_23, %add3A : vector<1024x16xf32>
    %max3A = arith.maximumf %add3A, %mul3A_24 : vector<1024x16xf32>
    %slice3A_25 = vector.extract_strided_slice %get3A_15 {offsets = [0, 0], sizes = [1, 16], strides = [1, 1]} : vector<8x16xf32> to vector<1x16xf32>
    %add3A_26 = vector.broadcast %slice3A_25 : vector<1x16xf32> to vector<1024x16xf32>
    %add3A_27 = arith.addf %add3A_26, %slice3A_22 : vector<1024x16xf32>
    %mul3A_28 = arith.constant 2.000000e-01 : f32
    %mul3A_29 = vector.broadcast %mul3A_28 : f32 to vector<1024x16xf32>
    %mul3A_30 = arith.mulf %mul3A_29, %add3A_27 : vector<1024x16xf32>
    %max3A_31 = arith.maximumf %add3A_27, %mul3A_30 : vector<1024x16xf32>
    %sub3A = arith.subf %max3A, %max3A_31 : vector<1024x16xf32>
    %exp3A = math.exp %sub3A : vector<1024x16xf32>
    %slice3A_32 = vector.extract_strided_slice %get3A_6 {offsets = [0, 0, 0], sizes = [1, 1024, 16], strides = [1, 1, 1]} : vector<2x1024x16xf32> to vector<1x1024x16xf32>
    %squeeze3A = vector.shape_cast %slice3A_32 : vector<1x1024x16xf32> to vector<1024x16xf32>
    %slice3A_33 = vector.extract_strided_slice %get3A_6 {offsets = [1, 0, 0], sizes = [1, 1024, 16], strides = [1, 1, 1]} : vector<2x1024x16xf32> to vector<1x1024x16xf32>
    %squeeze3A_34 = vector.shape_cast %slice3A_33 : vector<1x1024x16xf32> to vector<1024x16xf32>
    %add3A_35 = arith.addf %squeeze3A, %squeeze3A_34 : vector<1024x16xf32>
    %add3A_36 = arith.addf %add3A_35, %exp3A : vector<1024x16xf32>
    %slice3A_37 = vector.extract_strided_slice %add3A_36 {offsets = [0, 0], sizes = [1024, 4], strides = [1, 1]} : vector<1024x16xf32> to vector<1024x4xf32>
    %slice3A_38 = vector.extract_strided_slice %exp3A {offsets = [0, 0], sizes = [1024, 4], strides = [1, 1]} : vector<1024x16xf32> to vector<1024x4xf32>
    %dot_general3A = arith.constant dense<0.000000e+00> : vector<1024x128xf32>
    %dot_general3A_39 = tpu.matmul %slice3A_37, %get3A_18, %dot_general3A {dimension_numbers = #tpu.dot_dimension_numbers<[1], [0], [0], [1], [0, 0, 1, 1], [], []>, precision = #tpu.contract_precision<fp32>, transpose_lhs_hint = false} : vector<1024x4xf32>, vector<4x128xf32>, vector<1024x128xf32> -> vector<1024x128xf32>
    %dot_general3A_40 = arith.constant dense<0.000000e+00> : vector<1024x128xf32>
    %dot_general3A_41 = tpu.matmul %slice3A_38, %get3A_18, %dot_general3A_40 {dimension_numbers = #tpu.dot_dimension_numbers<[1], [0], [0], [1], [0, 0, 1, 1], [], []>, precision = #tpu.contract_precision<fp32>, transpose_lhs_hint = false} : vector<1024x4xf32>, vector<4x128xf32>, vector<1024x128xf32> -> vector<1024x128xf32>
    %slice3A_42 = vector.extract_strided_slice %get3A_2 {offsets = [0, 0, 0], sizes = [1, 1024, 128], strides = [1, 1, 1]} : vector<2x1024x128xf32> to vector<1x1024x128xf32>
    %squeeze3A_43 = vector.shape_cast %slice3A_42 : vector<1x1024x128xf32> to vector<1024x128xf32>
    %slice3A_44 = vector.extract_strided_slice %get3A_2 {offsets = [1, 0, 0], sizes = [1, 1024, 128], strides = [1, 1, 1]} : vector<2x1024x128xf32> to vector<1x1024x128xf32>
    %squeeze3A_45 = vector.shape_cast %slice3A_44 : vector<1x1024x128xf32> to vector<1024x128xf32>
    %add3A_46 = arith.addf %squeeze3A_43, %squeeze3A_45 : vector<1024x128xf32>
    %mul3A_47 = arith.mulf %dot_general3A_41, %get3A_9 : vector<1024x128xf32>
    %add3A_48 = arith.addf %add3A_46, %mul3A_47 : vector<1024x128xf32>
    %div3A = arith.divf %add3A_48, %dot_general3A_39 : vector<1024x128xf32>
    %add3A_49 = vector.broadcast %get3A_21 : vector<1x128xf32> to vector<1024x128xf32>
    %add3A_50 = arith.addf %div3A, %add3A_49 : vector<1024x128xf32>
    %reduce_sum3A = arith.constant dense<0.000000e+00> : vector<1024xf32>
    %reduce_sum3A_51 = vector.multi_reduction <add>, %add3A_50, %reduce_sum3A [1] : vector<1024x128xf32> to vector<1024xf32>
    %broadcast_in_dim3A = vector.shape_cast %reduce_sum3A_51 : vector<1024xf32> to vector<1024x1xf32>
    %div3A_52 = arith.constant 1.280000e+02 : f32
    %div3A_53 = vector.broadcast %div3A_52 : f32 to vector<1024x1xf32>
    %div3A_54 = arith.divf %broadcast_in_dim3A, %div3A_53 : vector<1024x1xf32>
    %sub3A_55 = vector.broadcast %div3A_54 : vector<1024x1xf32> to vector<1024x128xf32>
    %sub3A_56 = arith.subf %add3A_50, %sub3A_55 : vector<1024x128xf32>
    %integer_pow3A = arith.mulf %sub3A_56, %sub3A_56 : vector<1024x128xf32>
    %reduce_sum3A_57 = arith.constant dense<0.000000e+00> : vector<1024xf32>
    %reduce_sum3A_58 = vector.multi_reduction <add>, %integer_pow3A, %reduce_sum3A_57 [1] : vector<1024x128xf32> to vector<1024xf32>
    %broadcast_in_dim3A_59 = vector.shape_cast %reduce_sum3A_58 : vector<1024xf32> to vector<1024x1xf32>
    %div3A_60 = arith.constant 1.280000e+02 : f32
    %div3A_61 = vector.broadcast %div3A_60 : f32 to vector<1024x1xf32>
    %div3A_62 = arith.divf %broadcast_in_dim3A_59, %div3A_61 : vector<1024x1xf32>
    %sub3A_63 = vector.broadcast %div3A_54 : vector<1024x1xf32> to vector<1024x128xf32>
    %sub3A_64 = arith.subf %add3A_50, %sub3A_63 : vector<1024x128xf32>
    %add3A_65 = arith.constant 9.99999974E-6 : f32
    %add3A_66 = vector.broadcast %add3A_65 : f32 to vector<1024x1xf32>
    %add3A_67 = arith.addf %div3A_62, %add3A_66 : vector<1024x1xf32>
    %sqrt3A = math.sqrt %add3A_67 : vector<1024x1xf32>
    %div3A_68 = vector.broadcast %sqrt3A : vector<1024x1xf32> to vector<1024x128xf32>
    %div3A_69 = arith.divf %sub3A_64, %div3A_68 : vector<1024x128xf32>
    %get3A_70 = arith.constant 0 : index
    %get3A_71 = arith.constant 0 : index
    %get3A_72 = vector.load %arg8[%get3A_70, %get3A_71] : memref<1x128xf32, #tpu.memory_space<vmem>>, vector<1x128xf32>
    %mul3A_73 = vector.broadcast %get3A_72 : vector<1x128xf32> to vector<1024x128xf32>
    %mul3A_74 = arith.mulf %div3A_69, %mul3A_73 : vector<1024x128xf32>
    %get3A_75 = arith.constant 0 : index
    %get3A_76 = arith.constant 0 : index
    %get3A_77 = vector.load %arg9[%get3A_75, %get3A_76] : memref<1x128xf32, #tpu.memory_space<vmem>>, vector<1x128xf32>
    %add3A_78 = vector.broadcast %get3A_77 : vector<1x128xf32> to vector<1024x128xf32>
    %add3A_79 = arith.addf %mul3A_74, %add3A_78 : vector<1024x128xf32>
    %gt3A = arith.constant 0.000000e+00 : f32
    %gt3A_80 = vector.broadcast %gt3A : f32 to vector<1024x128xf32>
    %gt3A_81 = arith.cmpf ogt, %add3A_79, %gt3A_80 : vector<1024x128xf32>
    %exp3A_82 = math.exp %add3A_79 : vector<1024x128xf32>
    %sub3A_83 = arith.constant 1.000000e+00 : f32
    %sub3A_84 = vector.broadcast %sub3A_83 : f32 to vector<1024x128xf32>
    %sub3A_85 = arith.subf %exp3A_82, %sub3A_84 : vector<1024x128xf32>
    %select_n3A = arith.select %gt3A_81, %add3A_79, %sub3A_85 : vector<1024x128xi1>, vector<1024x128xf32>
    %get3A_86 = arith.constant 0 : index
    %get3A_87 = arith.constant 0 : index
    %get3A_88 = vector.load %arg10[%get3A_86, %get3A_87] : memref<1024x128xf32, #tpu.memory_space<vmem>>, vector<1024x128xf32>
    %add3A_89 = arith.addf %select_n3A, %get3A_88 : vector<1024x128xf32>
    %swap3A = arith.constant 0 : index
    %swap3A_90 = arith.constant 0 : index
    %swap3A_91 = vector.load %arg14[%swap3A, %swap3A_90] : memref<1024x128xf32, #tpu.memory_space<vmem>>, vector<1024x128xf32>
    tpu.vector_store %arg14[%swap3A, %swap3A_90], %add3A_89 {strides = array<i32>} : memref<1024x128xf32, #tpu.memory_space<vmem>>, vector<1024x128xf32>,
    %get3A_92 = arith.constant 0 : index
    %get3A_93 = arith.constant 0 : index
    %get3A_94 = vector.load %arg11[%get3A_92, %get3A_93] : memref<128x128xf32, #tpu.memory_space<vmem>>, vector<128x128xf32>
    %dot_general3A_95 = arith.constant dense<0.000000e+00> : vector<1024x128xf32>
    %dot_general3A_96 = tpu.matmul %add3A_89, %get3A_94, %dot_general3A_95 {dimension_numbers = #tpu.dot_dimension_numbers<[1], [0], [0], [1], [0, 0, 1, 1], [], []>, transpose_lhs_hint = false} : vector<1024x128xf32>, vector<128x128xf32>, vector<1024x128xf32> -> vector<1024x128xf32>
    %swap3A_97 = arith.constant 0 : index
    %swap3A_98 = arith.constant 0 : index
    %swap3A_99 = vector.load %arg15[%swap3A_97, %swap3A_98] : memref<1024x128xf32, #tpu.memory_space<vmem>>, vector<1024x128xf32>
    tpu.vector_store %arg15[%swap3A_97, %swap3A_98], %dot_general3A_96 {strides = array<i32>} : memref<1024x128xf32, #tpu.memory_space<vmem>>, vector<1024x128xf32>,
    %get3A_100 = arith.constant 0 : index
    %get3A_101 = arith.constant 0 : index
    %get3A_102 = vector.load %arg12[%get3A_100, %get3A_101] : memref<128x16xf32, #tpu.memory_space<vmem>>, vector<128x16xf32>
    %dot_general3A_103 = arith.constant dense<0.000000e+00> : vector<1024x16xf32>
    %dot_general3A_104 = tpu.matmul %dot_general3A_96, %get3A_102, %dot_general3A_103 {dimension_numbers = #tpu.dot_dimension_numbers<[1], [0], [0], [1], [0, 0, 1, 1], [], []>, precision = #tpu.contract_precision<fp32>, transpose_lhs_hint = false} : vector<1024x128xf32>, vector<128x16xf32>, vector<1024x16xf32> -> vector<1024x16xf32>
    %get3A_105 = arith.constant 0 : index
    %get3A_106 = arith.constant 0 : index
    %get3A_107 = vector.load %arg13[%get3A_105, %get3A_106] : memref<128x16xf32, #tpu.memory_space<vmem>>, vector<128x16xf32>
    %dot_general3A_108 = arith.constant dense<0.000000e+00> : vector<1024x16xf32>
    %dot_general3A_109 = tpu.matmul %dot_general3A_96, %get3A_107, %dot_general3A_108 {dimension_numbers = #tpu.dot_dimension_numbers<[1], [0], [0], [1], [0, 0, 1, 1], [], []>, precision = #tpu.contract_precision<fp32>, transpose_lhs_hint = false} : vector<1024x128xf32>, vector<128x16xf32>, vector<1024x16xf32> -> vector<1024x16xf32>
    %broadcast_in_dim3A_110 = arith.constant 0.000000e+00 : f32
    %broadcast_in_dim3A_111 = vector.broadcast %broadcast_in_dim3A_110 : f32 to vector<1024x96xf32>
    %concatenate3A = tpu.concatenate %dot_general3A_104, %dot_general3A_109, %broadcast_in_dim3A_111 in 1 : vector<1024x16xf32>, vector<1024x16xf32>, vector<1024x96xf32> -> vector<1024x128xf32>
    %swap3A_112 = arith.constant 0 : index
    %swap3A_113 = arith.constant 0 : index
    %swap3A_114 = vector.load %arg16[%swap3A_112, %swap3A_113] : memref<1024x128xf32, #tpu.memory_space<vmem>>, vector<1024x128xf32>
    tpu.vector_store %arg16[%swap3A_112, %swap3A_113], %concatenate3A {strides = array<i32>} : memref<1024x128xf32, #tpu.memory_space<vmem>>, vector<1024x128xf32>,
    %reduce_max3A = arith.constant dense<0xFF800000> : vector<16xf32>
    %reduce_max3A_115 = vector.multi_reduction <maximumf>, %dot_general3A_104, %reduce_max3A [0] : vector<1024x16xf32> to vector<16xf32>
    %broadcast_in_dim3A_116 = vector.shape_cast %reduce_max3A_115 : vector<16xf32> to vector<1x16xf32>
    %broadcast_in_dim3A_117 = vector.shape_cast %broadcast_in_dim3A_116 : vector<1x16xf32> to vector<1x16xf32>
    %broadcast_in_dim3A_118 = vector.broadcast %broadcast_in_dim3A_117 : vector<1x16xf32> to vector<8x16xf32>
    %eq3A = arith.constant 0 : i32
    %eq3A_119 = arith.cmpi eq, %arg0, %eq3A : i32
    %convert_element_type3A = arith.extui %eq3A_119 : i1 to i32
    %cond3A = arith.constant 0 : i32
    %cond3A_120 = arith.cmpi ne, %convert_element_type3A, %cond3A : i32
    scf.if %cond3A_120 {
      %swap3A_126 = arith.constant 0 : index
      %swap3A_127 = arith.constant 0 : index
      %swap3A_128 = vector.load %arg17[%swap3A_126, %swap3A_127] : memref<8x16xf32, #tpu.memory_space<vmem>>, vector<8x16xf32>
      tpu.vector_store %arg17[%swap3A_126, %swap3A_127], %broadcast_in_dim3A_118 {strides = array<i32>} : memref<8x16xf32, #tpu.memory_space<vmem>>, vector<8x16xf32>,
    } else {
    }
    %gt3A_121 = arith.constant 0 : i32
    %gt3A_122 = arith.cmpi sgt, %arg0, %gt3A_121 : i32
    %convert_element_type3A_123 = arith.extui %gt3A_122 : i1 to i32
    %cond3A_124 = arith.constant 0 : i32
    %cond3A_125 = arith.cmpi ne, %convert_element_type3A_123, %cond3A_124 : i32
    scf.if %cond3A_125 {
      %get3A_126 = arith.constant 0 : index
      %get3A_127 = arith.constant 0 : index
      %get3A_128 = vector.load %arg17[%get3A_126, %get3A_127] : memref<8x16xf32, #tpu.memory_space<vmem>>, vector<8x16xf32>
      %max3A_129 = arith.maximumf %get3A_128, %broadcast_in_dim3A_118 : vector<8x16xf32>
      %swap3A_130 = arith.constant 0 : index
      %swap3A_131 = arith.constant 0 : index
      %swap3A_132 = vector.load %arg17[%swap3A_130, %swap3A_131] : memref<8x16xf32, #tpu.memory_space<vmem>>, vector<8x16xf32>
      tpu.vector_store %arg17[%swap3A_130, %swap3A_131], %max3A_129 {strides = array<i32>} : memref<8x16xf32, #tpu.memory_space<vmem>>, vector<8x16xf32>,
    } else {
    }
    return
  }
  func.func @transform_0(%arg0: i32) -> (i32, i32, i32) {
    %c0_i32 = arith.constant 0 : i32
    %c0_i32_0 = arith.constant 0 : i32
    %c0_i32_1 = arith.constant 0 : i32
    return %c0_i32, %arg0, %c0_i32_0 : i32, i32, i32
  }
  func.func @transform_1(%arg0: i32) -> (i32, i32, i32) {
    %c0_i32 = arith.constant 0 : i32
    %c0_i32_0 = arith.constant 0 : i32
    %c0_i32_1 = arith.constant 0 : i32
    return %c0_i32, %arg0, %c0_i32_0 : i32, i32, i32
  }
  func.func @transform_2(%arg0: i32) -> (i32, i32) {
    %c0_i32 = arith.constant 0 : i32
    %c0_i32_0 = arith.constant 0 : i32
    return %arg0, %c0_i32 : i32, i32
  }
  func.func @transform_3(%arg0: i32) -> (i32, i32) {
    %c0_i32 = arith.constant 0 : i32
    %c0_i32_0 = arith.constant 0 : i32
    return %arg0, %c0_i32 : i32, i32
  }
  func.func @transform_4(%arg0: i32) -> (i32, i32) {
    %c0_i32 = arith.constant 0 : i32
    %c0_i32_0 = arith.constant 0 : i32
    %c0_i32_1 = arith.constant 0 : i32
    return %c0_i32, %c0_i32_0 : i32, i32
  }
  func.func @transform_5(%arg0: i32) -> (i32, i32) {
    %c0_i32 = arith.constant 0 : i32
    %c0_i32_0 = arith.constant 0 : i32
    %c0_i32_1 = arith.constant 0 : i32
    return %c0_i32, %c0_i32_0 : i32, i32
  }
  func.func @transform_6(%arg0: i32) -> (i32, i32) {
    %c0_i32 = arith.constant 0 : i32
    %c0_i32_0 = arith.constant 0 : i32
    %c0_i32_1 = arith.constant 0 : i32
    return %c0_i32, %c0_i32_0 : i32, i32
  }
  func.func @transform_7(%arg0: i32) -> (i32, i32) {
    %c0_i32 = arith.constant 0 : i32
    %c0_i32_0 = arith.constant 0 : i32
    %c0_i32_1 = arith.constant 0 : i32
    return %c0_i32, %c0_i32_0 : i32, i32
  }
  func.func @transform_8(%arg0: i32) -> (i32, i32) {
    %c0_i32 = arith.constant 0 : i32
    %c0_i32_0 = arith.constant 0 : i32
    %c0_i32_1 = arith.constant 0 : i32
    return %c0_i32, %c0_i32_0 : i32, i32
  }
  func.func @transform_9(%arg0: i32) -> (i32, i32) {
    %c0_i32 = arith.constant 0 : i32
    %c0_i32_0 = arith.constant 0 : i32
    return %arg0, %c0_i32 : i32, i32
  }
  func.func @transform_10(%arg0: i32) -> (i32, i32) {
    %c0_i32 = arith.constant 0 : i32
    %c0_i32_0 = arith.constant 0 : i32
    %c0_i32_1 = arith.constant 0 : i32
    return %c0_i32, %c0_i32_0 : i32, i32
  }
  func.func @transform_11(%arg0: i32) -> (i32, i32) {
    %c0_i32 = arith.constant 0 : i32
    %c0_i32_0 = arith.constant 0 : i32
    %c0_i32_1 = arith.constant 0 : i32
    return %c0_i32, %c0_i32_0 : i32, i32
  }
  func.func @transform_12(%arg0: i32) -> (i32, i32) {
    %c0_i32 = arith.constant 0 : i32
    %c0_i32_0 = arith.constant 0 : i32
    %c0_i32_1 = arith.constant 0 : i32
    return %c0_i32, %c0_i32_0 : i32, i32
  }
  func.func @transform_13(%arg0: i32) -> (i32, i32) {
    %c0_i32 = arith.constant 0 : i32
    %c0_i32_0 = arith.constant 0 : i32
    return %arg0, %c0_i32 : i32, i32
  }
  func.func @transform_14(%arg0: i32) -> (i32, i32) {
    %c0_i32 = arith.constant 0 : i32
    %c0_i32_0 = arith.constant 0 : i32
    return %arg0, %c0_i32 : i32, i32
  }
  func.func @transform_15(%arg0: i32) -> (i32, i32) {
    %c0_i32 = arith.constant 0 : i32
    %c0_i32_0 = arith.constant 0 : i32
    return %arg0, %c0_i32 : i32, i32
  }
  func.func @transform_16(%arg0: i32) -> (i32, i32) {
    %c0_i32 = arith.constant 0 : i32
    %c0_i32_0 = arith.constant 0 : i32
    %c0_i32_1 = arith.constant 0 : i32
    return %c0_i32, %c0_i32_0 : i32, i32
  }
}

module attributes {stable_mosaic.version = 14 : i64} {
  func.func @_tc_final_body(%arg0: i32, %arg1: memref<2x1024x128xf32, #tpu.memory_space<vmem>>, %arg2: memref<2x1024x16xf32, #tpu.memory_space<vmem>>, %arg3: memref<1024x128xf32, #tpu.memory_space<vmem>>, %arg4: memref<1024x128xf32, #tpu.memory_space<vmem>>, %arg5: memref<8x16xf32, #tpu.memory_space<vmem>>, %arg6: memref<4x128xf32, #tpu.memory_space<vmem>>, %arg7: memref<1x128xf32, #tpu.memory_space<vmem>>, %arg8: memref<1024x128xf32, #tpu.memory_space<vmem>>, %arg9: memref<1024x128xf32, #tpu.memory_space<vmem>>, %arg10: memref<1024x384xf32, #tpu.memory_space<vmem>>) attributes {dimension_semantics = [#tpu.dimension_semantics<arbitrary>], iteration_bounds = array<i64: 10>, scalar_prefetch = 0 : i64, scratch_operands = 0 : i64, tpu.core_type = #tpu.core_type<tc>, window_params = [{transform_indices = @transform_0, window_bounds = array<i64: 2, 1024, 128>}, {transform_indices = @transform_1, window_bounds = array<i64: 2, 1024, 16>}, {transform_indices = @transform_2, window_bounds = array<i64: 1024, 128>}, {transform_indices = @transform_3, window_bounds = array<i64: 1024, 128>}, {pipeline_mode = #tpu.pipeline_mode<synchronous>, transform_indices = @transform_4, window_bounds = array<i64: 8, 16>}, {pipeline_mode = #tpu.pipeline_mode<synchronous>, transform_indices = @transform_5, window_bounds = array<i64: 4, 128>}, {pipeline_mode = #tpu.pipeline_mode<synchronous>, transform_indices = @transform_6, window_bounds = array<i64: 1, 128>}, {transform_indices = @transform_7, window_bounds = array<i64: 1024, 128>}, {transform_indices = @transform_8, window_bounds = array<i64: 1024, 128>}, {transform_indices = @transform_9, window_bounds = array<i64: 1024, 384>}]} {
    %get3A = arith.constant 0 : index
    %get3A_0 = arith.constant 0 : index
    %get3A_1 = arith.constant 0 : index
    %get3A_2 = vector.load %arg1[%get3A, %get3A_0, %get3A_1] : memref<2x1024x128xf32, #tpu.memory_space<vmem>>, vector<2x1024x128xf32>
    %get3A_3 = arith.constant 0 : index
    %get3A_4 = arith.constant 0 : index
    %get3A_5 = arith.constant 0 : index
    %get3A_6 = vector.load %arg2[%get3A_3, %get3A_4, %get3A_5] : memref<2x1024x16xf32, #tpu.memory_space<vmem>>, vector<2x1024x16xf32>
    %get3A_7 = arith.constant 0 : index
    %get3A_8 = arith.constant 0 : index
    %get3A_9 = vector.load %arg3[%get3A_7, %get3A_8] : memref<1024x128xf32, #tpu.memory_space<vmem>>, vector<1024x128xf32>
    %get3A_10 = arith.constant 0 : index
    %get3A_11 = arith.constant 0 : index
    %get3A_12 = vector.load %arg4[%get3A_10, %get3A_11] : memref<1024x128xf32, #tpu.memory_space<vmem>>, vector<1024x128xf32>
    %get3A_13 = arith.constant 0 : index
    %get3A_14 = arith.constant 0 : index
    %get3A_15 = vector.load %arg5[%get3A_13, %get3A_14] : memref<8x16xf32, #tpu.memory_space<vmem>>, vector<8x16xf32>
    %get3A_16 = arith.constant 0 : index
    %get3A_17 = arith.constant 0 : index
    %get3A_18 = vector.load %arg6[%get3A_16, %get3A_17] : memref<4x128xf32, #tpu.memory_space<vmem>>, vector<4x128xf32>
    %get3A_19 = arith.constant 0 : index
    %get3A_20 = arith.constant 0 : index
    %get3A_21 = vector.load %arg7[%get3A_19, %get3A_20] : memref<1x128xf32, #tpu.memory_space<vmem>>, vector<1x128xf32>
    %slice3A = vector.extract_strided_slice %get3A_12 {offsets = [0, 0], sizes = [1024, 16], strides = [1, 1]} : vector<1024x128xf32> to vector<1024x16xf32>
    %slice3A_22 = vector.extract_strided_slice %get3A_12 {offsets = [0, 16], sizes = [1024, 16], strides = [1, 1]} : vector<1024x128xf32> to vector<1024x16xf32>
    %add3A = arith.addf %slice3A, %slice3A_22 : vector<1024x16xf32>
    %mul3A = arith.constant 2.000000e-01 : f32
    %mul3A_23 = vector.broadcast %mul3A : f32 to vector<1024x16xf32>
    %mul3A_24 = arith.mulf %mul3A_23, %add3A : vector<1024x16xf32>
    %max3A = arith.maximumf %add3A, %mul3A_24 : vector<1024x16xf32>
    %slice3A_25 = vector.extract_strided_slice %get3A_15 {offsets = [0, 0], sizes = [1, 16], strides = [1, 1]} : vector<8x16xf32> to vector<1x16xf32>
    %add3A_26 = vector.broadcast %slice3A_25 : vector<1x16xf32> to vector<1024x16xf32>
    %add3A_27 = arith.addf %add3A_26, %slice3A_22 : vector<1024x16xf32>
    %mul3A_28 = arith.constant 2.000000e-01 : f32
    %mul3A_29 = vector.broadcast %mul3A_28 : f32 to vector<1024x16xf32>
    %mul3A_30 = arith.mulf %mul3A_29, %add3A_27 : vector<1024x16xf32>
    %max3A_31 = arith.maximumf %add3A_27, %mul3A_30 : vector<1024x16xf32>
    %sub3A = arith.subf %max3A, %max3A_31 : vector<1024x16xf32>
    %exp3A = math.exp %sub3A : vector<1024x16xf32>
    %slice3A_32 = vector.extract_strided_slice %get3A_6 {offsets = [0, 0, 0], sizes = [1, 1024, 16], strides = [1, 1, 1]} : vector<2x1024x16xf32> to vector<1x1024x16xf32>
    %squeeze3A = vector.shape_cast %slice3A_32 : vector<1x1024x16xf32> to vector<1024x16xf32>
    %slice3A_33 = vector.extract_strided_slice %get3A_6 {offsets = [1, 0, 0], sizes = [1, 1024, 16], strides = [1, 1, 1]} : vector<2x1024x16xf32> to vector<1x1024x16xf32>
    %squeeze3A_34 = vector.shape_cast %slice3A_33 : vector<1x1024x16xf32> to vector<1024x16xf32>
    %add3A_35 = arith.addf %squeeze3A, %squeeze3A_34 : vector<1024x16xf32>
    %add3A_36 = arith.addf %add3A_35, %exp3A : vector<1024x16xf32>
    %slice3A_37 = vector.extract_strided_slice %add3A_36 {offsets = [0, 0], sizes = [1024, 4], strides = [1, 1]} : vector<1024x16xf32> to vector<1024x4xf32>
    %slice3A_38 = vector.extract_strided_slice %exp3A {offsets = [0, 0], sizes = [1024, 4], strides = [1, 1]} : vector<1024x16xf32> to vector<1024x4xf32>
    %dot_general3A = arith.constant dense<0.000000e+00> : vector<1024x128xf32>
    %dot_general3A_39 = tpu.matmul %slice3A_37, %get3A_18, %dot_general3A {dimension_numbers = #tpu.dot_dimension_numbers<[1], [0], [0], [1], [0, 0, 1, 1], [], []>, precision = #tpu.contract_precision<fp32>, transpose_lhs_hint = false} : vector<1024x4xf32>, vector<4x128xf32>, vector<1024x128xf32> -> vector<1024x128xf32>
    %dot_general3A_40 = arith.constant dense<0.000000e+00> : vector<1024x128xf32>
    %dot_general3A_41 = tpu.matmul %slice3A_38, %get3A_18, %dot_general3A_40 {dimension_numbers = #tpu.dot_dimension_numbers<[1], [0], [0], [1], [0, 0, 1, 1], [], []>, precision = #tpu.contract_precision<fp32>, transpose_lhs_hint = false} : vector<1024x4xf32>, vector<4x128xf32>, vector<1024x128xf32> -> vector<1024x128xf32>
    %slice3A_42 = vector.extract_strided_slice %get3A_2 {offsets = [0, 0, 0], sizes = [1, 1024, 128], strides = [1, 1, 1]} : vector<2x1024x128xf32> to vector<1x1024x128xf32>
    %squeeze3A_43 = vector.shape_cast %slice3A_42 : vector<1x1024x128xf32> to vector<1024x128xf32>
    %slice3A_44 = vector.extract_strided_slice %get3A_2 {offsets = [1, 0, 0], sizes = [1, 1024, 128], strides = [1, 1, 1]} : vector<2x1024x128xf32> to vector<1x1024x128xf32>
    %squeeze3A_45 = vector.shape_cast %slice3A_44 : vector<1x1024x128xf32> to vector<1024x128xf32>
    %add3A_46 = arith.addf %squeeze3A_43, %squeeze3A_45 : vector<1024x128xf32>
    %mul3A_47 = arith.mulf %dot_general3A_41, %get3A_9 : vector<1024x128xf32>
    %add3A_48 = arith.addf %add3A_46, %mul3A_47 : vector<1024x128xf32>
    %div3A = arith.divf %add3A_48, %dot_general3A_39 : vector<1024x128xf32>
    %add3A_49 = vector.broadcast %get3A_21 : vector<1x128xf32> to vector<1024x128xf32>
    %add3A_50 = arith.addf %div3A, %add3A_49 : vector<1024x128xf32>
    %get3A_51 = arith.constant 0 : index
    %get3A_52 = arith.constant 0 : index
    %get3A_53 = vector.load %arg8[%get3A_51, %get3A_52] : memref<1024x128xf32, #tpu.memory_space<vmem>>, vector<1024x128xf32>
    %swap3A = arith.constant 0 : index
    %swap3A_54 = arith.constant 0 : index
    %swap3A_55 = vector.load %arg10[%swap3A, %swap3A_54] : memref<1024x384xf32, #tpu.memory_space<vmem>>, vector<1024x128xf32>
    tpu.vector_store %arg10[%swap3A, %swap3A_54], %get3A_53 {strides = array<i32>} : memref<1024x384xf32, #tpu.memory_space<vmem>>, vector<1024x128xf32>,
    %get3A_56 = arith.constant 0 : index
    %get3A_57 = arith.constant 0 : index
    %get3A_58 = vector.load %arg9[%get3A_56, %get3A_57] : memref<1024x128xf32, #tpu.memory_space<vmem>>, vector<1024x128xf32>
    %swap3A_59 = arith.constant 0 : index
    %swap3A_60 = arith.constant 128 : index
    %swap3A_61 = vector.load %arg10[%swap3A_59, %swap3A_60] : memref<1024x384xf32, #tpu.memory_space<vmem>>, vector<1024x128xf32>
    tpu.vector_store %arg10[%swap3A_59, %swap3A_60], %get3A_58 {strides = array<i32>} : memref<1024x384xf32, #tpu.memory_space<vmem>>, vector<1024x128xf32>,
    %swap3A_62 = arith.constant 0 : index
    %swap3A_63 = arith.constant 256 : index
    %swap3A_64 = vector.load %arg10[%swap3A_62, %swap3A_63] : memref<1024x384xf32, #tpu.memory_space<vmem>>, vector<1024x128xf32>
    tpu.vector_store %arg10[%swap3A_62, %swap3A_63], %add3A_50 {strides = array<i32>} : memref<1024x384xf32, #tpu.memory_space<vmem>>, vector<1024x128xf32>,
    return
  }
  func.func @transform_0(%arg0: i32) -> (i32, i32, i32) {
    %c0_i32 = arith.constant 0 : i32
    %c0_i32_0 = arith.constant 0 : i32
    %c0_i32_1 = arith.constant 0 : i32
    return %c0_i32, %arg0, %c0_i32_0 : i32, i32, i32
  }
  func.func @transform_1(%arg0: i32) -> (i32, i32, i32) {
    %c0_i32 = arith.constant 0 : i32
    %c0_i32_0 = arith.constant 0 : i32
    %c0_i32_1 = arith.constant 0 : i32
    return %c0_i32, %arg0, %c0_i32_0 : i32, i32, i32
  }
  func.func @transform_2(%arg0: i32) -> (i32, i32) {
    %c0_i32 = arith.constant 0 : i32
    %c0_i32_0 = arith.constant 0 : i32
    return %arg0, %c0_i32 : i32, i32
  }
  func.func @transform_3(%arg0: i32) -> (i32, i32) {
    %c0_i32 = arith.constant 0 : i32
    %c0_i32_0 = arith.constant 0 : i32
    return %arg0, %c0_i32 : i32, i32
  }
  func.func @transform_4(%arg0: i32) -> (i32, i32) {
    %c0_i32 = arith.constant 0 : i32
    %c0_i32_0 = arith.constant 0 : i32
    %c0_i32_1 = arith.constant 0 : i32
    return %c0_i32, %c0_i32_0 : i32, i32
  }
  func.func @transform_5(%arg0: i32) -> (i32, i32) {
    %c0_i32 = arith.constant 0 : i32
    %c0_i32_0 = arith.constant 0 : i32
    %c0_i32_1 = arith.constant 0 : i32
    return %c0_i32, %c0_i32_0 : i32, i32
  }
  func.func @transform_6(%arg0: i32) -> (i32, i32) {
    %c0_i32 = arith.constant 0 : i32
    %c0_i32_0 = arith.constant 0 : i32
    %c0_i32_1 = arith.constant 0 : i32
    return %c0_i32, %c0_i32_0 : i32, i32
  }
  func.func @transform_7(%arg0: i32) -> (i32, i32) {
    %c0_i32 = arith.constant 0 : i32
    %c0_i32_0 = arith.constant 0 : i32
    return %arg0, %c0_i32 : i32, i32
  }
  func.func @transform_8(%arg0: i32) -> (i32, i32) {
    %c0_i32 = arith.constant 0 : i32
    %c0_i32_0 = arith.constant 0 : i32
    return %arg0, %c0_i32 : i32, i32
  }
  func.func @transform_9(%arg0: i32) -> (i32, i32) {
    %c0_i32 = arith.constant 0 : i32
    %c0_i32_0 = arith.constant 0 : i32
    return %arg0, %c0_i32 : i32, i32
  }
}

</mosaic_0001>

<sc_bundles>
// kernel: kernel.12.cloned.1.call-start
scs
__scs_entry_jumppad:
0x0: {  	(pc) =	sbr.rel $0x88, $3  }
0x1: {  	(tag) =	ssettag $0x0;
	lr =	simm.s32 $0x1  }
0x2: {  	[smem:$0x3F8F] =	sst lr;
	_ =	strace $0xD0000000  }
0x3: {  	_ = 	snop  }
0x4: {  	_ = 	snop  }
0x5: {  	_ = 	snop  }
0x6: {  	_ = 	snop  }
0x7: {  	_ = 	snop  }
__scs_overlays_trampoline_lowered:
0x8: {  	[smem:$0x3F9E] =	sst s0  }
0x9: {  	[smem:$0x3F9F] =	sst s1  }
0xa: {  	[smem:$0x3FA0] =	sst s2  }
0xb: {  	[smem:$0x3FA1] =	sst s3  }
0xc: {  	[smem:$0x3FA2] =	sst s4  }
0xd: {  	[smem:$0x3FA3] =	sst s5  }
0xe: {  	[smem:$0x3FA4] =	sst s6  }
0xf: {  	[smem:$0x3FA5] =	sst s7  }
0x10: {  	[smem:$0x3FA6] =	sst s8  }
0x11: {  	[smem:$0x3FA7] =	sst s9;
	s0 =	simm.s32 @!p0 $0x0  }
0x12: {  	s1 =	sld [smem:$0x3F8D];
	s0 =	simm.s32 @p0 $0x1  }
0x13: {  	[smem:$0x3FA8] =	sst s0;
	s0 =	simm.s32 @!p1 $0x0  }
0x14: {  	s2 =	sld [smem:$0x3F8C];
	s0 =	simm.s32 @p1 $0x1  }
0x15: {  	[smem:$0x3FA9] =	sst s0;
	s0 =	simm.s32 @!p2 $0x0  }
0x16: {  	s3 =	sld [smem:$0x3FDB];
	s0 =	simm.s32 @p2 $0x1  }
0x17: {  	s4 =	simm.s32 $0x1BF5;
	[smem:$0x3FAB] =	sst s0  }
0x18: {  	s0 =	sld [smem:$0x3F8E];
	_ =	swait.ge [sflag:s4], $0x0  }
0x19: {  	s7 =	sld [smem:$0x3F8F]  }
0x1a: {  	s8 =	sadd.s32 $0xFFFFE003, lr  }
0x1b: {  	s9 =	sadd.s32 $0xFFFFFEF7, lr;
	s5 =	simm.s32 $0xFFFFFFFF;
	p2 =	slt.u32 s8, $0xFFFFF086  }
0x1c: {  	p1 =	slt.u32 s9, $0xF7A;
	s5 =	simm.s32 @!p2 $0x0  }
0x1d: {  	s5 =	simm.s32 @p1 $0x1;
	p0 =	seq.s32 s7, s2  }
0x1e: {  	s7 =	smul.u32 @!p0 $0xF7A, s2;
	p2 =	seq.s32 @!p0 s5, $0x0  }
0x1f: {  	s9 =	smul.u32 $0xF7A, s1;
	s8 =	simm.s32 @!p0 $0x1BF5;
	p2 =	por !p2, p0  }
0x20: {  	[sflag:s8] =	ssyncset.s32 @!p0 $0xFFFFF086;
	s6 =	sadd.s32 @!p0 s3, s7;
	s7 =	simm.s32 @!p0 $0x108  }
0x21: {  	s3 =	sadd.s32 s3, s9;
	s6 =	sadd.s32 @!p0 $0x88, s6;
	s7 =	simm.s32 @p2 $0x1082  }
0x22: {  	[simem:s7], [sflag:s8] =	dma.local @!p0 [hbm:s6], $0xF7A  }
0x23: {  	s9 =	sor.u32 $0xD0000000, s2;
	s6 =	simm.s32 $0x108;
	_ =	swait.ge @!p0 [sflag:s8], $0x0  }
0x24: {  	s3 =	sadd.s32 $0x88, s3;
	s6 =	simm.s32 @!p1 $0x1082;
	[sflag:s4] =	ssyncset.s32 $0xFFFFF086  }
0x25: {  	[simem:s6], [sflag:s4] =	dma.local [hbm:s3], $0xF7A  }
0x26: {  	[smem:$0x3F8F] =	sst s1;
	(tag) =	ssettag s2;
	_ =	strace s9  }
0x27: {  	s1 =	sld [smem:$0x3F9F]  }
0x28: {  	s2 =	sld [smem:$0x3FA0]  }
0x29: {  	s4 =	sld [smem:$0x3FA2]  }
0x2a: {  	p0 =	seq.s32 s5, $0x0;
	s5 =	sld [smem:$0x3FA3]  }
0x2b: {  	s6 =	sld [smem:$0x3FA4]  }
0x2c: {  	s7 =	sld [smem:$0x3FA5]  }
0x2d: {  	s3 =	simm.s32 $0x108;
	s8 =	sld [smem:$0x3FA6]  }
0x2e: {  	s3 =	simm.s32 @!p0 $0x1082;
	s9 =	sld [smem:$0x3FA7]  }
0x2f: {  	lr =	sadd.s32 s0, s3;
	s0 =	sld [smem:$0x3F9E]  }
0x30: {  	s3 =	sld [smem:$0x3FA1]  }
0x31: {  	[smem:$0x3FAA] =	sst s10  }
0x32: {  	s10 =	sld [smem:$0x3FA8];
	_ =	sdelay $0x3  }
0x33: {  	p0 =	seq.s32 s10, $0x1;
	s10 =	sld [smem:$0x3FAA];
	_ =	sdelay $0x3  }
0x34: {  	[smem:$0x3FAA] =	sst s10  }
0x35: {  	s10 =	sld [smem:$0x3FA9];
	_ =	sdelay $0x3  }
0x36: {  	p1 =	seq.s32 s10, $0x1;
	s10 =	sld [smem:$0x3FAA];
	_ =	sdelay $0x3  }
0x37: {  	[smem:$0x3FAA] =	sst s10  }
0x38: {  	s10 =	sld [smem:$0x3FAB]  }
0x39: {  	_ = 	snop;
	(pc) =	sbr.ind lr, $3  }
0x3a: {  	_ = 	snop  }
0x3b: {  	_ = 	snop  }
0x3c: {  	p2 =	seq.s32 s10, $0x1;
	s10 =	sld [smem:$0x3FAA]  }
0x3d: {  	_ =	shalt  }
0x3e: {  	_ =	shalt  }
0x3f: {  	_ =	shalt  }
0x40: {  	_ =	shalt  }
0x41: {  	_ =	shalt  }
0x42: {  	_ =	shalt  }
0x43: {  	_ =	shalt  }
0x44: {  	_ =	shalt  }
0x45: {  	_ =	shalt  }
0x46: {  	_ =	shalt  }
0x47: {  	_ =	shalt  }
0x48: {  	_ =	shalt  }
0x49: {  	_ =	shalt  }
0x4a: {  	_ =	shalt  }
0x4b: {  	_ =	shalt  }
0x4c: {  	_ =	shalt  }
0x4d: {  	_ =	shalt  }
0x4e: {  	_ =	shalt  }
0x4f: {  	_ =	shalt  }
0x50: {  	_ =	shalt  }
0x51: {  	_ =	shalt  }
0x52: {  	_ =	shalt  }
0x53: {  	_ =	shalt  }
0x54: {  	_ =	shalt  }
0x55: {  	_ =	shalt  }
0x56: {  	_ =	shalt  }
0x57: {  	_ =	shalt  }
0x58: {  	_ =	shalt  }
0x59: {  	_ =	shalt  }
0x5a: {  	_ =	shalt  }
0x5b: {  	_ =	shalt  }
0x5c: {  	_ =	shalt  }
0x5d: {  	_ =	shalt  }
0x5e: {  	_ =	shalt  }
0x5f: {  	_ =	shalt  }
0x60: {  	_ =	shalt  }
0x61: {  	_ =	shalt  }
0x62: {  	_ =	shalt  }
0x63: {  	_ =	shalt  }
0x64: {  	_ =	shalt  }
0x65: {  	_ =	shalt  }
0x66: {  	_ =	shalt  }
0x67: {  	_ =	shalt  }
0x68: {  	_ =	shalt  }
0x69: {  	_ =	shalt  }
0x6a: {  	_ =	shalt  }
0x6b: {  	_ =	shalt  }
0x6c: {  	_ =	shalt  }
0x6d: {  	_ =	shalt  }
0x6e: {  	_ =	shalt  }
0x6f: {  	_ =	shalt  }
0x70: {  	_ =	shalt  }
0x71: {  	_ =	shalt  }
0x72: {  	_ =	shalt  }
0x73: {  	_ =	shalt  }
0x74: {  	_ =	shalt  }
0x75: {  	_ =	shalt  }
0x76: {  	_ =	shalt  }
0x77: {  	_ =	shalt  }
0x78: {  	_ =	shalt  }
0x79: {  	_ =	shalt  }
0x7a: {  	_ =	shalt  }
0x7b: {  	_ =	shalt  }
0x7c: {  	_ =	shalt  }
0x7d: {  	_ =	shalt  }
0x7e: {  	_ =	shalt  }
0x7f: {  	_ =	shalt  }
0x80: {  	_ =	shalt  }
0x81: {  	_ =	shalt  }
0x82: {  	_ =	shalt  }
0x83: {  	_ =	shalt  }
0x84: {  	_ =	shalt  }
0x85: {  	_ =	shalt  }
0x86: {  	_ =	shalt  }
0x87: {  	_ =	shalt  }
.Lfunc_end0:
.L_simem_size_0:
called_computation.1_lowered:
.L_overlay_start_0:
0x88: {  	s2 =	sld [smem:$0x3FD9]  }
0x89: {  	s3 =	sld [smem:$0x3FFE];
	_ =	sdelay $0x1  }
0x8a: {  	s1 =	srdreg.scid  }
0x8b: {  	s0 =	sand.u32 $0x1, s1  }
0x8c: {  	s17 =	sshll.u32 s0, $0xA;
	s2 =	sadd.s32 s3, s2  }
0x8d: {  	s2 =	sadd.s32 s2, s17  }
0x8e: {  	[smem:$0x3FB6] =	sst s2  }
0x8f: {  	_ = 	snop  }
0x90: {  	s2 =	sld [smem:$0x3FD0];
	(tm) =	ssettm $0x1  }
0x91: {  	s18 =	sld [smem:$0x3FFB];
	_ =	sdelay $0x3  }
0x92: {  	_ =	strace s18  }
0x93: {  	s3 =	sld [smem:$0x3FFC];
	_ =	sdelay $0x3  }
0x94: {  	_ =	strace s3  }
0x95: {  	s3 =	sld [smem:$0x3FFD];
	_ =	sdelay $0x3  }
0x96: {  	_ =	strace s3  }
0x97: {  	_ =	strace $0x8FFFFFFF  }
0x98: {  	s19 =	sld [smem:$0x3FDB];
	_ =	sdelay $0x1  }
0x99: {  	s4 =	simm.s32 $_scs_section_size  }
0x9a: {  	s5 =	simm.s32 $_size__tile_overlayer_lowered;
	s6 =	simm.s32 $_tile_overlayer_lowered  }
0x9b: {  	s22 =	simm.s32 $0x1BFF;
	s21 =	sshll.u32 s6, $0x1;
	s3 =	sadd.s32 s4, s19  }
0x9c: {  	s7 =	simm.s32 $0x0;
	s20 =	sshll.u32 s5, $0x1;
	s5 =	sadd.s32 s21, s3  }
0x9d: {  	[timem:s7], [sflag:s22] =	dma.local [hbm:s5], s20  }
0x9e: {  	_ =	swait.ge [sflag:s22], s20  }
0x9f: {  	s4 =	ssub.s32 $0x0, s20;
	[sflag:s22] =	ssyncset.done $0x0  }
0xa0: {  	[sflag:s22] =	ssyncadd.s32 s4;
	_ =	sdelay $0x1  }
0xa1: {  	s23 =	simm.s32 $0x1B8B  }
0xa2: {  	_ =	swait.ge [sflag:s23], $0x1  }
0xa3: {  	[sflag:s23] =	ssyncset.done $0x0  }
0xa4: {  	s25 =	simm.s32 $0x1B8E;
	s24 =	sld [smem:$0x3FFE];
	[sflag:s23] =	ssyncadd.s32 $0xFFFFFFFF  }
0xa5: {  	s26 =	simm.s32 $execute0_lowered;
	[smem:$0x3FD2] =	sst s25  }
0xa6: {  	s5 =	sshll.u32 s26, $0x1;
	_ =	strace $0x80000049;
	[dreg:$0x1] =	wrdreg $0xFFFFFFFF  }
0xa7: {  	s28 =	simm.s32 $_size_execute0_lowered;
	s3 =	sadd.s32 s3, s5;
	[dreg:$0x0] =	wrdreg $0x0  }
0xa8: {  	s5 =	sshll.u32 s28, $0x1;
	[dreg:$0x2] =	wrdreg s3  }
0xa9: {  	[dreg:$0x3] =	wrdreg s5  }
0xaa: {  	[dreg:$0x4] =	wrdreg $0xC0  }
0xab: {  	_ =	task [dreg:s7], $0x5FFFF  }
0xac: {  	[dreg:$0x1] =	wrdreg $0xFFFFFFFF  }
0xad: {  	[dreg:$0x0] =	wrdreg $0x60  }
0xae: {  	[dreg:$0x2] =	wrdreg s2  }
0xaf: {  	[dreg:$0x3] =	wrdreg s24  }
0xb0: {  	[dreg:$0x4] =	wrdreg $0x0  }
0xb1: {  	[dreg:$0x5] =	wrdreg $0x140000  }
0xb2: {  	[dreg:$0x6] =	wrdreg $0x9  }
0xb3: {  	_ =	task.clear_ibuf [dreg:s7], $0x7FFFF;
	_ =	strace $0x90000049  }
0xb4: {  	s29 =	simm.s32 $0x9;
	_ =	strace $0x8000004B  }
0xb5: {  	_ =	swait.ge [sflag:s29], $0x1  }
0xb6: {  	[sflag:s29] =	ssyncadd.s32 $0xFFFFFFFF  }
0xb7: {  	_ =	strace $0x9000004B  }
0xb8: {  	_ =	sfence  }
0xb9: {  	s30 =	sld [smem:$0x0];
	_ =	sdelay $0x2  }
0xba: {  	s31 =	sshll.u32 s1, $0xD;
	s1 =	sshrl.u32 s1, $0x2  }
0xbb: {  	s3 =	sand.u32 $0x4000, s31;
	s1 =	sadd.s32 s1, s30  }
0xbc: {  	s0 =	sor.u32 s3, s0;
	s1 =	sshll.u32 s1, $0x11  }
0xbd: {  	s0 =	sor.u32 s1, s0  }
0xbe: {  	s0 =	sadd.s32 $0x8F2B, s0  }
0xbf: {  	[sflag:s0] =	ssyncadd.remote.s32 $0x1  }
0xc0: {  	_ =	sfence.sel $0xFFFF  }
0xc1: {  	[dreg:$0x0] =	wrdreg $0xFFFFFFFF;
	(pc) =	sbr.abs _section_cstart, $3  }
0xc2: {  	[dreg:$0x1] =	wrdreg $0xFFFFFFFF  }
0xc3: {  	_ =	task.clear_ibuf [dreg:s7], $0x2FFFF;
	_ =	strace $0x9FFFFFFF  }
0xc4: {  	(tm) =	ssettm $0x7FFFFFFF  }
0xc5: {  	_ =	shalt  }
tec
execute0_lowered:
.L_overlay_start_1:
0x0: {  	(tag) =	ssettag $0x1  }
0x1: {  	s0 =	rddreg [dreg:$0x1]  }
0x2: {  	s2 =	rddreg [dreg:$0x2]  }
0x3: {  	s3 =	rddreg [dreg:$0x3]  }
0x4: {  	s1 =	srdreg.scid;
	s14 =	stileid.u32  }
0x5: {  	s5 =	simm.s32 $0x0;
	s29 =	simm.s32 $0x16800;
	s8 =	smul.u32 $0x14000, s14  }
0x6: {  	s30 =	simm.s32 $0x38;
	s31 =	simm.s32 $0x16A00;
	s10 =	smul.u32 $0x2800, s14  }
0x7: {  	s28 =	simm.s32 $0x18600;
	s1 =	sand.u32 $0x1, s1;
	s25 =	smul.u32 $0x50000, s14  }
0x8: {  	[smem:$0x7FF] =	sst s5;
	s6 =	sadd.s32 $0x7F600, s0;
	s13 =	smul.u32 $0xA000, s14  }
0x9: {  	s7 =	sadd.s32 $0x7400, s0;
	s11 =	sadd.s32 $0x7F400, s0;
	s4 =	smul.u32 $0x140000, s1  }
0xa: {  	s14 =	sshll.u32 s14, $0x1;
	_ =	strace $0x8000004A;
	s9 =	smul.u32 $0x28000, s1  }
0xb: {  	[dreg:$0x5] =	wrdreg s11;
	s24 =	ssub.s32 $0x2, s1;
	s1 =	sor.u32 s1, s14  }
0xc: {  	s14 =	simm.s32 $0x1;
	s12 =	sshrl.u32 s24, $0x1;
	s13 =	sshrl.u32 s13, $0x2  }
0xd: {  	s11 =	simm.s32 $0x0;
	s26 =	ssub.s32 s24, s12;
	s19 =	sadd.s32 s13, s3  }
0xe: {  	s4 =	sadd.s32 s8, s4;
	s16 =	smax.u32 s26, $0x1;
	[dreg:$0x6] =	wrdreg s19  }
0xf: {  	s8 =	sadd.s32 $0x2F400, s0;
	s17 =	sadd.s32 $0x400, s19;
	[dreg:$0x9] =	wrdreg s16  }
0x10: {  	s9 =	sadd.s32 s10, s9;
	s18 =	sadd.s32 $0x800, s19;
	[dreg:$0xa] =	wrdreg s17  }
0x11: {  	s12 =	sshrl.u32 s25, $0x2;
	s20 =	sadd.s32 $0xC00, s19;
	[dreg:$0xb] =	wrdreg s18  }
0x12: {  	s13 =	simm.s32 $0x1BE00;
	s21 =	sadd.s32 $0x1000, s19;
	[dreg:$0xc] =	wrdreg s20  }
0x13: {  	s4 =	sshrl.u32 s4, $0x3;
	s22 =	sadd.s32 $0x1400, s19;
	[dreg:$0xd] =	wrdreg s21  }
0x14: {  	s9 =	sshrl.u32 s9, $0x3;
	s23 =	sadd.s32 $0x1800, s19;
	[dreg:$0xe] =	wrdreg s22  }
0x15: {  	s10 =	sadd.s32 s12, s2;
	s24 =	sadd.s32 $0x1C00, s19;
	[dreg:$0xf] =	wrdreg s23  }
0x16: {  	s12 =	smul.u32 $0xB3, s1;
	s25 =	sadd.s32 $0x2000, s19;
	[dreg:$0x10] =	wrdreg s24  }
0x17: {  	s26 =	sadd.s32 $0x2400, s19;
	s4 =	sadd.s32 s4, s0;
	[dreg:$0x11] =	wrdreg s25  }
0x18: {  	s0 =	sadd.s32 s9, s0;
	[dreg:$0x12] =	wrdreg s26;
	s25 =	simm.s32 $0x1F680  }
0x19: {  	s26 =	simm.s32 $0x5;
	s9 =	simm.s32 $0x1A200;
	s16 =	simm.s32 $0x3  }
0x1a: {  	s17 =	simm.s32 $0x16900;
	s18 =	simm.s32 $0x4;
	s15 =	sadd.s32 $0x89800, s4  }
0x1b: {  	s0 =	sadd.s32 $0x7F800, s0;
	s4 =	simm.s32 $0x16980;
	[dreg:$0x7] =	wrdreg s15  }
0x1c: {  	v0 =	vimm.f32 $0.0e+00;
	[dreg:$0x8] =	wrdreg s0;
	s0 =	simm.s32 $0x16880;
	s15 =	simm.s32 $0x2  }
.LBB2_1:
0x1d: {  	[tilespmem:$0x1F680] =	vst v0  }
0x1e: {  	[tilespmem:$0x1F690] =	vst v0  }
0x1f: {  	[tilespmem:$0x1F6A0] =	vst v0  }
0x20: {  	[tilespmem:$0x1F6B0] =	vst v0  }
0x21: {  	[tilespmem:$0x1F6C0] =	vst v0  }
0x22: {  	[tilespmem:$0x1F6D0] =	vst v0  }
0x23: {  	[tilespmem:$0x1F6E0] =	vst v0  }
0x24: {  	[tilespmem:$0x1F6F0] =	vst v0  }
0x25: {  	[tilespmem:$0x1F700] =	vst v0  }
0x26: {  	[tilespmem:$0x1F710] =	vst v0  }
0x27: {  	[tilespmem:$0x1F720] =	vst v0  }
0x28: {  	[tilespmem:$0x1F730] =	vst v0  }
0x29: {  	[tilespmem:$0x1F740] =	vst v0  }
0x2a: {  	[tilespmem:$0x1F750] =	vst v0  }
0x2b: {  	[tilespmem:$0x1F760] =	vst v0  }
0x2c: {  	[tilespmem:$0x1F770] =	vst v0  }
0x2d: {  	[tilespmem:$0x1F780] =	vst v0  }
0x2e: {  	[tilespmem:$0x1F790] =	vst v0  }
0x2f: {  	[tilespmem:$0x1F7A0] =	vst v0  }
0x30: {  	[tilespmem:$0x1F7B0] =	vst v0  }
0x31: {  	[tilespmem:$0x1F7C0] =	vst v0  }
0x32: {  	[tilespmem:$0x1F7D0] =	vst v0  }
0x33: {  	[tilespmem:$0x1F7E0] =	vst v0  }
0x34: {  	[tilespmem:$0x1F7F0] =	vst v0  }
0x35: {  	[tilespmem:$0x1F800] =	vst v0  }
0x36: {  	[tilespmem:$0x1F810] =	vst v0  }
0x37: {  	[tilespmem:$0x1F820] =	vst v0  }
0x38: {  	[tilespmem:$0x1F830] =	vst v0  }
0x39: {  	[tilespmem:$0x1F840] =	vst v0  }
0x3a: {  	[tilespmem:$0x1F850] =	vst v0  }
0x3b: {  	[tilespmem:$0x1F860] =	vst v0  }
0x3c: {  	[tilespmem:$0x1F870] =	vst v0  }
0x3d: {  	[tilespmem:$0x1F880] =	vst v0  }
0x3e: {  	[tilespmem:$0x1F890] =	vst v0  }
0x3f: {  	[tilespmem:$0x1F8A0] =	vst v0  }
0x40: {  	[tilespmem:$0x1F8B0] =	vst v0  }
0x41: {  	[tilespmem:$0x1F8C0] =	vst v0  }
0x42: {  	[tilespmem:$0x1F8D0] =	vst v0  }
0x43: {  	[tilespmem:$0x1F8E0] =	vst v0  }
0x44: {  	[tilespmem:$0x1F8F0] =	vst v0  }
0x45: {  	[tilespmem:$0x1F900] =	vst v0  }
0x46: {  	[tilespmem:$0x1F910] =	vst v0  }
0x47: {  	[tilespmem:$0x1F920] =	vst v0  }
0x48: {  	[tilespmem:$0x1F930] =	vst v0  }
0x49: {  	[tilespmem:$0x1F940] =	vst v0  }
0x4a: {  	[tilespmem:$0x1F950] =	vst v0  }
0x4b: {  	[tilespmem:$0x1F960] =	vst v0  }
0x4c: {  	[tilespmem:$0x1F970] =	vst v0  }
0x4d: {  	[tilespmem:$0x1F980] =	vst v0  }
0x4e: {  	[tilespmem:$0x1F990] =	vst v0  }
0x4f: {  	[tilespmem:$0x1F9A0] =	vst v0  }
0x50: {  	[tilespmem:$0x1F9B0] =	vst v0  }
0x51: {  	[tilespmem:$0x1F9C0] =	vst v0  }
0x52: {  	[tilespmem:$0x1F9D0] =	vst v0  }
0x53: {  	[tilespmem:$0x1F9E0] =	vst v0  }
0x54: {  	[tilespmem:$0x1F9F0] =	vst v0  }
0x55: {  	[tilespmem:$0x1FA00] =	vst v0  }
0x56: {  	[tilespmem:$0x1FA10] =	vst v0  }
0x57: {  	[tilespmem:$0x1FA20] =	vst v0  }
0x58: {  	[tilespmem:$0x1FA30] =	vst v0  }
0x59: {  	[tilespmem:$0x1FA40] =	vst v0  }
0x5a: {  	[tilespmem:$0x1FA50] =	vst v0  }
0x5b: {  	[tilespmem:$0x1FA60] =	vst v0  }
0x5c: {  	[dreg:$0x13] =	wrdreg s11;
	[tilespmem:$0x1FA70] =	vst v0;
	s1 =	sadd.s32 $0x0, s10  }
0x5d: {  	[spmem:s1] =	stream.linear.scatter [tilespmem:s25], [sflag:$0x5], $0x400, $0x38;
	[tilespmem:$0x1FA80] =	vst v63  }
0x5e: {  	s1 =	simm.s32 $0x1000;
	_ =	swait.ge [sflag:s26], $0x400  }
.LBB2_2:
0x5f: {  	s11 =	sshra.s32 s1, $0x2;
	[sflag:s26] =	ssyncset.done $0x0;
	p0 =	seq.s32 s1, $0x4F000  }
.Ltmp0:
0x60: {  	s11 =	sadd.s32 s11, s10;
	[sflag:s26] =	ssyncadd.s32 $0xFFFFFC00;
	(pc) =	sbr.rel @!p0 .LBB2_2-.Ltmp0, $3  }
0x61: {  	[spmem:s11] =	stream.linear.scatter [tilespmem:s25], [sflag:$0x5], $0x400, $0x38;
	[tilespmem:$0x1FA80] =	vst v63  }
0x62: {  	s1 =	sadd.s32 $0x1000, s1;
	_ =	sdelay $0x1  }
0x63: {  	_ =	swait.ge [sflag:s26], $0x400  }
0x64: {  	[sflag:s26] =	ssyncset.done $0x0  }
0x65: {  	[sflag:s26] =	ssyncadd.s32 $0xFFFFFC00  }
0x66: {  	[spmem:s19] =	stream.linear.scatter [tilespmem:s25], [sflag:$0x5], $0x400, $0x38;
	[tilespmem:$0x1FA80] =	vst v63  }
0x67: {  	_ =	swait.ge [sflag:s26], $0x400  }
0x68: {  	[sflag:s26] =	ssyncset.done $0x0  }
0x69: {  	s1 =	rddreg [dreg:$0xa];
	[sflag:s26] =	ssyncadd.s32 $0xFFFFFC00  }
0x6a: {  	[spmem:s1] =	stream.linear.scatter [tilespmem:s25], [sflag:$0x5], $0x400, $0x38;
	[tilespmem:$0x1FA80] =	vst v63  }
0x6b: {  	_ =	swait.ge [sflag:s26], $0x400  }
0x6c: {  	[sflag:s26] =	ssyncset.done $0x0  }
0x6d: {  	s23 =	rddreg [dreg:$0xb];
	[sflag:s26] =	ssyncadd.s32 $0xFFFFFC00  }
0x6e: {  	[spmem:s23] =	stream.linear.scatter [tilespmem:s25], [sflag:$0x5], $0x400, $0x38;
	[tilespmem:$0x1FA80] =	vst v63  }
0x6f: {  	_ =	swait.ge [sflag:s26], $0x400  }
0x70: {  	[sflag:s26] =	ssyncset.done $0x0  }
0x71: {  	s24 =	rddreg [dreg:$0xc];
	[sflag:s26] =	ssyncadd.s32 $0xFFFFFC00  }
0x72: {  	[spmem:s24] =	stream.linear.scatter [tilespmem:s25], [sflag:$0x5], $0x400, $0x38;
	[tilespmem:$0x1FA80] =	vst v63  }
0x73: {  	_ =	swait.ge [sflag:s26], $0x400  }
0x74: {  	[sflag:s26] =	ssyncset.done $0x0  }
0x75: {  	s11 =	rddreg [dreg:$0xd];
	[sflag:s26] =	ssyncadd.s32 $0xFFFFFC00  }
0x76: {  	[spmem:s11] =	stream.linear.scatter [tilespmem:s25], [sflag:$0x5], $0x400, $0x38;
	[tilespmem:$0x1FA80] =	vst v63  }
0x77: {  	_ =	swait.ge [sflag:s26], $0x400  }
0x78: {  	[sflag:s26] =	ssyncset.done $0x0  }
0x79: {  	s19 =	rddreg [dreg:$0xe];
	[sflag:s26] =	ssyncadd.s32 $0xFFFFFC00  }
0x7a: {  	[spmem:s19] =	stream.linear.scatter [tilespmem:s25], [sflag:$0x5], $0x400, $0x38;
	[tilespmem:$0x1FA80] =	vst v63  }
0x7b: {  	_ =	swait.ge [sflag:s26], $0x400  }
0x7c: {  	[sflag:s26] =	ssyncset.done $0x0  }
0x7d: {  	s20 =	rddreg [dreg:$0xf];
	[sflag:s26] =	ssyncadd.s32 $0xFFFFFC00  }
0x7e: {  	[spmem:s20] =	stream.linear.scatter [tilespmem:s25], [sflag:$0x5], $0x400, $0x38;
	[tilespmem:$0x1FA80] =	vst v63  }
0x7f: {  	_ =	swait.ge [sflag:s26], $0x400  }
0x80: {  	[sflag:s26] =	ssyncset.done $0x0  }
0x81: {  	s21 =	rddreg [dreg:$0x10];
	[sflag:s26] =	ssyncadd.s32 $0xFFFFFC00  }
0x82: {  	[spmem:s21] =	stream.linear.scatter [tilespmem:s25], [sflag:$0x5], $0x400, $0x38;
	[tilespmem:$0x1FA80] =	vst v63  }
0x83: {  	_ =	swait.ge [sflag:s26], $0x400  }
0x84: {  	[sflag:s26] =	ssyncset.done $0x0  }
0x85: {  	s22 =	rddreg [dreg:$0x11];
	[sflag:s26] =	ssyncadd.s32 $0xFFFFFC00  }
0x86: {  	[spmem:s22] =	stream.linear.scatter [tilespmem:s25], [sflag:$0x5], $0x400, $0x38;
	[tilespmem:$0x1FA80] =	vst v63  }
0x87: {  	_ =	swait.ge [sflag:s26], $0x400  }
0x88: {  	[sflag:s26] =	ssyncset.done $0x0  }
0x89: {  	s23 =	rddreg [dreg:$0x12];
	[sflag:s26] =	ssyncadd.s32 $0xFFFFFC00  }
0x8a: {  	[spmem:s23] =	stream.linear.scatter [tilespmem:s25], [sflag:$0x5], $0x400, $0x38;
	[tilespmem:$0x1FA80] =	vst v63  }
0x8b: {  	_ =	swait.ge [sflag:s26], $0x400  }
0x8c: {  	s11 =	simm.s32 $0x1F600;
	[sflag:s26] =	ssyncset.done $0x0  }
0x8d: {  	s20 =	simm.s32 $0x0;
	s24 =	rddreg [dreg:$0x5];
	[sflag:s26] =	ssyncadd.s32 $0xFFFFFC00  }
0x8e: {  	[tilespmem:s11], [sflag:$0x5] =	stream.linear.gather [hbm4b:s24+s20], $0x80, $0x38;
	[tilespmem:$0x1FA80] =	vst v63  }
0x8f: {  	_ =	swait.ge [sflag:s26], $0x80  }
0x90: {  	[sflag:s26] =	ssyncset.done $0x0  }
0x91: {  	[sflag:s26] =	ssyncadd.s32 $0xFFFFFF80  }
0x92: {  	[bflag:$0x0] =	sbarrier.arrive $0xFFFF  }
0x93: {  	v1 =	vld [tilespmem:$0x1F600]  }
.LBB2_4:
0x94: {  	s1 =	sadd.s32 s12, s20  }
0x95: {  	s11 =	rddreg [dreg:$0x0];
	s1 =	sshll.u32 s1, $0x6  }
0x96: {  	s1 =	sadd.s32 s11, s1  }
0x97: {  	[tilespmem:s29], [sflag:$0x5] =	stream.linear.gather [hbm4b:s1+s5], $0x200, $0x38;
	[tilespmem:$0x1FA80] =	vst v63  }
0x98: {  	_ =	swait.ge [sflag:s26], $0x200  }
0x99: {  	[sflag:s26] =	ssyncset.done $0x0  }
0x9a: {  	[sflag:s26] =	ssyncadd.s32 $0xFFFFFE00  }
0x9b: {  	[tilespmem:s31], [sflag:$0x1] =	stream.indirect.gather [hbm4b:s8+s30], $0x80, s29, s30, $0xb8;
	[tilespmem:$0x1FA80] =	vst v63  }
0x9c: {  	_ = 	snop  }
0x9d: {  	[tilespmem:s28], [sflag:$0x2] =	stream.indirect.gather [hbm4b:s8+s30], $0x80, s0, s30, $0xb8;
	[tilespmem:$0x1FA80] =	vst v63  }
0x9e: {  	_ = 	snop  }
0x9f: {  	[tilespmem:s9], [sflag:$0x3] =	stream.indirect.gather [hbm4b:s6+s30], $0x80, s4, s30, $0xb8;
	[tilespmem:$0x1FA80] =	vst v63  }
0xa0: {  	_ = 	snop  }
0xa1: {  	[tilespmem:s13], [sflag:$0x4] =	stream.indirect.gather [hbm4b:s7+s30], $0x80, s29, s30, $0xb8;
	[tilespmem:$0x1FA80] =	vst v63  }
0xa2: {  	_ =	swait.ge [sflag:s14], $0x1C00  }
0xa3: {  	[sflag:s14] =	ssyncset.done $0x0  }
0xa4: {  	[sflag:s14] =	ssyncadd.s32 $0xFFFFE400  }
0xa5: {  	_ =	swait.ge [sflag:s15], $0x1C00  }
0xa6: {  	[sflag:s15] =	ssyncset.done $0x0  }
0xa7: {  	[sflag:s15] =	ssyncadd.s32 $0xFFFFE400  }
0xa8: {  	_ =	swait.ge [sflag:s16], $0x1C00  }
0xa9: {  	[sflag:s16] =	ssyncset.done $0x0  }
0xaa: {  	s23 =	simm.s32 $0x18690;
	[sflag:s16] =	ssyncadd.s32 $0xFFFFE400  }
0xab: {  	s24 =	simm.s32 $0x16A80;
	v2 =	vld [tilespmem:s23+$0xFFFFFF80]  }
0xac: {  	v3 =	vld [tilespmem:s24+$0xFFFFFF80];
	_ =	sdelay $0x4  }
0xad: {  	v4 =	vadd.f32 v2, v1;
	v2 =	vadd.f32 v2, v3;
	_ =	sdelay $0x1  }
0xae: {  	v3 =	vmul.f32 $2.000000030e-01, v4;
	v5 =	vmul.f32 $2.000000030e-01, v2;
	_ =	sdelay $0x1  }
0xaf: {  	v3 =	vmax.f32 v4, v3;
	v2 =	vmax.f32 v2, v5  }
0xb0: {  	v2 =	vsub.f32 v2, v3;
	_ =	sdelay $0x1  }
0xb1: {  	v2 =	vmul.f32 $1.442695020e+00, v2;
	_ =	sdelay $0x1  }
0xb2: {  	(erf) = vpow2.f32 v2;
	_ =	sdelay $0x8  }
0xb3: {  	s21 =	simm.s32 $0x1DA80;
	v2 =	vpop (erf)  }
0xb4: {  	s22 =	simm.s32 $0x1A280;
	[tilespmem:s21+$0xFFFFFF80] =	vst v2  }
0xb5: {  	v3 =	vld [tilespmem:s22+$0xFFFFFFF0]  }
0xb6: {  	v58 =	vld [tilespmem:s22+$0xFFFFFFA0]  }
0xb7: {  	v59 =	vld [tilespmem:s22+$0xFFFFFFB0]  }
0xb8: {  	v7 =	vld [tilespmem:s22+$0xFFFFFFC0]  }
0xb9: {  	v6 =	vld [tilespmem:s22+$0xFFFFFFE0]  }
0xba: {  	v8 =	vld [tilespmem:s22+$0xFFFFFF90];
	v3 =	vmul.f32 v3, v2  }
0xbb: {  	v9 =	vld [tilespmem:s22+$0xFFFFFF80];
	v4 =	vmul.f32 v2, v58  }
0xbc: {  	v10 =	vld [tilespmem:s22+$0xFFFFFFD0];
	v5 =	vmul.f32 v59, v2;
	[tilespmem:s22+$0xFFFFFFF0] =	vst v3  }
0xbd: {  	v60 =	vmul.f32 v7, v2;
	[tilespmem:s22+$0xFFFFFFA0] =	vst v4  }
0xbe: {  	v3 =	vmul.f32 v6, v2;
	[tilespmem:s22+$0xFFFFFFB0] =	vst v5  }
0xbf: {  	v61 =	vmul.f32 v2, v8;
	[tilespmem:s22+$0xFFFFFFC0] =	vst v60  }
0xc0: {  	[tilespmem:s22+$0xFFFFFFE0] =	vst v3;
	v3 =	vmul.f32 v2, v9  }
0xc1: {  	[tilespmem:s22+$0xFFFFFF90] =	vst v61;
	v2 =	vmul.f32 v10, v2  }
0xc2: {  	[tilespmem:s22+$0xFFFFFF80] =	vst v3  }
0xc3: {  	[tilespmem:s22+$0xFFFFFFD0] =	vst v2  }
0xc4: {  	v2 =	vld [tilespmem:s24+$0x0]  }
0xc5: {  	v3 =	vld [tilespmem:s23+$0x0];
	_ =	sdelay $0x4  }
0xc6: {  	v2 =	vadd.f32 v3, v2;
	v3 =	vadd.f32 v3, v1;
	_ =	sdelay $0x1  }
0xc7: {  	v62 =	vmul.f32 $2.000000030e-01, v2;
	v63 =	vmul.f32 $2.000000030e-01, v3;
	_ =	sdelay $0x1  }
0xc8: {  	v2 =	vmax.f32 v2, v62;
	v3 =	vmax.f32 v3, v63  }
0xc9: {  	v2 =	vsub.f32 v2, v3;
	_ =	sdelay $0x1  }
0xca: {  	v2 =	vmul.f32 $1.442695020e+00, v2;
	_ =	sdelay $0x1  }
0xcb: {  	(erf) = vpow2.f32 v2;
	_ =	sdelay $0x6  }
0xcc: {  	s19 =	simm.s32 $0x1DA80;
	s11 =	simm.s32 $0x16B80  }
0xcd: {  	s1 =	simm.s32 $0x18790;
	s24 =	simm.s32 $0x0;
	s23 =	simm.s32 $0x1A280  }
.LBB2_5:
0xce: {  	s24 =	sadd.s32 $0x2, s24;
	s22 =	sadd.s32 $0x100, s22;
	s21 =	sadd.s32 $0x100, s21;
	v2 =	vpop (erf)  }
0xcf: {  	p0 =	slt.u32 s24, $0x36;
	[tilespmem:s19+$0x0] =	vst v2;
	s19 =	smov.u32 s21  }
0xd0: {  	v3 =	vld [tilespmem:s23+$0x0]  }
0xd1: {  	v4 =	vld [tilespmem:s23+$0x10]  }
0xd2: {  	v5 =	vld [tilespmem:s23+$0x20]  }
0xd3: {  	v6 =	vld [tilespmem:s23+$0x30]  }
0xd4: {  	v7 =	vld [tilespmem:s23+$0x40]  }
0xd5: {  	v3 =	vmul.f32 v2, v3;
	v8 =	vld [tilespmem:s23+$0x50]  }
0xd6: {  	v4 =	vmul.f32 v2, v4;
	v9 =	vld [tilespmem:s23+$0x60]  }
0xd7: {  	[tilespmem:s23+$0x0] =	vst v3;
	v3 =	vmul.f32 v2, v5;
	v5 =	vld [tilespmem:s23+$0x70]  }
0xd8: {  	[tilespmem:s23+$0x10] =	vst v4;
	v4 =	vmul.f32 v6, v2  }
0xd9: {  	[tilespmem:s23+$0x20] =	vst v3;
	v3 =	vmul.f32 v7, v2  }
0xda: {  	[tilespmem:s23+$0x30] =	vst v4;
	v4 =	vmul.f32 v8, v2  }
0xdb: {  	[tilespmem:s23+$0x40] =	vst v3;
	v3 =	vmul.f32 v9, v2  }
0xdc: {  	[tilespmem:s23+$0x50] =	vst v4;
	v2 =	vmul.f32 v5, v2  }
0xdd: {  	[tilespmem:s23+$0x60] =	vst v3  }
0xde: {  	[tilespmem:s23+$0x70] =	vst v2;
	s23 =	smov.u32 s22  }
0xdf: {  	v2 =	vld [tilespmem:s1+$0xFFFFFF80]  }
0xe0: {  	v3 =	vld [tilespmem:s11+$0xFFFFFF80];
	_ =	sdelay $0x3  }
0xe1: {  	v4 =	vadd.f32 v2, v1  }
0xe2: {  	v2 =	vadd.f32 v2, v3  }
0xe3: {  	v3 =	vmul.f32 $2.000000030e-01, v4  }
0xe4: {  	v5 =	vmul.f32 $2.000000030e-01, v2  }
0xe5: {  	v3 =	vmax.f32 v4, v3  }
0xe6: {  	v2 =	vmax.f32 v2, v5  }
0xe7: {  	v2 =	vsub.f32 v2, v3;
	_ =	sdelay $0x1  }
0xe8: {  	v2 =	vmul.f32 $1.442695020e+00, v2;
	_ =	sdelay $0x1  }
0xe9: {  	(erf) = vpow2.f32 v2;
	_ =	sdelay $0x8  }
0xea: {  	v2 =	vpop (erf)  }
0xeb: {  	[tilespmem:s21+$0xFFFFFF80] =	vst v2  }
0xec: {  	v3 =	vld [tilespmem:s22+$0xFFFFFFF0]  }
0xed: {  	v4 =	vld [tilespmem:s22+$0xFFFFFFA0]  }
0xee: {  	v5 =	vld [tilespmem:s22+$0xFFFFFFB0]  }
0xef: {  	v6 =	vld [tilespmem:s22+$0xFFFFFFE0]  }
0xf0: {  	v7 =	vld [tilespmem:s22+$0xFFFFFFC0]  }
0xf1: {  	v8 =	vld [tilespmem:s22+$0xFFFFFF90];
	v3 =	vmul.f32 v3, v2  }
0xf2: {  	v9 =	vld [tilespmem:s22+$0xFFFFFF80];
	v4 =	vmul.f32 v2, v4  }
0xf3: {  	v5 =	vmul.f32 v5, v2;
	v10 =	vld [tilespmem:s22+$0xFFFFFFD0];
	[tilespmem:s22+$0xFFFFFFF0] =	vst v3  }
0xf4: {  	[tilespmem:s22+$0xFFFFFFA0] =	vst v4;
	v3 =	vmul.f32 v6, v2  }
0xf5: {  	[tilespmem:s22+$0xFFFFFFB0] =	vst v5;
	v4 =	vmul.f32 v7, v2  }
0xf6: {  	v5 =	vmul.f32 v2, v8;
	[tilespmem:s22+$0xFFFFFFE0] =	vst v3  }
0xf7: {  	v3 =	vmul.f32 v2, v9;
	[tilespmem:s22+$0xFFFFFFC0] =	vst v4  }
0xf8: {  	[tilespmem:s22+$0xFFFFFF90] =	vst v5;
	v2 =	vmul.f32 v10, v2  }
0xf9: {  	[tilespmem:s22+$0xFFFFFF80] =	vst v3  }
0xfa: {  	[tilespmem:s22+$0xFFFFFFD0] =	vst v2  }
0xfb: {  	v2 =	vld [tilespmem:s11+$0x0]  }
0xfc: {  	v3 =	vld [tilespmem:s1+$0x0];
	_ =	sdelay $0x4  }
0xfd: {  	v2 =	vadd.f32 v3, v2;
	v3 =	vadd.f32 v3, v1;
	_ =	sdelay $0x1  }
0xfe: {  	v4 =	vmul.f32 $2.000000030e-01, v2;
	v5 =	vmul.f32 $2.000000030e-01, v3;
	_ =	sdelay $0x1  }
0xff: {  	v2 =	vmax.f32 v2, v4;
	v3 =	vmax.f32 v3, v5  }
0x100: {  	v2 =	vsub.f32 v2, v3;
	_ =	sdelay $0x1  }
0x101: {  	v2 =	vmul.f32 $1.442695020e+00, v2;
	_ =	sdelay $0x1  }
0x102: {  	(erf) = vpow2.f32 v2;
	_ =	sdelay $0x3  }
.Ltmp1:
0x103: {  	(pc) =	sbr.rel @p0 .LBB2_5-.Ltmp1, $2  }
0x104: {  	_ =	sdelay $0x2  }
0x105: {  	s11 =	sadd.s32 $0x100, s11;
	s1 =	sadd.s32 $0x100, s1  }
0x106: {  	v2 =	vpop (erf)  }
0x107: {  	[tilespmem:s19+$0x0] =	vst v2  }
0x108: {  	v3 =	vld [tilespmem:s23+$0x0]  }
0x109: {  	v4 =	vld [tilespmem:s23+$0x10]  }
0x10a: {  	v5 =	vld [tilespmem:s23+$0x20]  }
0x10b: {  	v6 =	vld [tilespmem:s23+$0x30]  }
0x10c: {  	v7 =	vld [tilespmem:s23+$0x40]  }
0x10d: {  	v8 =	vld [tilespmem:s23+$0x50];
	v3 =	vmul.f32 v2, v3  }
0x10e: {  	v9 =	vld [tilespmem:s23+$0x60];
	v4 =	vmul.f32 v2, v4  }
0x10f: {  	[tilespmem:s23+$0x0] =	vst v3;
	v3 =	vmul.f32 v2, v5;
	v5 =	vld [tilespmem:s23+$0x70]  }
0x110: {  	[tilespmem:s23+$0x10] =	vst v4;
	v4 =	vmul.f32 v6, v2  }
0x111: {  	[tilespmem:s23+$0x20] =	vst v3;
	v3 =	vmul.f32 v7, v2  }
0x112: {  	[tilespmem:s23+$0x30] =	vst v4;
	v4 =	vmul.f32 v8, v2  }
0x113: {  	[tilespmem:s23+$0x40] =	vst v3;
	v3 =	vmul.f32 v9, v2  }
0x114: {  	[tilespmem:s23+$0x50] =	vst v4;
	v2 =	vmul.f32 v5, v2  }
0x115: {  	[tilespmem:s23+$0x60] =	vst v3  }
0x116: {  	[tilespmem:s23+$0x70] =	vst v2  }
0x117: {  	[spmem:s3] =	stream.indirect.scatter.add.f32 [tilespmem:s9], [sflag:$0x3], $0x80, s17, s30, $0xb8;
	[tilespmem:$0x1FA80] =	vst v63  }
0x118: {  	_ =	swait.ge [sflag:s18], $0x1C00  }
0x119: {  	[sflag:s18] =	ssyncset.done $0x0  }
0x11a: {  	s11 =	simm.s32 $0x1DA80;
	[sflag:s18] =	ssyncadd.s32 $0xFFFFE400  }
0x11b: {  	v4 =	vld [tilespmem:s11+$0xFFFFFF80]  }
0x11c: {  	s1 =	simm.s32 $0x1BE80  }
0x11d: {  	v3 =	vld [tilespmem:s1+$0xFFFFFF80]  }
0x11e: {  	v6 =	vld [tilespmem:s1+$0xFFFFFFE0]  }
0x11f: {  	v7 =	vld [tilespmem:s1+$0xFFFFFFA0]  }
0x120: {  	v8 =	vld [tilespmem:s1+$0xFFFFFFF0];
	v63 =	vbroadcast v4, $0x0  }
0x121: {  	v5 =	vld [tilespmem:s1+$0xFFFFFFB0];
	v11 =	vbroadcast v4, $0x3  }
0x122: {  	v10 =	vld [tilespmem:s1+$0xFFFFFF90];
	v13 =	vbroadcast v4, $0x1;
	v14 =	vmul.f32 v63, v3  }
0x123: {  	v12 =	vld [tilespmem:s1+$0xFFFFFFD0];
	v6 =	vmul.f32 v6, v11  }
0x124: {  	v15 =	vld [tilespmem:s1+$0xFFFFFFC0];
	v7 =	vmul.f32 v7, v13;
	[tilespmem:s1+$0xFFFFFF80] =	vst v14  }
0x125: {  	v8 =	vmul.f32 v8, v11;
	[tilespmem:s1+$0xFFFFFFE0] =	vst v6  }
0x126: {  	v4 =	vbroadcast v4, $0x2;
	v5 =	vmul.f32 v5, v13;
	[tilespmem:s1+$0xFFFFFFA0] =	vst v7  }
0x127: {  	v6 =	vmul.f32 v10, v63;
	[tilespmem:s1+$0xFFFFFFF0] =	vst v8  }
0x128: {  	v7 =	vmul.f32 v12, v4;
	[tilespmem:s1+$0xFFFFFFB0] =	vst v5  }
0x129: {  	v2 =	vld [tilespmem:s1+$0x0];
	v4 =	vmul.f32 v15, v4;
	[tilespmem:s1+$0xFFFFFF90] =	vst v6  }
0x12a: {  	v3 =	vld [tilespmem:s1+$0x10];
	[tilespmem:s1+$0xFFFFFFD0] =	vst v7  }
0x12b: {  	v5 =	vld [tilespmem:s1+$0x40];
	[tilespmem:s1+$0xFFFFFFC0] =	vst v4  }
0x12c: {  	v6 =	vld [tilespmem:s11+$0x0]  }
0x12d: {  	s21 =	simm.s32 $0x1BE80;
	s19 =	simm.s32 $0x0;
	v4 =	vld [tilespmem:s1+$0x70]  }
.LBB2_7:
0x12e: {  	s19 =	sadd.s32 $0x2, s19;
	v7 =	vld [tilespmem:s1+$0x60];
	s21 =	sadd.s32 $0x100, s21;
	s11 =	sadd.s32 $0x100, s11  }
0x12f: {  	p0 =	slt.u32 s19, $0x36;
	v8 =	vld [tilespmem:s1+$0x50]  }
0x130: {  	v9 =	vld [tilespmem:s1+$0x20]  }
0x131: {  	v10 =	vbroadcast v6, $0x0;
	v11 =	vbroadcast v6, $0x1;
	v12 =	vld [tilespmem:s1+$0x30]  }
0x132: {  	v13 =	vbroadcast v6, $0x2;
	v6 =	vbroadcast v6, $0x3  }
0x133: {  	v2 =	vmul.f32 v10, v2;
	v3 =	vmul.f32 v3, v10  }
0x134: {  	v5 =	vmul.f32 v5, v13;
	v8 =	vmul.f32 v8, v13  }
0x135: {  	[tilespmem:s1+$0x0] =	vst v2;
	v9 =	vmul.f32 v9, v11;
	v2 =	vmul.f32 v7, v6  }
0x136: {  	v4 =	vmul.f32 v4, v6;
	v7 =	vmul.f32 v12, v11;
	[tilespmem:s1+$0x40] =	vst v5  }
0x137: {  	[tilespmem:s1+$0x60] =	vst v2  }
0x138: {  	[tilespmem:s1+$0x70] =	vst v4  }
0x139: {  	v2 =	vld [tilespmem:s21+$0x0];
	[tilespmem:s1+$0x20] =	vst v9  }
0x13a: {  	v4 =	vld [tilespmem:s21+$0xFFFFFFB0];
	[tilespmem:s1+$0x50] =	vst v8  }
0x13b: {  	v5 =	vld [tilespmem:s21+$0xFFFFFFD0];
	[tilespmem:s1+$0x10] =	vst v3  }
0x13c: {  	v6 =	vld [tilespmem:s21+$0xFFFFFFF0];
	[tilespmem:s1+$0x30] =	vst v7;
	s1 =	smov.u32 s21  }
0x13d: {  	v3 =	vld [tilespmem:s11+$0xFFFFFF80]  }
0x13e: {  	v7 =	vld [tilespmem:s21+$0xFFFFFFE0]  }
0x13f: {  	v8 =	vld [tilespmem:s21+$0xFFFFFF80]  }
0x140: {  	v9 =	vld [tilespmem:s21+$0xFFFFFFA0]  }
0x141: {  	v10 =	vld [tilespmem:s21+$0xFFFFFFC0]  }
0x142: {  	v11 =	vbroadcast v3, $0x0;
	v12 =	vld [tilespmem:s21+$0xFFFFFF90];
	v13 =	vbroadcast v3, $0x3  }
0x143: {  	v14 =	vbroadcast v3, $0x1;
	v15 =	vbroadcast v3, $0x2;
	v3 =	vld [tilespmem:s21+$0x10]  }
0x144: {  	v8 =	vmul.f32 v11, v8;
	v7 =	vmul.f32 v7, v13  }
0x145: {  	v6 =	vmul.f32 v6, v13;
	v9 =	vmul.f32 v9, v14  }
0x146: {  	v5 =	vmul.f32 v5, v15;
	[tilespmem:s21+$0xFFFFFF80] =	vst v8;
	v8 =	vmul.f32 v10, v15  }
0x147: {  	v4 =	vmul.f32 v4, v14;
	v10 =	vmul.f32 v12, v11;
	[tilespmem:s21+$0xFFFFFFE0] =	vst v7  }
0x148: {  	[tilespmem:s21+$0xFFFFFFA0] =	vst v9  }
0x149: {  	[tilespmem:s21+$0xFFFFFFF0] =	vst v6  }
0x14a: {  	[tilespmem:s21+$0xFFFFFF90] =	vst v10  }
.Ltmp2:
0x14b: {  	[tilespmem:s21+$0xFFFFFFD0] =	vst v5;
	(pc) =	sbr.rel @p0 .LBB2_7-.Ltmp2, $4  }
0x14c: {  	[tilespmem:s21+$0xFFFFFFB0] =	vst v4  }
0x14d: {  	[tilespmem:s21+$0xFFFFFFC0] =	vst v8;
	v5 =	vld [tilespmem:s21+$0x40]  }
0x14e: {  	v6 =	vld [tilespmem:s11+$0x0]  }
0x14f: {  	v4 =	vld [tilespmem:s21+$0x70]  }
0x150: {  	_ =	sdelay $0x2  }
0x151: {  	v9 =	vld [tilespmem:s1+$0x20];
	v8 =	vbroadcast v6, $0x0  }
0x152: {  	v10 =	vbroadcast v6, $0x2  }
0x153: {  	v7 =	vld [tilespmem:s1+$0x60];
	v12 =	vbroadcast v6, $0x3;
	v2 =	vmul.f32 v8, v2  }
0x154: {  	v13 =	vld [tilespmem:s1+$0x30];
	v61 =	vbroadcast v6, $0x1;
	v5 =	vmul.f32 v5, v10  }
0x155: {  	v11 =	vld [tilespmem:s1+$0x50];
	v4 =	vmul.f32 v4, v12;
	[tilespmem:s1+$0x0] =	vst v2  }
0x156: {  	v62 =	vmul.f32 v9, v61;
	[tilespmem:s1+$0x40] =	vst v5  }
0x157: {  	v3 =	vmul.f32 v3, v8;
	[tilespmem:s1+$0x70] =	vst v4  }
0x158: {  	v2 =	vmul.f32 v7, v12;
	[tilespmem:s1+$0x20] =	vst v62  }
0x159: {  	v63 =	vmul.f32 v13, v61;
	[tilespmem:s1+$0x10] =	vst v3  }
0x15a: {  	[tilespmem:s1+$0x60] =	vst v2;
	v2 =	vmul.f32 v11, v10  }
0x15b: {  	[tilespmem:s1+$0x30] =	vst v63  }
0x15c: {  	s20 =	sadd.s32 $0x1, s20;
	[tilespmem:s1+$0x50] =	vst v2  }
0x15d: {  	[spmem:s2] =	stream.indirect.scatter.add.f32 [tilespmem:s13], [sflag:$0x4], $0x80, s0, s30, $0xb8;
	[tilespmem:$0x1FA80] =	vst v63  }
0x15e: {  	p0 =	sne.s32 s20, $0xB3;
	_ =	swait.ge [sflag:s16], $0x1C00  }
.Ltmp3:
0x15f: {  	[sflag:s16] =	ssyncset.done $0x0;
	(pc) =	sbr.rel @p0 .LBB2_4-.Ltmp3, $4  }
0x160: {  	[sflag:s16] =	ssyncadd.s32 $0xFFFFE400  }
0x161: {  	_ =	swait.ge [sflag:s18], $0x1C00  }
0x162: {  	[sflag:s18] =	ssyncset.done $0x0  }
0x163: {  	[sflag:s18] =	ssyncadd.s32 $0xFFFFE400  }
0x164: {  	s1 =	stileid.u32  }
0x165: {  	[bflag:$0x0] =	sbarrier.arrive $0xFFFF;
	s1 =	sshll.u32 s1, $0x6  }
0x166: {  	s11 =	sshrl.u32 s10, $0x3;
	s19 =	rddreg [dreg:$0x7];
	s1 =	sor.u32 $0x1C05, s1  }
0x167: {  	[hbm:s19], [sflag:s1] =	dma.local [spmem:s11], $0x2800  }
0x168: {  	_ =	swait.ge [sflag:s26], $0x2800  }
0x169: {  	[sflag:s26] =	ssyncset.done $0x0;
	s19 =	rddreg [dreg:$0x6]  }
0x16a: {  	s20 =	rddreg [dreg:$0x8];
	[sflag:s26] =	ssyncadd.s32 $0xFFFFD800;
	s22 =	sshrl.u32 s19, $0x3  }
0x16b: {  	[hbm:s20], [sflag:s1] =	dma.local [spmem:s22], $0x500  }
0x16c: {  	_ =	swait.ge [sflag:s26], $0x500  }
0x16d: {  	s23 =	rddreg [dreg:$0x13]  }
0x16e: {  	s24 =	rddreg [dreg:$0x9];
	s11 =	sadd.s32 $0x1, s23  }
0x16f: {  	p0 =	sne.s32 s11, s24  }
.Ltmp4:
0x170: {  	_ = 	snop;
	(pc) =	sbr.rel @p0 .LBB2_1-.Ltmp4, $3  }
0x171: {  	_ =	sdelay $0x1  }
0x172: {  	[sflag:s26] =	ssyncset.done $0x0  }
0x173: {  	[sflag:s26] =	ssyncadd.s32 $0xFFFFFB00  }
0x174: {  	_ =	sfence.sel $0x180000  }
0x175: {  	[bflag:$0x0] =	sbarrier.arrive $0xFFFF  }
0x176: {  	_ =	strace $0x9000004A  }
0x177: {  	s0 =	stileid.u32;
	[bflag:$0x2] =	sbarrier.arrive $0xFFFF  }
0x178: {  	p0 =	sne.s32 s0, $0x0;
	s0 =	rddreg [dreg:$0x4]  }
0x179: {  	s0 =	sadd.s32 @!p0 $0x100000, s0  }
0x17a: {  	[sflag:s0] =	ssyncadd.tile.s32 @!p0 $0x1;
	_ =	shalt  }
.Lfunc_end2:
_tile_overlayer_lowered:
.L_overlay_start_2:
0x17b: {  	(tag) =	ssettag $0x2  }
0x17c: {  	s0 =	rddreg [dreg:$0x0];
	s2 =	stileid.u32  }
0x17d: {  	s1 =	rddreg [dreg:$0x1];
	p0 =	sne.s32 s2, $0x0  }
0x17e: {  	s3 =	rddreg [dreg:$0x2];
	[bflag:$0x3] =	sbarrier.arrive $0xFFFF;
	s2 =	simm.s32 @!p0 $0x1C05  }
0x17f: {  	[timem:s3], [sflag:s2] =	dma.local @!p0 [hbm:s0], s1  }
0x180: {  	s0 =	simm.s32 @!p0 $0x5  }
0x181: {  	_ =	swait.ge @!p0 [sflag:s0], s1  }
0x182: {  	s1 =	ssub.s32 @!p0 $0x0, s1;
	[sflag:s0] =	ssyncset.done @!p0 $0x0  }
0x183: {  	[sflag:s0] =	ssyncadd.s32 @!p0 s1  }
0x184: {  	[bflag:$0x3] =	sbarrier.arrive $0xFFFF  }
0x185: {  	_ =	shalt  }

// kernel: kernel.15.cloned.1.call-start
scs
__scs_entry_jumppad:
0x0: {  	(pc) =	sbr.rel $0x88, $3  }
0x1: {  	(tag) =	ssettag $0x0;
	lr =	simm.s32 $0x1  }
0x2: {  	[smem:$0x3F8F] =	sst lr;
	_ =	strace $0xD0000000  }
0x3: {  	_ = 	snop  }
0x4: {  	_ = 	snop  }
0x5: {  	_ = 	snop  }
0x6: {  	_ = 	snop  }
0x7: {  	_ = 	snop  }
__scs_overlays_trampoline_lowered:
0x8: {  	[smem:$0x3F9E] =	sst s0  }
0x9: {  	[smem:$0x3F9F] =	sst s1  }
0xa: {  	[smem:$0x3FA0] =	sst s2  }
0xb: {  	[smem:$0x3FA1] =	sst s3  }
0xc: {  	[smem:$0x3FA2] =	sst s4  }
0xd: {  	[smem:$0x3FA3] =	sst s5  }
0xe: {  	[smem:$0x3FA4] =	sst s6  }
0xf: {  	[smem:$0x3FA5] =	sst s7  }
0x10: {  	[smem:$0x3FA6] =	sst s8  }
0x11: {  	[smem:$0x3FA7] =	sst s9;
	s0 =	simm.s32 @!p0 $0x0  }
0x12: {  	s1 =	sld [smem:$0x3F8D];
	s0 =	simm.s32 @p0 $0x1  }
0x13: {  	[smem:$0x3FA8] =	sst s0;
	s0 =	simm.s32 @!p1 $0x0  }
0x14: {  	s2 =	sld [smem:$0x3F8C];
	s0 =	simm.s32 @p1 $0x1  }
0x15: {  	[smem:$0x3FA9] =	sst s0;
	s0 =	simm.s32 @!p2 $0x0  }
0x16: {  	s3 =	sld [smem:$0x3FDB];
	s0 =	simm.s32 @p2 $0x1  }
0x17: {  	s4 =	simm.s32 $0x1BF5;
	[smem:$0x3FAB] =	sst s0  }
0x18: {  	s0 =	sld [smem:$0x3F8E];
	_ =	swait.ge [sflag:s4], $0x0  }
0x19: {  	s7 =	sld [smem:$0x3F8F]  }
0x1a: {  	s8 =	sadd.s32 $0xFFFFE003, lr  }
0x1b: {  	s9 =	sadd.s32 $0xFFFFFEF7, lr;
	s5 =	simm.s32 $0xFFFFFFFF;
	p2 =	slt.u32 s8, $0xFFFFF086  }
0x1c: {  	p1 =	slt.u32 s9, $0xF7A;
	s5 =	simm.s32 @!p2 $0x0  }
0x1d: {  	s5 =	simm.s32 @p1 $0x1;
	p0 =	seq.s32 s7, s2  }
0x1e: {  	s7 =	smul.u32 @!p0 $0xF7A, s2;
	p2 =	seq.s32 @!p0 s5, $0x0  }
0x1f: {  	s9 =	smul.u32 $0xF7A, s1;
	s8 =	simm.s32 @!p0 $0x1BF5;
	p2 =	por !p2, p0  }
0x20: {  	[sflag:s8] =	ssyncset.s32 @!p0 $0xFFFFF086;
	s6 =	sadd.s32 @!p0 s3, s7;
	s7 =	simm.s32 @!p0 $0x108  }
0x21: {  	s3 =	sadd.s32 s3, s9;
	s6 =	sadd.s32 @!p0 $0x88, s6;
	s7 =	simm.s32 @p2 $0x1082  }
0x22: {  	[simem:s7], [sflag:s8] =	dma.local @!p0 [hbm:s6], $0xF7A  }
0x23: {  	s9 =	sor.u32 $0xD0000000, s2;
	s6 =	simm.s32 $0x108;
	_ =	swait.ge @!p0 [sflag:s8], $0x0  }
0x24: {  	s3 =	sadd.s32 $0x88, s3;
	s6 =	simm.s32 @!p1 $0x1082;
	[sflag:s4] =	ssyncset.s32 $0xFFFFF086  }
0x25: {  	[simem:s6], [sflag:s4] =	dma.local [hbm:s3], $0xF7A  }
0x26: {  	[smem:$0x3F8F] =	sst s1;
	(tag) =	ssettag s2;
	_ =	strace s9  }
0x27: {  	s1 =	sld [smem:$0x3F9F]  }
0x28: {  	s2 =	sld [smem:$0x3FA0]  }
0x29: {  	s4 =	sld [smem:$0x3FA2]  }
0x2a: {  	p0 =	seq.s32 s5, $0x0;
	s5 =	sld [smem:$0x3FA3]  }
0x2b: {  	s6 =	sld [smem:$0x3FA4]  }
0x2c: {  	s7 =	sld [smem:$0x3FA5]  }
0x2d: {  	s3 =	simm.s32 $0x108;
	s8 =	sld [smem:$0x3FA6]  }
0x2e: {  	s3 =	simm.s32 @!p0 $0x1082;
	s9 =	sld [smem:$0x3FA7]  }
0x2f: {  	lr =	sadd.s32 s0, s3;
	s0 =	sld [smem:$0x3F9E]  }
0x30: {  	s3 =	sld [smem:$0x3FA1]  }
0x31: {  	[smem:$0x3FAA] =	sst s10  }
0x32: {  	s10 =	sld [smem:$0x3FA8];
	_ =	sdelay $0x3  }
0x33: {  	p0 =	seq.s32 s10, $0x1;
	s10 =	sld [smem:$0x3FAA];
	_ =	sdelay $0x3  }
0x34: {  	[smem:$0x3FAA] =	sst s10  }
0x35: {  	s10 =	sld [smem:$0x3FA9];
	_ =	sdelay $0x3  }
0x36: {  	p1 =	seq.s32 s10, $0x1;
	s10 =	sld [smem:$0x3FAA];
	_ =	sdelay $0x3  }
0x37: {  	[smem:$0x3FAA] =	sst s10  }
0x38: {  	s10 =	sld [smem:$0x3FAB]  }
0x39: {  	_ = 	snop;
	(pc) =	sbr.ind lr, $3  }
0x3a: {  	_ = 	snop  }
0x3b: {  	_ = 	snop  }
0x3c: {  	p2 =	seq.s32 s10, $0x1;
	s10 =	sld [smem:$0x3FAA]  }
0x3d: {  	_ =	shalt  }
0x3e: {  	_ =	shalt  }
0x3f: {  	_ =	shalt  }
0x40: {  	_ =	shalt  }
0x41: {  	_ =	shalt  }
0x42: {  	_ =	shalt  }
0x43: {  	_ =	shalt  }
0x44: {  	_ =	shalt  }
0x45: {  	_ =	shalt  }
0x46: {  	_ =	shalt  }
0x47: {  	_ =	shalt  }
0x48: {  	_ =	shalt  }
0x49: {  	_ =	shalt  }
0x4a: {  	_ =	shalt  }
0x4b: {  	_ =	shalt  }
0x4c: {  	_ =	shalt  }
0x4d: {  	_ =	shalt  }
0x4e: {  	_ =	shalt  }
0x4f: {  	_ =	shalt  }
0x50: {  	_ =	shalt  }
0x51: {  	_ =	shalt  }
0x52: {  	_ =	shalt  }
0x53: {  	_ =	shalt  }
0x54: {  	_ =	shalt  }
0x55: {  	_ =	shalt  }
0x56: {  	_ =	shalt  }
0x57: {  	_ =	shalt  }
0x58: {  	_ =	shalt  }
0x59: {  	_ =	shalt  }
0x5a: {  	_ =	shalt  }
0x5b: {  	_ =	shalt  }
0x5c: {  	_ =	shalt  }
0x5d: {  	_ =	shalt  }
0x5e: {  	_ =	shalt  }
0x5f: {  	_ =	shalt  }
0x60: {  	_ =	shalt  }
0x61: {  	_ =	shalt  }
0x62: {  	_ =	shalt  }
0x63: {  	_ =	shalt  }
0x64: {  	_ =	shalt  }
0x65: {  	_ =	shalt  }
0x66: {  	_ =	shalt  }
0x67: {  	_ =	shalt  }
0x68: {  	_ =	shalt  }
0x69: {  	_ =	shalt  }
0x6a: {  	_ =	shalt  }
0x6b: {  	_ =	shalt  }
0x6c: {  	_ =	shalt  }
0x6d: {  	_ =	shalt  }
0x6e: {  	_ =	shalt  }
0x6f: {  	_ =	shalt  }
0x70: {  	_ =	shalt  }
0x71: {  	_ =	shalt  }
0x72: {  	_ =	shalt  }
0x73: {  	_ =	shalt  }
0x74: {  	_ =	shalt  }
0x75: {  	_ =	shalt  }
0x76: {  	_ =	shalt  }
0x77: {  	_ =	shalt  }
0x78: {  	_ =	shalt  }
0x79: {  	_ =	shalt  }
0x7a: {  	_ =	shalt  }
0x7b: {  	_ =	shalt  }
0x7c: {  	_ =	shalt  }
0x7d: {  	_ =	shalt  }
0x7e: {  	_ =	shalt  }
0x7f: {  	_ =	shalt  }
0x80: {  	_ =	shalt  }
0x81: {  	_ =	shalt  }
0x82: {  	_ =	shalt  }
0x83: {  	_ =	shalt  }
0x84: {  	_ =	shalt  }
0x85: {  	_ =	shalt  }
0x86: {  	_ =	shalt  }
0x87: {  	_ =	shalt  }
.Lfunc_end0:
.L_simem_size_0:
called_computation.2_lowered:
.L_overlay_start_0:
0x88: {  	s2 =	sld [smem:$0x3FD9]  }
0x89: {  	s3 =	sld [smem:$0x3FFE];
	_ =	sdelay $0x1  }
0x8a: {  	s1 =	srdreg.scid  }
0x8b: {  	s0 =	sand.u32 $0x1, s1  }
0x8c: {  	s17 =	sshll.u32 s0, $0xA;
	s2 =	sadd.s32 s3, s2  }
0x8d: {  	s2 =	sadd.s32 s2, s17  }
0x8e: {  	[smem:$0x3FB6] =	sst s2  }
0x8f: {  	_ = 	snop  }
0x90: {  	s2 =	sld [smem:$0x3FD0];
	(tm) =	ssettm $0x1  }
0x91: {  	s18 =	sld [smem:$0x3FFB];
	_ =	sdelay $0x3  }
0x92: {  	_ =	strace s18  }
0x93: {  	s3 =	sld [smem:$0x3FFC];
	_ =	sdelay $0x3  }
0x94: {  	_ =	strace s3  }
0x95: {  	s3 =	sld [smem:$0x3FFD];
	_ =	sdelay $0x3  }
0x96: {  	_ =	strace s3  }
0x97: {  	_ =	strace $0x8FFFFFFF  }
0x98: {  	s19 =	sld [smem:$0x3FDB];
	_ =	sdelay $0x1  }
0x99: {  	s4 =	simm.s32 $_scs_section_size  }
0x9a: {  	s5 =	simm.s32 $_size__tile_overlayer_lowered;
	s6 =	simm.s32 $_tile_overlayer_lowered  }
0x9b: {  	s22 =	simm.s32 $0x1BFF;
	s21 =	sshll.u32 s6, $0x1;
	s3 =	sadd.s32 s4, s19  }
0x9c: {  	s7 =	simm.s32 $0x0;
	s20 =	sshll.u32 s5, $0x1;
	s5 =	sadd.s32 s21, s3  }
0x9d: {  	[timem:s7], [sflag:s22] =	dma.local [hbm:s5], s20  }
0x9e: {  	_ =	swait.ge [sflag:s22], s20  }
0x9f: {  	s4 =	ssub.s32 $0x0, s20;
	[sflag:s22] =	ssyncset.done $0x0  }
0xa0: {  	[sflag:s22] =	ssyncadd.s32 s4;
	_ =	sdelay $0x1  }
0xa1: {  	s23 =	simm.s32 $0x1B8B  }
0xa2: {  	_ =	swait.ge [sflag:s23], $0x1  }
0xa3: {  	[sflag:s23] =	ssyncset.done $0x0  }
0xa4: {  	s25 =	simm.s32 $0x1B8E;
	s24 =	sld [smem:$0x3FFE];
	[sflag:s23] =	ssyncadd.s32 $0xFFFFFFFF  }
0xa5: {  	s26 =	simm.s32 $execute0_lowered;
	[smem:$0x3FD2] =	sst s25  }
0xa6: {  	s5 =	sshll.u32 s26, $0x1;
	_ =	strace $0x8000004C;
	[dreg:$0x1] =	wrdreg $0xFFFFFFFF  }
0xa7: {  	s28 =	simm.s32 $_size_execute0_lowered;
	s3 =	sadd.s32 s3, s5;
	[dreg:$0x0] =	wrdreg $0x0  }
0xa8: {  	s5 =	sshll.u32 s28, $0x1;
	[dreg:$0x2] =	wrdreg s3  }
0xa9: {  	[dreg:$0x3] =	wrdreg s5  }
0xaa: {  	[dreg:$0x4] =	wrdreg $0xC0  }
0xab: {  	_ =	task [dreg:s7], $0x5FFFF  }
0xac: {  	[dreg:$0x1] =	wrdreg $0xFFFFFFFF  }
0xad: {  	[dreg:$0x0] =	wrdreg $0x60  }
0xae: {  	[dreg:$0x2] =	wrdreg s2  }
0xaf: {  	[dreg:$0x3] =	wrdreg s24  }
0xb0: {  	[dreg:$0x4] =	wrdreg $0x0  }
0xb1: {  	[dreg:$0x5] =	wrdreg $0x140000  }
0xb2: {  	[dreg:$0x6] =	wrdreg $0x9  }
0xb3: {  	_ =	task.clear_ibuf [dreg:s7], $0x7FFFF;
	_ =	strace $0x9000004C  }
0xb4: {  	s29 =	simm.s32 $0x9;
	_ =	strace $0x8000004E  }
0xb5: {  	_ =	swait.ge [sflag:s29], $0x1  }
0xb6: {  	[sflag:s29] =	ssyncadd.s32 $0xFFFFFFFF  }
0xb7: {  	_ =	strace $0x9000004E  }
0xb8: {  	_ =	sfence  }
0xb9: {  	s30 =	sld [smem:$0x0];
	_ =	sdelay $0x2  }
0xba: {  	s31 =	sshll.u32 s1, $0xD;
	s1 =	sshrl.u32 s1, $0x2  }
0xbb: {  	s3 =	sand.u32 $0x4000, s31;
	s1 =	sadd.s32 s1, s30  }
0xbc: {  	s0 =	sor.u32 s3, s0;
	s1 =	sshll.u32 s1, $0x11  }
0xbd: {  	s0 =	sor.u32 s1, s0  }
0xbe: {  	s0 =	sadd.s32 $0x8F2B, s0  }
0xbf: {  	[sflag:s0] =	ssyncadd.remote.s32 $0x1  }
0xc0: {  	_ =	sfence.sel $0xFFFF  }
0xc1: {  	[dreg:$0x0] =	wrdreg $0xFFFFFFFF;
	(pc) =	sbr.abs _section_cstart, $3  }
0xc2: {  	[dreg:$0x1] =	wrdreg $0xFFFFFFFF  }
0xc3: {  	_ =	task.clear_ibuf [dreg:s7], $0x2FFFF;
	_ =	strace $0x9FFFFFFF  }
0xc4: {  	(tm) =	ssettm $0x7FFFFFFF  }
0xc5: {  	_ =	shalt  }
tec
execute0_lowered:
.L_overlay_start_1:
0x0: {  	(tag) =	ssettag $0x1  }
0x1: {  	s0 =	rddreg [dreg:$0x1]  }
0x2: {  	s2 =	rddreg [dreg:$0x2]  }
0x3: {  	s3 =	rddreg [dreg:$0x3]  }
0x4: {  	s1 =	srdreg.scid;
	s14 =	stileid.u32  }
0x5: {  	s5 =	simm.s32 $0x0;
	s29 =	simm.s32 $0x16800;
	s8 =	smul.u32 $0x14000, s14  }
0x6: {  	s30 =	simm.s32 $0x38;
	s31 =	simm.s32 $0x16A00;
	s10 =	smul.u32 $0x2800, s14  }
0x7: {  	s28 =	simm.s32 $0x18600;
	s1 =	sand.u32 $0x1, s1;
	s25 =	smul.u32 $0x50000, s14  }
0x8: {  	[smem:$0x7FF] =	sst s5;
	s6 =	sadd.s32 $0x7F600, s0;
	s13 =	smul.u32 $0xA000, s14  }
0x9: {  	s7 =	sadd.s32 $0x7400, s0;
	s11 =	sadd.s32 $0x7F400, s0;
	s4 =	smul.u32 $0x140000, s1  }
0xa: {  	s14 =	sshll.u32 s14, $0x1;
	_ =	strace $0x8000004D;
	s9 =	smul.u32 $0x28000, s1  }
0xb: {  	[dreg:$0x5] =	wrdreg s11;
	s24 =	ssub.s32 $0x2, s1;
	s1 =	sor.u32 s1, s14  }
0xc: {  	s14 =	simm.s32 $0x1;
	s12 =	sshrl.u32 s24, $0x1;
	s13 =	sshrl.u32 s13, $0x2  }
0xd: {  	s11 =	simm.s32 $0x0;
	s26 =	ssub.s32 s24, s12;
	s19 =	sadd.s32 s13, s3  }
0xe: {  	s4 =	sadd.s32 s8, s4;
	s16 =	smax.u32 s26, $0x1;
	[dreg:$0x6] =	wrdreg s19  }
0xf: {  	s8 =	sadd.s32 $0x2F400, s0;
	s17 =	sadd.s32 $0x400, s19;
	[dreg:$0x9] =	wrdreg s16  }
0x10: {  	s9 =	sadd.s32 s10, s9;
	s18 =	sadd.s32 $0x800, s19;
	[dreg:$0xa] =	wrdreg s17  }
0x11: {  	s12 =	sshrl.u32 s25, $0x2;
	s20 =	sadd.s32 $0xC00, s19;
	[dreg:$0xb] =	wrdreg s18  }
0x12: {  	s13 =	simm.s32 $0x1BE00;
	s21 =	sadd.s32 $0x1000, s19;
	[dreg:$0xc] =	wrdreg s20  }
0x13: {  	s4 =	sshrl.u32 s4, $0x3;
	s22 =	sadd.s32 $0x1400, s19;
	[dreg:$0xd] =	wrdreg s21  }
0x14: {  	s9 =	sshrl.u32 s9, $0x3;
	s23 =	sadd.s32 $0x1800, s19;
	[dreg:$0xe] =	wrdreg s22  }
0x15: {  	s10 =	sadd.s32 s12, s2;
	s24 =	sadd.s32 $0x1C00, s19;
	[dreg:$0xf] =	wrdreg s23  }
0x16: {  	s12 =	smul.u32 $0xB3, s1;
	s25 =	sadd.s32 $0x2000, s19;
	[dreg:$0x10] =	wrdreg s24  }
0x17: {  	s26 =	sadd.s32 $0x2400, s19;
	s4 =	sadd.s32 s4, s0;
	[dreg:$0x11] =	wrdreg s25  }
0x18: {  	s0 =	sadd.s32 s9, s0;
	[dreg:$0x12] =	wrdreg s26;
	s25 =	simm.s32 $0x1F680  }
0x19: {  	s26 =	simm.s32 $0x5;
	s9 =	simm.s32 $0x1A200;
	s16 =	simm.s32 $0x3  }
0x1a: {  	s17 =	simm.s32 $0x16900;
	s18 =	simm.s32 $0x4;
	s15 =	sadd.s32 $0x89800, s4  }
0x1b: {  	s0 =	sadd.s32 $0x7F800, s0;
	s4 =	simm.s32 $0x16980;
	[dreg:$0x7] =	wrdreg s15  }
0x1c: {  	v0 =	vimm.f32 $0.0e+00;
	[dreg:$0x8] =	wrdreg s0;
	s0 =	simm.s32 $0x16880;
	s15 =	simm.s32 $0x2  }
.LBB2_1:
0x1d: {  	[tilespmem:$0x1F680] =	vst v0  }
0x1e: {  	[tilespmem:$0x1F690] =	vst v0  }
0x1f: {  	[tilespmem:$0x1F6A0] =	vst v0  }
0x20: {  	[tilespmem:$0x1F6B0] =	vst v0  }
0x21: {  	[tilespmem:$0x1F6C0] =	vst v0  }
0x22: {  	[tilespmem:$0x1F6D0] =	vst v0  }
0x23: {  	[tilespmem:$0x1F6E0] =	vst v0  }
0x24: {  	[tilespmem:$0x1F6F0] =	vst v0  }
0x25: {  	[tilespmem:$0x1F700] =	vst v0  }
0x26: {  	[tilespmem:$0x1F710] =	vst v0  }
0x27: {  	[tilespmem:$0x1F720] =	vst v0  }
0x28: {  	[tilespmem:$0x1F730] =	vst v0  }
0x29: {  	[tilespmem:$0x1F740] =	vst v0  }
0x2a: {  	[tilespmem:$0x1F750] =	vst v0  }
0x2b: {  	[tilespmem:$0x1F760] =	vst v0  }
0x2c: {  	[tilespmem:$0x1F770] =	vst v0  }
0x2d: {  	[tilespmem:$0x1F780] =	vst v0  }
0x2e: {  	[tilespmem:$0x1F790] =	vst v0  }
0x2f: {  	[tilespmem:$0x1F7A0] =	vst v0  }
0x30: {  	[tilespmem:$0x1F7B0] =	vst v0  }
0x31: {  	[tilespmem:$0x1F7C0] =	vst v0  }
0x32: {  	[tilespmem:$0x1F7D0] =	vst v0  }
0x33: {  	[tilespmem:$0x1F7E0] =	vst v0  }
0x34: {  	[tilespmem:$0x1F7F0] =	vst v0  }
0x35: {  	[tilespmem:$0x1F800] =	vst v0  }
0x36: {  	[tilespmem:$0x1F810] =	vst v0  }
0x37: {  	[tilespmem:$0x1F820] =	vst v0  }
0x38: {  	[tilespmem:$0x1F830] =	vst v0  }
0x39: {  	[tilespmem:$0x1F840] =	vst v0  }
0x3a: {  	[tilespmem:$0x1F850] =	vst v0  }
0x3b: {  	[tilespmem:$0x1F860] =	vst v0  }
0x3c: {  	[tilespmem:$0x1F870] =	vst v0  }
0x3d: {  	[tilespmem:$0x1F880] =	vst v0  }
0x3e: {  	[tilespmem:$0x1F890] =	vst v0  }
0x3f: {  	[tilespmem:$0x1F8A0] =	vst v0  }
0x40: {  	[tilespmem:$0x1F8B0] =	vst v0  }
0x41: {  	[tilespmem:$0x1F8C0] =	vst v0  }
0x42: {  	[tilespmem:$0x1F8D0] =	vst v0  }
0x43: {  	[tilespmem:$0x1F8E0] =	vst v0  }
0x44: {  	[tilespmem:$0x1F8F0] =	vst v0  }
0x45: {  	[tilespmem:$0x1F900] =	vst v0  }
0x46: {  	[tilespmem:$0x1F910] =	vst v0  }
0x47: {  	[tilespmem:$0x1F920] =	vst v0  }
0x48: {  	[tilespmem:$0x1F930] =	vst v0  }
0x49: {  	[tilespmem:$0x1F940] =	vst v0  }
0x4a: {  	[tilespmem:$0x1F950] =	vst v0  }
0x4b: {  	[tilespmem:$0x1F960] =	vst v0  }
0x4c: {  	[tilespmem:$0x1F970] =	vst v0  }
0x4d: {  	[tilespmem:$0x1F980] =	vst v0  }
0x4e: {  	[tilespmem:$0x1F990] =	vst v0  }
0x4f: {  	[tilespmem:$0x1F9A0] =	vst v0  }
0x50: {  	[tilespmem:$0x1F9B0] =	vst v0  }
0x51: {  	[tilespmem:$0x1F9C0] =	vst v0  }
0x52: {  	[tilespmem:$0x1F9D0] =	vst v0  }
0x53: {  	[tilespmem:$0x1F9E0] =	vst v0  }
0x54: {  	[tilespmem:$0x1F9F0] =	vst v0  }
0x55: {  	[tilespmem:$0x1FA00] =	vst v0  }
0x56: {  	[tilespmem:$0x1FA10] =	vst v0  }
0x57: {  	[tilespmem:$0x1FA20] =	vst v0  }
0x58: {  	[tilespmem:$0x1FA30] =	vst v0  }
0x59: {  	[tilespmem:$0x1FA40] =	vst v0  }
0x5a: {  	[tilespmem:$0x1FA50] =	vst v0  }
0x5b: {  	[tilespmem:$0x1FA60] =	vst v0  }
0x5c: {  	[dreg:$0x13] =	wrdreg s11;
	[tilespmem:$0x1FA70] =	vst v0;
	s1 =	sadd.s32 $0x0, s10  }
0x5d: {  	[spmem:s1] =	stream.linear.scatter [tilespmem:s25], [sflag:$0x5], $0x400, $0x38;
	[tilespmem:$0x1FA80] =	vst v63  }
0x5e: {  	s1 =	simm.s32 $0x1000;
	_ =	swait.ge [sflag:s26], $0x400  }
.LBB2_2:
0x5f: {  	s11 =	sshra.s32 s1, $0x2;
	[sflag:s26] =	ssyncset.done $0x0;
	p0 =	seq.s32 s1, $0x4F000  }
.Ltmp0:
0x60: {  	s11 =	sadd.s32 s11, s10;
	[sflag:s26] =	ssyncadd.s32 $0xFFFFFC00;
	(pc) =	sbr.rel @!p0 .LBB2_2-.Ltmp0, $3  }
0x61: {  	[spmem:s11] =	stream.linear.scatter [tilespmem:s25], [sflag:$0x5], $0x400, $0x38;
	[tilespmem:$0x1FA80] =	vst v63  }
0x62: {  	s1 =	sadd.s32 $0x1000, s1;
	_ =	sdelay $0x1  }
0x63: {  	_ =	swait.ge [sflag:s26], $0x400  }
0x64: {  	[sflag:s26] =	ssyncset.done $0x0  }
0x65: {  	[sflag:s26] =	ssyncadd.s32 $0xFFFFFC00  }
0x66: {  	[spmem:s19] =	stream.linear.scatter [tilespmem:s25], [sflag:$0x5], $0x400, $0x38;
	[tilespmem:$0x1FA80] =	vst v63  }
0x67: {  	_ =	swait.ge [sflag:s26], $0x400  }
0x68: {  	[sflag:s26] =	ssyncset.done $0x0  }
0x69: {  	s1 =	rddreg [dreg:$0xa];
	[sflag:s26] =	ssyncadd.s32 $0xFFFFFC00  }
0x6a: {  	[spmem:s1] =	stream.linear.scatter [tilespmem:s25], [sflag:$0x5], $0x400, $0x38;
	[tilespmem:$0x1FA80] =	vst v63  }
0x6b: {  	_ =	swait.ge [sflag:s26], $0x400  }
0x6c: {  	[sflag:s26] =	ssyncset.done $0x0  }
0x6d: {  	s23 =	rddreg [dreg:$0xb];
	[sflag:s26] =	ssyncadd.s32 $0xFFFFFC00  }
0x6e: {  	[spmem:s23] =	stream.linear.scatter [tilespmem:s25], [sflag:$0x5], $0x400, $0x38;
	[tilespmem:$0x1FA80] =	vst v63  }
0x6f: {  	_ =	swait.ge [sflag:s26], $0x400  }
0x70: {  	[sflag:s26] =	ssyncset.done $0x0  }
0x71: {  	s24 =	rddreg [dreg:$0xc];
	[sflag:s26] =	ssyncadd.s32 $0xFFFFFC00  }
0x72: {  	[spmem:s24] =	stream.linear.scatter [tilespmem:s25], [sflag:$0x5], $0x400, $0x38;
	[tilespmem:$0x1FA80] =	vst v63  }
0x73: {  	_ =	swait.ge [sflag:s26], $0x400  }
0x74: {  	[sflag:s26] =	ssyncset.done $0x0  }
0x75: {  	s11 =	rddreg [dreg:$0xd];
	[sflag:s26] =	ssyncadd.s32 $0xFFFFFC00  }
0x76: {  	[spmem:s11] =	stream.linear.scatter [tilespmem:s25], [sflag:$0x5], $0x400, $0x38;
	[tilespmem:$0x1FA80] =	vst v63  }
0x77: {  	_ =	swait.ge [sflag:s26], $0x400  }
0x78: {  	[sflag:s26] =	ssyncset.done $0x0  }
0x79: {  	s19 =	rddreg [dreg:$0xe];
	[sflag:s26] =	ssyncadd.s32 $0xFFFFFC00  }
0x7a: {  	[spmem:s19] =	stream.linear.scatter [tilespmem:s25], [sflag:$0x5], $0x400, $0x38;
	[tilespmem:$0x1FA80] =	vst v63  }
0x7b: {  	_ =	swait.ge [sflag:s26], $0x400  }
0x7c: {  	[sflag:s26] =	ssyncset.done $0x0  }
0x7d: {  	s20 =	rddreg [dreg:$0xf];
	[sflag:s26] =	ssyncadd.s32 $0xFFFFFC00  }
0x7e: {  	[spmem:s20] =	stream.linear.scatter [tilespmem:s25], [sflag:$0x5], $0x400, $0x38;
	[tilespmem:$0x1FA80] =	vst v63  }
0x7f: {  	_ =	swait.ge [sflag:s26], $0x400  }
0x80: {  	[sflag:s26] =	ssyncset.done $0x0  }
0x81: {  	s21 =	rddreg [dreg:$0x10];
	[sflag:s26] =	ssyncadd.s32 $0xFFFFFC00  }
0x82: {  	[spmem:s21] =	stream.linear.scatter [tilespmem:s25], [sflag:$0x5], $0x400, $0x38;
	[tilespmem:$0x1FA80] =	vst v63  }
0x83: {  	_ =	swait.ge [sflag:s26], $0x400  }
0x84: {  	[sflag:s26] =	ssyncset.done $0x0  }
0x85: {  	s22 =	rddreg [dreg:$0x11];
	[sflag:s26] =	ssyncadd.s32 $0xFFFFFC00  }
0x86: {  	[spmem:s22] =	stream.linear.scatter [tilespmem:s25], [sflag:$0x5], $0x400, $0x38;
	[tilespmem:$0x1FA80] =	vst v63  }
0x87: {  	_ =	swait.ge [sflag:s26], $0x400  }
0x88: {  	[sflag:s26] =	ssyncset.done $0x0  }
0x89: {  	s23 =	rddreg [dreg:$0x12];
	[sflag:s26] =	ssyncadd.s32 $0xFFFFFC00  }
0x8a: {  	[spmem:s23] =	stream.linear.scatter [tilespmem:s25], [sflag:$0x5], $0x400, $0x38;
	[tilespmem:$0x1FA80] =	vst v63  }
0x8b: {  	_ =	swait.ge [sflag:s26], $0x400  }
0x8c: {  	s11 =	simm.s32 $0x1F600;
	[sflag:s26] =	ssyncset.done $0x0  }
0x8d: {  	s20 =	simm.s32 $0x0;
	s24 =	rddreg [dreg:$0x5];
	[sflag:s26] =	ssyncadd.s32 $0xFFFFFC00  }
0x8e: {  	[tilespmem:s11], [sflag:$0x5] =	stream.linear.gather [hbm4b:s24+s20], $0x80, $0x38;
	[tilespmem:$0x1FA80] =	vst v63  }
0x8f: {  	_ =	swait.ge [sflag:s26], $0x80  }
0x90: {  	[sflag:s26] =	ssyncset.done $0x0  }
0x91: {  	[sflag:s26] =	ssyncadd.s32 $0xFFFFFF80  }
0x92: {  	[bflag:$0x0] =	sbarrier.arrive $0xFFFF  }
0x93: {  	v1 =	vld [tilespmem:$0x1F600]  }
.LBB2_4:
0x94: {  	s1 =	sadd.s32 s12, s20  }
0x95: {  	s11 =	rddreg [dreg:$0x0];
	s1 =	sshll.u32 s1, $0x6  }
0x96: {  	s1 =	sadd.s32 s11, s1  }
0x97: {  	[tilespmem:s29], [sflag:$0x5] =	stream.linear.gather [hbm4b:s1+s5], $0x200, $0x38;
	[tilespmem:$0x1FA80] =	vst v63  }
0x98: {  	_ =	swait.ge [sflag:s26], $0x200  }
0x99: {  	[sflag:s26] =	ssyncset.done $0x0  }
0x9a: {  	[sflag:s26] =	ssyncadd.s32 $0xFFFFFE00  }
0x9b: {  	[tilespmem:s31], [sflag:$0x1] =	stream.indirect.gather [hbm4b:s8+s30], $0x80, s29, s30, $0xb8;
	[tilespmem:$0x1FA80] =	vst v63  }
0x9c: {  	_ = 	snop  }
0x9d: {  	[tilespmem:s28], [sflag:$0x2] =	stream.indirect.gather [hbm4b:s8+s30], $0x80, s0, s30, $0xb8;
	[tilespmem:$0x1FA80] =	vst v63  }
0x9e: {  	_ = 	snop  }
0x9f: {  	[tilespmem:s9], [sflag:$0x3] =	stream.indirect.gather [hbm4b:s6+s30], $0x80, s4, s30, $0xb8;
	[tilespmem:$0x1FA80] =	vst v63  }
0xa0: {  	_ = 	snop  }
0xa1: {  	[tilespmem:s13], [sflag:$0x4] =	stream.indirect.gather [hbm4b:s7+s30], $0x80, s29, s30, $0xb8;
	[tilespmem:$0x1FA80] =	vst v63  }
0xa2: {  	_ =	swait.ge [sflag:s14], $0x1C00  }
0xa3: {  	[sflag:s14] =	ssyncset.done $0x0  }
0xa4: {  	[sflag:s14] =	ssyncadd.s32 $0xFFFFE400  }
0xa5: {  	_ =	swait.ge [sflag:s15], $0x1C00  }
0xa6: {  	[sflag:s15] =	ssyncset.done $0x0  }
0xa7: {  	[sflag:s15] =	ssyncadd.s32 $0xFFFFE400  }
0xa8: {  	_ =	swait.ge [sflag:s16], $0x1C00  }
0xa9: {  	[sflag:s16] =	ssyncset.done $0x0  }
0xaa: {  	s23 =	simm.s32 $0x18690;
	[sflag:s16] =	ssyncadd.s32 $0xFFFFE400  }
0xab: {  	s24 =	simm.s32 $0x16A80;
	v2 =	vld [tilespmem:s23+$0xFFFFFF80]  }
0xac: {  	v3 =	vld [tilespmem:s24+$0xFFFFFF80];
	_ =	sdelay $0x4  }
0xad: {  	v4 =	vadd.f32 v2, v1;
	v2 =	vadd.f32 v2, v3;
	_ =	sdelay $0x1  }
0xae: {  	v3 =	vmul.f32 $2.000000030e-01, v4;
	v5 =	vmul.f32 $2.000000030e-01, v2;
	_ =	sdelay $0x1  }
0xaf: {  	v3 =	vmax.f32 v4, v3;
	v2 =	vmax.f32 v2, v5  }
0xb0: {  	v2 =	vsub.f32 v2, v3;
	_ =	sdelay $0x1  }
0xb1: {  	v2 =	vmul.f32 $1.442695020e+00, v2;
	_ =	sdelay $0x1  }
0xb2: {  	(erf) = vpow2.f32 v2;
	_ =	sdelay $0x8  }
0xb3: {  	s21 =	simm.s32 $0x1DA80;
	v2 =	vpop (erf)  }
0xb4: {  	s22 =	simm.s32 $0x1A280;
	[tilespmem:s21+$0xFFFFFF80] =	vst v2  }
0xb5: {  	v3 =	vld [tilespmem:s22+$0xFFFFFFF0]  }
0xb6: {  	v58 =	vld [tilespmem:s22+$0xFFFFFFA0]  }
0xb7: {  	v59 =	vld [tilespmem:s22+$0xFFFFFFB0]  }
0xb8: {  	v7 =	vld [tilespmem:s22+$0xFFFFFFC0]  }
0xb9: {  	v6 =	vld [tilespmem:s22+$0xFFFFFFE0]  }
0xba: {  	v8 =	vld [tilespmem:s22+$0xFFFFFF90];
	v3 =	vmul.f32 v3, v2  }
0xbb: {  	v9 =	vld [tilespmem:s22+$0xFFFFFF80];
	v4 =	vmul.f32 v2, v58  }
0xbc: {  	v10 =	vld [tilespmem:s22+$0xFFFFFFD0];
	v5 =	vmul.f32 v59, v2;
	[tilespmem:s22+$0xFFFFFFF0] =	vst v3  }
0xbd: {  	v60 =	vmul.f32 v7, v2;
	[tilespmem:s22+$0xFFFFFFA0] =	vst v4  }
0xbe: {  	v3 =	vmul.f32 v6, v2;
	[tilespmem:s22+$0xFFFFFFB0] =	vst v5  }
0xbf: {  	v61 =	vmul.f32 v2, v8;
	[tilespmem:s22+$0xFFFFFFC0] =	vst v60  }
0xc0: {  	[tilespmem:s22+$0xFFFFFFE0] =	vst v3;
	v3 =	vmul.f32 v2, v9  }
0xc1: {  	[tilespmem:s22+$0xFFFFFF90] =	vst v61;
	v2 =	vmul.f32 v10, v2  }
0xc2: {  	[tilespmem:s22+$0xFFFFFF80] =	vst v3  }
0xc3: {  	[tilespmem:s22+$0xFFFFFFD0] =	vst v2  }
0xc4: {  	v2 =	vld [tilespmem:s24+$0x0]  }
0xc5: {  	v3 =	vld [tilespmem:s23+$0x0];
	_ =	sdelay $0x4  }
0xc6: {  	v2 =	vadd.f32 v3, v2;
	v3 =	vadd.f32 v3, v1;
	_ =	sdelay $0x1  }
0xc7: {  	v62 =	vmul.f32 $2.000000030e-01, v2;
	v63 =	vmul.f32 $2.000000030e-01, v3;
	_ =	sdelay $0x1  }
0xc8: {  	v2 =	vmax.f32 v2, v62;
	v3 =	vmax.f32 v3, v63  }
0xc9: {  	v2 =	vsub.f32 v2, v3;
	_ =	sdelay $0x1  }
0xca: {  	v2 =	vmul.f32 $1.442695020e+00, v2;
	_ =	sdelay $0x1  }
0xcb: {  	(erf) = vpow2.f32 v2;
	_ =	sdelay $0x6  }
0xcc: {  	s19 =	simm.s32 $0x1DA80;
	s11 =	simm.s32 $0x16B80  }
0xcd: {  	s1 =	simm.s32 $0x18790;
	s24 =	simm.s32 $0x0;
	s23 =	simm.s32 $0x1A280  }
.LBB2_5:
0xce: {  	s24 =	sadd.s32 $0x2, s24;
	s22 =	sadd.s32 $0x100, s22;
	s21 =	sadd.s32 $0x100, s21;
	v2 =	vpop (erf)  }
0xcf: {  	p0 =	slt.u32 s24, $0x36;
	[tilespmem:s19+$0x0] =	vst v2;
	s19 =	smov.u32 s21  }
0xd0: {  	v3 =	vld [tilespmem:s23+$0x0]  }
0xd1: {  	v4 =	vld [tilespmem:s23+$0x10]  }
0xd2: {  	v5 =	vld [tilespmem:s23+$0x20]  }
0xd3: {  	v6 =	vld [tilespmem:s23+$0x30]  }
0xd4: {  	v7 =	vld [tilespmem:s23+$0x40]  }
0xd5: {  	v3 =	vmul.f32 v2, v3;
	v8 =	vld [tilespmem:s23+$0x50]  }
0xd6: {  	v4 =	vmul.f32 v2, v4;
	v9 =	vld [tilespmem:s23+$0x60]  }
0xd7: {  	[tilespmem:s23+$0x0] =	vst v3;
	v3 =	vmul.f32 v2, v5;
	v5 =	vld [tilespmem:s23+$0x70]  }
0xd8: {  	[tilespmem:s23+$0x10] =	vst v4;
	v4 =	vmul.f32 v6, v2  }
0xd9: {  	[tilespmem:s23+$0x20] =	vst v3;
	v3 =	vmul.f32 v7, v2  }
0xda: {  	[tilespmem:s23+$0x30] =	vst v4;
	v4 =	vmul.f32 v8, v2  }
0xdb: {  	[tilespmem:s23+$0x40] =	vst v3;
	v3 =	vmul.f32 v9, v2  }
0xdc: {  	[tilespmem:s23+$0x50] =	vst v4;
	v2 =	vmul.f32 v5, v2  }
0xdd: {  	[tilespmem:s23+$0x60] =	vst v3  }
0xde: {  	[tilespmem:s23+$0x70] =	vst v2;
	s23 =	smov.u32 s22  }
0xdf: {  	v2 =	vld [tilespmem:s1+$0xFFFFFF80]  }
0xe0: {  	v3 =	vld [tilespmem:s11+$0xFFFFFF80];
	_ =	sdelay $0x3  }
0xe1: {  	v4 =	vadd.f32 v2, v1  }
0xe2: {  	v2 =	vadd.f32 v2, v3  }
0xe3: {  	v3 =	vmul.f32 $2.000000030e-01, v4  }
0xe4: {  	v5 =	vmul.f32 $2.000000030e-01, v2  }
0xe5: {  	v3 =	vmax.f32 v4, v3  }
0xe6: {  	v2 =	vmax.f32 v2, v5  }
0xe7: {  	v2 =	vsub.f32 v2, v3;
	_ =	sdelay $0x1  }
0xe8: {  	v2 =	vmul.f32 $1.442695020e+00, v2;
	_ =	sdelay $0x1  }
0xe9: {  	(erf) = vpow2.f32 v2;
	_ =	sdelay $0x8  }
0xea: {  	v2 =	vpop (erf)  }
0xeb: {  	[tilespmem:s21+$0xFFFFFF80] =	vst v2  }
0xec: {  	v3 =	vld [tilespmem:s22+$0xFFFFFFF0]  }
0xed: {  	v4 =	vld [tilespmem:s22+$0xFFFFFFA0]  }
0xee: {  	v5 =	vld [tilespmem:s22+$0xFFFFFFB0]  }
0xef: {  	v6 =	vld [tilespmem:s22+$0xFFFFFFE0]  }
0xf0: {  	v7 =	vld [tilespmem:s22+$0xFFFFFFC0]  }
0xf1: {  	v8 =	vld [tilespmem:s22+$0xFFFFFF90];
	v3 =	vmul.f32 v3, v2  }
0xf2: {  	v9 =	vld [tilespmem:s22+$0xFFFFFF80];
	v4 =	vmul.f32 v2, v4  }
0xf3: {  	v5 =	vmul.f32 v5, v2;
	v10 =	vld [tilespmem:s22+$0xFFFFFFD0];
	[tilespmem:s22+$0xFFFFFFF0] =	vst v3  }
0xf4: {  	[tilespmem:s22+$0xFFFFFFA0] =	vst v4;
	v3 =	vmul.f32 v6, v2  }
0xf5: {  	[tilespmem:s22+$0xFFFFFFB0] =	vst v5;
	v4 =	vmul.f32 v7, v2  }
0xf6: {  	v5 =	vmul.f32 v2, v8;
	[tilespmem:s22+$0xFFFFFFE0] =	vst v3  }
0xf7: {  	v3 =	vmul.f32 v2, v9;
	[tilespmem:s22+$0xFFFFFFC0] =	vst v4  }
0xf8: {  	[tilespmem:s22+$0xFFFFFF90] =	vst v5;
	v2 =	vmul.f32 v10, v2  }
0xf9: {  	[tilespmem:s22+$0xFFFFFF80] =	vst v3  }
0xfa: {  	[tilespmem:s22+$0xFFFFFFD0] =	vst v2  }
0xfb: {  	v2 =	vld [tilespmem:s11+$0x0]  }
0xfc: {  	v3 =	vld [tilespmem:s1+$0x0];
	_ =	sdelay $0x4  }
0xfd: {  	v2 =	vadd.f32 v3, v2;
	v3 =	vadd.f32 v3, v1;
	_ =	sdelay $0x1  }
0xfe: {  	v4 =	vmul.f32 $2.000000030e-01, v2;
	v5 =	vmul.f32 $2.000000030e-01, v3;
	_ =	sdelay $0x1  }
0xff: {  	v2 =	vmax.f32 v2, v4;
	v3 =	vmax.f32 v3, v5  }
0x100: {  	v2 =	vsub.f32 v2, v3;
	_ =	sdelay $0x1  }
0x101: {  	v2 =	vmul.f32 $1.442695020e+00, v2;
	_ =	sdelay $0x1  }
0x102: {  	(erf) = vpow2.f32 v2;
	_ =	sdelay $0x3  }
.Ltmp1:
0x103: {  	(pc) =	sbr.rel @p0 .LBB2_5-.Ltmp1, $2  }
0x104: {  	_ =	sdelay $0x2  }
0x105: {  	s11 =	sadd.s32 $0x100, s11;
	s1 =	sadd.s32 $0x100, s1  }
0x106: {  	v2 =	vpop (erf)  }
0x107: {  	[tilespmem:s19+$0x0] =	vst v2  }
0x108: {  	v3 =	vld [tilespmem:s23+$0x0]  }
0x109: {  	v4 =	vld [tilespmem:s23+$0x10]  }
0x10a: {  	v5 =	vld [tilespmem:s23+$0x20]  }
0x10b: {  	v6 =	vld [tilespmem:s23+$0x30]  }
0x10c: {  	v7 =	vld [tilespmem:s23+$0x40]  }
0x10d: {  	v8 =	vld [tilespmem:s23+$0x50];
	v3 =	vmul.f32 v2, v3  }
0x10e: {  	v9 =	vld [tilespmem:s23+$0x60];
	v4 =	vmul.f32 v2, v4  }
0x10f: {  	[tilespmem:s23+$0x0] =	vst v3;
	v3 =	vmul.f32 v2, v5;
	v5 =	vld [tilespmem:s23+$0x70]  }
0x110: {  	[tilespmem:s23+$0x10] =	vst v4;
	v4 =	vmul.f32 v6, v2  }
0x111: {  	[tilespmem:s23+$0x20] =	vst v3;
	v3 =	vmul.f32 v7, v2  }
0x112: {  	[tilespmem:s23+$0x30] =	vst v4;
	v4 =	vmul.f32 v8, v2  }
0x113: {  	[tilespmem:s23+$0x40] =	vst v3;
	v3 =	vmul.f32 v9, v2  }
0x114: {  	[tilespmem:s23+$0x50] =	vst v4;
	v2 =	vmul.f32 v5, v2  }
0x115: {  	[tilespmem:s23+$0x60] =	vst v3  }
0x116: {  	[tilespmem:s23+$0x70] =	vst v2  }
0x117: {  	[spmem:s3] =	stream.indirect.scatter.add.f32 [tilespmem:s9], [sflag:$0x3], $0x80, s17, s30, $0xb8;
	[tilespmem:$0x1FA80] =	vst v63  }
0x118: {  	_ =	swait.ge [sflag:s18], $0x1C00  }
0x119: {  	[sflag:s18] =	ssyncset.done $0x0  }
0x11a: {  	s11 =	simm.s32 $0x1DA80;
	[sflag:s18] =	ssyncadd.s32 $0xFFFFE400  }
0x11b: {  	v4 =	vld [tilespmem:s11+$0xFFFFFF80]  }
0x11c: {  	s1 =	simm.s32 $0x1BE80  }
0x11d: {  	v3 =	vld [tilespmem:s1+$0xFFFFFF80]  }
0x11e: {  	v6 =	vld [tilespmem:s1+$0xFFFFFFE0]  }
0x11f: {  	v7 =	vld [tilespmem:s1+$0xFFFFFFA0]  }
0x120: {  	v8 =	vld [tilespmem:s1+$0xFFFFFFF0];
	v63 =	vbroadcast v4, $0x0  }
0x121: {  	v5 =	vld [tilespmem:s1+$0xFFFFFFB0];
	v11 =	vbroadcast v4, $0x3  }
0x122: {  	v10 =	vld [tilespmem:s1+$0xFFFFFF90];
	v13 =	vbroadcast v4, $0x1;
	v14 =	vmul.f32 v63, v3  }
0x123: {  	v12 =	vld [tilespmem:s1+$0xFFFFFFD0];
	v6 =	vmul.f32 v6, v11  }
0x124: {  	v15 =	vld [tilespmem:s1+$0xFFFFFFC0];
	v7 =	vmul.f32 v7, v13;
	[tilespmem:s1+$0xFFFFFF80] =	vst v14  }
0x125: {  	v8 =	vmul.f32 v8, v11;
	[tilespmem:s1+$0xFFFFFFE0] =	vst v6  }
0x126: {  	v4 =	vbroadcast v4, $0x2;
	v5 =	vmul.f32 v5, v13;
	[tilespmem:s1+$0xFFFFFFA0] =	vst v7  }
0x127: {  	v6 =	vmul.f32 v10, v63;
	[tilespmem:s1+$0xFFFFFFF0] =	vst v8  }
0x128: {  	v7 =	vmul.f32 v12, v4;
	[tilespmem:s1+$0xFFFFFFB0] =	vst v5  }
0x129: {  	v2 =	vld [tilespmem:s1+$0x0];
	v4 =	vmul.f32 v15, v4;
	[tilespmem:s1+$0xFFFFFF90] =	vst v6  }
0x12a: {  	v3 =	vld [tilespmem:s1+$0x10];
	[tilespmem:s1+$0xFFFFFFD0] =	vst v7  }
0x12b: {  	v5 =	vld [tilespmem:s1+$0x40];
	[tilespmem:s1+$0xFFFFFFC0] =	vst v4  }
0x12c: {  	v6 =	vld [tilespmem:s11+$0x0]  }
0x12d: {  	s21 =	simm.s32 $0x1BE80;
	s19 =	simm.s32 $0x0;
	v4 =	vld [tilespmem:s1+$0x70]  }
.LBB2_7:
0x12e: {  	s19 =	sadd.s32 $0x2, s19;
	v7 =	vld [tilespmem:s1+$0x60];
	s21 =	sadd.s32 $0x100, s21;
	s11 =	sadd.s32 $0x100, s11  }
0x12f: {  	p0 =	slt.u32 s19, $0x36;
	v8 =	vld [tilespmem:s1+$0x50]  }
0x130: {  	v9 =	vld [tilespmem:s1+$0x20]  }
0x131: {  	v10 =	vbroadcast v6, $0x0;
	v11 =	vbroadcast v6, $0x1;
	v12 =	vld [tilespmem:s1+$0x30]  }
0x132: {  	v13 =	vbroadcast v6, $0x2;
	v6 =	vbroadcast v6, $0x3  }
0x133: {  	v2 =	vmul.f32 v10, v2;
	v3 =	vmul.f32 v3, v10  }
0x134: {  	v5 =	vmul.f32 v5, v13;
	v8 =	vmul.f32 v8, v13  }
0x135: {  	[tilespmem:s1+$0x0] =	vst v2;
	v9 =	vmul.f32 v9, v11;
	v2 =	vmul.f32 v7, v6  }
0x136: {  	v4 =	vmul.f32 v4, v6;
	v7 =	vmul.f32 v12, v11;
	[tilespmem:s1+$0x40] =	vst v5  }
0x137: {  	[tilespmem:s1+$0x60] =	vst v2  }
0x138: {  	[tilespmem:s1+$0x70] =	vst v4  }
0x139: {  	v2 =	vld [tilespmem:s21+$0x0];
	[tilespmem:s1+$0x20] =	vst v9  }
0x13a: {  	v4 =	vld [tilespmem:s21+$0xFFFFFFB0];
	[tilespmem:s1+$0x50] =	vst v8  }
0x13b: {  	v5 =	vld [tilespmem:s21+$0xFFFFFFD0];
	[tilespmem:s1+$0x10] =	vst v3  }
0x13c: {  	v6 =	vld [tilespmem:s21+$0xFFFFFFF0];
	[tilespmem:s1+$0x30] =	vst v7;
	s1 =	smov.u32 s21  }
0x13d: {  	v3 =	vld [tilespmem:s11+$0xFFFFFF80]  }
0x13e: {  	v7 =	vld [tilespmem:s21+$0xFFFFFFE0]  }
0x13f: {  	v8 =	vld [tilespmem:s21+$0xFFFFFF80]  }
0x140: {  	v9 =	vld [tilespmem:s21+$0xFFFFFFA0]  }
0x141: {  	v10 =	vld [tilespmem:s21+$0xFFFFFFC0]  }
0x142: {  	v11 =	vbroadcast v3, $0x0;
	v12 =	vld [tilespmem:s21+$0xFFFFFF90];
	v13 =	vbroadcast v3, $0x3  }
0x143: {  	v14 =	vbroadcast v3, $0x1;
	v15 =	vbroadcast v3, $0x2;
	v3 =	vld [tilespmem:s21+$0x10]  }
0x144: {  	v8 =	vmul.f32 v11, v8;
	v7 =	vmul.f32 v7, v13  }
0x145: {  	v6 =	vmul.f32 v6, v13;
	v9 =	vmul.f32 v9, v14  }
0x146: {  	v5 =	vmul.f32 v5, v15;
	[tilespmem:s21+$0xFFFFFF80] =	vst v8;
	v8 =	vmul.f32 v10, v15  }
0x147: {  	v4 =	vmul.f32 v4, v14;
	v10 =	vmul.f32 v12, v11;
	[tilespmem:s21+$0xFFFFFFE0] =	vst v7  }
0x148: {  	[tilespmem:s21+$0xFFFFFFA0] =	vst v9  }
0x149: {  	[tilespmem:s21+$0xFFFFFFF0] =	vst v6  }
0x14a: {  	[tilespmem:s21+$0xFFFFFF90] =	vst v10  }
.Ltmp2:
0x14b: {  	[tilespmem:s21+$0xFFFFFFD0] =	vst v5;
	(pc) =	sbr.rel @p0 .LBB2_7-.Ltmp2, $4  }
0x14c: {  	[tilespmem:s21+$0xFFFFFFB0] =	vst v4  }
0x14d: {  	[tilespmem:s21+$0xFFFFFFC0] =	vst v8;
	v5 =	vld [tilespmem:s21+$0x40]  }
0x14e: {  	v6 =	vld [tilespmem:s11+$0x0]  }
0x14f: {  	v4 =	vld [tilespmem:s21+$0x70]  }
0x150: {  	_ =	sdelay $0x2  }
0x151: {  	v9 =	vld [tilespmem:s1+$0x20];
	v8 =	vbroadcast v6, $0x0  }
0x152: {  	v10 =	vbroadcast v6, $0x2  }
0x153: {  	v7 =	vld [tilespmem:s1+$0x60];
	v12 =	vbroadcast v6, $0x3;
	v2 =	vmul.f32 v8, v2  }
0x154: {  	v13 =	vld [tilespmem:s1+$0x30];
	v61 =	vbroadcast v6, $0x1;
	v5 =	vmul.f32 v5, v10  }
0x155: {  	v11 =	vld [tilespmem:s1+$0x50];
	v4 =	vmul.f32 v4, v12;
	[tilespmem:s1+$0x0] =	vst v2  }
0x156: {  	v62 =	vmul.f32 v9, v61;
	[tilespmem:s1+$0x40] =	vst v5  }
0x157: {  	v3 =	vmul.f32 v3, v8;
	[tilespmem:s1+$0x70] =	vst v4  }
0x158: {  	v2 =	vmul.f32 v7, v12;
	[tilespmem:s1+$0x20] =	vst v62  }
0x159: {  	v63 =	vmul.f32 v13, v61;
	[tilespmem:s1+$0x10] =	vst v3  }
0x15a: {  	[tilespmem:s1+$0x60] =	vst v2;
	v2 =	vmul.f32 v11, v10  }
0x15b: {  	[tilespmem:s1+$0x30] =	vst v63  }
0x15c: {  	s20 =	sadd.s32 $0x1, s20;
	[tilespmem:s1+$0x50] =	vst v2  }
0x15d: {  	[spmem:s2] =	stream.indirect.scatter.add.f32 [tilespmem:s13], [sflag:$0x4], $0x80, s0, s30, $0xb8;
	[tilespmem:$0x1FA80] =	vst v63  }
0x15e: {  	p0 =	sne.s32 s20, $0xB3;
	_ =	swait.ge [sflag:s16], $0x1C00  }
.Ltmp3:
0x15f: {  	[sflag:s16] =	ssyncset.done $0x0;
	(pc) =	sbr.rel @p0 .LBB2_4-.Ltmp3, $4  }
0x160: {  	[sflag:s16] =	ssyncadd.s32 $0xFFFFE400  }
0x161: {  	_ =	swait.ge [sflag:s18], $0x1C00  }
0x162: {  	[sflag:s18] =	ssyncset.done $0x0  }
0x163: {  	[sflag:s18] =	ssyncadd.s32 $0xFFFFE400  }
0x164: {  	s1 =	stileid.u32  }
0x165: {  	[bflag:$0x0] =	sbarrier.arrive $0xFFFF;
	s1 =	sshll.u32 s1, $0x6  }
0x166: {  	s11 =	sshrl.u32 s10, $0x3;
	s19 =	rddreg [dreg:$0x7];
	s1 =	sor.u32 $0x1C05, s1  }
0x167: {  	[hbm:s19], [sflag:s1] =	dma.local [spmem:s11], $0x2800  }
0x168: {  	_ =	swait.ge [sflag:s26], $0x2800  }
0x169: {  	[sflag:s26] =	ssyncset.done $0x0;
	s19 =	rddreg [dreg:$0x6]  }
0x16a: {  	s20 =	rddreg [dreg:$0x8];
	[sflag:s26] =	ssyncadd.s32 $0xFFFFD800;
	s22 =	sshrl.u32 s19, $0x3  }
0x16b: {  	[hbm:s20], [sflag:s1] =	dma.local [spmem:s22], $0x500  }
0x16c: {  	_ =	swait.ge [sflag:s26], $0x500  }
0x16d: {  	s23 =	rddreg [dreg:$0x13]  }
0x16e: {  	s24 =	rddreg [dreg:$0x9];
	s11 =	sadd.s32 $0x1, s23  }
0x16f: {  	p0 =	sne.s32 s11, s24  }
.Ltmp4:
0x170: {  	_ = 	snop;
	(pc) =	sbr.rel @p0 .LBB2_1-.Ltmp4, $3  }
0x171: {  	_ =	sdelay $0x1  }
0x172: {  	[sflag:s26] =	ssyncset.done $0x0  }
0x173: {  	[sflag:s26] =	ssyncadd.s32 $0xFFFFFB00  }
0x174: {  	_ =	sfence.sel $0x180000  }
0x175: {  	[bflag:$0x0] =	sbarrier.arrive $0xFFFF  }
0x176: {  	_ =	strace $0x9000004D  }
0x177: {  	s0 =	stileid.u32;
	[bflag:$0x2] =	sbarrier.arrive $0xFFFF  }
0x178: {  	p0 =	sne.s32 s0, $0x0;
	s0 =	rddreg [dreg:$0x4]  }
0x179: {  	s0 =	sadd.s32 @!p0 $0x100000, s0  }
0x17a: {  	[sflag:s0] =	ssyncadd.tile.s32 @!p0 $0x1;
	_ =	shalt  }
.Lfunc_end2:
_tile_overlayer_lowered:
.L_overlay_start_2:
0x17b: {  	(tag) =	ssettag $0x2  }
0x17c: {  	s0 =	rddreg [dreg:$0x0];
	s2 =	stileid.u32  }
0x17d: {  	s1 =	rddreg [dreg:$0x1];
	p0 =	sne.s32 s2, $0x0  }
0x17e: {  	s3 =	rddreg [dreg:$0x2];
	[bflag:$0x3] =	sbarrier.arrive $0xFFFF;
	s2 =	simm.s32 @!p0 $0x1C05  }
0x17f: {  	[timem:s3], [sflag:s2] =	dma.local @!p0 [hbm:s0], s1  }
0x180: {  	s0 =	simm.s32 @!p0 $0x5  }
0x181: {  	_ =	swait.ge @!p0 [sflag:s0], s1  }
0x182: {  	s1 =	ssub.s32 @!p0 $0x0, s1;
	[sflag:s0] =	ssyncset.done @!p0 $0x0  }
0x183: {  	[sflag:s0] =	ssyncadd.s32 @!p0 s1  }
0x184: {  	[bflag:$0x3] =	sbarrier.arrive $0xFFFF  }
0x185: {  	_ =	shalt  }

// kernel: kernel.9.cloned.1.call-start
scs
__scs_entry_jumppad:
0x0: {  	(pc) =	sbr.rel $0x88, $3  }
0x1: {  	(tag) =	ssettag $0x0;
	lr =	simm.s32 $0x1  }
0x2: {  	[smem:$0x3F8F] =	sst lr;
	_ =	strace $0xD0000000  }
0x3: {  	_ = 	snop  }
0x4: {  	_ = 	snop  }
0x5: {  	_ = 	snop  }
0x6: {  	_ = 	snop  }
0x7: {  	_ = 	snop  }
__scs_overlays_trampoline_lowered:
0x8: {  	[smem:$0x3F9E] =	sst s0  }
0x9: {  	[smem:$0x3F9F] =	sst s1  }
0xa: {  	[smem:$0x3FA0] =	sst s2  }
0xb: {  	[smem:$0x3FA1] =	sst s3  }
0xc: {  	[smem:$0x3FA2] =	sst s4  }
0xd: {  	[smem:$0x3FA3] =	sst s5  }
0xe: {  	[smem:$0x3FA4] =	sst s6  }
0xf: {  	[smem:$0x3FA5] =	sst s7  }
0x10: {  	[smem:$0x3FA6] =	sst s8  }
0x11: {  	[smem:$0x3FA7] =	sst s9;
	s0 =	simm.s32 @!p0 $0x0  }
0x12: {  	s1 =	sld [smem:$0x3F8D];
	s0 =	simm.s32 @p0 $0x1  }
0x13: {  	[smem:$0x3FA8] =	sst s0;
	s0 =	simm.s32 @!p1 $0x0  }
0x14: {  	s2 =	sld [smem:$0x3F8C];
	s0 =	simm.s32 @p1 $0x1  }
0x15: {  	[smem:$0x3FA9] =	sst s0;
	s0 =	simm.s32 @!p2 $0x0  }
0x16: {  	s3 =	sld [smem:$0x3FDB];
	s0 =	simm.s32 @p2 $0x1  }
0x17: {  	s4 =	simm.s32 $0x1BF5;
	[smem:$0x3FAB] =	sst s0  }
0x18: {  	s0 =	sld [smem:$0x3F8E];
	_ =	swait.ge [sflag:s4], $0x0  }
0x19: {  	s7 =	sld [smem:$0x3F8F]  }
0x1a: {  	s8 =	sadd.s32 $0xFFFFE003, lr  }
0x1b: {  	s9 =	sadd.s32 $0xFFFFFEF7, lr;
	s5 =	simm.s32 $0xFFFFFFFF;
	p2 =	slt.u32 s8, $0xFFFFF086  }
0x1c: {  	p1 =	slt.u32 s9, $0xF7A;
	s5 =	simm.s32 @!p2 $0x0  }
0x1d: {  	s5 =	simm.s32 @p1 $0x1;
	p0 =	seq.s32 s7, s2  }
0x1e: {  	s7 =	smul.u32 @!p0 $0xF7A, s2;
	p2 =	seq.s32 @!p0 s5, $0x0  }
0x1f: {  	s9 =	smul.u32 $0xF7A, s1;
	s8 =	simm.s32 @!p0 $0x1BF5;
	p2 =	por !p2, p0  }
0x20: {  	[sflag:s8] =	ssyncset.s32 @!p0 $0xFFFFF086;
	s6 =	sadd.s32 @!p0 s3, s7;
	s7 =	simm.s32 @!p0 $0x108  }
0x21: {  	s3 =	sadd.s32 s3, s9;
	s6 =	sadd.s32 @!p0 $0x88, s6;
	s7 =	simm.s32 @p2 $0x1082  }
0x22: {  	[simem:s7], [sflag:s8] =	dma.local @!p0 [hbm:s6], $0xF7A  }
0x23: {  	s9 =	sor.u32 $0xD0000000, s2;
	s6 =	simm.s32 $0x108;
	_ =	swait.ge @!p0 [sflag:s8], $0x0  }
0x24: {  	s3 =	sadd.s32 $0x88, s3;
	s6 =	simm.s32 @!p1 $0x1082;
	[sflag:s4] =	ssyncset.s32 $0xFFFFF086  }
0x25: {  	[simem:s6], [sflag:s4] =	dma.local [hbm:s3], $0xF7A  }
0x26: {  	[smem:$0x3F8F] =	sst s1;
	(tag) =	ssettag s2;
	_ =	strace s9  }
0x27: {  	s1 =	sld [smem:$0x3F9F]  }
0x28: {  	s2 =	sld [smem:$0x3FA0]  }
0x29: {  	s4 =	sld [smem:$0x3FA2]  }
0x2a: {  	p0 =	seq.s32 s5, $0x0;
	s5 =	sld [smem:$0x3FA3]  }
0x2b: {  	s6 =	sld [smem:$0x3FA4]  }
0x2c: {  	s7 =	sld [smem:$0x3FA5]  }
0x2d: {  	s3 =	simm.s32 $0x108;
	s8 =	sld [smem:$0x3FA6]  }
0x2e: {  	s3 =	simm.s32 @!p0 $0x1082;
	s9 =	sld [smem:$0x3FA7]  }
0x2f: {  	lr =	sadd.s32 s0, s3;
	s0 =	sld [smem:$0x3F9E]  }
0x30: {  	s3 =	sld [smem:$0x3FA1]  }
0x31: {  	[smem:$0x3FAA] =	sst s10  }
0x32: {  	s10 =	sld [smem:$0x3FA8];
	_ =	sdelay $0x3  }
0x33: {  	p0 =	seq.s32 s10, $0x1;
	s10 =	sld [smem:$0x3FAA];
	_ =	sdelay $0x3  }
0x34: {  	[smem:$0x3FAA] =	sst s10  }
0x35: {  	s10 =	sld [smem:$0x3FA9];
	_ =	sdelay $0x3  }
0x36: {  	p1 =	seq.s32 s10, $0x1;
	s10 =	sld [smem:$0x3FAA];
	_ =	sdelay $0x3  }
0x37: {  	[smem:$0x3FAA] =	sst s10  }
0x38: {  	s10 =	sld [smem:$0x3FAB]  }
0x39: {  	_ = 	snop;
	(pc) =	sbr.ind lr, $3  }
0x3a: {  	_ = 	snop  }
0x3b: {  	_ = 	snop  }
0x3c: {  	p2 =	seq.s32 s10, $0x1;
	s10 =	sld [smem:$0x3FAA]  }
0x3d: {  	_ =	shalt  }
0x3e: {  	_ =	shalt  }
0x3f: {  	_ =	shalt  }
0x40: {  	_ =	shalt  }
0x41: {  	_ =	shalt  }
0x42: {  	_ =	shalt  }
0x43: {  	_ =	shalt  }
0x44: {  	_ =	shalt  }
0x45: {  	_ =	shalt  }
0x46: {  	_ =	shalt  }
0x47: {  	_ =	shalt  }
0x48: {  	_ =	shalt  }
0x49: {  	_ =	shalt  }
0x4a: {  	_ =	shalt  }
0x4b: {  	_ =	shalt  }
0x4c: {  	_ =	shalt  }
0x4d: {  	_ =	shalt  }
0x4e: {  	_ =	shalt  }
0x4f: {  	_ =	shalt  }
0x50: {  	_ =	shalt  }
0x51: {  	_ =	shalt  }
0x52: {  	_ =	shalt  }
0x53: {  	_ =	shalt  }
0x54: {  	_ =	shalt  }
0x55: {  	_ =	shalt  }
0x56: {  	_ =	shalt  }
0x57: {  	_ =	shalt  }
0x58: {  	_ =	shalt  }
0x59: {  	_ =	shalt  }
0x5a: {  	_ =	shalt  }
0x5b: {  	_ =	shalt  }
0x5c: {  	_ =	shalt  }
0x5d: {  	_ =	shalt  }
0x5e: {  	_ =	shalt  }
0x5f: {  	_ =	shalt  }
0x60: {  	_ =	shalt  }
0x61: {  	_ =	shalt  }
0x62: {  	_ =	shalt  }
0x63: {  	_ =	shalt  }
0x64: {  	_ =	shalt  }
0x65: {  	_ =	shalt  }
0x66: {  	_ =	shalt  }
0x67: {  	_ =	shalt  }
0x68: {  	_ =	shalt  }
0x69: {  	_ =	shalt  }
0x6a: {  	_ =	shalt  }
0x6b: {  	_ =	shalt  }
0x6c: {  	_ =	shalt  }
0x6d: {  	_ =	shalt  }
0x6e: {  	_ =	shalt  }
0x6f: {  	_ =	shalt  }
0x70: {  	_ =	shalt  }
0x71: {  	_ =	shalt  }
0x72: {  	_ =	shalt  }
0x73: {  	_ =	shalt  }
0x74: {  	_ =	shalt  }
0x75: {  	_ =	shalt  }
0x76: {  	_ =	shalt  }
0x77: {  	_ =	shalt  }
0x78: {  	_ =	shalt  }
0x79: {  	_ =	shalt  }
0x7a: {  	_ =	shalt  }
0x7b: {  	_ =	shalt  }
0x7c: {  	_ =	shalt  }
0x7d: {  	_ =	shalt  }
0x7e: {  	_ =	shalt  }
0x7f: {  	_ =	shalt  }
0x80: {  	_ =	shalt  }
0x81: {  	_ =	shalt  }
0x82: {  	_ =	shalt  }
0x83: {  	_ =	shalt  }
0x84: {  	_ =	shalt  }
0x85: {  	_ =	shalt  }
0x86: {  	_ =	shalt  }
0x87: {  	_ =	shalt  }
.Lfunc_end0:
.L_simem_size_0:
called_computation_lowered:
.L_overlay_start_0:
0x88: {  	s2 =	sld [smem:$0x3FD9]  }
0x89: {  	s3 =	sld [smem:$0x3FFE];
	_ =	sdelay $0x1  }
0x8a: {  	s1 =	srdreg.scid  }
0x8b: {  	s0 =	sand.u32 $0x1, s1  }
0x8c: {  	s17 =	sshll.u32 s0, $0xA;
	s2 =	sadd.s32 s3, s2  }
0x8d: {  	s2 =	sadd.s32 s2, s17  }
0x8e: {  	[smem:$0x3FB6] =	sst s2  }
0x8f: {  	_ = 	snop  }
0x90: {  	s2 =	sld [smem:$0x3FD0];
	(tm) =	ssettm $0x1  }
0x91: {  	s18 =	sld [smem:$0x3FFB];
	_ =	sdelay $0x3  }
0x92: {  	_ =	strace s18  }
0x93: {  	s3 =	sld [smem:$0x3FFC];
	_ =	sdelay $0x3  }
0x94: {  	_ =	strace s3  }
0x95: {  	s3 =	sld [smem:$0x3FFD];
	_ =	sdelay $0x3  }
0x96: {  	_ =	strace s3  }
0x97: {  	_ =	strace $0x8FFFFFFF  }
0x98: {  	s19 =	sld [smem:$0x3FDB];
	_ =	sdelay $0x1  }
0x99: {  	s4 =	simm.s32 $_scs_section_size  }
0x9a: {  	s5 =	simm.s32 $_size__tile_overlayer_lowered;
	s6 =	simm.s32 $_tile_overlayer_lowered  }
0x9b: {  	s22 =	simm.s32 $0x1BFF;
	s21 =	sshll.u32 s6, $0x1;
	s3 =	sadd.s32 s4, s19  }
0x9c: {  	s7 =	simm.s32 $0x0;
	s20 =	sshll.u32 s5, $0x1;
	s5 =	sadd.s32 s21, s3  }
0x9d: {  	[timem:s7], [sflag:s22] =	dma.local [hbm:s5], s20  }
0x9e: {  	_ =	swait.ge [sflag:s22], s20  }
0x9f: {  	s4 =	ssub.s32 $0x0, s20;
	[sflag:s22] =	ssyncset.done $0x0  }
0xa0: {  	[sflag:s22] =	ssyncadd.s32 s4;
	_ =	sdelay $0x1  }
0xa1: {  	s23 =	simm.s32 $0x1B8B  }
0xa2: {  	_ =	swait.ge [sflag:s23], $0x1  }
0xa3: {  	[sflag:s23] =	ssyncset.done $0x0  }
0xa4: {  	s25 =	simm.s32 $0x1B8E;
	s24 =	sld [smem:$0x3FFE];
	[sflag:s23] =	ssyncadd.s32 $0xFFFFFFFF  }
0xa5: {  	s26 =	simm.s32 $execute0_lowered;
	[smem:$0x3FD2] =	sst s25  }
0xa6: {  	s5 =	sshll.u32 s26, $0x1;
	_ =	strace $0x80000046;
	[dreg:$0x1] =	wrdreg $0xFFFFFFFF  }
0xa7: {  	s28 =	simm.s32 $_size_execute0_lowered;
	s3 =	sadd.s32 s3, s5;
	[dreg:$0x0] =	wrdreg $0x0  }
0xa8: {  	s5 =	sshll.u32 s28, $0x1;
	[dreg:$0x2] =	wrdreg s3  }
0xa9: {  	[dreg:$0x3] =	wrdreg s5  }
0xaa: {  	[dreg:$0x4] =	wrdreg $0xC0  }
0xab: {  	_ =	task [dreg:s7], $0x5FFFF  }
0xac: {  	[dreg:$0x1] =	wrdreg $0xFFFFFFFF  }
0xad: {  	[dreg:$0x0] =	wrdreg $0x60  }
0xae: {  	[dreg:$0x2] =	wrdreg s2  }
0xaf: {  	[dreg:$0x3] =	wrdreg s24  }
0xb0: {  	[dreg:$0x4] =	wrdreg $0x0  }
0xb1: {  	[dreg:$0x5] =	wrdreg $0x140000  }
0xb2: {  	[dreg:$0x6] =	wrdreg $0x9  }
0xb3: {  	_ =	task.clear_ibuf [dreg:s7], $0x7FFFF;
	_ =	strace $0x90000046  }
0xb4: {  	s29 =	simm.s32 $0x9;
	_ =	strace $0x80000048  }
0xb5: {  	_ =	swait.ge [sflag:s29], $0x1  }
0xb6: {  	[sflag:s29] =	ssyncadd.s32 $0xFFFFFFFF  }
0xb7: {  	_ =	strace $0x90000048  }
0xb8: {  	_ =	sfence  }
0xb9: {  	s30 =	sld [smem:$0x0];
	_ =	sdelay $0x2  }
0xba: {  	s31 =	sshll.u32 s1, $0xD;
	s1 =	sshrl.u32 s1, $0x2  }
0xbb: {  	s3 =	sand.u32 $0x4000, s31;
	s1 =	sadd.s32 s1, s30  }
0xbc: {  	s0 =	sor.u32 s3, s0;
	s1 =	sshll.u32 s1, $0x11  }
0xbd: {  	s0 =	sor.u32 s1, s0  }
0xbe: {  	s0 =	sadd.s32 $0x8F2B, s0  }
0xbf: {  	[sflag:s0] =	ssyncadd.remote.s32 $0x1  }
0xc0: {  	_ =	sfence.sel $0xFFFF  }
0xc1: {  	[dreg:$0x0] =	wrdreg $0xFFFFFFFF;
	(pc) =	sbr.abs _section_cstart, $3  }
0xc2: {  	[dreg:$0x1] =	wrdreg $0xFFFFFFFF  }
0xc3: {  	_ =	task.clear_ibuf [dreg:s7], $0x2FFFF;
	_ =	strace $0x9FFFFFFF  }
0xc4: {  	(tm) =	ssettm $0x7FFFFFFF  }
0xc5: {  	_ =	shalt  }
tec
execute0_lowered:
.L_overlay_start_1:
0x0: {  	(tag) =	ssettag $0x1  }
0x1: {  	s0 =	rddreg [dreg:$0x1]  }
0x2: {  	s2 =	rddreg [dreg:$0x2]  }
0x3: {  	s3 =	rddreg [dreg:$0x3]  }
0x4: {  	s1 =	srdreg.scid;
	s14 =	stileid.u32  }
0x5: {  	s5 =	simm.s32 $0x0;
	s29 =	simm.s32 $0x16800;
	s8 =	smul.u32 $0x14000, s14  }
0x6: {  	s30 =	simm.s32 $0x38;
	s31 =	simm.s32 $0x16A00;
	s10 =	smul.u32 $0x2800, s14  }
0x7: {  	s28 =	simm.s32 $0x18600;
	s1 =	sand.u32 $0x1, s1;
	s25 =	smul.u32 $0x50000, s14  }
0x8: {  	[smem:$0x7FF] =	sst s5;
	s6 =	sadd.s32 $0x7F600, s0;
	s13 =	smul.u32 $0xA000, s14  }
0x9: {  	s7 =	sadd.s32 $0x2F400, s0;
	s11 =	sadd.s32 $0x7F400, s0;
	s4 =	smul.u32 $0x140000, s1  }
0xa: {  	s14 =	sshll.u32 s14, $0x1;
	_ =	strace $0x80000047;
	s9 =	smul.u32 $0x28000, s1  }
0xb: {  	[dreg:$0x5] =	wrdreg s11;
	s24 =	ssub.s32 $0x2, s1;
	s1 =	sor.u32 s1, s14  }
0xc: {  	s14 =	simm.s32 $0x1;
	s12 =	sshrl.u32 s24, $0x1;
	s13 =	sshrl.u32 s13, $0x2  }
0xd: {  	s11 =	simm.s32 $0x0;
	s26 =	ssub.s32 s24, s12;
	s19 =	sadd.s32 s13, s3  }
0xe: {  	s4 =	sadd.s32 s8, s4;
	s16 =	smax.u32 s26, $0x1;
	[dreg:$0x6] =	wrdreg s19  }
0xf: {  	s8 =	sadd.s32 $0x57400, s0;
	s17 =	sadd.s32 $0x400, s19;
	[dreg:$0x9] =	wrdreg s16  }
0x10: {  	s9 =	sadd.s32 s10, s9;
	s18 =	sadd.s32 $0x800, s19;
	[dreg:$0xa] =	wrdreg s17  }
0x11: {  	s12 =	sshrl.u32 s25, $0x2;
	s20 =	sadd.s32 $0xC00, s19;
	[dreg:$0xb] =	wrdreg s18  }
0x12: {  	s13 =	simm.s32 $0x1BE00;
	s21 =	sadd.s32 $0x1000, s19;
	[dreg:$0xc] =	wrdreg s20  }
0x13: {  	s4 =	sshrl.u32 s4, $0x3;
	s22 =	sadd.s32 $0x1400, s19;
	[dreg:$0xd] =	wrdreg s21  }
0x14: {  	s9 =	sshrl.u32 s9, $0x3;
	s23 =	sadd.s32 $0x1800, s19;
	[dreg:$0xe] =	wrdreg s22  }
0x15: {  	s10 =	sadd.s32 s12, s2;
	s24 =	sadd.s32 $0x1C00, s19;
	[dreg:$0xf] =	wrdreg s23  }
0x16: {  	s12 =	smul.u32 $0xB3, s1;
	s25 =	sadd.s32 $0x2000, s19;
	[dreg:$0x10] =	wrdreg s24  }
0x17: {  	s26 =	sadd.s32 $0x2400, s19;
	s4 =	sadd.s32 s4, s0;
	[dreg:$0x11] =	wrdreg s25  }
0x18: {  	s0 =	sadd.s32 s9, s0;
	[dreg:$0x12] =	wrdreg s26;
	s25 =	simm.s32 $0x1F680  }
0x19: {  	s26 =	simm.s32 $0x5;
	s9 =	simm.s32 $0x1A200;
	s16 =	simm.s32 $0x3  }
0x1a: {  	s17 =	simm.s32 $0x16900;
	s18 =	simm.s32 $0x4;
	s15 =	sadd.s32 $0x89800, s4  }
0x1b: {  	s0 =	sadd.s32 $0x7F800, s0;
	s4 =	simm.s32 $0x16980;
	[dreg:$0x7] =	wrdreg s15  }
0x1c: {  	v0 =	vimm.f32 $0.0e+00;
	[dreg:$0x8] =	wrdreg s0;
	s0 =	simm.s32 $0x16880;
	s15 =	simm.s32 $0x2  }
.LBB2_1:
0x1d: {  	[tilespmem:$0x1F680] =	vst v0  }
0x1e: {  	[tilespmem:$0x1F690] =	vst v0  }
0x1f: {  	[tilespmem:$0x1F6A0] =	vst v0  }
0x20: {  	[tilespmem:$0x1F6B0] =	vst v0  }
0x21: {  	[tilespmem:$0x1F6C0] =	vst v0  }
0x22: {  	[tilespmem:$0x1F6D0] =	vst v0  }
0x23: {  	[tilespmem:$0x1F6E0] =	vst v0  }
0x24: {  	[tilespmem:$0x1F6F0] =	vst v0  }
0x25: {  	[tilespmem:$0x1F700] =	vst v0  }
0x26: {  	[tilespmem:$0x1F710] =	vst v0  }
0x27: {  	[tilespmem:$0x1F720] =	vst v0  }
0x28: {  	[tilespmem:$0x1F730] =	vst v0  }
0x29: {  	[tilespmem:$0x1F740] =	vst v0  }
0x2a: {  	[tilespmem:$0x1F750] =	vst v0  }
0x2b: {  	[tilespmem:$0x1F760] =	vst v0  }
0x2c: {  	[tilespmem:$0x1F770] =	vst v0  }
0x2d: {  	[tilespmem:$0x1F780] =	vst v0  }
0x2e: {  	[tilespmem:$0x1F790] =	vst v0  }
0x2f: {  	[tilespmem:$0x1F7A0] =	vst v0  }
0x30: {  	[tilespmem:$0x1F7B0] =	vst v0  }
0x31: {  	[tilespmem:$0x1F7C0] =	vst v0  }
0x32: {  	[tilespmem:$0x1F7D0] =	vst v0  }
0x33: {  	[tilespmem:$0x1F7E0] =	vst v0  }
0x34: {  	[tilespmem:$0x1F7F0] =	vst v0  }
0x35: {  	[tilespmem:$0x1F800] =	vst v0  }
0x36: {  	[tilespmem:$0x1F810] =	vst v0  }
0x37: {  	[tilespmem:$0x1F820] =	vst v0  }
0x38: {  	[tilespmem:$0x1F830] =	vst v0  }
0x39: {  	[tilespmem:$0x1F840] =	vst v0  }
0x3a: {  	[tilespmem:$0x1F850] =	vst v0  }
0x3b: {  	[tilespmem:$0x1F860] =	vst v0  }
0x3c: {  	[tilespmem:$0x1F870] =	vst v0  }
0x3d: {  	[tilespmem:$0x1F880] =	vst v0  }
0x3e: {  	[tilespmem:$0x1F890] =	vst v0  }
0x3f: {  	[tilespmem:$0x1F8A0] =	vst v0  }
0x40: {  	[tilespmem:$0x1F8B0] =	vst v0  }
0x41: {  	[tilespmem:$0x1F8C0] =	vst v0  }
0x42: {  	[tilespmem:$0x1F8D0] =	vst v0  }
0x43: {  	[tilespmem:$0x1F8E0] =	vst v0  }
0x44: {  	[tilespmem:$0x1F8F0] =	vst v0  }
0x45: {  	[tilespmem:$0x1F900] =	vst v0  }
0x46: {  	[tilespmem:$0x1F910] =	vst v0  }
0x47: {  	[tilespmem:$0x1F920] =	vst v0  }
0x48: {  	[tilespmem:$0x1F930] =	vst v0  }
0x49: {  	[tilespmem:$0x1F940] =	vst v0  }
0x4a: {  	[tilespmem:$0x1F950] =	vst v0  }
0x4b: {  	[tilespmem:$0x1F960] =	vst v0  }
0x4c: {  	[tilespmem:$0x1F970] =	vst v0  }
0x4d: {  	[tilespmem:$0x1F980] =	vst v0  }
0x4e: {  	[tilespmem:$0x1F990] =	vst v0  }
0x4f: {  	[tilespmem:$0x1F9A0] =	vst v0  }
0x50: {  	[tilespmem:$0x1F9B0] =	vst v0  }
0x51: {  	[tilespmem:$0x1F9C0] =	vst v0  }
0x52: {  	[tilespmem:$0x1F9D0] =	vst v0  }
0x53: {  	[tilespmem:$0x1F9E0] =	vst v0  }
0x54: {  	[tilespmem:$0x1F9F0] =	vst v0  }
0x55: {  	[tilespmem:$0x1FA00] =	vst v0  }
0x56: {  	[tilespmem:$0x1FA10] =	vst v0  }
0x57: {  	[tilespmem:$0x1FA20] =	vst v0  }
0x58: {  	[tilespmem:$0x1FA30] =	vst v0  }
0x59: {  	[tilespmem:$0x1FA40] =	vst v0  }
0x5a: {  	[tilespmem:$0x1FA50] =	vst v0  }
0x5b: {  	[tilespmem:$0x1FA60] =	vst v0  }
0x5c: {  	[dreg:$0x13] =	wrdreg s11;
	[tilespmem:$0x1FA70] =	vst v0;
	s1 =	sadd.s32 $0x0, s10  }
0x5d: {  	[spmem:s1] =	stream.linear.scatter [tilespmem:s25], [sflag:$0x5], $0x400, $0x38;
	[tilespmem:$0x1FA80] =	vst v63  }
0x5e: {  	s1 =	simm.s32 $0x1000;
	_ =	swait.ge [sflag:s26], $0x400  }
.LBB2_2:
0x5f: {  	s11 =	sshra.s32 s1, $0x2;
	[sflag:s26] =	ssyncset.done $0x0;
	p0 =	seq.s32 s1, $0x4F000  }
.Ltmp0:
0x60: {  	s11 =	sadd.s32 s11, s10;
	[sflag:s26] =	ssyncadd.s32 $0xFFFFFC00;
	(pc) =	sbr.rel @!p0 .LBB2_2-.Ltmp0, $3  }
0x61: {  	[spmem:s11] =	stream.linear.scatter [tilespmem:s25], [sflag:$0x5], $0x400, $0x38;
	[tilespmem:$0x1FA80] =	vst v63  }
0x62: {  	s1 =	sadd.s32 $0x1000, s1;
	_ =	sdelay $0x1  }
0x63: {  	_ =	swait.ge [sflag:s26], $0x400  }
0x64: {  	[sflag:s26] =	ssyncset.done $0x0  }
0x65: {  	[sflag:s26] =	ssyncadd.s32 $0xFFFFFC00  }
0x66: {  	[spmem:s19] =	stream.linear.scatter [tilespmem:s25], [sflag:$0x5], $0x400, $0x38;
	[tilespmem:$0x1FA80] =	vst v63  }
0x67: {  	_ =	swait.ge [sflag:s26], $0x400  }
0x68: {  	[sflag:s26] =	ssyncset.done $0x0  }
0x69: {  	s1 =	rddreg [dreg:$0xa];
	[sflag:s26] =	ssyncadd.s32 $0xFFFFFC00  }
0x6a: {  	[spmem:s1] =	stream.linear.scatter [tilespmem:s25], [sflag:$0x5], $0x400, $0x38;
	[tilespmem:$0x1FA80] =	vst v63  }
0x6b: {  	_ =	swait.ge [sflag:s26], $0x400  }
0x6c: {  	[sflag:s26] =	ssyncset.done $0x0  }
0x6d: {  	s23 =	rddreg [dreg:$0xb];
	[sflag:s26] =	ssyncadd.s32 $0xFFFFFC00  }
0x6e: {  	[spmem:s23] =	stream.linear.scatter [tilespmem:s25], [sflag:$0x5], $0x400, $0x38;
	[tilespmem:$0x1FA80] =	vst v63  }
0x6f: {  	_ =	swait.ge [sflag:s26], $0x400  }
0x70: {  	[sflag:s26] =	ssyncset.done $0x0  }
0x71: {  	s24 =	rddreg [dreg:$0xc];
	[sflag:s26] =	ssyncadd.s32 $0xFFFFFC00  }
0x72: {  	[spmem:s24] =	stream.linear.scatter [tilespmem:s25], [sflag:$0x5], $0x400, $0x38;
	[tilespmem:$0x1FA80] =	vst v63  }
0x73: {  	_ =	swait.ge [sflag:s26], $0x400  }
0x74: {  	[sflag:s26] =	ssyncset.done $0x0  }
0x75: {  	s11 =	rddreg [dreg:$0xd];
	[sflag:s26] =	ssyncadd.s32 $0xFFFFFC00  }
0x76: {  	[spmem:s11] =	stream.linear.scatter [tilespmem:s25], [sflag:$0x5], $0x400, $0x38;
	[tilespmem:$0x1FA80] =	vst v63  }
0x77: {  	_ =	swait.ge [sflag:s26], $0x400  }
0x78: {  	[sflag:s26] =	ssyncset.done $0x0  }
0x79: {  	s19 =	rddreg [dreg:$0xe];
	[sflag:s26] =	ssyncadd.s32 $0xFFFFFC00  }
0x7a: {  	[spmem:s19] =	stream.linear.scatter [tilespmem:s25], [sflag:$0x5], $0x400, $0x38;
	[tilespmem:$0x1FA80] =	vst v63  }
0x7b: {  	_ =	swait.ge [sflag:s26], $0x400  }
0x7c: {  	[sflag:s26] =	ssyncset.done $0x0  }
0x7d: {  	s20 =	rddreg [dreg:$0xf];
	[sflag:s26] =	ssyncadd.s32 $0xFFFFFC00  }
0x7e: {  	[spmem:s20] =	stream.linear.scatter [tilespmem:s25], [sflag:$0x5], $0x400, $0x38;
	[tilespmem:$0x1FA80] =	vst v63  }
0x7f: {  	_ =	swait.ge [sflag:s26], $0x400  }
0x80: {  	[sflag:s26] =	ssyncset.done $0x0  }
0x81: {  	s21 =	rddreg [dreg:$0x10];
	[sflag:s26] =	ssyncadd.s32 $0xFFFFFC00  }
0x82: {  	[spmem:s21] =	stream.linear.scatter [tilespmem:s25], [sflag:$0x5], $0x400, $0x38;
	[tilespmem:$0x1FA80] =	vst v63  }
0x83: {  	_ =	swait.ge [sflag:s26], $0x400  }
0x84: {  	[sflag:s26] =	ssyncset.done $0x0  }
0x85: {  	s22 =	rddreg [dreg:$0x11];
	[sflag:s26] =	ssyncadd.s32 $0xFFFFFC00  }
0x86: {  	[spmem:s22] =	stream.linear.scatter [tilespmem:s25], [sflag:$0x5], $0x400, $0x38;
	[tilespmem:$0x1FA80] =	vst v63  }
0x87: {  	_ =	swait.ge [sflag:s26], $0x400  }
0x88: {  	[sflag:s26] =	ssyncset.done $0x0  }
0x89: {  	s23 =	rddreg [dreg:$0x12];
	[sflag:s26] =	ssyncadd.s32 $0xFFFFFC00  }
0x8a: {  	[spmem:s23] =	stream.linear.scatter [tilespmem:s25], [sflag:$0x5], $0x400, $0x38;
	[tilespmem:$0x1FA80] =	vst v63  }
0x8b: {  	_ =	swait.ge [sflag:s26], $0x400  }
0x8c: {  	s11 =	simm.s32 $0x1F600;
	[sflag:s26] =	ssyncset.done $0x0  }
0x8d: {  	s20 =	simm.s32 $0x0;
	s24 =	rddreg [dreg:$0x5];
	[sflag:s26] =	ssyncadd.s32 $0xFFFFFC00  }
0x8e: {  	[tilespmem:s11], [sflag:$0x5] =	stream.linear.gather [hbm4b:s24+s20], $0x80, $0x38;
	[tilespmem:$0x1FA80] =	vst v63  }
0x8f: {  	_ =	swait.ge [sflag:s26], $0x80  }
0x90: {  	[sflag:s26] =	ssyncset.done $0x0  }
0x91: {  	[sflag:s26] =	ssyncadd.s32 $0xFFFFFF80  }
0x92: {  	[bflag:$0x0] =	sbarrier.arrive $0xFFFF  }
0x93: {  	v1 =	vld [tilespmem:$0x1F600]  }
.LBB2_4:
0x94: {  	s1 =	sadd.s32 s12, s20  }
0x95: {  	s11 =	rddreg [dreg:$0x0];
	s1 =	sshll.u32 s1, $0x6  }
0x96: {  	s1 =	sadd.s32 s11, s1  }
0x97: {  	[tilespmem:s29], [sflag:$0x5] =	stream.linear.gather [hbm4b:s1+s5], $0x200, $0x38;
	[tilespmem:$0x1FA80] =	vst v63  }
0x98: {  	_ =	swait.ge [sflag:s26], $0x200  }
0x99: {  	[sflag:s26] =	ssyncset.done $0x0  }
0x9a: {  	[sflag:s26] =	ssyncadd.s32 $0xFFFFFE00  }
0x9b: {  	[tilespmem:s31], [sflag:$0x1] =	stream.indirect.gather [hbm4b:s8+s30], $0x80, s29, s30, $0xb8;
	[tilespmem:$0x1FA80] =	vst v63  }
0x9c: {  	_ = 	snop  }
0x9d: {  	[tilespmem:s28], [sflag:$0x2] =	stream.indirect.gather [hbm4b:s8+s30], $0x80, s0, s30, $0xb8;
	[tilespmem:$0x1FA80] =	vst v63  }
0x9e: {  	_ = 	snop  }
0x9f: {  	[tilespmem:s9], [sflag:$0x3] =	stream.indirect.gather [hbm4b:s6+s30], $0x80, s4, s30, $0xb8;
	[tilespmem:$0x1FA80] =	vst v63  }
0xa0: {  	_ = 	snop  }
0xa1: {  	[tilespmem:s13], [sflag:$0x4] =	stream.indirect.gather [hbm4b:s7+s30], $0x80, s29, s30, $0xb8;
	[tilespmem:$0x1FA80] =	vst v63  }
0xa2: {  	_ =	swait.ge [sflag:s14], $0x1C00  }
0xa3: {  	[sflag:s14] =	ssyncset.done $0x0  }
0xa4: {  	[sflag:s14] =	ssyncadd.s32 $0xFFFFE400  }
0xa5: {  	_ =	swait.ge [sflag:s15], $0x1C00  }
0xa6: {  	[sflag:s15] =	ssyncset.done $0x0  }
0xa7: {  	[sflag:s15] =	ssyncadd.s32 $0xFFFFE400  }
0xa8: {  	_ =	swait.ge [sflag:s16], $0x1C00  }
0xa9: {  	[sflag:s16] =	ssyncset.done $0x0  }
0xaa: {  	s23 =	simm.s32 $0x18690;
	[sflag:s16] =	ssyncadd.s32 $0xFFFFE400  }
0xab: {  	s24 =	simm.s32 $0x16A80;
	v2 =	vld [tilespmem:s23+$0xFFFFFF80]  }
0xac: {  	v3 =	vld [tilespmem:s24+$0xFFFFFF80];
	_ =	sdelay $0x4  }
0xad: {  	v4 =	vadd.f32 v2, v1;
	v2 =	vadd.f32 v2, v3;
	_ =	sdelay $0x1  }
0xae: {  	v3 =	vmul.f32 $2.000000030e-01, v4;
	v5 =	vmul.f32 $2.000000030e-01, v2;
	_ =	sdelay $0x1  }
0xaf: {  	v3 =	vmax.f32 v4, v3;
	v2 =	vmax.f32 v2, v5  }
0xb0: {  	v2 =	vsub.f32 v2, v3;
	_ =	sdelay $0x1  }
0xb1: {  	v2 =	vmul.f32 $1.442695020e+00, v2;
	_ =	sdelay $0x1  }
0xb2: {  	(erf) = vpow2.f32 v2;
	_ =	sdelay $0x8  }
0xb3: {  	s21 =	simm.s32 $0x1DA80;
	v2 =	vpop (erf)  }
0xb4: {  	s22 =	simm.s32 $0x1A280;
	[tilespmem:s21+$0xFFFFFF80] =	vst v2  }
0xb5: {  	v3 =	vld [tilespmem:s22+$0xFFFFFFF0]  }
0xb6: {  	v58 =	vld [tilespmem:s22+$0xFFFFFFA0]  }
0xb7: {  	v59 =	vld [tilespmem:s22+$0xFFFFFFB0]  }
0xb8: {  	v7 =	vld [tilespmem:s22+$0xFFFFFFC0]  }
0xb9: {  	v6 =	vld [tilespmem:s22+$0xFFFFFFE0]  }
0xba: {  	v8 =	vld [tilespmem:s22+$0xFFFFFF90];
	v3 =	vmul.f32 v3, v2  }
0xbb: {  	v9 =	vld [tilespmem:s22+$0xFFFFFF80];
	v4 =	vmul.f32 v2, v58  }
0xbc: {  	v10 =	vld [tilespmem:s22+$0xFFFFFFD0];
	v5 =	vmul.f32 v59, v2;
	[tilespmem:s22+$0xFFFFFFF0] =	vst v3  }
0xbd: {  	v60 =	vmul.f32 v7, v2;
	[tilespmem:s22+$0xFFFFFFA0] =	vst v4  }
0xbe: {  	v3 =	vmul.f32 v6, v2;
	[tilespmem:s22+$0xFFFFFFB0] =	vst v5  }
0xbf: {  	v61 =	vmul.f32 v2, v8;
	[tilespmem:s22+$0xFFFFFFC0] =	vst v60  }
0xc0: {  	[tilespmem:s22+$0xFFFFFFE0] =	vst v3;
	v3 =	vmul.f32 v2, v9  }
0xc1: {  	[tilespmem:s22+$0xFFFFFF90] =	vst v61;
	v2 =	vmul.f32 v10, v2  }
0xc2: {  	[tilespmem:s22+$0xFFFFFF80] =	vst v3  }
0xc3: {  	[tilespmem:s22+$0xFFFFFFD0] =	vst v2  }
0xc4: {  	v2 =	vld [tilespmem:s24+$0x0]  }
0xc5: {  	v3 =	vld [tilespmem:s23+$0x0];
	_ =	sdelay $0x4  }
0xc6: {  	v2 =	vadd.f32 v3, v2;
	v3 =	vadd.f32 v3, v1;
	_ =	sdelay $0x1  }
0xc7: {  	v62 =	vmul.f32 $2.000000030e-01, v2;
	v63 =	vmul.f32 $2.000000030e-01, v3;
	_ =	sdelay $0x1  }
0xc8: {  	v2 =	vmax.f32 v2, v62;
	v3 =	vmax.f32 v3, v63  }
0xc9: {  	v2 =	vsub.f32 v2, v3;
	_ =	sdelay $0x1  }
0xca: {  	v2 =	vmul.f32 $1.442695020e+00, v2;
	_ =	sdelay $0x1  }
0xcb: {  	(erf) = vpow2.f32 v2;
	_ =	sdelay $0x6  }
0xcc: {  	s19 =	simm.s32 $0x1DA80;
	s11 =	simm.s32 $0x16B80  }
0xcd: {  	s1 =	simm.s32 $0x18790;
	s24 =	simm.s32 $0x0;
	s23 =	simm.s32 $0x1A280  }
.LBB2_5:
0xce: {  	s24 =	sadd.s32 $0x2, s24;
	s22 =	sadd.s32 $0x100, s22;
	s21 =	sadd.s32 $0x100, s21;
	v2 =	vpop (erf)  }
0xcf: {  	p0 =	slt.u32 s24, $0x36;
	[tilespmem:s19+$0x0] =	vst v2;
	s19 =	smov.u32 s21  }
0xd0: {  	v3 =	vld [tilespmem:s23+$0x0]  }
0xd1: {  	v4 =	vld [tilespmem:s23+$0x10]  }
0xd2: {  	v5 =	vld [tilespmem:s23+$0x20]  }
0xd3: {  	v6 =	vld [tilespmem:s23+$0x30]  }
0xd4: {  	v7 =	vld [tilespmem:s23+$0x40]  }
0xd5: {  	v3 =	vmul.f32 v2, v3;
	v8 =	vld [tilespmem:s23+$0x50]  }
0xd6: {  	v4 =	vmul.f32 v2, v4;
	v9 =	vld [tilespmem:s23+$0x60]  }
0xd7: {  	[tilespmem:s23+$0x0] =	vst v3;
	v3 =	vmul.f32 v2, v5;
	v5 =	vld [tilespmem:s23+$0x70]  }
0xd8: {  	[tilespmem:s23+$0x10] =	vst v4;
	v4 =	vmul.f32 v6, v2  }
0xd9: {  	[tilespmem:s23+$0x20] =	vst v3;
	v3 =	vmul.f32 v7, v2  }
0xda: {  	[tilespmem:s23+$0x30] =	vst v4;
	v4 =	vmul.f32 v8, v2  }
0xdb: {  	[tilespmem:s23+$0x40] =	vst v3;
	v3 =	vmul.f32 v9, v2  }
0xdc: {  	[tilespmem:s23+$0x50] =	vst v4;
	v2 =	vmul.f32 v5, v2  }
0xdd: {  	[tilespmem:s23+$0x60] =	vst v3  }
0xde: {  	[tilespmem:s23+$0x70] =	vst v2;
	s23 =	smov.u32 s22  }
0xdf: {  	v2 =	vld [tilespmem:s1+$0xFFFFFF80]  }
0xe0: {  	v3 =	vld [tilespmem:s11+$0xFFFFFF80];
	_ =	sdelay $0x3  }
0xe1: {  	v4 =	vadd.f32 v2, v1  }
0xe2: {  	v2 =	vadd.f32 v2, v3  }
0xe3: {  	v3 =	vmul.f32 $2.000000030e-01, v4  }
0xe4: {  	v5 =	vmul.f32 $2.000000030e-01, v2  }
0xe5: {  	v3 =	vmax.f32 v4, v3  }
0xe6: {  	v2 =	vmax.f32 v2, v5  }
0xe7: {  	v2 =	vsub.f32 v2, v3;
	_ =	sdelay $0x1  }
0xe8: {  	v2 =	vmul.f32 $1.442695020e+00, v2;
	_ =	sdelay $0x1  }
0xe9: {  	(erf) = vpow2.f32 v2;
	_ =	sdelay $0x8  }
0xea: {  	v2 =	vpop (erf)  }
0xeb: {  	[tilespmem:s21+$0xFFFFFF80] =	vst v2  }
0xec: {  	v3 =	vld [tilespmem:s22+$0xFFFFFFF0]  }
0xed: {  	v4 =	vld [tilespmem:s22+$0xFFFFFFA0]  }
0xee: {  	v5 =	vld [tilespmem:s22+$0xFFFFFFB0]  }
0xef: {  	v6 =	vld [tilespmem:s22+$0xFFFFFFE0]  }
0xf0: {  	v7 =	vld [tilespmem:s22+$0xFFFFFFC0]  }
0xf1: {  	v8 =	vld [tilespmem:s22+$0xFFFFFF90];
	v3 =	vmul.f32 v3, v2  }
0xf2: {  	v9 =	vld [tilespmem:s22+$0xFFFFFF80];
	v4 =	vmul.f32 v2, v4  }
0xf3: {  	v5 =	vmul.f32 v5, v2;
	v10 =	vld [tilespmem:s22+$0xFFFFFFD0];
	[tilespmem:s22+$0xFFFFFFF0] =	vst v3  }
0xf4: {  	[tilespmem:s22+$0xFFFFFFA0] =	vst v4;
	v3 =	vmul.f32 v6, v2  }
0xf5: {  	[tilespmem:s22+$0xFFFFFFB0] =	vst v5;
	v4 =	vmul.f32 v7, v2  }
0xf6: {  	v5 =	vmul.f32 v2, v8;
	[tilespmem:s22+$0xFFFFFFE0] =	vst v3  }
0xf7: {  	v3 =	vmul.f32 v2, v9;
	[tilespmem:s22+$0xFFFFFFC0] =	vst v4  }
0xf8: {  	[tilespmem:s22+$0xFFFFFF90] =	vst v5;
	v2 =	vmul.f32 v10, v2  }
0xf9: {  	[tilespmem:s22+$0xFFFFFF80] =	vst v3  }
0xfa: {  	[tilespmem:s22+$0xFFFFFFD0] =	vst v2  }
0xfb: {  	v2 =	vld [tilespmem:s11+$0x0]  }
0xfc: {  	v3 =	vld [tilespmem:s1+$0x0];
	_ =	sdelay $0x4  }
0xfd: {  	v2 =	vadd.f32 v3, v2;
	v3 =	vadd.f32 v3, v1;
	_ =	sdelay $0x1  }
0xfe: {  	v4 =	vmul.f32 $2.000000030e-01, v2;
	v5 =	vmul.f32 $2.000000030e-01, v3;
	_ =	sdelay $0x1  }
0xff: {  	v2 =	vmax.f32 v2, v4;
	v3 =	vmax.f32 v3, v5  }
0x100: {  	v2 =	vsub.f32 v2, v3;
	_ =	sdelay $0x1  }
0x101: {  	v2 =	vmul.f32 $1.442695020e+00, v2;
	_ =	sdelay $0x1  }
0x102: {  	(erf) = vpow2.f32 v2;
	_ =	sdelay $0x3  }
.Ltmp1:
0x103: {  	(pc) =	sbr.rel @p0 .LBB2_5-.Ltmp1, $2  }
0x104: {  	_ =	sdelay $0x2  }
0x105: {  	s11 =	sadd.s32 $0x100, s11;
	s1 =	sadd.s32 $0x100, s1  }
0x106: {  	v2 =	vpop (erf)  }
0x107: {  	[tilespmem:s19+$0x0] =	vst v2  }
0x108: {  	v3 =	vld [tilespmem:s23+$0x0]  }
0x109: {  	v4 =	vld [tilespmem:s23+$0x10]  }
0x10a: {  	v5 =	vld [tilespmem:s23+$0x20]  }
0x10b: {  	v6 =	vld [tilespmem:s23+$0x30]  }
0x10c: {  	v7 =	vld [tilespmem:s23+$0x40]  }
0x10d: {  	v8 =	vld [tilespmem:s23+$0x50];
	v3 =	vmul.f32 v2, v3  }
0x10e: {  	v9 =	vld [tilespmem:s23+$0x60];
	v4 =	vmul.f32 v2, v4  }
0x10f: {  	[tilespmem:s23+$0x0] =	vst v3;
	v3 =	vmul.f32 v2, v5;
	v5 =	vld [tilespmem:s23+$0x70]  }
0x110: {  	[tilespmem:s23+$0x10] =	vst v4;
	v4 =	vmul.f32 v6, v2  }
0x111: {  	[tilespmem:s23+$0x20] =	vst v3;
	v3 =	vmul.f32 v7, v2  }
0x112: {  	[tilespmem:s23+$0x30] =	vst v4;
	v4 =	vmul.f32 v8, v2  }
0x113: {  	[tilespmem:s23+$0x40] =	vst v3;
	v3 =	vmul.f32 v9, v2  }
0x114: {  	[tilespmem:s23+$0x50] =	vst v4;
	v2 =	vmul.f32 v5, v2  }
0x115: {  	[tilespmem:s23+$0x60] =	vst v3  }
0x116: {  	[tilespmem:s23+$0x70] =	vst v2  }
0x117: {  	[spmem:s3] =	stream.indirect.scatter.add.f32 [tilespmem:s9], [sflag:$0x3], $0x80, s17, s30, $0xb8;
	[tilespmem:$0x1FA80] =	vst v63  }
0x118: {  	_ =	swait.ge [sflag:s18], $0x1C00  }
0x119: {  	[sflag:s18] =	ssyncset.done $0x0  }
0x11a: {  	s11 =	simm.s32 $0x1DA80;
	[sflag:s18] =	ssyncadd.s32 $0xFFFFE400  }
0x11b: {  	v4 =	vld [tilespmem:s11+$0xFFFFFF80]  }
0x11c: {  	s1 =	simm.s32 $0x1BE80  }
0x11d: {  	v3 =	vld [tilespmem:s1+$0xFFFFFF80]  }
0x11e: {  	v6 =	vld [tilespmem:s1+$0xFFFFFFE0]  }
0x11f: {  	v7 =	vld [tilespmem:s1+$0xFFFFFFA0]  }
0x120: {  	v8 =	vld [tilespmem:s1+$0xFFFFFFF0];
	v63 =	vbroadcast v4, $0x0  }
0x121: {  	v5 =	vld [tilespmem:s1+$0xFFFFFFB0];
	v11 =	vbroadcast v4, $0x3  }
0x122: {  	v10 =	vld [tilespmem:s1+$0xFFFFFF90];
	v13 =	vbroadcast v4, $0x1;
	v14 =	vmul.f32 v63, v3  }
0x123: {  	v12 =	vld [tilespmem:s1+$0xFFFFFFD0];
	v6 =	vmul.f32 v6, v11  }
0x124: {  	v15 =	vld [tilespmem:s1+$0xFFFFFFC0];
	v7 =	vmul.f32 v7, v13;
	[tilespmem:s1+$0xFFFFFF80] =	vst v14  }
0x125: {  	v8 =	vmul.f32 v8, v11;
	[tilespmem:s1+$0xFFFFFFE0] =	vst v6  }
0x126: {  	v4 =	vbroadcast v4, $0x2;
	v5 =	vmul.f32 v5, v13;
	[tilespmem:s1+$0xFFFFFFA0] =	vst v7  }
0x127: {  	v6 =	vmul.f32 v10, v63;
	[tilespmem:s1+$0xFFFFFFF0] =	vst v8  }
0x128: {  	v7 =	vmul.f32 v12, v4;
	[tilespmem:s1+$0xFFFFFFB0] =	vst v5  }
0x129: {  	v2 =	vld [tilespmem:s1+$0x0];
	v4 =	vmul.f32 v15, v4;
	[tilespmem:s1+$0xFFFFFF90] =	vst v6  }
0x12a: {  	v3 =	vld [tilespmem:s1+$0x10];
	[tilespmem:s1+$0xFFFFFFD0] =	vst v7  }
0x12b: {  	v5 =	vld [tilespmem:s1+$0x40];
	[tilespmem:s1+$0xFFFFFFC0] =	vst v4  }
0x12c: {  	v6 =	vld [tilespmem:s11+$0x0]  }
0x12d: {  	s21 =	simm.s32 $0x1BE80;
	s19 =	simm.s32 $0x0;
	v4 =	vld [tilespmem:s1+$0x70]  }
.LBB2_7:
0x12e: {  	s19 =	sadd.s32 $0x2, s19;
	v7 =	vld [tilespmem:s1+$0x60];
	s21 =	sadd.s32 $0x100, s21;
	s11 =	sadd.s32 $0x100, s11  }
0x12f: {  	p0 =	slt.u32 s19, $0x36;
	v8 =	vld [tilespmem:s1+$0x50]  }
0x130: {  	v9 =	vld [tilespmem:s1+$0x20]  }
0x131: {  	v10 =	vbroadcast v6, $0x0;
	v11 =	vbroadcast v6, $0x1;
	v12 =	vld [tilespmem:s1+$0x30]  }
0x132: {  	v13 =	vbroadcast v6, $0x2;
	v6 =	vbroadcast v6, $0x3  }
0x133: {  	v2 =	vmul.f32 v10, v2;
	v3 =	vmul.f32 v3, v10  }
0x134: {  	v5 =	vmul.f32 v5, v13;
	v8 =	vmul.f32 v8, v13  }
0x135: {  	[tilespmem:s1+$0x0] =	vst v2;
	v9 =	vmul.f32 v9, v11;
	v2 =	vmul.f32 v7, v6  }
0x136: {  	v4 =	vmul.f32 v4, v6;
	v7 =	vmul.f32 v12, v11;
	[tilespmem:s1+$0x40] =	vst v5  }
0x137: {  	[tilespmem:s1+$0x60] =	vst v2  }
0x138: {  	[tilespmem:s1+$0x70] =	vst v4  }
0x139: {  	v2 =	vld [tilespmem:s21+$0x0];
	[tilespmem:s1+$0x20] =	vst v9  }
0x13a: {  	v4 =	vld [tilespmem:s21+$0xFFFFFFB0];
	[tilespmem:s1+$0x50] =	vst v8  }
0x13b: {  	v5 =	vld [tilespmem:s21+$0xFFFFFFD0];
	[tilespmem:s1+$0x10] =	vst v3  }
0x13c: {  	v6 =	vld [tilespmem:s21+$0xFFFFFFF0];
	[tilespmem:s1+$0x30] =	vst v7;
	s1 =	smov.u32 s21  }
0x13d: {  	v3 =	vld [tilespmem:s11+$0xFFFFFF80]  }
0x13e: {  	v7 =	vld [tilespmem:s21+$0xFFFFFFE0]  }
0x13f: {  	v8 =	vld [tilespmem:s21+$0xFFFFFF80]  }
0x140: {  	v9 =	vld [tilespmem:s21+$0xFFFFFFA0]  }
0x141: {  	v10 =	vld [tilespmem:s21+$0xFFFFFFC0]  }
0x142: {  	v11 =	vbroadcast v3, $0x0;
	v12 =	vld [tilespmem:s21+$0xFFFFFF90];
	v13 =	vbroadcast v3, $0x3  }
0x143: {  	v14 =	vbroadcast v3, $0x1;
	v15 =	vbroadcast v3, $0x2;
	v3 =	vld [tilespmem:s21+$0x10]  }
0x144: {  	v8 =	vmul.f32 v11, v8;
	v7 =	vmul.f32 v7, v13  }
0x145: {  	v6 =	vmul.f32 v6, v13;
	v9 =	vmul.f32 v9, v14  }
0x146: {  	v5 =	vmul.f32 v5, v15;
	[tilespmem:s21+$0xFFFFFF80] =	vst v8;
	v8 =	vmul.f32 v10, v15  }
0x147: {  	v4 =	vmul.f32 v4, v14;
	v10 =	vmul.f32 v12, v11;
	[tilespmem:s21+$0xFFFFFFE0] =	vst v7  }
0x148: {  	[tilespmem:s21+$0xFFFFFFA0] =	vst v9  }
0x149: {  	[tilespmem:s21+$0xFFFFFFF0] =	vst v6  }
0x14a: {  	[tilespmem:s21+$0xFFFFFF90] =	vst v10  }
.Ltmp2:
0x14b: {  	[tilespmem:s21+$0xFFFFFFD0] =	vst v5;
	(pc) =	sbr.rel @p0 .LBB2_7-.Ltmp2, $4  }
0x14c: {  	[tilespmem:s21+$0xFFFFFFB0] =	vst v4  }
0x14d: {  	[tilespmem:s21+$0xFFFFFFC0] =	vst v8;
	v5 =	vld [tilespmem:s21+$0x40]  }
0x14e: {  	v6 =	vld [tilespmem:s11+$0x0]  }
0x14f: {  	v4 =	vld [tilespmem:s21+$0x70]  }
0x150: {  	_ =	sdelay $0x2  }
0x151: {  	v9 =	vld [tilespmem:s1+$0x20];
	v8 =	vbroadcast v6, $0x0  }
0x152: {  	v10 =	vbroadcast v6, $0x2  }
0x153: {  	v7 =	vld [tilespmem:s1+$0x60];
	v12 =	vbroadcast v6, $0x3;
	v2 =	vmul.f32 v8, v2  }
0x154: {  	v13 =	vld [tilespmem:s1+$0x30];
	v61 =	vbroadcast v6, $0x1;
	v5 =	vmul.f32 v5, v10  }
0x155: {  	v11 =	vld [tilespmem:s1+$0x50];
	v4 =	vmul.f32 v4, v12;
	[tilespmem:s1+$0x0] =	vst v2  }
0x156: {  	v62 =	vmul.f32 v9, v61;
	[tilespmem:s1+$0x40] =	vst v5  }
0x157: {  	v3 =	vmul.f32 v3, v8;
	[tilespmem:s1+$0x70] =	vst v4  }
0x158: {  	v2 =	vmul.f32 v7, v12;
	[tilespmem:s1+$0x20] =	vst v62  }
0x159: {  	v63 =	vmul.f32 v13, v61;
	[tilespmem:s1+$0x10] =	vst v3  }
0x15a: {  	[tilespmem:s1+$0x60] =	vst v2;
	v2 =	vmul.f32 v11, v10  }
0x15b: {  	[tilespmem:s1+$0x30] =	vst v63  }
0x15c: {  	s20 =	sadd.s32 $0x1, s20;
	[tilespmem:s1+$0x50] =	vst v2  }
0x15d: {  	[spmem:s2] =	stream.indirect.scatter.add.f32 [tilespmem:s13], [sflag:$0x4], $0x80, s0, s30, $0xb8;
	[tilespmem:$0x1FA80] =	vst v63  }
0x15e: {  	p0 =	sne.s32 s20, $0xB3;
	_ =	swait.ge [sflag:s16], $0x1C00  }
.Ltmp3:
0x15f: {  	[sflag:s16] =	ssyncset.done $0x0;
	(pc) =	sbr.rel @p0 .LBB2_4-.Ltmp3, $4  }
0x160: {  	[sflag:s16] =	ssyncadd.s32 $0xFFFFE400  }
0x161: {  	_ =	swait.ge [sflag:s18], $0x1C00  }
0x162: {  	[sflag:s18] =	ssyncset.done $0x0  }
0x163: {  	[sflag:s18] =	ssyncadd.s32 $0xFFFFE400  }
0x164: {  	s1 =	stileid.u32  }
0x165: {  	[bflag:$0x0] =	sbarrier.arrive $0xFFFF;
	s1 =	sshll.u32 s1, $0x6  }
0x166: {  	s11 =	sshrl.u32 s10, $0x3;
	s19 =	rddreg [dreg:$0x7];
	s1 =	sor.u32 $0x1C05, s1  }
0x167: {  	[hbm:s19], [sflag:s1] =	dma.local [spmem:s11], $0x2800  }
0x168: {  	_ =	swait.ge [sflag:s26], $0x2800  }
0x169: {  	[sflag:s26] =	ssyncset.done $0x0;
	s19 =	rddreg [dreg:$0x6]  }
0x16a: {  	s20 =	rddreg [dreg:$0x8];
	[sflag:s26] =	ssyncadd.s32 $0xFFFFD800;
	s22 =	sshrl.u32 s19, $0x3  }
0x16b: {  	[hbm:s20], [sflag:s1] =	dma.local [spmem:s22], $0x500  }
0x16c: {  	_ =	swait.ge [sflag:s26], $0x500  }
0x16d: {  	s23 =	rddreg [dreg:$0x13]  }
0x16e: {  	s24 =	rddreg [dreg:$0x9];
	s11 =	sadd.s32 $0x1, s23  }
0x16f: {  	p0 =	sne.s32 s11, s24  }
.Ltmp4:
0x170: {  	_ = 	snop;
	(pc) =	sbr.rel @p0 .LBB2_1-.Ltmp4, $3  }
0x171: {  	_ =	sdelay $0x1  }
0x172: {  	[sflag:s26] =	ssyncset.done $0x0  }
0x173: {  	[sflag:s26] =	ssyncadd.s32 $0xFFFFFB00  }
0x174: {  	_ =	sfence.sel $0x180000  }
0x175: {  	[bflag:$0x0] =	sbarrier.arrive $0xFFFF  }
0x176: {  	_ =	strace $0x90000047  }
0x177: {  	s0 =	stileid.u32;
	[bflag:$0x2] =	sbarrier.arrive $0xFFFF  }
0x178: {  	p0 =	sne.s32 s0, $0x0;
	s0 =	rddreg [dreg:$0x4]  }
0x179: {  	s0 =	sadd.s32 @!p0 $0x100000, s0  }
0x17a: {  	[sflag:s0] =	ssyncadd.tile.s32 @!p0 $0x1;
	_ =	shalt  }
.Lfunc_end2:
_tile_overlayer_lowered:
.L_overlay_start_2:
0x17b: {  	(tag) =	ssettag $0x2  }
0x17c: {  	s0 =	rddreg [dreg:$0x0];
	s2 =	stileid.u32  }
0x17d: {  	s1 =	rddreg [dreg:$0x1];
	p0 =	sne.s32 s2, $0x0  }
0x17e: {  	s3 =	rddreg [dreg:$0x2];
	[bflag:$0x3] =	sbarrier.arrive $0xFFFF;
	s2 =	simm.s32 @!p0 $0x1C05  }
0x17f: {  	[timem:s3], [sflag:s2] =	dma.local @!p0 [hbm:s0], s1  }
0x180: {  	s0 =	simm.s32 @!p0 $0x5  }
0x181: {  	_ =	swait.ge @!p0 [sflag:s0], s1  }
0x182: {  	s1 =	ssub.s32 @!p0 $0x0, s1;
	[sflag:s0] =	ssyncset.done @!p0 $0x0  }
0x183: {  	[sflag:s0] =	ssyncadd.s32 @!p0 s1  }
0x184: {  	[bflag:$0x3] =	sbarrier.arrive $0xFFFF  }
0x185: {  	_ =	shalt  }

</sc_bundles>
